<compile_context>
chip_gen: v7x
topology: tpu7x:2x2x1
jax: 0.10.2.dev20260603
libtpu: 0.0.44.dev20260713+nightly
codegen_flags: <defaults>
</compile_context>

<pallas_src>
import functools

import jax
import jax.numpy as jnp
from jax import lax
from jax.experimental import pallas as pl
from jax.experimental.pallas import tpu as pltpu
from jax.experimental.pallas import tpu_sc as plsc

E = 320000
D = 128
NW = 3
NC = 5
NCPAD = 8
NWORKERS = 32
EPW = E // NWORKERS
CHUNK = 80
NCHUNKS = EPW // CHUNK
NGROUPS = CHUNK // 16


def _sc_kernel(u_hbm, v_hbm, ui_hbm, vi_hbm, w_hbm, s_hbm, out_hbm,
               uidx, vidx, urows, vrows, outb, wbuf, sbuf,
               gsem, osem):
    core = lax.axis_index("c")
    sub = lax.axis_index("s")
    wid = sub * 2 + core
    base0 = wid * EPW

    pltpu.sync_copy(w_hbm, wbuf)
    pltpu.sync_copy(s_hbm, sbuf)
    pltpu.sync_copy(ui_hbm.at[pl.ds(base0, EPW)], uidx)
    pltpu.sync_copy(vi_hbm.at[pl.ds(base0, EPW)], vidx)

    lanes = lax.iota(jnp.int32, 16)

    mix = [[sbuf[pl.ds((w * 8 + c) * 16, 16)] for c in range(NC)]
           for w in range(NW)]

    def gather_copies(j, b):
        return (
            pltpu.make_async_copy(
                u_hbm.at[uidx.at[pl.ds(j * CHUNK, CHUNK)]], urows.at[b],
                gsem.at[b, 0]),
            pltpu.make_async_copy(
                v_hbm.at[vidx.at[pl.ds(j * CHUNK, CHUNK)]], vrows.at[b],
                gsem.at[b, 1]),
        )

    def out_copy(j, b):
        cid = wid * NCHUNKS + j
        return pltpu.make_async_copy(outb.at[b], out_hbm.at[cid], osem.at[b])

    def issue_gather(j, b):
        for c in gather_copies(j, b):
            c.start()

    def wait_gather(j, b):
        for c in gather_copies(j, b):
            c.wait()

    def compute_chunk(b):
        zeros = jnp.zeros((16,), jnp.float32)
        accs0 = tuple(zeros for _ in range(NGROUPS * NW))

        def d_body(t, accs):
            accs = list(accs)
            dvec = (lanes + t) & 63
            wa = [wbuf[pl.ds(t * 128 + w * 16, 16)] for w in range(NW)]
            wb = [wbuf[pl.ds(t * 128 + 64 + w * 16, 16)] for w in range(NW)]
            for g in range(NGROUPS):
                evec = lanes + g * 16
                pu = plsc.load_gather(urows.at[b], [evec, dvec])
                pv = plsc.load_gather(vrows.at[b], [evec, dvec])
                pbf = (plsc.bitcast(pu, jnp.bfloat16)
                       * plsc.bitcast(pv, jnp.bfloat16))
                pa, pb = plsc.unpack(pbf, format=plsc.PackFormat.INTERLEAVED)
                for w in range(NW):
                    accs[g * NW + w] = (accs[g * NW + w]
                                        + pa * wa[w] + pb * wb[w])
            return tuple(accs)

        accs = plsc.parallel_loop(0, D // 2, unroll=2, carry=accs0)(
            lambda t, accs: d_body(t, accs))

        for g in range(NGROUPS):
            for c in range(NC):
                o = (accs[g * NW + 0] * mix[0][c]
                     + accs[g * NW + 1] * mix[1][c]
                     + accs[g * NW + 2] * mix[2][c])
                outb.at[b][c, pl.ds(g * 16, 16)] = o

    issue_gather(0, 0)

    def outer(jo, carry):
        for b in range(2):
            j = 2 * jo + b
            wait_gather(j, b)
            issue_gather(j + 1, 1 - b)

            @pl.when(jo > 0)
            def _():
                out_copy(j - 2, b).wait()

            compute_chunk(b)
            out_copy(j, b).start()
        return carry

    lax.fori_loop(0, NCHUNKS // 2, outer, 0)

    j = NCHUNKS - 1
    wait_gather(j, 0)
    out_copy(j - 2, 0).wait()
    compute_chunk(0)
    out_copy(j, 0).start()
    out_copy(j - 1, 1).wait()
    out_copy(j, 0).wait()


def kernel(u_features, v_features, u_indices, v_indices, weights, weights_scalars):
    mesh = plsc.VectorSubcoreMesh(core_axis_name="c", subcore_axis_name="s")
    w_pad = jnp.zeros((4, D), jnp.float32).at[:NW].set(weights)
    wt = w_pad.T
    t_idx = (jnp.arange(D // 2)[:, None] + jnp.arange(16)[None, :]) % (D // 2)
    w_a = wt[2 * t_idx]
    w_b = wt[2 * t_idx + 1]
    w_bcast = jnp.stack([w_a, w_b], axis=1).transpose(0, 1, 3, 2).reshape(-1)
    s_pad = jnp.zeros((4, 8), jnp.float32).at[:NW, :NC].set(weights_scalars)
    s_bcast = jnp.broadcast_to(s_pad[:, :, None], (4, 8, 16)).reshape(-1)
    ui = u_indices.astype(jnp.int32)
    vi = v_indices.astype(jnp.int32)
    u32 = jax.lax.bitcast_convert_type(
        u_features.astype(jnp.bfloat16).reshape(-1, D // 2, 2), jnp.int32)
    v32 = jax.lax.bitcast_convert_type(
        v_features.astype(jnp.bfloat16).reshape(-1, D // 2, 2), jnp.int32)
    u32 = jnp.concatenate([u32, jnp.zeros_like(u32)], axis=1)
    v32 = jnp.concatenate([v32, jnp.zeros_like(v32)], axis=1)

    run = functools.partial(
        pl.kernel,
        mesh=mesh,
        compiler_params=pltpu.CompilerParams(needs_layout_passes=False, disable_bounds_checks=True),
        out_type=jax.ShapeDtypeStruct((E // CHUNK, NCPAD, CHUNK), jnp.float32),
        scratch_types=[
            pltpu.VMEM((EPW,), jnp.int32),
            pltpu.VMEM((EPW,), jnp.int32),
            pltpu.VMEM((2, CHUNK, D), jnp.int32),
            pltpu.VMEM((2, CHUNK, D), jnp.int32),
            pltpu.VMEM((2, NCPAD, CHUNK), jnp.float32),
            pltpu.VMEM((D // 2 * 2 * 4 * 16,), jnp.float32),
            pltpu.VMEM((4 * 8 * 16,), jnp.float32),
            pltpu.SemaphoreType.DMA((2, 2)),
            pltpu.SemaphoreType.DMA((2,)),
        ],
    )(_sc_kernel)
    out = run(u32, v32, ui, vi, w_bcast, s_bcast)
    return out.transpose(0, 2, 1).reshape(E, NCPAD)[:, :NC]

# --- scband reference (transcript-rebuilt; emitter-appended) ---
"""Pipeline reference for scband-bilinear-mixture-51041391346342 (READ-ONLY COPY).

The authoritative reference and input builder live on the scoring server;
editing this copy changes nothing except your own understanding.
"""

import jax, jax.numpy as jnp
import numpy as np

NUM_USERS = 10000
NUM_ITEMS = 10000
INPUT_DIM = 128
NUM_EDGES = 320000
NUM_CLASSES = 5
NUM_WEIGHTS = 3


def setup_inputs(seed: int = 0) -> dict:
    key = jax.random.key(seed)
    k1, k2, k3, k4, k5, k6 = jax.random.split(key, 6)
    u_features = jax.random.normal(k1, (NUM_USERS, INPUT_DIM), dtype=jnp.float32)
    v_features = jax.random.normal(k2, (NUM_ITEMS, INPUT_DIM), dtype=jnp.float32)
    u_indices = jax.random.randint(k3, (NUM_EDGES,), 0, NUM_USERS)
    v_indices = jax.random.randint(k4, (NUM_EDGES,), 0, NUM_ITEMS)
    # he_normal init for the diagonal basis weights (num_weights diag matrices of size input_dim)
    weights = jax.random.normal(k5, (NUM_WEIGHTS, INPUT_DIM), dtype=jnp.float32) * np.sqrt(2.0 / INPUT_DIM)
    # mixture coefficients mapping basis outputs -> class logits
    weights_scalars = jax.random.normal(k6, (NUM_WEIGHTS, NUM_CLASSES), dtype=jnp.float32) * np.sqrt(2.0 / NUM_WEIGHTS)
    return {
        "u_features": u_features,
        "v_features": v_features,
        "u_indices": u_indices,
        "v_indices": v_indices,
        "weights": weights,
        "weights_scalars": weights_scalars,
    }


def reference(u_features, v_features, u_indices, v_indices, weights, weights_scalars):
    # gather user / item embeddings for each rated (u, v) pair
    u = jnp.take(u_features, u_indices, axis=0)  # [E, d]
    v = jnp.take(v_features, v_indices, axis=0)  # [E, d]
    # diagonal bilinear forms: for each basis w, sum_d(u_d * W_wd * v_d)
    basis_outputs = jnp.einsum('ed,wd,ed->ew', u, weights, v)  # [E, num_weights]
    # mix basis outputs into per-class logits
    outputs = basis_outputs @ weights_scalars  # [E, num_classes]
    # activation=None (linear); user_item_bias=False so no bias gathers
    return outputs

if __name__ == "__main__":
    import jax
    _d = setup_inputs()
    print(jax.jit(kernel)(*tuple(_d.values())))

</pallas_src>

<mosaic_0001>
#map = affine_map<(d0, d1) -> (0, 0)>
#map1 = affine_map<(d0, d1) -> (0)>
#map2 = affine_map<(d0, d1) -> (0, 0, 0)>
module attributes {stable_mosaic.version = 14 : i64} {
  func.func @_sc_kernel(%arg0: i32, %arg1: i32, %arg2: memref<10000x128xi32, #tpu.memory_space<hbm>>, %arg3: memref<10000x128xi32, #tpu.memory_space<hbm>>, %arg4: memref<320000xi32, #tpu.memory_space<hbm>>, %arg5: memref<320000xi32, #tpu.memory_space<hbm>>, %arg6: memref<8192xf32, #tpu.memory_space<hbm>>, %arg7: memref<512xf32, #tpu.memory_space<hbm>>, %arg8: memref<4000x8x80xf32, #tpu.memory_space<hbm>>, %arg9: memref<10000xi32, #tpu.memory_space<vmem>>, %arg10: memref<10000xi32, #tpu.memory_space<vmem>>, %arg11: memref<2x80x128xi32, #tpu.memory_space<vmem>>, %arg12: memref<2x80x128xi32, #tpu.memory_space<vmem>>, %arg13: memref<2x8x80xf32, #tpu.memory_space<vmem>>, %arg14: memref<8192xf32, #tpu.memory_space<vmem>>, %arg15: memref<512xf32, #tpu.memory_space<vmem>>, %arg16: memref<2x2x!tpu.dma_semaphore, #tpu.memory_space<semaphore_mem>>, %arg17: memref<2x!tpu.dma_semaphore, #tpu.memory_space<semaphore_mem>>) attributes {dimension_semantics = [#tpu.dimension_semantics<core_parallel>, #tpu.dimension_semantics<subcore_parallel>], iteration_bounds = array<i64: 2, 16>, scalar_prefetch = 0 : i64, scratch_operands = 9 : i64, tpu.core_type = #tpu.core_type<sc_vector_subcore>, window_params = [{transform_indices = #map}, {transform_indices = #map}, {transform_indices = #map1}, {transform_indices = #map1}, {transform_indices = #map1}, {transform_indices = #map1}, {transform_indices = #map2}]} {
    %mul3A = arith.constant 2 : i32
    %mul3A_0 = arith.muli %arg1, %mul3A : i32
    %add3A = arith.addi %mul3A_0, %arg0 : i32
    %mul3A_1 = arith.constant 10000 : i32
    %mul3A_2 = arith.muli %add3A, %mul3A_1 : i32
    "tpu.region"() ({
      %run_scoped3A = tpu.sem_alloc : memref<!tpu.dma_semaphore, #tpu.memory_space<semaphore_mem>>
      tpu.enqueue_dma source(%arg6 : memref<8192xf32, #tpu.memory_space<hbm>>) target(%arg14 : memref<8192xf32, #tpu.memory_space<vmem>>) target_semaphore(%run_scoped3A : memref<!tpu.dma_semaphore, #tpu.memory_space<semaphore_mem>>)
      tpu.wait_dma2 semaphore(%run_scoped3A : memref<!tpu.dma_semaphore, #tpu.memory_space<semaphore_mem>>) src(%arg6 : memref<8192xf32, #tpu.memory_space<hbm>>) dst(%arg14 : memref<8192xf32, #tpu.memory_space<vmem>>)
      tpu.yield
    }) : () -> ()
    "tpu.region"() ({
      %run_scoped3A = tpu.sem_alloc : memref<!tpu.dma_semaphore, #tpu.memory_space<semaphore_mem>>
      tpu.enqueue_dma source(%arg7 : memref<512xf32, #tpu.memory_space<hbm>>) target(%arg15 : memref<512xf32, #tpu.memory_space<vmem>>) target_semaphore(%run_scoped3A : memref<!tpu.dma_semaphore, #tpu.memory_space<semaphore_mem>>)
      tpu.wait_dma2 semaphore(%run_scoped3A : memref<!tpu.dma_semaphore, #tpu.memory_space<semaphore_mem>>) src(%arg7 : memref<512xf32, #tpu.memory_space<hbm>>) dst(%arg15 : memref<512xf32, #tpu.memory_space<vmem>>)
      tpu.yield
    }) : () -> ()
    "tpu.region"() ({
      %run_scoped3A = tpu.sem_alloc : memref<!tpu.dma_semaphore, #tpu.memory_space<semaphore_mem>>
      %dma_start3A_540 = tpu.memref_slice %arg4[%mul3A_2] : memref<320000xi32, #tpu.memory_space<hbm>> -> memref<10000xi32, #tpu.memory_space<hbm>>
      %dma_start3A_541 = tpu.memref_slice %arg4[%mul3A_2] : memref<320000xi32, #tpu.memory_space<hbm>> -> memref<10000xi32, #tpu.memory_space<hbm>>
      tpu.enqueue_dma source(%dma_start3A_541 : memref<10000xi32, #tpu.memory_space<hbm>>) target(%arg9 : memref<10000xi32, #tpu.memory_space<vmem>>) target_semaphore(%run_scoped3A : memref<!tpu.dma_semaphore, #tpu.memory_space<semaphore_mem>>)
      %dma_wait3A_542 = tpu.memref_slice %arg4[%mul3A_2] : memref<320000xi32, #tpu.memory_space<hbm>> -> memref<10000xi32, #tpu.memory_space<hbm>>
      %dma_wait3A_543 = tpu.memref_slice %arg4[%mul3A_2] : memref<320000xi32, #tpu.memory_space<hbm>> -> memref<10000xi32, #tpu.memory_space<hbm>>
      tpu.wait_dma2 semaphore(%run_scoped3A : memref<!tpu.dma_semaphore, #tpu.memory_space<semaphore_mem>>) src(%dma_wait3A_543 : memref<10000xi32, #tpu.memory_space<hbm>>) dst(%arg9 : memref<10000xi32, #tpu.memory_space<vmem>>)
      tpu.yield
    }) : () -> ()
    "tpu.region"() ({
      %run_scoped3A = tpu.sem_alloc : memref<!tpu.dma_semaphore, #tpu.memory_space<semaphore_mem>>
      %dma_start3A_540 = tpu.memref_slice %arg5[%mul3A_2] : memref<320000xi32, #tpu.memory_space<hbm>> -> memref<10000xi32, #tpu.memory_space<hbm>>
      %dma_start3A_541 = tpu.memref_slice %arg5[%mul3A_2] : memref<320000xi32, #tpu.memory_space<hbm>> -> memref<10000xi32, #tpu.memory_space<hbm>>
      tpu.enqueue_dma source(%dma_start3A_541 : memref<10000xi32, #tpu.memory_space<hbm>>) target(%arg10 : memref<10000xi32, #tpu.memory_space<vmem>>) target_semaphore(%run_scoped3A : memref<!tpu.dma_semaphore, #tpu.memory_space<semaphore_mem>>)
      %dma_wait3A_542 = tpu.memref_slice %arg5[%mul3A_2] : memref<320000xi32, #tpu.memory_space<hbm>> -> memref<10000xi32, #tpu.memory_space<hbm>>
      %dma_wait3A_543 = tpu.memref_slice %arg5[%mul3A_2] : memref<320000xi32, #tpu.memory_space<hbm>> -> memref<10000xi32, #tpu.memory_space<hbm>>
      tpu.wait_dma2 semaphore(%run_scoped3A : memref<!tpu.dma_semaphore, #tpu.memory_space<semaphore_mem>>) src(%dma_wait3A_543 : memref<10000xi32, #tpu.memory_space<hbm>>) dst(%arg10 : memref<10000xi32, #tpu.memory_space<vmem>>)
      tpu.yield
    }) : () -> ()
    %iota3A = tpu.iota {dimensions = array<i32: 0>} : vector<16xi32>
    %get3A = arith.constant 0 : index
    %get3A_3 = tpu.vector_load %arg15[%get3A] {strides = array<i32>} : memref<512xf32, #tpu.memory_space<vmem>>, vector<16xf32>,
    %get3A_4 = arith.constant 16 : index
    %get3A_5 = tpu.vector_load %arg15[%get3A_4] {strides = array<i32>} : memref<512xf32, #tpu.memory_space<vmem>>, vector<16xf32>,
    %get3A_6 = arith.constant 32 : index
    %get3A_7 = tpu.vector_load %arg15[%get3A_6] {strides = array<i32>} : memref<512xf32, #tpu.memory_space<vmem>>, vector<16xf32>,
    %get3A_8 = arith.constant 48 : index
    %get3A_9 = tpu.vector_load %arg15[%get3A_8] {strides = array<i32>} : memref<512xf32, #tpu.memory_space<vmem>>, vector<16xf32>,
    %get3A_10 = arith.constant 64 : index
    %get3A_11 = tpu.vector_load %arg15[%get3A_10] {strides = array<i32>} : memref<512xf32, #tpu.memory_space<vmem>>, vector<16xf32>,
    %get3A_12 = arith.constant 128 : index
    %get3A_13 = tpu.vector_load %arg15[%get3A_12] {strides = array<i32>} : memref<512xf32, #tpu.memory_space<vmem>>, vector<16xf32>,
    %get3A_14 = arith.constant 144 : index
    %get3A_15 = tpu.vector_load %arg15[%get3A_14] {strides = array<i32>} : memref<512xf32, #tpu.memory_space<vmem>>, vector<16xf32>,
    %get3A_16 = arith.constant 160 : index
    %get3A_17 = tpu.vector_load %arg15[%get3A_16] {strides = array<i32>} : memref<512xf32, #tpu.memory_space<vmem>>, vector<16xf32>,
    %get3A_18 = arith.constant 176 : index
    %get3A_19 = tpu.vector_load %arg15[%get3A_18] {strides = array<i32>} : memref<512xf32, #tpu.memory_space<vmem>>, vector<16xf32>,
    %get3A_20 = arith.constant 192 : index
    %get3A_21 = tpu.vector_load %arg15[%get3A_20] {strides = array<i32>} : memref<512xf32, #tpu.memory_space<vmem>>, vector<16xf32>,
    %get3A_22 = arith.constant 256 : index
    %get3A_23 = tpu.vector_load %arg15[%get3A_22] {strides = array<i32>} : memref<512xf32, #tpu.memory_space<vmem>>, vector<16xf32>,
    %get3A_24 = arith.constant 272 : index
    %get3A_25 = tpu.vector_load %arg15[%get3A_24] {strides = array<i32>} : memref<512xf32, #tpu.memory_space<vmem>>, vector<16xf32>,
    %get3A_26 = arith.constant 288 : index
    %get3A_27 = tpu.vector_load %arg15[%get3A_26] {strides = array<i32>} : memref<512xf32, #tpu.memory_space<vmem>>, vector<16xf32>,
    %get3A_28 = arith.constant 304 : index
    %get3A_29 = tpu.vector_load %arg15[%get3A_28] {strides = array<i32>} : memref<512xf32, #tpu.memory_space<vmem>>, vector<16xf32>,
    %get3A_30 = arith.constant 320 : index
    %get3A_31 = tpu.vector_load %arg15[%get3A_30] {strides = array<i32>} : memref<512xf32, #tpu.memory_space<vmem>>, vector<16xf32>,
    %dma_start3A = arith.constant 0 : i32
    %dma_start3A_32 = arith.constant 0 : i32
    %dma_start3A_33 = arith.constant 0 : i32
    %dma_start3A_34 = arith.constant 0 : i32
    %dma_start3A_35 = arith.constant 0 : i32
    %dma_start3A_36 = tpu.memref_slice %arg11[%dma_start3A, %dma_start3A_34, %dma_start3A_35] : memref<2x80x128xi32, #tpu.memory_space<vmem>> -> memref<1x80x128xi32, #tpu.memory_space<vmem>>
    %dma_start3A_37 = tpu.memref_squeeze %dma_start3A_36 : memref<1x80x128xi32, #tpu.memory_space<vmem>> -> memref<80x128xi32, #tpu.memory_space<vmem>>
    %dma_start3A_38 = arith.constant 0 : i32
    %dma_start3A_39 = tpu.memref_slice %arg9[%dma_start3A_38] : memref<10000xi32, #tpu.memory_space<vmem>> -> memref<80xi32, #tpu.memory_space<vmem>>
    %dma_start3A_40 = arith.constant 0 : i32
    %dma_start3A_41 = arith.constant 0 : i32
    %dma_start3A_42 = tpu.memref_slice %arg2[%dma_start3A_40, %dma_start3A_41] : memref<10000x128xi32, #tpu.memory_space<hbm>> -> memref<10000x128xi32, #tpu.memory_space<hbm>>
    %dma_start3A_43 = tpu.memref_slice %arg16[%dma_start3A_32, %dma_start3A_33] : memref<2x2x!tpu.dma_semaphore, #tpu.memory_space<semaphore_mem>> -> memref<1x1x!tpu.dma_semaphore, #tpu.memory_space<semaphore_mem>>
    %dma_start3A_44 = tpu.memref_squeeze %dma_start3A_43 : memref<1x1x!tpu.dma_semaphore, #tpu.memory_space<semaphore_mem>> -> memref<!tpu.dma_semaphore, #tpu.memory_space<semaphore_mem>>
    tpu.enqueue_indirect_dma source(%dma_start3A_42 : memref<10000x128xi32, #tpu.memory_space<hbm>>) target(%dma_start3A_37 : memref<80x128xi32, #tpu.memory_space<vmem>>) offsets(%dma_start3A_39 : memref<80xi32, #tpu.memory_space<vmem>>) semaphore(%dma_start3A_44 : memref<!tpu.dma_semaphore, #tpu.memory_space<semaphore_mem>>)
    %dma_start3A_45 = arith.constant 0 : i32
    %dma_start3A_46 = arith.constant 0 : i32
    %dma_start3A_47 = arith.constant 1 : i32
    %dma_start3A_48 = arith.constant 0 : i32
    %dma_start3A_49 = arith.constant 0 : i32
    %dma_start3A_50 = tpu.memref_slice %arg12[%dma_start3A_45, %dma_start3A_48, %dma_start3A_49] : memref<2x80x128xi32, #tpu.memory_space<vmem>> -> memref<1x80x128xi32, #tpu.memory_space<vmem>>
    %dma_start3A_51 = tpu.memref_squeeze %dma_start3A_50 : memref<1x80x128xi32, #tpu.memory_space<vmem>> -> memref<80x128xi32, #tpu.memory_space<vmem>>
    %dma_start3A_52 = arith.constant 0 : i32
    %dma_start3A_53 = tpu.memref_slice %arg10[%dma_start3A_52] : memref<10000xi32, #tpu.memory_space<vmem>> -> memref<80xi32, #tpu.memory_space<vmem>>
    %dma_start3A_54 = arith.constant 0 : i32
    %dma_start3A_55 = arith.constant 0 : i32
    %dma_start3A_56 = tpu.memref_slice %arg3[%dma_start3A_54, %dma_start3A_55] : memref<10000x128xi32, #tpu.memory_space<hbm>> -> memref<10000x128xi32, #tpu.memory_space<hbm>>
    %dma_start3A_57 = tpu.memref_slice %arg16[%dma_start3A_46, %dma_start3A_47] : memref<2x2x!tpu.dma_semaphore, #tpu.memory_space<semaphore_mem>> -> memref<1x1x!tpu.dma_semaphore, #tpu.memory_space<semaphore_mem>>
    %dma_start3A_58 = tpu.memref_squeeze %dma_start3A_57 : memref<1x1x!tpu.dma_semaphore, #tpu.memory_space<semaphore_mem>> -> memref<!tpu.dma_semaphore, #tpu.memory_space<semaphore_mem>>
    tpu.enqueue_indirect_dma source(%dma_start3A_56 : memref<10000x128xi32, #tpu.memory_space<hbm>>) target(%dma_start3A_51 : memref<80x128xi32, #tpu.memory_space<vmem>>) offsets(%dma_start3A_53 : memref<80xi32, #tpu.memory_space<vmem>>) semaphore(%dma_start3A_58 : memref<!tpu.dma_semaphore, #tpu.memory_space<semaphore_mem>>)
    %scan3A = arith.constant 0 : i32
    %scan3A_59 = arith.constant 0 : i32
    %scan3A_60 = arith.constant 62 : i32
    %scan3A_61 = arith.addi %scan3A_59, %scan3A_60 : i32
    %scan3A_62 = arith.constant 1 : i32
    scf.for %scan3A_540 = %scan3A_59 to %scan3A_61 step %scan3A_62  : i32 {
      %mul3A_541 = arith.constant 2 : i32
      %mul3A_542 = arith.muli %mul3A_541, %scan3A_540 : i32
      %add3A_543 = arith.constant 0 : i32
      %add3A_544 = arith.addi %mul3A_542, %add3A_543 : i32
      %mul3A_545 = arith.constant 80 : i32
      %mul3A_546 = arith.muli %add3A_544, %mul3A_545 : i32
      %mul3A_547 = arith.constant 80 : i32
      %mul3A_548 = arith.muli %add3A_544, %mul3A_547 : i32
      %dma_wait3A_549 = arith.constant 0 : i32
      %dma_wait3A_550 = arith.constant 0 : i32
      %dma_wait3A_551 = arith.constant 0 : i32
      %dma_wait3A_552 = arith.constant 0 : i32
      %dma_wait3A_553 = arith.constant 0 : i32
      %dma_wait3A_554 = tpu.memref_slice %arg11[%dma_wait3A_549, %dma_wait3A_552, %dma_wait3A_553] : memref<2x80x128xi32, #tpu.memory_space<vmem>> -> memref<1x80x128xi32, #tpu.memory_space<vmem>>
      %dma_wait3A_555 = tpu.memref_squeeze %dma_wait3A_554 : memref<1x80x128xi32, #tpu.memory_space<vmem>> -> memref<80x128xi32, #tpu.memory_space<vmem>>
      %dma_wait3A_556 = tpu.memref_slice %arg9[%mul3A_546] : memref<10000xi32, #tpu.memory_space<vmem>> -> memref<80xi32, #tpu.memory_space<vmem>>
      %dma_wait3A_557 = arith.constant 0 : i32
      %dma_wait3A_558 = arith.constant 0 : i32
      %dma_wait3A_559 = tpu.memref_slice %arg2[%dma_wait3A_557, %dma_wait3A_558] : memref<10000x128xi32, #tpu.memory_space<hbm>> -> memref<10000x128xi32, #tpu.memory_space<hbm>>
      %dma_wait3A_560 = tpu.memref_slice %arg16[%dma_wait3A_550, %dma_wait3A_551] : memref<2x2x!tpu.dma_semaphore, #tpu.memory_space<semaphore_mem>> -> memref<1x1x!tpu.dma_semaphore, #tpu.memory_space<semaphore_mem>>
      %dma_wait3A_561 = tpu.memref_squeeze %dma_wait3A_560 : memref<1x1x!tpu.dma_semaphore, #tpu.memory_space<semaphore_mem>> -> memref<!tpu.dma_semaphore, #tpu.memory_space<semaphore_mem>>
      tpu.wait_indirect_dma semaphore(%dma_wait3A_561 : memref<!tpu.dma_semaphore, #tpu.memory_space<semaphore_mem>>) src(%dma_wait3A_559 : memref<10000x128xi32, #tpu.memory_space<hbm>>) dst(%dma_wait3A_555 : memref<80x128xi32, #tpu.memory_space<vmem>>)
      %dma_wait3A_562 = arith.constant 0 : i32
      %dma_wait3A_563 = arith.constant 0 : i32
      %dma_wait3A_564 = arith.constant 1 : i32
      %dma_wait3A_565 = arith.constant 0 : i32
      %dma_wait3A_566 = arith.constant 0 : i32
      %dma_wait3A_567 = tpu.memref_slice %arg12[%dma_wait3A_562, %dma_wait3A_565, %dma_wait3A_566] : memref<2x80x128xi32, #tpu.memory_space<vmem>> -> memref<1x80x128xi32, #tpu.memory_space<vmem>>
      %dma_wait3A_568 = tpu.memref_squeeze %dma_wait3A_567 : memref<1x80x128xi32, #tpu.memory_space<vmem>> -> memref<80x128xi32, #tpu.memory_space<vmem>>
      %dma_wait3A_569 = tpu.memref_slice %arg10[%mul3A_548] : memref<10000xi32, #tpu.memory_space<vmem>> -> memref<80xi32, #tpu.memory_space<vmem>>
      %dma_wait3A_570 = arith.constant 0 : i32
      %dma_wait3A_571 = arith.constant 0 : i32
      %dma_wait3A_572 = tpu.memref_slice %arg3[%dma_wait3A_570, %dma_wait3A_571] : memref<10000x128xi32, #tpu.memory_space<hbm>> -> memref<10000x128xi32, #tpu.memory_space<hbm>>
      %dma_wait3A_573 = tpu.memref_slice %arg16[%dma_wait3A_563, %dma_wait3A_564] : memref<2x2x!tpu.dma_semaphore, #tpu.memory_space<semaphore_mem>> -> memref<1x1x!tpu.dma_semaphore, #tpu.memory_space<semaphore_mem>>
      %dma_wait3A_574 = tpu.memref_squeeze %dma_wait3A_573 : memref<1x1x!tpu.dma_semaphore, #tpu.memory_space<semaphore_mem>> -> memref<!tpu.dma_semaphore, #tpu.memory_space<semaphore_mem>>
      tpu.wait_indirect_dma semaphore(%dma_wait3A_574 : memref<!tpu.dma_semaphore, #tpu.memory_space<semaphore_mem>>) src(%dma_wait3A_572 : memref<10000x128xi32, #tpu.memory_space<hbm>>) dst(%dma_wait3A_568 : memref<80x128xi32, #tpu.memory_space<vmem>>)
      %add3A_575 = arith.constant 1 : i32
      %add3A_576 = arith.addi %add3A_544, %add3A_575 : i32
      %mul3A_577 = arith.constant 80 : i32
      %mul3A_578 = arith.muli %add3A_576, %mul3A_577 : i32
      %mul3A_579 = arith.constant 80 : i32
      %mul3A_580 = arith.muli %add3A_576, %mul3A_579 : i32
      %dma_start3A_581 = arith.constant 1 : i32
      %dma_start3A_582 = arith.constant 1 : i32
      %dma_start3A_583 = arith.constant 0 : i32
      %dma_start3A_584 = arith.constant 0 : i32
      %dma_start3A_585 = arith.constant 0 : i32
      %dma_start3A_586 = tpu.memref_slice %arg11[%dma_start3A_581, %dma_start3A_584, %dma_start3A_585] : memref<2x80x128xi32, #tpu.memory_space<vmem>> -> memref<1x80x128xi32, #tpu.memory_space<vmem>>
      %dma_start3A_587 = tpu.memref_squeeze %dma_start3A_586 : memref<1x80x128xi32, #tpu.memory_space<vmem>> -> memref<80x128xi32, #tpu.memory_space<vmem>>
      %dma_start3A_588 = tpu.memref_slice %arg9[%mul3A_578] : memref<10000xi32, #tpu.memory_space<vmem>> -> memref<80xi32, #tpu.memory_space<vmem>>
      %dma_start3A_589 = arith.constant 0 : i32
      %dma_start3A_590 = arith.constant 0 : i32
      %dma_start3A_591 = tpu.memref_slice %arg2[%dma_start3A_589, %dma_start3A_590] : memref<10000x128xi32, #tpu.memory_space<hbm>> -> memref<10000x128xi32, #tpu.memory_space<hbm>>
      %dma_start3A_592 = tpu.memref_slice %arg16[%dma_start3A_582, %dma_start3A_583] : memref<2x2x!tpu.dma_semaphore, #tpu.memory_space<semaphore_mem>> -> memref<1x1x!tpu.dma_semaphore, #tpu.memory_space<semaphore_mem>>
      %dma_start3A_593 = tpu.memref_squeeze %dma_start3A_592 : memref<1x1x!tpu.dma_semaphore, #tpu.memory_space<semaphore_mem>> -> memref<!tpu.dma_semaphore, #tpu.memory_space<semaphore_mem>>
      tpu.enqueue_indirect_dma source(%dma_start3A_591 : memref<10000x128xi32, #tpu.memory_space<hbm>>) target(%dma_start3A_587 : memref<80x128xi32, #tpu.memory_space<vmem>>) offsets(%dma_start3A_588 : memref<80xi32, #tpu.memory_space<vmem>>) semaphore(%dma_start3A_593 : memref<!tpu.dma_semaphore, #tpu.memory_space<semaphore_mem>>)
      %dma_start3A_594 = arith.constant 1 : i32
      %dma_start3A_595 = arith.constant 1 : i32
      %dma_start3A_596 = arith.constant 1 : i32
      %dma_start3A_597 = arith.constant 0 : i32
      %dma_start3A_598 = arith.constant 0 : i32
      %dma_start3A_599 = tpu.memref_slice %arg12[%dma_start3A_594, %dma_start3A_597, %dma_start3A_598] : memref<2x80x128xi32, #tpu.memory_space<vmem>> -> memref<1x80x128xi32, #tpu.memory_space<vmem>>
      %dma_start3A_600 = tpu.memref_squeeze %dma_start3A_599 : memref<1x80x128xi32, #tpu.memory_space<vmem>> -> memref<80x128xi32, #tpu.memory_space<vmem>>
      %dma_start3A_601 = tpu.memref_slice %arg10[%mul3A_580] : memref<10000xi32, #tpu.memory_space<vmem>> -> memref<80xi32, #tpu.memory_space<vmem>>
      %dma_start3A_602 = arith.constant 0 : i32
      %dma_start3A_603 = arith.constant 0 : i32
      %dma_start3A_604 = tpu.memref_slice %arg3[%dma_start3A_602, %dma_start3A_603] : memref<10000x128xi32, #tpu.memory_space<hbm>> -> memref<10000x128xi32, #tpu.memory_space<hbm>>
      %dma_start3A_605 = tpu.memref_slice %arg16[%dma_start3A_595, %dma_start3A_596] : memref<2x2x!tpu.dma_semaphore, #tpu.memory_space<semaphore_mem>> -> memref<1x1x!tpu.dma_semaphore, #tpu.memory_space<semaphore_mem>>
      %dma_start3A_606 = tpu.memref_squeeze %dma_start3A_605 : memref<1x1x!tpu.dma_semaphore, #tpu.memory_space<semaphore_mem>> -> memref<!tpu.dma_semaphore, #tpu.memory_space<semaphore_mem>>
      tpu.enqueue_indirect_dma source(%dma_start3A_604 : memref<10000x128xi32, #tpu.memory_space<hbm>>) target(%dma_start3A_600 : memref<80x128xi32, #tpu.memory_space<vmem>>) offsets(%dma_start3A_601 : memref<80xi32, #tpu.memory_space<vmem>>) semaphore(%dma_start3A_606 : memref<!tpu.dma_semaphore, #tpu.memory_space<semaphore_mem>>)
      %gt3A = arith.constant 0 : i32
      %gt3A_607 = arith.cmpi sgt, %scan3A_540, %gt3A : i32
      %convert_element_type3A = arith.extui %gt3A_607 : i1 to i32
      %cond3A = arith.constant 0 : i32
      %cond3A_608 = arith.cmpi ne, %convert_element_type3A, %cond3A : i32
      scf.if %cond3A_608 {
        %sub3A = arith.constant 2 : i32
        %sub3A_1438 = arith.subi %add3A_544, %sub3A : i32
        %mul3A_1439 = arith.constant 125 : i32
        %mul3A_1440 = arith.muli %add3A, %mul3A_1439 : i32
        %add3A_1441 = arith.addi %mul3A_1440, %sub3A_1438 : i32
        %dma_wait3A_1442 = arith.constant 0 : i32
        %dma_wait3A_1443 = arith.constant 0 : i32
        %dma_wait3A_1444 = arith.constant 0 : i32
        %dma_wait3A_1445 = arith.constant 0 : i32
        %dma_wait3A_1446 = tpu.memref_slice %arg13[%dma_wait3A_1442, %dma_wait3A_1444, %dma_wait3A_1445] : memref<2x8x80xf32, #tpu.memory_space<vmem>> -> memref<1x8x80xf32, #tpu.memory_space<vmem>>
        %dma_wait3A_1447 = tpu.memref_squeeze %dma_wait3A_1446 : memref<1x8x80xf32, #tpu.memory_space<vmem>> -> memref<8x80xf32, #tpu.memory_space<vmem>>
        %dma_wait3A_1448 = arith.constant 0 : i32
        %dma_wait3A_1449 = arith.constant 0 : i32
        %dma_wait3A_1450 = tpu.memref_slice %arg8[%add3A_1441, %dma_wait3A_1448, %dma_wait3A_1449] : memref<4000x8x80xf32, #tpu.memory_space<hbm>> -> memref<1x8x80xf32, #tpu.memory_space<hbm>>
        %dma_wait3A_1451 = tpu.memref_squeeze %dma_wait3A_1450 : memref<1x8x80xf32, #tpu.memory_space<hbm>> -> memref<8x80xf32, #tpu.memory_space<hbm>>
        %dma_wait3A_1452 = tpu.memref_slice %arg17[%dma_wait3A_1443] : memref<2x!tpu.dma_semaphore, #tpu.memory_space<semaphore_mem>> -> memref<1x!tpu.dma_semaphore, #tpu.memory_space<semaphore_mem>>
        %dma_wait3A_1453 = tpu.memref_squeeze %dma_wait3A_1452 : memref<1x!tpu.dma_semaphore, #tpu.memory_space<semaphore_mem>> -> memref<!tpu.dma_semaphore, #tpu.memory_space<semaphore_mem>>
        %dma_wait3A_1454 = arith.constant 0 : i32
        %dma_wait3A_1455 = arith.constant 0 : i32
        %dma_wait3A_1456 = tpu.memref_slice %arg8[%add3A_1441, %dma_wait3A_1454, %dma_wait3A_1455] : memref<4000x8x80xf32, #tpu.memory_space<hbm>> -> memref<1x8x80xf32, #tpu.memory_space<hbm>>
        %dma_wait3A_1457 = tpu.memref_squeeze %dma_wait3A_1456 : memref<1x8x80xf32, #tpu.memory_space<hbm>> -> memref<8x80xf32, #tpu.memory_space<hbm>>
        %dma_wait3A_1458 = arith.constant 0 : i32
        %dma_wait3A_1459 = arith.constant 0 : i32
        %dma_wait3A_1460 = tpu.memref_slice %arg13[%dma_wait3A_1442, %dma_wait3A_1458, %dma_wait3A_1459] : memref<2x8x80xf32, #tpu.memory_space<vmem>> -> memref<1x8x80xf32, #tpu.memory_space<vmem>>
        %dma_wait3A_1461 = tpu.memref_squeeze %dma_wait3A_1460 : memref<1x8x80xf32, #tpu.memory_space<vmem>> -> memref<8x80xf32, #tpu.memory_space<vmem>>
        tpu.wait_dma2 semaphore(%dma_wait3A_1453 : memref<!tpu.dma_semaphore, #tpu.memory_space<semaphore_mem>>) src(%dma_wait3A_1461 : memref<8x80xf32, #tpu.memory_space<vmem>>) dst(%dma_wait3A_1457 : memref<8x80xf32, #tpu.memory_space<hbm>>)
      } else {
      }
      %broadcast_in_dim3A_609 = arith.constant 0.000000e+00 : f32
      %broadcast_in_dim3A_610 = vector.broadcast %broadcast_in_dim3A_609 : f32 to vector<16xf32>
      %parallel_loop3A_611 = arith.constant 0 : i32
      %parallel_loop3A_612 = arith.constant 64 : i32
      %parallel_loop3A_613 = arith.constant 1 : i32
      %parallel_loop3A_614:15 = scf.for %parallel_loop3A_1438 = %parallel_loop3A_611 to %parallel_loop3A_612 step %parallel_loop3A_613 iter_args(%parallel_loop3A_1439 = %broadcast_in_dim3A_610, %parallel_loop3A_1440 = %broadcast_in_dim3A_610, %parallel_loop3A_1441 = %broadcast_in_dim3A_610, %parallel_loop3A_1442 = %broadcast_in_dim3A_610, %parallel_loop3A_1443 = %broadcast_in_dim3A_610, %parallel_loop3A_1444 = %broadcast_in_dim3A_610, %parallel_loop3A_1445 = %broadcast_in_dim3A_610, %parallel_loop3A_1446 = %broadcast_in_dim3A_610, %parallel_loop3A_1447 = %broadcast_in_dim3A_610, %parallel_loop3A_1448 = %broadcast_in_dim3A_610, %parallel_loop3A_1449 = %broadcast_in_dim3A_610, %parallel_loop3A_1450 = %broadcast_in_dim3A_610, %parallel_loop3A_1451 = %broadcast_in_dim3A_610, %parallel_loop3A_1452 = %broadcast_in_dim3A_610, %parallel_loop3A_1453 = %broadcast_in_dim3A_610) -> (vector<16xf32>, vector<16xf32>, vector<16xf32>, vector<16xf32>, vector<16xf32>, vector<16xf32>, vector<16xf32>, vector<16xf32>, vector<16xf32>, vector<16xf32>, vector<16xf32>, vector<16xf32>, vector<16xf32>, vector<16xf32>, vector<16xf32>)  : i32 {
        %parallel_loop3A_1454 = vector.broadcast %parallel_loop3A_1438 : i32 to vector<16xi32>
        %parallel_loop3A_1455 = arith.addi %iota3A, %parallel_loop3A_1454 : vector<16xi32>
        %parallel_loop3A_1456 = arith.constant 63 : i32
        %parallel_loop3A_1457 = vector.broadcast %parallel_loop3A_1456 : i32 to vector<16xi32>
        %parallel_loop3A_1458 = arith.andi %parallel_loop3A_1455, %parallel_loop3A_1457 : vector<16xi32>
        %parallel_loop3A_1459 = arith.constant 128 : i32
        %parallel_loop3A_1460 = arith.muli %parallel_loop3A_1438, %parallel_loop3A_1459 : i32
        %parallel_loop3A_1461 = arith.constant 0 : i32
        %parallel_loop3A_1462 = arith.addi %parallel_loop3A_1460, %parallel_loop3A_1461 : i32
        %parallel_loop3A_1463 = arith.index_cast %parallel_loop3A_1462 : i32 to index
        %parallel_loop3A_1464 = tpu.vector_load %arg14[%parallel_loop3A_1463] {strides = array<i32>} : memref<8192xf32, #tpu.memory_space<vmem>>, vector<16xf32>,
        %parallel_loop3A_1465 = arith.constant 128 : i32
        %parallel_loop3A_1466 = arith.muli %parallel_loop3A_1438, %parallel_loop3A_1465 : i32
        %parallel_loop3A_1467 = arith.constant 16 : i32
        %parallel_loop3A_1468 = arith.addi %parallel_loop3A_1466, %parallel_loop3A_1467 : i32
        %parallel_loop3A_1469 = arith.index_cast %parallel_loop3A_1468 : i32 to index
        %parallel_loop3A_1470 = tpu.vector_load %arg14[%parallel_loop3A_1469] {strides = array<i32>} : memref<8192xf32, #tpu.memory_space<vmem>>, vector<16xf32>,
        %parallel_loop3A_1471 = arith.constant 128 : i32
        %parallel_loop3A_1472 = arith.muli %parallel_loop3A_1438, %parallel_loop3A_1471 : i32
        %parallel_loop3A_1473 = arith.constant 32 : i32
        %parallel_loop3A_1474 = arith.addi %parallel_loop3A_1472, %parallel_loop3A_1473 : i32
        %parallel_loop3A_1475 = arith.index_cast %parallel_loop3A_1474 : i32 to index
        %parallel_loop3A_1476 = tpu.vector_load %arg14[%parallel_loop3A_1475] {strides = array<i32>} : memref<8192xf32, #tpu.memory_space<vmem>>, vector<16xf32>,
        %parallel_loop3A_1477 = arith.constant 128 : i32
        %parallel_loop3A_1478 = arith.muli %parallel_loop3A_1438, %parallel_loop3A_1477 : i32
        %parallel_loop3A_1479 = arith.constant 64 : i32
        %parallel_loop3A_1480 = arith.addi %parallel_loop3A_1478, %parallel_loop3A_1479 : i32
        %parallel_loop3A_1481 = arith.constant 0 : i32
        %parallel_loop3A_1482 = arith.addi %parallel_loop3A_1480, %parallel_loop3A_1481 : i32
        %parallel_loop3A_1483 = arith.index_cast %parallel_loop3A_1482 : i32 to index
        %parallel_loop3A_1484 = tpu.vector_load %arg14[%parallel_loop3A_1483] {strides = array<i32>} : memref<8192xf32, #tpu.memory_space<vmem>>, vector<16xf32>,
        %parallel_loop3A_1485 = arith.constant 128 : i32
        %parallel_loop3A_1486 = arith.muli %parallel_loop3A_1438, %parallel_loop3A_1485 : i32
        %parallel_loop3A_1487 = arith.constant 64 : i32
        %parallel_loop3A_1488 = arith.addi %parallel_loop3A_1486, %parallel_loop3A_1487 : i32
        %parallel_loop3A_1489 = arith.constant 16 : i32
        %parallel_loop3A_1490 = arith.addi %parallel_loop3A_1488, %parallel_loop3A_1489 : i32
        %parallel_loop3A_1491 = arith.index_cast %parallel_loop3A_1490 : i32 to index
        %parallel_loop3A_1492 = tpu.vector_load %arg14[%parallel_loop3A_1491] {strides = array<i32>} : memref<8192xf32, #tpu.memory_space<vmem>>, vector<16xf32>,
        %parallel_loop3A_1493 = arith.constant 128 : i32
        %parallel_loop3A_1494 = arith.muli %parallel_loop3A_1438, %parallel_loop3A_1493 : i32
        %parallel_loop3A_1495 = arith.constant 64 : i32
        %parallel_loop3A_1496 = arith.addi %parallel_loop3A_1494, %parallel_loop3A_1495 : i32
        %parallel_loop3A_1497 = arith.constant 32 : i32
        %parallel_loop3A_1498 = arith.addi %parallel_loop3A_1496, %parallel_loop3A_1497 : i32
        %parallel_loop3A_1499 = arith.index_cast %parallel_loop3A_1498 : i32 to index
        %parallel_loop3A_1500 = tpu.vector_load %arg14[%parallel_loop3A_1499] {strides = array<i32>} : memref<8192xf32, #tpu.memory_space<vmem>>, vector<16xf32>,
        %parallel_loop3A_1501 = arith.constant 0 : i32
        %parallel_loop3A_1502 = vector.broadcast %parallel_loop3A_1501 : i32 to vector<16xi32>
        %parallel_loop3A_1503 = arith.addi %iota3A, %parallel_loop3A_1502 : vector<16xi32>
        %parallel_loop3A_1504 = arith.constant 0 : i32
        %parallel_loop3A_1505 = arith.constant 0 : i32
        %parallel_loop3A_1506 = arith.constant 0 : i32
        %parallel_loop3A_1507 = tpu.memref_slice %arg11[%parallel_loop3A_1504, %parallel_loop3A_1505, %parallel_loop3A_1506] : memref<2x80x128xi32, #tpu.memory_space<vmem>> -> memref<1x80x128xi32, #tpu.memory_space<vmem>>
        %parallel_loop3A_1508 = tpu.memref_squeeze %parallel_loop3A_1507 : memref<1x80x128xi32, #tpu.memory_space<vmem>> -> memref<80x128xi32, #tpu.memory_space<vmem>>
        %parallel_loop3A_1509 = tpu.vector_load_idx %parallel_loop3A_1508[%parallel_loop3A_1503, %parallel_loop3A_1458] : memref<80x128xi32, #tpu.memory_space<vmem>>[vector<16xi32>, vector<16xi32>], vector<16xi32>,
        %parallel_loop3A_1510 = arith.constant 0 : i32
        %parallel_loop3A_1511 = arith.constant 0 : i32
        %parallel_loop3A_1512 = arith.constant 0 : i32
        %parallel_loop3A_1513 = tpu.memref_slice %arg12[%parallel_loop3A_1510, %parallel_loop3A_1511, %parallel_loop3A_1512] : memref<2x80x128xi32, #tpu.memory_space<vmem>> -> memref<1x80x128xi32, #tpu.memory_space<vmem>>
        %parallel_loop3A_1514 = tpu.memref_squeeze %parallel_loop3A_1513 : memref<1x80x128xi32, #tpu.memory_space<vmem>> -> memref<80x128xi32, #tpu.memory_space<vmem>>
        %parallel_loop3A_1515 = tpu.vector_load_idx %parallel_loop3A_1514[%parallel_loop3A_1503, %parallel_loop3A_1458] : memref<80x128xi32, #tpu.memory_space<vmem>>[vector<16xi32>, vector<16xi32>], vector<16xi32>,
        %parallel_loop3A_1516 = vector.bitcast %parallel_loop3A_1509 : vector<16xi32> to vector<32xbf16>
        %parallel_loop3A_1517 = vector.bitcast %parallel_loop3A_1515 : vector<16xi32> to vector<32xbf16>
        %parallel_loop3A_1518 = arith.mulf %parallel_loop3A_1516, %parallel_loop3A_1517 : vector<32xbf16>
        %parallel_loop3A_1519 = tpu.unpack_subelements %parallel_loop3A_1518, 0 {pack_format = #tpu.pack_format<interleaved>} : vector<32xbf16> -> vector<16xf32>
        %parallel_loop3A_1520 = tpu.unpack_subelements %parallel_loop3A_1518, 1 {pack_format = #tpu.pack_format<interleaved>} : vector<32xbf16> -> vector<16xf32>
        %parallel_loop3A_1521 = arith.mulf %parallel_loop3A_1519, %parallel_loop3A_1464 : vector<16xf32>
        %parallel_loop3A_1522 = arith.addf %parallel_loop3A_1439, %parallel_loop3A_1521 : vector<16xf32>
        %parallel_loop3A_1523 = arith.mulf %parallel_loop3A_1520, %parallel_loop3A_1484 : vector<16xf32>
        %parallel_loop3A_1524 = arith.addf %parallel_loop3A_1522, %parallel_loop3A_1523 : vector<16xf32>
        %parallel_loop3A_1525 = arith.mulf %parallel_loop3A_1519, %parallel_loop3A_1470 : vector<16xf32>
        %parallel_loop3A_1526 = arith.addf %parallel_loop3A_1440, %parallel_loop3A_1525 : vector<16xf32>
        %parallel_loop3A_1527 = arith.mulf %parallel_loop3A_1520, %parallel_loop3A_1492 : vector<16xf32>
        %parallel_loop3A_1528 = arith.addf %parallel_loop3A_1526, %parallel_loop3A_1527 : vector<16xf32>
        %parallel_loop3A_1529 = arith.mulf %parallel_loop3A_1519, %parallel_loop3A_1476 : vector<16xf32>
        %parallel_loop3A_1530 = arith.addf %parallel_loop3A_1441, %parallel_loop3A_1529 : vector<16xf32>
        %parallel_loop3A_1531 = arith.mulf %parallel_loop3A_1520, %parallel_loop3A_1500 : vector<16xf32>
        %parallel_loop3A_1532 = arith.addf %parallel_loop3A_1530, %parallel_loop3A_1531 : vector<16xf32>
        %parallel_loop3A_1533 = arith.constant 16 : i32
        %parallel_loop3A_1534 = vector.broadcast %parallel_loop3A_1533 : i32 to vector<16xi32>
        %parallel_loop3A_1535 = arith.addi %iota3A, %parallel_loop3A_1534 : vector<16xi32>
        %parallel_loop3A_1536 = arith.constant 0 : i32
        %parallel_loop3A_1537 = arith.constant 0 : i32
        %parallel_loop3A_1538 = arith.constant 0 : i32
        %parallel_loop3A_1539 = tpu.memref_slice %arg11[%parallel_loop3A_1536, %parallel_loop3A_1537, %parallel_loop3A_1538] : memref<2x80x128xi32, #tpu.memory_space<vmem>> -> memref<1x80x128xi32, #tpu.memory_space<vmem>>
        %parallel_loop3A_1540 = tpu.memref_squeeze %parallel_loop3A_1539 : memref<1x80x128xi32, #tpu.memory_space<vmem>> -> memref<80x128xi32, #tpu.memory_space<vmem>>
        %parallel_loop3A_1541 = tpu.vector_load_idx %parallel_loop3A_1540[%parallel_loop3A_1535, %parallel_loop3A_1458] : memref<80x128xi32, #tpu.memory_space<vmem>>[vector<16xi32>, vector<16xi32>], vector<16xi32>,
        %parallel_loop3A_1542 = arith.constant 0 : i32
        %parallel_loop3A_1543 = arith.constant 0 : i32
        %parallel_loop3A_1544 = arith.constant 0 : i32
        %parallel_loop3A_1545 = tpu.memref_slice %arg12[%parallel_loop3A_1542, %parallel_loop3A_1543, %parallel_loop3A_1544] : memref<2x80x128xi32, #tpu.memory_space<vmem>> -> memref<1x80x128xi32, #tpu.memory_space<vmem>>
        %parallel_loop3A_1546 = tpu.memref_squeeze %parallel_loop3A_1545 : memref<1x80x128xi32, #tpu.memory_space<vmem>> -> memref<80x128xi32, #tpu.memory_space<vmem>>
        %parallel_loop3A_1547 = tpu.vector_load_idx %parallel_loop3A_1546[%parallel_loop3A_1535, %parallel_loop3A_1458] : memref<80x128xi32, #tpu.memory_space<vmem>>[vector<16xi32>, vector<16xi32>], vector<16xi32>,
        %parallel_loop3A_1548 = vector.bitcast %parallel_loop3A_1541 : vector<16xi32> to vector<32xbf16>
        %parallel_loop3A_1549 = vector.bitcast %parallel_loop3A_1547 : vector<16xi32> to vector<32xbf16>
        %parallel_loop3A_1550 = arith.mulf %parallel_loop3A_1548, %parallel_loop3A_1549 : vector<32xbf16>
        %parallel_loop3A_1551 = tpu.unpack_subelements %parallel_loop3A_1550, 0 {pack_format = #tpu.pack_format<interleaved>} : vector<32xbf16> -> vector<16xf32>
        %parallel_loop3A_1552 = tpu.unpack_subelements %parallel_loop3A_1550, 1 {pack_format = #tpu.pack_format<interleaved>} : vector<32xbf16> -> vector<16xf32>
        %parallel_loop3A_1553 = arith.mulf %parallel_loop3A_1551, %parallel_loop3A_1464 : vector<16xf32>
        %parallel_loop3A_1554 = arith.addf %parallel_loop3A_1442, %parallel_loop3A_1553 : vector<16xf32>
        %parallel_loop3A_1555 = arith.mulf %parallel_loop3A_1552, %parallel_loop3A_1484 : vector<16xf32>
        %parallel_loop3A_1556 = arith.addf %parallel_loop3A_1554, %parallel_loop3A_1555 : vector<16xf32>
        %parallel_loop3A_1557 = arith.mulf %parallel_loop3A_1551, %parallel_loop3A_1470 : vector<16xf32>
        %parallel_loop3A_1558 = arith.addf %parallel_loop3A_1443, %parallel_loop3A_1557 : vector<16xf32>
        %parallel_loop3A_1559 = arith.mulf %parallel_loop3A_1552, %parallel_loop3A_1492 : vector<16xf32>
        %parallel_loop3A_1560 = arith.addf %parallel_loop3A_1558, %parallel_loop3A_1559 : vector<16xf32>
        %parallel_loop3A_1561 = arith.mulf %parallel_loop3A_1551, %parallel_loop3A_1476 : vector<16xf32>
        %parallel_loop3A_1562 = arith.addf %parallel_loop3A_1444, %parallel_loop3A_1561 : vector<16xf32>
        %parallel_loop3A_1563 = arith.mulf %parallel_loop3A_1552, %parallel_loop3A_1500 : vector<16xf32>
        %parallel_loop3A_1564 = arith.addf %parallel_loop3A_1562, %parallel_loop3A_1563 : vector<16xf32>
        %parallel_loop3A_1565 = arith.constant 32 : i32
        %parallel_loop3A_1566 = vector.broadcast %parallel_loop3A_1565 : i32 to vector<16xi32>
        %parallel_loop3A_1567 = arith.addi %iota3A, %parallel_loop3A_1566 : vector<16xi32>
        %parallel_loop3A_1568 = arith.constant 0 : i32
        %parallel_loop3A_1569 = arith.constant 0 : i32
        %parallel_loop3A_1570 = arith.constant 0 : i32
        %parallel_loop3A_1571 = tpu.memref_slice %arg11[%parallel_loop3A_1568, %parallel_loop3A_1569, %parallel_loop3A_1570] : memref<2x80x128xi32, #tpu.memory_space<vmem>> -> memref<1x80x128xi32, #tpu.memory_space<vmem>>
        %parallel_loop3A_1572 = tpu.memref_squeeze %parallel_loop3A_1571 : memref<1x80x128xi32, #tpu.memory_space<vmem>> -> memref<80x128xi32, #tpu.memory_space<vmem>>
        %parallel_loop3A_1573 = tpu.vector_load_idx %parallel_loop3A_1572[%parallel_loop3A_1567, %parallel_loop3A_1458] : memref<80x128xi32, #tpu.memory_space<vmem>>[vector<16xi32>, vector<16xi32>], vector<16xi32>,
        %parallel_loop3A_1574 = arith.constant 0 : i32
        %parallel_loop3A_1575 = arith.constant 0 : i32
        %parallel_loop3A_1576 = arith.constant 0 : i32
        %parallel_loop3A_1577 = tpu.memref_slice %arg12[%parallel_loop3A_1574, %parallel_loop3A_1575, %parallel_loop3A_1576] : memref<2x80x128xi32, #tpu.memory_space<vmem>> -> memref<1x80x128xi32, #tpu.memory_space<vmem>>
        %parallel_loop3A_1578 = tpu.memref_squeeze %parallel_loop3A_1577 : memref<1x80x128xi32, #tpu.memory_space<vmem>> -> memref<80x128xi32, #tpu.memory_space<vmem>>
        %parallel_loop3A_1579 = tpu.vector_load_idx %parallel_loop3A_1578[%parallel_loop3A_1567, %parallel_loop3A_1458] : memref<80x128xi32, #tpu.memory_space<vmem>>[vector<16xi32>, vector<16xi32>], vector<16xi32>,
        %parallel_loop3A_1580 = vector.bitcast %parallel_loop3A_1573 : vector<16xi32> to vector<32xbf16>
        %parallel_loop3A_1581 = vector.bitcast %parallel_loop3A_1579 : vector<16xi32> to vector<32xbf16>
        %parallel_loop3A_1582 = arith.mulf %parallel_loop3A_1580, %parallel_loop3A_1581 : vector<32xbf16>
        %parallel_loop3A_1583 = tpu.unpack_subelements %parallel_loop3A_1582, 0 {pack_format = #tpu.pack_format<interleaved>} : vector<32xbf16> -> vector<16xf32>
        %parallel_loop3A_1584 = tpu.unpack_subelements %parallel_loop3A_1582, 1 {pack_format = #tpu.pack_format<interleaved>} : vector<32xbf16> -> vector<16xf32>
        %parallel_loop3A_1585 = arith.mulf %parallel_loop3A_1583, %parallel_loop3A_1464 : vector<16xf32>
        %parallel_loop3A_1586 = arith.addf %parallel_loop3A_1445, %parallel_loop3A_1585 : vector<16xf32>
        %parallel_loop3A_1587 = arith.mulf %parallel_loop3A_1584, %parallel_loop3A_1484 : vector<16xf32>
        %parallel_loop3A_1588 = arith.addf %parallel_loop3A_1586, %parallel_loop3A_1587 : vector<16xf32>
        %parallel_loop3A_1589 = arith.mulf %parallel_loop3A_1583, %parallel_loop3A_1470 : vector<16xf32>
        %parallel_loop3A_1590 = arith.addf %parallel_loop3A_1446, %parallel_loop3A_1589 : vector<16xf32>
        %parallel_loop3A_1591 = arith.mulf %parallel_loop3A_1584, %parallel_loop3A_1492 : vector<16xf32>
        %parallel_loop3A_1592 = arith.addf %parallel_loop3A_1590, %parallel_loop3A_1591 : vector<16xf32>
        %parallel_loop3A_1593 = arith.mulf %parallel_loop3A_1583, %parallel_loop3A_1476 : vector<16xf32>
        %parallel_loop3A_1594 = arith.addf %parallel_loop3A_1447, %parallel_loop3A_1593 : vector<16xf32>
        %parallel_loop3A_1595 = arith.mulf %parallel_loop3A_1584, %parallel_loop3A_1500 : vector<16xf32>
        %parallel_loop3A_1596 = arith.addf %parallel_loop3A_1594, %parallel_loop3A_1595 : vector<16xf32>
        %parallel_loop3A_1597 = arith.constant 48 : i32
        %parallel_loop3A_1598 = vector.broadcast %parallel_loop3A_1597 : i32 to vector<16xi32>
        %parallel_loop3A_1599 = arith.addi %iota3A, %parallel_loop3A_1598 : vector<16xi32>
        %parallel_loop3A_1600 = arith.constant 0 : i32
        %parallel_loop3A_1601 = arith.constant 0 : i32
        %parallel_loop3A_1602 = arith.constant 0 : i32
        %parallel_loop3A_1603 = tpu.memref_slice %arg11[%parallel_loop3A_1600, %parallel_loop3A_1601, %parallel_loop3A_1602] : memref<2x80x128xi32, #tpu.memory_space<vmem>> -> memref<1x80x128xi32, #tpu.memory_space<vmem>>
        %parallel_loop3A_1604 = tpu.memref_squeeze %parallel_loop3A_1603 : memref<1x80x128xi32, #tpu.memory_space<vmem>> -> memref<80x128xi32, #tpu.memory_space<vmem>>
        %parallel_loop3A_1605 = tpu.vector_load_idx %parallel_loop3A_1604[%parallel_loop3A_1599, %parallel_loop3A_1458] : memref<80x128xi32, #tpu.memory_space<vmem>>[vector<16xi32>, vector<16xi32>], vector<16xi32>,
        %parallel_loop3A_1606 = arith.constant 0 : i32
        %parallel_loop3A_1607 = arith.constant 0 : i32
        %parallel_loop3A_1608 = arith.constant 0 : i32
        %parallel_loop3A_1609 = tpu.memref_slice %arg12[%parallel_loop3A_1606, %parallel_loop3A_1607, %parallel_loop3A_1608] : memref<2x80x128xi32, #tpu.memory_space<vmem>> -> memref<1x80x128xi32, #tpu.memory_space<vmem>>
        %parallel_loop3A_1610 = tpu.memref_squeeze %parallel_loop3A_1609 : memref<1x80x128xi32, #tpu.memory_space<vmem>> -> memref<80x128xi32, #tpu.memory_space<vmem>>
        %parallel_loop3A_1611 = tpu.vector_load_idx %parallel_loop3A_1610[%parallel_loop3A_1599, %parallel_loop3A_1458] : memref<80x128xi32, #tpu.memory_space<vmem>>[vector<16xi32>, vector<16xi32>], vector<16xi32>,
        %parallel_loop3A_1612 = vector.bitcast %parallel_loop3A_1605 : vector<16xi32> to vector<32xbf16>
        %parallel_loop3A_1613 = vector.bitcast %parallel_loop3A_1611 : vector<16xi32> to vector<32xbf16>
        %parallel_loop3A_1614 = arith.mulf %parallel_loop3A_1612, %parallel_loop3A_1613 : vector<32xbf16>
        %parallel_loop3A_1615 = tpu.unpack_subelements %parallel_loop3A_1614, 0 {pack_format = #tpu.pack_format<interleaved>} : vector<32xbf16> -> vector<16xf32>
        %parallel_loop3A_1616 = tpu.unpack_subelements %parallel_loop3A_1614, 1 {pack_format = #tpu.pack_format<interleaved>} : vector<32xbf16> -> vector<16xf32>
        %parallel_loop3A_1617 = arith.mulf %parallel_loop3A_1615, %parallel_loop3A_1464 : vector<16xf32>
        %parallel_loop3A_1618 = arith.addf %parallel_loop3A_1448, %parallel_loop3A_1617 : vector<16xf32>
        %parallel_loop3A_1619 = arith.mulf %parallel_loop3A_1616, %parallel_loop3A_1484 : vector<16xf32>
        %parallel_loop3A_1620 = arith.addf %parallel_loop3A_1618, %parallel_loop3A_1619 : vector<16xf32>
        %parallel_loop3A_1621 = arith.mulf %parallel_loop3A_1615, %parallel_loop3A_1470 : vector<16xf32>
        %parallel_loop3A_1622 = arith.addf %parallel_loop3A_1449, %parallel_loop3A_1621 : vector<16xf32>
        %parallel_loop3A_1623 = arith.mulf %parallel_loop3A_1616, %parallel_loop3A_1492 : vector<16xf32>
        %parallel_loop3A_1624 = arith.addf %parallel_loop3A_1622, %parallel_loop3A_1623 : vector<16xf32>
        %parallel_loop3A_1625 = arith.mulf %parallel_loop3A_1615, %parallel_loop3A_1476 : vector<16xf32>
        %parallel_loop3A_1626 = arith.addf %parallel_loop3A_1450, %parallel_loop3A_1625 : vector<16xf32>
        %parallel_loop3A_1627 = arith.mulf %parallel_loop3A_1616, %parallel_loop3A_1500 : vector<16xf32>
        %parallel_loop3A_1628 = arith.addf %parallel_loop3A_1626, %parallel_loop3A_1627 : vector<16xf32>
        %parallel_loop3A_1629 = arith.constant 64 : i32
        %parallel_loop3A_1630 = vector.broadcast %parallel_loop3A_1629 : i32 to vector<16xi32>
        %parallel_loop3A_1631 = arith.addi %iota3A, %parallel_loop3A_1630 : vector<16xi32>
        %parallel_loop3A_1632 = arith.constant 0 : i32
        %parallel_loop3A_1633 = arith.constant 0 : i32
        %parallel_loop3A_1634 = arith.constant 0 : i32
        %parallel_loop3A_1635 = tpu.memref_slice %arg11[%parallel_loop3A_1632, %parallel_loop3A_1633, %parallel_loop3A_1634] : memref<2x80x128xi32, #tpu.memory_space<vmem>> -> memref<1x80x128xi32, #tpu.memory_space<vmem>>
        %parallel_loop3A_1636 = tpu.memref_squeeze %parallel_loop3A_1635 : memref<1x80x128xi32, #tpu.memory_space<vmem>> -> memref<80x128xi32, #tpu.memory_space<vmem>>
        %parallel_loop3A_1637 = tpu.vector_load_idx %parallel_loop3A_1636[%parallel_loop3A_1631, %parallel_loop3A_1458] : memref<80x128xi32, #tpu.memory_space<vmem>>[vector<16xi32>, vector<16xi32>], vector<16xi32>,
        %parallel_loop3A_1638 = arith.constant 0 : i32
        %parallel_loop3A_1639 = arith.constant 0 : i32
        %parallel_loop3A_1640 = arith.constant 0 : i32
        %parallel_loop3A_1641 = tpu.memref_slice %arg12[%parallel_loop3A_1638, %parallel_loop3A_1639, %parallel_loop3A_1640] : memref<2x80x128xi32, #tpu.memory_space<vmem>> -> memref<1x80x128xi32, #tpu.memory_space<vmem>>
        %parallel_loop3A_1642 = tpu.memref_squeeze %parallel_loop3A_1641 : memref<1x80x128xi32, #tpu.memory_space<vmem>> -> memref<80x128xi32, #tpu.memory_space<vmem>>
        %parallel_loop3A_1643 = tpu.vector_load_idx %parallel_loop3A_1642[%parallel_loop3A_1631, %parallel_loop3A_1458] : memref<80x128xi32, #tpu.memory_space<vmem>>[vector<16xi32>, vector<16xi32>], vector<16xi32>,
        %parallel_loop3A_1644 = vector.bitcast %parallel_loop3A_1637 : vector<16xi32> to vector<32xbf16>
        %parallel_loop3A_1645 = vector.bitcast %parallel_loop3A_1643 : vector<16xi32> to vector<32xbf16>
        %parallel_loop3A_1646 = arith.mulf %parallel_loop3A_1644, %parallel_loop3A_1645 : vector<32xbf16>
        %parallel_loop3A_1647 = tpu.unpack_subelements %parallel_loop3A_1646, 0 {pack_format = #tpu.pack_format<interleaved>} : vector<32xbf16> -> vector<16xf32>
        %parallel_loop3A_1648 = tpu.unpack_subelements %parallel_loop3A_1646, 1 {pack_format = #tpu.pack_format<interleaved>} : vector<32xbf16> -> vector<16xf32>
        %parallel_loop3A_1649 = arith.mulf %parallel_loop3A_1647, %parallel_loop3A_1464 : vector<16xf32>
        %parallel_loop3A_1650 = arith.addf %parallel_loop3A_1451, %parallel_loop3A_1649 : vector<16xf32>
        %parallel_loop3A_1651 = arith.mulf %parallel_loop3A_1648, %parallel_loop3A_1484 : vector<16xf32>
        %parallel_loop3A_1652 = arith.addf %parallel_loop3A_1650, %parallel_loop3A_1651 : vector<16xf32>
        %parallel_loop3A_1653 = arith.mulf %parallel_loop3A_1647, %parallel_loop3A_1470 : vector<16xf32>
        %parallel_loop3A_1654 = arith.addf %parallel_loop3A_1452, %parallel_loop3A_1653 : vector<16xf32>
        %parallel_loop3A_1655 = arith.mulf %parallel_loop3A_1648, %parallel_loop3A_1492 : vector<16xf32>
        %parallel_loop3A_1656 = arith.addf %parallel_loop3A_1654, %parallel_loop3A_1655 : vector<16xf32>
        %parallel_loop3A_1657 = arith.mulf %parallel_loop3A_1647, %parallel_loop3A_1476 : vector<16xf32>
        %parallel_loop3A_1658 = arith.addf %parallel_loop3A_1453, %parallel_loop3A_1657 : vector<16xf32>
        %parallel_loop3A_1659 = arith.mulf %parallel_loop3A_1648, %parallel_loop3A_1500 : vector<16xf32>
        %parallel_loop3A_1660 = arith.addf %parallel_loop3A_1658, %parallel_loop3A_1659 : vector<16xf32>
        scf.yield %parallel_loop3A_1524, %parallel_loop3A_1528, %parallel_loop3A_1532, %parallel_loop3A_1556, %parallel_loop3A_1560, %parallel_loop3A_1564, %parallel_loop3A_1588, %parallel_loop3A_1592, %parallel_loop3A_1596, %parallel_loop3A_1620, %parallel_loop3A_1624, %parallel_loop3A_1628, %parallel_loop3A_1652, %parallel_loop3A_1656, %parallel_loop3A_1660 : vector<16xf32>, vector<16xf32>, vector<16xf32>, vector<16xf32>, vector<16xf32>, vector<16xf32>, vector<16xf32>, vector<16xf32>, vector<16xf32>, vector<16xf32>, vector<16xf32>, vector<16xf32>, vector<16xf32>, vector<16xf32>, vector<16xf32>
      } {sc.loop_unroll_factor = 2 : i64, sc.parallel_access}
      %mul3A_615 = arith.mulf %parallel_loop3A_614#0, %get3A_3 : vector<16xf32>
      %mul3A_616 = arith.mulf %parallel_loop3A_614#1, %get3A_13 : vector<16xf32>
      %add3A_617 = arith.addf %mul3A_615, %mul3A_616 : vector<16xf32>
      %mul3A_618 = arith.mulf %parallel_loop3A_614#2, %get3A_23 : vector<16xf32>
      %add3A_619 = arith.addf %add3A_617, %mul3A_618 : vector<16xf32>
      %swap3A_620 = arith.constant 0 : i32
      %swap3A_621 = arith.constant 0 : i32
      %swap3A_622 = arith.constant 0 : i32
      %swap3A_623 = arith.constant 0 : i32
      %swap3A_624 = tpu.memref_slice %arg13[%swap3A_620, %swap3A_622, %swap3A_623] : memref<2x8x80xf32, #tpu.memory_space<vmem>> -> memref<1x8x80xf32, #tpu.memory_space<vmem>>
      %swap3A_625 = tpu.memref_squeeze %swap3A_624 : memref<1x8x80xf32, #tpu.memory_space<vmem>> -> memref<8x80xf32, #tpu.memory_space<vmem>>
      %swap3A_626 = arith.index_cast %swap3A_621 : i32 to index
      %swap3A_627 = arith.constant 0 : index
      %swap3A_628 = tpu.vector_load %swap3A_625[%swap3A_626, %swap3A_627] {strides = array<i32>} : memref<8x80xf32, #tpu.memory_space<vmem>>, vector<16xf32>,
      tpu.vector_store %swap3A_625[%swap3A_626, %swap3A_627], %add3A_619 {strides = array<i32>} : memref<8x80xf32, #tpu.memory_space<vmem>>, vector<16xf32>,
      %mul3A_629 = arith.mulf %parallel_loop3A_614#0, %get3A_5 : vector<16xf32>
      %mul3A_630 = arith.mulf %parallel_loop3A_614#1, %get3A_15 : vector<16xf32>
      %add3A_631 = arith.addf %mul3A_629, %mul3A_630 : vector<16xf32>
      %mul3A_632 = arith.mulf %parallel_loop3A_614#2, %get3A_25 : vector<16xf32>
      %add3A_633 = arith.addf %add3A_631, %mul3A_632 : vector<16xf32>
      %swap3A_634 = arith.constant 0 : i32
      %swap3A_635 = arith.constant 1 : i32
      %swap3A_636 = arith.constant 0 : i32
      %swap3A_637 = arith.constant 0 : i32
      %swap3A_638 = tpu.memref_slice %arg13[%swap3A_634, %swap3A_636, %swap3A_637] : memref<2x8x80xf32, #tpu.memory_space<vmem>> -> memref<1x8x80xf32, #tpu.memory_space<vmem>>
      %swap3A_639 = tpu.memref_squeeze %swap3A_638 : memref<1x8x80xf32, #tpu.memory_space<vmem>> -> memref<8x80xf32, #tpu.memory_space<vmem>>
      %swap3A_640 = arith.index_cast %swap3A_635 : i32 to index
      %swap3A_641 = arith.constant 0 : index
      %swap3A_642 = tpu.vector_load %swap3A_639[%swap3A_640, %swap3A_641] {strides = array<i32>} : memref<8x80xf32, #tpu.memory_space<vmem>>, vector<16xf32>,
      tpu.vector_store %swap3A_639[%swap3A_640, %swap3A_641], %add3A_633 {strides = array<i32>} : memref<8x80xf32, #tpu.memory_space<vmem>>, vector<16xf32>,
      %mul3A_643 = arith.mulf %parallel_loop3A_614#0, %get3A_7 : vector<16xf32>
      %mul3A_644 = arith.mulf %parallel_loop3A_614#1, %get3A_17 : vector<16xf32>
      %add3A_645 = arith.addf %mul3A_643, %mul3A_644 : vector<16xf32>
      %mul3A_646 = arith.mulf %parallel_loop3A_614#2, %get3A_27 : vector<16xf32>
      %add3A_647 = arith.addf %add3A_645, %mul3A_646 : vector<16xf32>
      %swap3A_648 = arith.constant 0 : i32
      %swap3A_649 = arith.constant 2 : i32
      %swap3A_650 = arith.constant 0 : i32
      %swap3A_651 = arith.constant 0 : i32
      %swap3A_652 = tpu.memref_slice %arg13[%swap3A_648, %swap3A_650, %swap3A_651] : memref<2x8x80xf32, #tpu.memory_space<vmem>> -> memref<1x8x80xf32, #tpu.memory_space<vmem>>
      %swap3A_653 = tpu.memref_squeeze %swap3A_652 : memref<1x8x80xf32, #tpu.memory_space<vmem>> -> memref<8x80xf32, #tpu.memory_space<vmem>>
      %swap3A_654 = arith.index_cast %swap3A_649 : i32 to index
      %swap3A_655 = arith.constant 0 : index
      %swap3A_656 = tpu.vector_load %swap3A_653[%swap3A_654, %swap3A_655] {strides = array<i32>} : memref<8x80xf32, #tpu.memory_space<vmem>>, vector<16xf32>,
      tpu.vector_store %swap3A_653[%swap3A_654, %swap3A_655], %add3A_647 {strides = array<i32>} : memref<8x80xf32, #tpu.memory_space<vmem>>, vector<16xf32>,
      %mul3A_657 = arith.mulf %parallel_loop3A_614#0, %get3A_9 : vector<16xf32>
      %mul3A_658 = arith.mulf %parallel_loop3A_614#1, %get3A_19 : vector<16xf32>
      %add3A_659 = arith.addf %mul3A_657, %mul3A_658 : vector<16xf32>
      %mul3A_660 = arith.mulf %parallel_loop3A_614#2, %get3A_29 : vector<16xf32>
      %add3A_661 = arith.addf %add3A_659, %mul3A_660 : vector<16xf32>
      %swap3A_662 = arith.constant 0 : i32
      %swap3A_663 = arith.constant 3 : i32
      %swap3A_664 = arith.constant 0 : i32
      %swap3A_665 = arith.constant 0 : i32
      %swap3A_666 = tpu.memref_slice %arg13[%swap3A_662, %swap3A_664, %swap3A_665] : memref<2x8x80xf32, #tpu.memory_space<vmem>> -> memref<1x8x80xf32, #tpu.memory_space<vmem>>
      %swap3A_667 = tpu.memref_squeeze %swap3A_666 : memref<1x8x80xf32, #tpu.memory_space<vmem>> -> memref<8x80xf32, #tpu.memory_space<vmem>>
      %swap3A_668 = arith.index_cast %swap3A_663 : i32 to index
      %swap3A_669 = arith.constant 0 : index
      %swap3A_670 = tpu.vector_load %swap3A_667[%swap3A_668, %swap3A_669] {strides = array<i32>} : memref<8x80xf32, #tpu.memory_space<vmem>>, vector<16xf32>,
      tpu.vector_store %swap3A_667[%swap3A_668, %swap3A_669], %add3A_661 {strides = array<i32>} : memref<8x80xf32, #tpu.memory_space<vmem>>, vector<16xf32>,
      %mul3A_671 = arith.mulf %parallel_loop3A_614#0, %get3A_11 : vector<16xf32>
      %mul3A_672 = arith.mulf %parallel_loop3A_614#1, %get3A_21 : vector<16xf32>
      %add3A_673 = arith.addf %mul3A_671, %mul3A_672 : vector<16xf32>
      %mul3A_674 = arith.mulf %parallel_loop3A_614#2, %get3A_31 : vector<16xf32>
      %add3A_675 = arith.addf %add3A_673, %mul3A_674 : vector<16xf32>
      %swap3A_676 = arith.constant 0 : i32
      %swap3A_677 = arith.constant 4 : i32
      %swap3A_678 = arith.constant 0 : i32
      %swap3A_679 = arith.constant 0 : i32
      %swap3A_680 = tpu.memref_slice %arg13[%swap3A_676, %swap3A_678, %swap3A_679] : memref<2x8x80xf32, #tpu.memory_space<vmem>> -> memref<1x8x80xf32, #tpu.memory_space<vmem>>
      %swap3A_681 = tpu.memref_squeeze %swap3A_680 : memref<1x8x80xf32, #tpu.memory_space<vmem>> -> memref<8x80xf32, #tpu.memory_space<vmem>>
      %swap3A_682 = arith.index_cast %swap3A_677 : i32 to index
      %swap3A_683 = arith.constant 0 : index
      %swap3A_684 = tpu.vector_load %swap3A_681[%swap3A_682, %swap3A_683] {strides = array<i32>} : memref<8x80xf32, #tpu.memory_space<vmem>>, vector<16xf32>,
      tpu.vector_store %swap3A_681[%swap3A_682, %swap3A_683], %add3A_675 {strides = array<i32>} : memref<8x80xf32, #tpu.memory_space<vmem>>, vector<16xf32>,
      %mul3A_685 = arith.mulf %parallel_loop3A_614#3, %get3A_3 : vector<16xf32>
      %mul3A_686 = arith.mulf %parallel_loop3A_614#4, %get3A_13 : vector<16xf32>
      %add3A_687 = arith.addf %mul3A_685, %mul3A_686 : vector<16xf32>
      %mul3A_688 = arith.mulf %parallel_loop3A_614#5, %get3A_23 : vector<16xf32>
      %add3A_689 = arith.addf %add3A_687, %mul3A_688 : vector<16xf32>
      %swap3A_690 = arith.constant 0 : i32
      %swap3A_691 = arith.constant 0 : i32
      %swap3A_692 = arith.constant 0 : i32
      %swap3A_693 = arith.constant 0 : i32
      %swap3A_694 = tpu.memref_slice %arg13[%swap3A_690, %swap3A_692, %swap3A_693] : memref<2x8x80xf32, #tpu.memory_space<vmem>> -> memref<1x8x80xf32, #tpu.memory_space<vmem>>
      %swap3A_695 = tpu.memref_squeeze %swap3A_694 : memref<1x8x80xf32, #tpu.memory_space<vmem>> -> memref<8x80xf32, #tpu.memory_space<vmem>>
      %swap3A_696 = arith.index_cast %swap3A_691 : i32 to index
      %swap3A_697 = arith.constant 16 : index
      %swap3A_698 = tpu.vector_load %swap3A_695[%swap3A_696, %swap3A_697] {strides = array<i32>} : memref<8x80xf32, #tpu.memory_space<vmem>>, vector<16xf32>,
      tpu.vector_store %swap3A_695[%swap3A_696, %swap3A_697], %add3A_689 {strides = array<i32>} : memref<8x80xf32, #tpu.memory_space<vmem>>, vector<16xf32>,
      %mul3A_699 = arith.mulf %parallel_loop3A_614#3, %get3A_5 : vector<16xf32>
      %mul3A_700 = arith.mulf %parallel_loop3A_614#4, %get3A_15 : vector<16xf32>
      %add3A_701 = arith.addf %mul3A_699, %mul3A_700 : vector<16xf32>
      %mul3A_702 = arith.mulf %parallel_loop3A_614#5, %get3A_25 : vector<16xf32>
      %add3A_703 = arith.addf %add3A_701, %mul3A_702 : vector<16xf32>
      %swap3A_704 = arith.constant 0 : i32
      %swap3A_705 = arith.constant 1 : i32
      %swap3A_706 = arith.constant 0 : i32
      %swap3A_707 = arith.constant 0 : i32
      %swap3A_708 = tpu.memref_slice %arg13[%swap3A_704, %swap3A_706, %swap3A_707] : memref<2x8x80xf32, #tpu.memory_space<vmem>> -> memref<1x8x80xf32, #tpu.memory_space<vmem>>
      %swap3A_709 = tpu.memref_squeeze %swap3A_708 : memref<1x8x80xf32, #tpu.memory_space<vmem>> -> memref<8x80xf32, #tpu.memory_space<vmem>>
      %swap3A_710 = arith.index_cast %swap3A_705 : i32 to index
      %swap3A_711 = arith.constant 16 : index
      %swap3A_712 = tpu.vector_load %swap3A_709[%swap3A_710, %swap3A_711] {strides = array<i32>} : memref<8x80xf32, #tpu.memory_space<vmem>>, vector<16xf32>,
      tpu.vector_store %swap3A_709[%swap3A_710, %swap3A_711], %add3A_703 {strides = array<i32>} : memref<8x80xf32, #tpu.memory_space<vmem>>, vector<16xf32>,
      %mul3A_713 = arith.mulf %parallel_loop3A_614#3, %get3A_7 : vector<16xf32>
      %mul3A_714 = arith.mulf %parallel_loop3A_614#4, %get3A_17 : vector<16xf32>
      %add3A_715 = arith.addf %mul3A_713, %mul3A_714 : vector<16xf32>
      %mul3A_716 = arith.mulf %parallel_loop3A_614#5, %get3A_27 : vector<16xf32>
      %add3A_717 = arith.addf %add3A_715, %mul3A_716 : vector<16xf32>
      %swap3A_718 = arith.constant 0 : i32
      %swap3A_719 = arith.constant 2 : i32
      %swap3A_720 = arith.constant 0 : i32
      %swap3A_721 = arith.constant 0 : i32
      %swap3A_722 = tpu.memref_slice %arg13[%swap3A_718, %swap3A_720, %swap3A_721] : memref<2x8x80xf32, #tpu.memory_space<vmem>> -> memref<1x8x80xf32, #tpu.memory_space<vmem>>
      %swap3A_723 = tpu.memref_squeeze %swap3A_722 : memref<1x8x80xf32, #tpu.memory_space<vmem>> -> memref<8x80xf32, #tpu.memory_space<vmem>>
      %swap3A_724 = arith.index_cast %swap3A_719 : i32 to index
      %swap3A_725 = arith.constant 16 : index
      %swap3A_726 = tpu.vector_load %swap3A_723[%swap3A_724, %swap3A_725] {strides = array<i32>} : memref<8x80xf32, #tpu.memory_space<vmem>>, vector<16xf32>,
      tpu.vector_store %swap3A_723[%swap3A_724, %swap3A_725], %add3A_717 {strides = array<i32>} : memref<8x80xf32, #tpu.memory_space<vmem>>, vector<16xf32>,
      %mul3A_727 = arith.mulf %parallel_loop3A_614#3, %get3A_9 : vector<16xf32>
      %mul3A_728 = arith.mulf %parallel_loop3A_614#4, %get3A_19 : vector<16xf32>
      %add3A_729 = arith.addf %mul3A_727, %mul3A_728 : vector<16xf32>
      %mul3A_730 = arith.mulf %parallel_loop3A_614#5, %get3A_29 : vector<16xf32>
      %add3A_731 = arith.addf %add3A_729, %mul3A_730 : vector<16xf32>
      %swap3A_732 = arith.constant 0 : i32
      %swap3A_733 = arith.constant 3 : i32
      %swap3A_734 = arith.constant 0 : i32
      %swap3A_735 = arith.constant 0 : i32
      %swap3A_736 = tpu.memref_slice %arg13[%swap3A_732, %swap3A_734, %swap3A_735] : memref<2x8x80xf32, #tpu.memory_space<vmem>> -> memref<1x8x80xf32, #tpu.memory_space<vmem>>
      %swap3A_737 = tpu.memref_squeeze %swap3A_736 : memref<1x8x80xf32, #tpu.memory_space<vmem>> -> memref<8x80xf32, #tpu.memory_space<vmem>>
      %swap3A_738 = arith.index_cast %swap3A_733 : i32 to index
      %swap3A_739 = arith.constant 16 : index
      %swap3A_740 = tpu.vector_load %swap3A_737[%swap3A_738, %swap3A_739] {strides = array<i32>} : memref<8x80xf32, #tpu.memory_space<vmem>>, vector<16xf32>,
      tpu.vector_store %swap3A_737[%swap3A_738, %swap3A_739], %add3A_731 {strides = array<i32>} : memref<8x80xf32, #tpu.memory_space<vmem>>, vector<16xf32>,
      %mul3A_741 = arith.mulf %parallel_loop3A_614#3, %get3A_11 : vector<16xf32>
      %mul3A_742 = arith.mulf %parallel_loop3A_614#4, %get3A_21 : vector<16xf32>
      %add3A_743 = arith.addf %mul3A_741, %mul3A_742 : vector<16xf32>
      %mul3A_744 = arith.mulf %parallel_loop3A_614#5, %get3A_31 : vector<16xf32>
      %add3A_745 = arith.addf %add3A_743, %mul3A_744 : vector<16xf32>
      %swap3A_746 = arith.constant 0 : i32
      %swap3A_747 = arith.constant 4 : i32
      %swap3A_748 = arith.constant 0 : i32
      %swap3A_749 = arith.constant 0 : i32
      %swap3A_750 = tpu.memref_slice %arg13[%swap3A_746, %swap3A_748, %swap3A_749] : memref<2x8x80xf32, #tpu.memory_space<vmem>> -> memref<1x8x80xf32, #tpu.memory_space<vmem>>
      %swap3A_751 = tpu.memref_squeeze %swap3A_750 : memref<1x8x80xf32, #tpu.memory_space<vmem>> -> memref<8x80xf32, #tpu.memory_space<vmem>>
      %swap3A_752 = arith.index_cast %swap3A_747 : i32 to index
      %swap3A_753 = arith.constant 16 : index
      %swap3A_754 = tpu.vector_load %swap3A_751[%swap3A_752, %swap3A_753] {strides = array<i32>} : memref<8x80xf32, #tpu.memory_space<vmem>>, vector<16xf32>,
      tpu.vector_store %swap3A_751[%swap3A_752, %swap3A_753], %add3A_745 {strides = array<i32>} : memref<8x80xf32, #tpu.memory_space<vmem>>, vector<16xf32>,
      %mul3A_755 = arith.mulf %parallel_loop3A_614#6, %get3A_3 : vector<16xf32>
      %mul3A_756 = arith.mulf %parallel_loop3A_614#7, %get3A_13 : vector<16xf32>
      %add3A_757 = arith.addf %mul3A_755, %mul3A_756 : vector<16xf32>
      %mul3A_758 = arith.mulf %parallel_loop3A_614#8, %get3A_23 : vector<16xf32>
      %add3A_759 = arith.addf %add3A_757, %mul3A_758 : vector<16xf32>
      %swap3A_760 = arith.constant 0 : i32
      %swap3A_761 = arith.constant 0 : i32
      %swap3A_762 = arith.constant 0 : i32
      %swap3A_763 = arith.constant 0 : i32
      %swap3A_764 = tpu.memref_slice %arg13[%swap3A_760, %swap3A_762, %swap3A_763] : memref<2x8x80xf32, #tpu.memory_space<vmem>> -> memref<1x8x80xf32, #tpu.memory_space<vmem>>
      %swap3A_765 = tpu.memref_squeeze %swap3A_764 : memref<1x8x80xf32, #tpu.memory_space<vmem>> -> memref<8x80xf32, #tpu.memory_space<vmem>>
      %swap3A_766 = arith.index_cast %swap3A_761 : i32 to index
      %swap3A_767 = arith.constant 32 : index
      %swap3A_768 = tpu.vector_load %swap3A_765[%swap3A_766, %swap3A_767] {strides = array<i32>} : memref<8x80xf32, #tpu.memory_space<vmem>>, vector<16xf32>,
      tpu.vector_store %swap3A_765[%swap3A_766, %swap3A_767], %add3A_759 {strides = array<i32>} : memref<8x80xf32, #tpu.memory_space<vmem>>, vector<16xf32>,
      %mul3A_769 = arith.mulf %parallel_loop3A_614#6, %get3A_5 : vector<16xf32>
      %mul3A_770 = arith.mulf %parallel_loop3A_614#7, %get3A_15 : vector<16xf32>
      %add3A_771 = arith.addf %mul3A_769, %mul3A_770 : vector<16xf32>
      %mul3A_772 = arith.mulf %parallel_loop3A_614#8, %get3A_25 : vector<16xf32>
      %add3A_773 = arith.addf %add3A_771, %mul3A_772 : vector<16xf32>
      %swap3A_774 = arith.constant 0 : i32
      %swap3A_775 = arith.constant 1 : i32
      %swap3A_776 = arith.constant 0 : i32
      %swap3A_777 = arith.constant 0 : i32
      %swap3A_778 = tpu.memref_slice %arg13[%swap3A_774, %swap3A_776, %swap3A_777] : memref<2x8x80xf32, #tpu.memory_space<vmem>> -> memref<1x8x80xf32, #tpu.memory_space<vmem>>
      %swap3A_779 = tpu.memref_squeeze %swap3A_778 : memref<1x8x80xf32, #tpu.memory_space<vmem>> -> memref<8x80xf32, #tpu.memory_space<vmem>>
      %swap3A_780 = arith.index_cast %swap3A_775 : i32 to index
      %swap3A_781 = arith.constant 32 : index
      %swap3A_782 = tpu.vector_load %swap3A_779[%swap3A_780, %swap3A_781] {strides = array<i32>} : memref<8x80xf32, #tpu.memory_space<vmem>>, vector<16xf32>,
      tpu.vector_store %swap3A_779[%swap3A_780, %swap3A_781], %add3A_773 {strides = array<i32>} : memref<8x80xf32, #tpu.memory_space<vmem>>, vector<16xf32>,
      %mul3A_783 = arith.mulf %parallel_loop3A_614#6, %get3A_7 : vector<16xf32>
      %mul3A_784 = arith.mulf %parallel_loop3A_614#7, %get3A_17 : vector<16xf32>
      %add3A_785 = arith.addf %mul3A_783, %mul3A_784 : vector<16xf32>
      %mul3A_786 = arith.mulf %parallel_loop3A_614#8, %get3A_27 : vector<16xf32>
      %add3A_787 = arith.addf %add3A_785, %mul3A_786 : vector<16xf32>
      %swap3A_788 = arith.constant 0 : i32
      %swap3A_789 = arith.constant 2 : i32
      %swap3A_790 = arith.constant 0 : i32
      %swap3A_791 = arith.constant 0 : i32
      %swap3A_792 = tpu.memref_slice %arg13[%swap3A_788, %swap3A_790, %swap3A_791] : memref<2x8x80xf32, #tpu.memory_space<vmem>> -> memref<1x8x80xf32, #tpu.memory_space<vmem>>
      %swap3A_793 = tpu.memref_squeeze %swap3A_792 : memref<1x8x80xf32, #tpu.memory_space<vmem>> -> memref<8x80xf32, #tpu.memory_space<vmem>>
      %swap3A_794 = arith.index_cast %swap3A_789 : i32 to index
      %swap3A_795 = arith.constant 32 : index
      %swap3A_796 = tpu.vector_load %swap3A_793[%swap3A_794, %swap3A_795] {strides = array<i32>} : memref<8x80xf32, #tpu.memory_space<vmem>>, vector<16xf32>,
      tpu.vector_store %swap3A_793[%swap3A_794, %swap3A_795], %add3A_787 {strides = array<i32>} : memref<8x80xf32, #tpu.memory_space<vmem>>, vector<16xf32>,
      %mul3A_797 = arith.mulf %parallel_loop3A_614#6, %get3A_9 : vector<16xf32>
      %mul3A_798 = arith.mulf %parallel_loop3A_614#7, %get3A_19 : vector<16xf32>
      %add3A_799 = arith.addf %mul3A_797, %mul3A_798 : vector<16xf32>
      %mul3A_800 = arith.mulf %parallel_loop3A_614#8, %get3A_29 : vector<16xf32>
      %add3A_801 = arith.addf %add3A_799, %mul3A_800 : vector<16xf32>
      %swap3A_802 = arith.constant 0 : i32
      %swap3A_803 = arith.constant 3 : i32
      %swap3A_804 = arith.constant 0 : i32
      %swap3A_805 = arith.constant 0 : i32
      %swap3A_806 = tpu.memref_slice %arg13[%swap3A_802, %swap3A_804, %swap3A_805] : memref<2x8x80xf32, #tpu.memory_space<vmem>> -> memref<1x8x80xf32, #tpu.memory_space<vmem>>
      %swap3A_807 = tpu.memref_squeeze %swap3A_806 : memref<1x8x80xf32, #tpu.memory_space<vmem>> -> memref<8x80xf32, #tpu.memory_space<vmem>>
      %swap3A_808 = arith.index_cast %swap3A_803 : i32 to index
      %swap3A_809 = arith.constant 32 : index
      %swap3A_810 = tpu.vector_load %swap3A_807[%swap3A_808, %swap3A_809] {strides = array<i32>} : memref<8x80xf32, #tpu.memory_space<vmem>>, vector<16xf32>,
      tpu.vector_store %swap3A_807[%swap3A_808, %swap3A_809], %add3A_801 {strides = array<i32>} : memref<8x80xf32, #tpu.memory_space<vmem>>, vector<16xf32>,
      %mul3A_811 = arith.mulf %parallel_loop3A_614#6, %get3A_11 : vector<16xf32>
      %mul3A_812 = arith.mulf %parallel_loop3A_614#7, %get3A_21 : vector<16xf32>
      %add3A_813 = arith.addf %mul3A_811, %mul3A_812 : vector<16xf32>
      %mul3A_814 = arith.mulf %parallel_loop3A_614#8, %get3A_31 : vector<16xf32>
      %add3A_815 = arith.addf %add3A_813, %mul3A_814 : vector<16xf32>
      %swap3A_816 = arith.constant 0 : i32
      %swap3A_817 = arith.constant 4 : i32
      %swap3A_818 = arith.constant 0 : i32
      %swap3A_819 = arith.constant 0 : i32
      %swap3A_820 = tpu.memref_slice %arg13[%swap3A_816, %swap3A_818, %swap3A_819] : memref<2x8x80xf32, #tpu.memory_space<vmem>> -> memref<1x8x80xf32, #tpu.memory_space<vmem>>
      %swap3A_821 = tpu.memref_squeeze %swap3A_820 : memref<1x8x80xf32, #tpu.memory_space<vmem>> -> memref<8x80xf32, #tpu.memory_space<vmem>>
      %swap3A_822 = arith.index_cast %swap3A_817 : i32 to index
      %swap3A_823 = arith.constant 32 : index
      %swap3A_824 = tpu.vector_load %swap3A_821[%swap3A_822, %swap3A_823] {strides = array<i32>} : memref<8x80xf32, #tpu.memory_space<vmem>>, vector<16xf32>,
      tpu.vector_store %swap3A_821[%swap3A_822, %swap3A_823], %add3A_815 {strides = array<i32>} : memref<8x80xf32, #tpu.memory_space<vmem>>, vector<16xf32>,
      %mul3A_825 = arith.mulf %parallel_loop3A_614#9, %get3A_3 : vector<16xf32>
      %mul3A_826 = arith.mulf %parallel_loop3A_614#10, %get3A_13 : vector<16xf32>
      %add3A_827 = arith.addf %mul3A_825, %mul3A_826 : vector<16xf32>
      %mul3A_828 = arith.mulf %parallel_loop3A_614#11, %get3A_23 : vector<16xf32>
      %add3A_829 = arith.addf %add3A_827, %mul3A_828 : vector<16xf32>
      %swap3A_830 = arith.constant 0 : i32
      %swap3A_831 = arith.constant 0 : i32
      %swap3A_832 = arith.constant 0 : i32
      %swap3A_833 = arith.constant 0 : i32
      %swap3A_834 = tpu.memref_slice %arg13[%swap3A_830, %swap3A_832, %swap3A_833] : memref<2x8x80xf32, #tpu.memory_space<vmem>> -> memref<1x8x80xf32, #tpu.memory_space<vmem>>
      %swap3A_835 = tpu.memref_squeeze %swap3A_834 : memref<1x8x80xf32, #tpu.memory_space<vmem>> -> memref<8x80xf32, #tpu.memory_space<vmem>>
      %swap3A_836 = arith.index_cast %swap3A_831 : i32 to index
      %swap3A_837 = arith.constant 48 : index
      %swap3A_838 = tpu.vector_load %swap3A_835[%swap3A_836, %swap3A_837] {strides = array<i32>} : memref<8x80xf32, #tpu.memory_space<vmem>>, vector<16xf32>,
      tpu.vector_store %swap3A_835[%swap3A_836, %swap3A_837], %add3A_829 {strides = array<i32>} : memref<8x80xf32, #tpu.memory_space<vmem>>, vector<16xf32>,
      %mul3A_839 = arith.mulf %parallel_loop3A_614#9, %get3A_5 : vector<16xf32>
      %mul3A_840 = arith.mulf %parallel_loop3A_614#10, %get3A_15 : vector<16xf32>
      %add3A_841 = arith.addf %mul3A_839, %mul3A_840 : vector<16xf32>
      %mul3A_842 = arith.mulf %parallel_loop3A_614#11, %get3A_25 : vector<16xf32>
      %add3A_843 = arith.addf %add3A_841, %mul3A_842 : vector<16xf32>
      %swap3A_844 = arith.constant 0 : i32
      %swap3A_845 = arith.constant 1 : i32
      %swap3A_846 = arith.constant 0 : i32
      %swap3A_847 = arith.constant 0 : i32
      %swap3A_848 = tpu.memref_slice %arg13[%swap3A_844, %swap3A_846, %swap3A_847] : memref<2x8x80xf32, #tpu.memory_space<vmem>> -> memref<1x8x80xf32, #tpu.memory_space<vmem>>
      %swap3A_849 = tpu.memref_squeeze %swap3A_848 : memref<1x8x80xf32, #tpu.memory_space<vmem>> -> memref<8x80xf32, #tpu.memory_space<vmem>>
      %swap3A_850 = arith.index_cast %swap3A_845 : i32 to index
      %swap3A_851 = arith.constant 48 : index
      %swap3A_852 = tpu.vector_load %swap3A_849[%swap3A_850, %swap3A_851] {strides = array<i32>} : memref<8x80xf32, #tpu.memory_space<vmem>>, vector<16xf32>,
      tpu.vector_store %swap3A_849[%swap3A_850, %swap3A_851], %add3A_843 {strides = array<i32>} : memref<8x80xf32, #tpu.memory_space<vmem>>, vector<16xf32>,
      %mul3A_853 = arith.mulf %parallel_loop3A_614#9, %get3A_7 : vector<16xf32>
      %mul3A_854 = arith.mulf %parallel_loop3A_614#10, %get3A_17 : vector<16xf32>
      %add3A_855 = arith.addf %mul3A_853, %mul3A_854 : vector<16xf32>
      %mul3A_856 = arith.mulf %parallel_loop3A_614#11, %get3A_27 : vector<16xf32>
      %add3A_857 = arith.addf %add3A_855, %mul3A_856 : vector<16xf32>
      %swap3A_858 = arith.constant 0 : i32
      %swap3A_859 = arith.constant 2 : i32
      %swap3A_860 = arith.constant 0 : i32
      %swap3A_861 = arith.constant 0 : i32
      %swap3A_862 = tpu.memref_slice %arg13[%swap3A_858, %swap3A_860, %swap3A_861] : memref<2x8x80xf32, #tpu.memory_space<vmem>> -> memref<1x8x80xf32, #tpu.memory_space<vmem>>
      %swap3A_863 = tpu.memref_squeeze %swap3A_862 : memref<1x8x80xf32, #tpu.memory_space<vmem>> -> memref<8x80xf32, #tpu.memory_space<vmem>>
      %swap3A_864 = arith.index_cast %swap3A_859 : i32 to index
      %swap3A_865 = arith.constant 48 : index
      %swap3A_866 = tpu.vector_load %swap3A_863[%swap3A_864, %swap3A_865] {strides = array<i32>} : memref<8x80xf32, #tpu.memory_space<vmem>>, vector<16xf32>,
      tpu.vector_store %swap3A_863[%swap3A_864, %swap3A_865], %add3A_857 {strides = array<i32>} : memref<8x80xf32, #tpu.memory_space<vmem>>, vector<16xf32>,
      %mul3A_867 = arith.mulf %parallel_loop3A_614#9, %get3A_9 : vector<16xf32>
      %mul3A_868 = arith.mulf %parallel_loop3A_614#10, %get3A_19 : vector<16xf32>
      %add3A_869 = arith.addf %mul3A_867, %mul3A_868 : vector<16xf32>
      %mul3A_870 = arith.mulf %parallel_loop3A_614#11, %get3A_29 : vector<16xf32>
      %add3A_871 = arith.addf %add3A_869, %mul3A_870 : vector<16xf32>
      %swap3A_872 = arith.constant 0 : i32
      %swap3A_873 = arith.constant 3 : i32
      %swap3A_874 = arith.constant 0 : i32
      %swap3A_875 = arith.constant 0 : i32
      %swap3A_876 = tpu.memref_slice %arg13[%swap3A_872, %swap3A_874, %swap3A_875] : memref<2x8x80xf32, #tpu.memory_space<vmem>> -> memref<1x8x80xf32, #tpu.memory_space<vmem>>
      %swap3A_877 = tpu.memref_squeeze %swap3A_876 : memref<1x8x80xf32, #tpu.memory_space<vmem>> -> memref<8x80xf32, #tpu.memory_space<vmem>>
      %swap3A_878 = arith.index_cast %swap3A_873 : i32 to index
      %swap3A_879 = arith.constant 48 : index
      %swap3A_880 = tpu.vector_load %swap3A_877[%swap3A_878, %swap3A_879] {strides = array<i32>} : memref<8x80xf32, #tpu.memory_space<vmem>>, vector<16xf32>,
      tpu.vector_store %swap3A_877[%swap3A_878, %swap3A_879], %add3A_871 {strides = array<i32>} : memref<8x80xf32, #tpu.memory_space<vmem>>, vector<16xf32>,
      %mul3A_881 = arith.mulf %parallel_loop3A_614#9, %get3A_11 : vector<16xf32>
      %mul3A_882 = arith.mulf %parallel_loop3A_614#10, %get3A_21 : vector<16xf32>
      %add3A_883 = arith.addf %mul3A_881, %mul3A_882 : vector<16xf32>
      %mul3A_884 = arith.mulf %parallel_loop3A_614#11, %get3A_31 : vector<16xf32>
      %add3A_885 = arith.addf %add3A_883, %mul3A_884 : vector<16xf32>
      %swap3A_886 = arith.constant 0 : i32
      %swap3A_887 = arith.constant 4 : i32
      %swap3A_888 = arith.constant 0 : i32
      %swap3A_889 = arith.constant 0 : i32
      %swap3A_890 = tpu.memref_slice %arg13[%swap3A_886, %swap3A_888, %swap3A_889] : memref<2x8x80xf32, #tpu.memory_space<vmem>> -> memref<1x8x80xf32, #tpu.memory_space<vmem>>
      %swap3A_891 = tpu.memref_squeeze %swap3A_890 : memref<1x8x80xf32, #tpu.memory_space<vmem>> -> memref<8x80xf32, #tpu.memory_space<vmem>>
      %swap3A_892 = arith.index_cast %swap3A_887 : i32 to index
      %swap3A_893 = arith.constant 48 : index
      %swap3A_894 = tpu.vector_load %swap3A_891[%swap3A_892, %swap3A_893] {strides = array<i32>} : memref<8x80xf32, #tpu.memory_space<vmem>>, vector<16xf32>,
      tpu.vector_store %swap3A_891[%swap3A_892, %swap3A_893], %add3A_885 {strides = array<i32>} : memref<8x80xf32, #tpu.memory_space<vmem>>, vector<16xf32>,
      %mul3A_895 = arith.mulf %parallel_loop3A_614#12, %get3A_3 : vector<16xf32>
      %mul3A_896 = arith.mulf %parallel_loop3A_614#13, %get3A_13 : vector<16xf32>
      %add3A_897 = arith.addf %mul3A_895, %mul3A_896 : vector<16xf32>
      %mul3A_898 = arith.mulf %parallel_loop3A_614#14, %get3A_23 : vector<16xf32>
      %add3A_899 = arith.addf %add3A_897, %mul3A_898 : vector<16xf32>
      %swap3A_900 = arith.constant 0 : i32
      %swap3A_901 = arith.constant 0 : i32
      %swap3A_902 = arith.constant 0 : i32
      %swap3A_903 = arith.constant 0 : i32
      %swap3A_904 = tpu.memref_slice %arg13[%swap3A_900, %swap3A_902, %swap3A_903] : memref<2x8x80xf32, #tpu.memory_space<vmem>> -> memref<1x8x80xf32, #tpu.memory_space<vmem>>
      %swap3A_905 = tpu.memref_squeeze %swap3A_904 : memref<1x8x80xf32, #tpu.memory_space<vmem>> -> memref<8x80xf32, #tpu.memory_space<vmem>>
      %swap3A_906 = arith.index_cast %swap3A_901 : i32 to index
      %swap3A_907 = arith.constant 64 : index
      %swap3A_908 = tpu.vector_load %swap3A_905[%swap3A_906, %swap3A_907] {strides = array<i32>} : memref<8x80xf32, #tpu.memory_space<vmem>>, vector<16xf32>,
      tpu.vector_store %swap3A_905[%swap3A_906, %swap3A_907], %add3A_899 {strides = array<i32>} : memref<8x80xf32, #tpu.memory_space<vmem>>, vector<16xf32>,
      %mul3A_909 = arith.mulf %parallel_loop3A_614#12, %get3A_5 : vector<16xf32>
      %mul3A_910 = arith.mulf %parallel_loop3A_614#13, %get3A_15 : vector<16xf32>
      %add3A_911 = arith.addf %mul3A_909, %mul3A_910 : vector<16xf32>
      %mul3A_912 = arith.mulf %parallel_loop3A_614#14, %get3A_25 : vector<16xf32>
      %add3A_913 = arith.addf %add3A_911, %mul3A_912 : vector<16xf32>
      %swap3A_914 = arith.constant 0 : i32
      %swap3A_915 = arith.constant 1 : i32
      %swap3A_916 = arith.constant 0 : i32
      %swap3A_917 = arith.constant 0 : i32
      %swap3A_918 = tpu.memref_slice %arg13[%swap3A_914, %swap3A_916, %swap3A_917] : memref<2x8x80xf32, #tpu.memory_space<vmem>> -> memref<1x8x80xf32, #tpu.memory_space<vmem>>
      %swap3A_919 = tpu.memref_squeeze %swap3A_918 : memref<1x8x80xf32, #tpu.memory_space<vmem>> -> memref<8x80xf32, #tpu.memory_space<vmem>>
      %swap3A_920 = arith.index_cast %swap3A_915 : i32 to index
      %swap3A_921 = arith.constant 64 : index
      %swap3A_922 = tpu.vector_load %swap3A_919[%swap3A_920, %swap3A_921] {strides = array<i32>} : memref<8x80xf32, #tpu.memory_space<vmem>>, vector<16xf32>,
      tpu.vector_store %swap3A_919[%swap3A_920, %swap3A_921], %add3A_913 {strides = array<i32>} : memref<8x80xf32, #tpu.memory_space<vmem>>, vector<16xf32>,
      %mul3A_923 = arith.mulf %parallel_loop3A_614#12, %get3A_7 : vector<16xf32>
      %mul3A_924 = arith.mulf %parallel_loop3A_614#13, %get3A_17 : vector<16xf32>
      %add3A_925 = arith.addf %mul3A_923, %mul3A_924 : vector<16xf32>
      %mul3A_926 = arith.mulf %parallel_loop3A_614#14, %get3A_27 : vector<16xf32>
      %add3A_927 = arith.addf %add3A_925, %mul3A_926 : vector<16xf32>
      %swap3A_928 = arith.constant 0 : i32
      %swap3A_929 = arith.constant 2 : i32
      %swap3A_930 = arith.constant 0 : i32
      %swap3A_931 = arith.constant 0 : i32
      %swap3A_932 = tpu.memref_slice %arg13[%swap3A_928, %swap3A_930, %swap3A_931] : memref<2x8x80xf32, #tpu.memory_space<vmem>> -> memref<1x8x80xf32, #tpu.memory_space<vmem>>
      %swap3A_933 = tpu.memref_squeeze %swap3A_932 : memref<1x8x80xf32, #tpu.memory_space<vmem>> -> memref<8x80xf32, #tpu.memory_space<vmem>>
      %swap3A_934 = arith.index_cast %swap3A_929 : i32 to index
      %swap3A_935 = arith.constant 64 : index
      %swap3A_936 = tpu.vector_load %swap3A_933[%swap3A_934, %swap3A_935] {strides = array<i32>} : memref<8x80xf32, #tpu.memory_space<vmem>>, vector<16xf32>,
      tpu.vector_store %swap3A_933[%swap3A_934, %swap3A_935], %add3A_927 {strides = array<i32>} : memref<8x80xf32, #tpu.memory_space<vmem>>, vector<16xf32>,
      %mul3A_937 = arith.mulf %parallel_loop3A_614#12, %get3A_9 : vector<16xf32>
      %mul3A_938 = arith.mulf %parallel_loop3A_614#13, %get3A_19 : vector<16xf32>
      %add3A_939 = arith.addf %mul3A_937, %mul3A_938 : vector<16xf32>
      %mul3A_940 = arith.mulf %parallel_loop3A_614#14, %get3A_29 : vector<16xf32>
      %add3A_941 = arith.addf %add3A_939, %mul3A_940 : vector<16xf32>
      %swap3A_942 = arith.constant 0 : i32
      %swap3A_943 = arith.constant 3 : i32
      %swap3A_944 = arith.constant 0 : i32
      %swap3A_945 = arith.constant 0 : i32
      %swap3A_946 = tpu.memref_slice %arg13[%swap3A_942, %swap3A_944, %swap3A_945] : memref<2x8x80xf32, #tpu.memory_space<vmem>> -> memref<1x8x80xf32, #tpu.memory_space<vmem>>
      %swap3A_947 = tpu.memref_squeeze %swap3A_946 : memref<1x8x80xf32, #tpu.memory_space<vmem>> -> memref<8x80xf32, #tpu.memory_space<vmem>>
      %swap3A_948 = arith.index_cast %swap3A_943 : i32 to index
      %swap3A_949 = arith.constant 64 : index
      %swap3A_950 = tpu.vector_load %swap3A_947[%swap3A_948, %swap3A_949] {strides = array<i32>} : memref<8x80xf32, #tpu.memory_space<vmem>>, vector<16xf32>,
      tpu.vector_store %swap3A_947[%swap3A_948, %swap3A_949], %add3A_941 {strides = array<i32>} : memref<8x80xf32, #tpu.memory_space<vmem>>, vector<16xf32>,
      %mul3A_951 = arith.mulf %parallel_loop3A_614#12, %get3A_11 : vector<16xf32>
      %mul3A_952 = arith.mulf %parallel_loop3A_614#13, %get3A_21 : vector<16xf32>
      %add3A_953 = arith.addf %mul3A_951, %mul3A_952 : vector<16xf32>
      %mul3A_954 = arith.mulf %parallel_loop3A_614#14, %get3A_31 : vector<16xf32>
      %add3A_955 = arith.addf %add3A_953, %mul3A_954 : vector<16xf32>
      %swap3A_956 = arith.constant 0 : i32
      %swap3A_957 = arith.constant 4 : i32
      %swap3A_958 = arith.constant 0 : i32
      %swap3A_959 = arith.constant 0 : i32
      %swap3A_960 = tpu.memref_slice %arg13[%swap3A_956, %swap3A_958, %swap3A_959] : memref<2x8x80xf32, #tpu.memory_space<vmem>> -> memref<1x8x80xf32, #tpu.memory_space<vmem>>
      %swap3A_961 = tpu.memref_squeeze %swap3A_960 : memref<1x8x80xf32, #tpu.memory_space<vmem>> -> memref<8x80xf32, #tpu.memory_space<vmem>>
      %swap3A_962 = arith.index_cast %swap3A_957 : i32 to index
      %swap3A_963 = arith.constant 64 : index
      %swap3A_964 = tpu.vector_load %swap3A_961[%swap3A_962, %swap3A_963] {strides = array<i32>} : memref<8x80xf32, #tpu.memory_space<vmem>>, vector<16xf32>,
      tpu.vector_store %swap3A_961[%swap3A_962, %swap3A_963], %add3A_955 {strides = array<i32>} : memref<8x80xf32, #tpu.memory_space<vmem>>, vector<16xf32>,
      %mul3A_965 = arith.constant 125 : i32
      %mul3A_966 = arith.muli %add3A, %mul3A_965 : i32
      %add3A_967 = arith.addi %mul3A_966, %add3A_544 : i32
      %dma_start3A_968 = arith.constant 0 : i32
      %dma_start3A_969 = arith.constant 0 : i32
      %dma_start3A_970 = arith.constant 0 : i32
      %dma_start3A_971 = arith.constant 0 : i32
      %dma_start3A_972 = tpu.memref_slice %arg13[%dma_start3A_968, %dma_start3A_970, %dma_start3A_971] : memref<2x8x80xf32, #tpu.memory_space<vmem>> -> memref<1x8x80xf32, #tpu.memory_space<vmem>>
      %dma_start3A_973 = tpu.memref_squeeze %dma_start3A_972 : memref<1x8x80xf32, #tpu.memory_space<vmem>> -> memref<8x80xf32, #tpu.memory_space<vmem>>
      %dma_start3A_974 = arith.constant 0 : i32
      %dma_start3A_975 = arith.constant 0 : i32
      %dma_start3A_976 = tpu.memref_slice %arg8[%add3A_967, %dma_start3A_974, %dma_start3A_975] : memref<4000x8x80xf32, #tpu.memory_space<hbm>> -> memref<1x8x80xf32, #tpu.memory_space<hbm>>
      %dma_start3A_977 = tpu.memref_squeeze %dma_start3A_976 : memref<1x8x80xf32, #tpu.memory_space<hbm>> -> memref<8x80xf32, #tpu.memory_space<hbm>>
      %dma_start3A_978 = tpu.memref_slice %arg17[%dma_start3A_969] : memref<2x!tpu.dma_semaphore, #tpu.memory_space<semaphore_mem>> -> memref<1x!tpu.dma_semaphore, #tpu.memory_space<semaphore_mem>>
      %dma_start3A_979 = tpu.memref_squeeze %dma_start3A_978 : memref<1x!tpu.dma_semaphore, #tpu.memory_space<semaphore_mem>> -> memref<!tpu.dma_semaphore, #tpu.memory_space<semaphore_mem>>
      %dma_start3A_980 = arith.constant 0 : i32
      %dma_start3A_981 = arith.constant 0 : i32
      %dma_start3A_982 = tpu.memref_slice %arg8[%add3A_967, %dma_start3A_980, %dma_start3A_981] : memref<4000x8x80xf32, #tpu.memory_space<hbm>> -> memref<1x8x80xf32, #tpu.memory_space<hbm>>
      %dma_start3A_983 = tpu.memref_squeeze %dma_start3A_982 : memref<1x8x80xf32, #tpu.memory_space<hbm>> -> memref<8x80xf32, #tpu.memory_space<hbm>>
      %dma_start3A_984 = arith.constant 0 : i32
      %dma_start3A_985 = arith.constant 0 : i32
      %dma_start3A_986 = tpu.memref_slice %arg13[%dma_start3A_968, %dma_start3A_984, %dma_start3A_985] : memref<2x8x80xf32, #tpu.memory_space<vmem>> -> memref<1x8x80xf32, #tpu.memory_space<vmem>>
      %dma_start3A_987 = tpu.memref_squeeze %dma_start3A_986 : memref<1x8x80xf32, #tpu.memory_space<vmem>> -> memref<8x80xf32, #tpu.memory_space<vmem>>
      tpu.enqueue_dma source(%dma_start3A_987 : memref<8x80xf32, #tpu.memory_space<vmem>>) target(%dma_start3A_983 : memref<8x80xf32, #tpu.memory_space<hbm>>) target_semaphore(%dma_start3A_979 : memref<!tpu.dma_semaphore, #tpu.memory_space<semaphore_mem>>)
      %mul3A_988 = arith.constant 2 : i32
      %mul3A_989 = arith.muli %mul3A_988, %scan3A_540 : i32
      %add3A_990 = arith.constant 1 : i32
      %add3A_991 = arith.addi %mul3A_989, %add3A_990 : i32
      %mul3A_992 = arith.constant 80 : i32
      %mul3A_993 = arith.muli %add3A_991, %mul3A_992 : i32
      %mul3A_994 = arith.constant 80 : i32
      %mul3A_995 = arith.muli %add3A_991, %mul3A_994 : i32
      %dma_wait3A_996 = arith.constant 1 : i32
      %dma_wait3A_997 = arith.constant 1 : i32
      %dma_wait3A_998 = arith.constant 0 : i32
      %dma_wait3A_999 = arith.constant 0 : i32
      %dma_wait3A_1000 = arith.constant 0 : i32
      %dma_wait3A_1001 = tpu.memref_slice %arg11[%dma_wait3A_996, %dma_wait3A_999, %dma_wait3A_1000] : memref<2x80x128xi32, #tpu.memory_space<vmem>> -> memref<1x80x128xi32, #tpu.memory_space<vmem>>
      %dma_wait3A_1002 = tpu.memref_squeeze %dma_wait3A_1001 : memref<1x80x128xi32, #tpu.memory_space<vmem>> -> memref<80x128xi32, #tpu.memory_space<vmem>>
      %dma_wait3A_1003 = tpu.memref_slice %arg9[%mul3A_993] : memref<10000xi32, #tpu.memory_space<vmem>> -> memref<80xi32, #tpu.memory_space<vmem>>
      %dma_wait3A_1004 = arith.constant 0 : i32
      %dma_wait3A_1005 = arith.constant 0 : i32
      %dma_wait3A_1006 = tpu.memref_slice %arg2[%dma_wait3A_1004, %dma_wait3A_1005] : memref<10000x128xi32, #tpu.memory_space<hbm>> -> memref<10000x128xi32, #tpu.memory_space<hbm>>
      %dma_wait3A_1007 = tpu.memref_slice %arg16[%dma_wait3A_997, %dma_wait3A_998] : memref<2x2x!tpu.dma_semaphore, #tpu.memory_space<semaphore_mem>> -> memref<1x1x!tpu.dma_semaphore, #tpu.memory_space<semaphore_mem>>
      %dma_wait3A_1008 = tpu.memref_squeeze %dma_wait3A_1007 : memref<1x1x!tpu.dma_semaphore, #tpu.memory_space<semaphore_mem>> -> memref<!tpu.dma_semaphore, #tpu.memory_space<semaphore_mem>>
      tpu.wait_indirect_dma semaphore(%dma_wait3A_1008 : memref<!tpu.dma_semaphore, #tpu.memory_space<semaphore_mem>>) src(%dma_wait3A_1006 : memref<10000x128xi32, #tpu.memory_space<hbm>>) dst(%dma_wait3A_1002 : memref<80x128xi32, #tpu.memory_space<vmem>>)
      %dma_wait3A_1009 = arith.constant 1 : i32
      %dma_wait3A_1010 = arith.constant 1 : i32
      %dma_wait3A_1011 = arith.constant 1 : i32
      %dma_wait3A_1012 = arith.constant 0 : i32
      %dma_wait3A_1013 = arith.constant 0 : i32
      %dma_wait3A_1014 = tpu.memref_slice %arg12[%dma_wait3A_1009, %dma_wait3A_1012, %dma_wait3A_1013] : memref<2x80x128xi32, #tpu.memory_space<vmem>> -> memref<1x80x128xi32, #tpu.memory_space<vmem>>
      %dma_wait3A_1015 = tpu.memref_squeeze %dma_wait3A_1014 : memref<1x80x128xi32, #tpu.memory_space<vmem>> -> memref<80x128xi32, #tpu.memory_space<vmem>>
      %dma_wait3A_1016 = tpu.memref_slice %arg10[%mul3A_995] : memref<10000xi32, #tpu.memory_space<vmem>> -> memref<80xi32, #tpu.memory_space<vmem>>
      %dma_wait3A_1017 = arith.constant 0 : i32
      %dma_wait3A_1018 = arith.constant 0 : i32
      %dma_wait3A_1019 = tpu.memref_slice %arg3[%dma_wait3A_1017, %dma_wait3A_1018] : memref<10000x128xi32, #tpu.memory_space<hbm>> -> memref<10000x128xi32, #tpu.memory_space<hbm>>
      %dma_wait3A_1020 = tpu.memref_slice %arg16[%dma_wait3A_1010, %dma_wait3A_1011] : memref<2x2x!tpu.dma_semaphore, #tpu.memory_space<semaphore_mem>> -> memref<1x1x!tpu.dma_semaphore, #tpu.memory_space<semaphore_mem>>
      %dma_wait3A_1021 = tpu.memref_squeeze %dma_wait3A_1020 : memref<1x1x!tpu.dma_semaphore, #tpu.memory_space<semaphore_mem>> -> memref<!tpu.dma_semaphore, #tpu.memory_space<semaphore_mem>>
      tpu.wait_indirect_dma semaphore(%dma_wait3A_1021 : memref<!tpu.dma_semaphore, #tpu.memory_space<semaphore_mem>>) src(%dma_wait3A_1019 : memref<10000x128xi32, #tpu.memory_space<hbm>>) dst(%dma_wait3A_1015 : memref<80x128xi32, #tpu.memory_space<vmem>>)
      %add3A_1022 = arith.constant 1 : i32
      %add3A_1023 = arith.addi %add3A_991, %add3A_1022 : i32
      %mul3A_1024 = arith.constant 80 : i32
      %mul3A_1025 = arith.muli %add3A_1023, %mul3A_1024 : i32
      %mul3A_1026 = arith.constant 80 : i32
      %mul3A_1027 = arith.muli %add3A_1023, %mul3A_1026 : i32
      %dma_start3A_1028 = arith.constant 0 : i32
      %dma_start3A_1029 = arith.constant 0 : i32
      %dma_start3A_1030 = arith.constant 0 : i32
      %dma_start3A_1031 = arith.constant 0 : i32
      %dma_start3A_1032 = arith.constant 0 : i32
      %dma_start3A_1033 = tpu.memref_slice %arg11[%dma_start3A_1028, %dma_start3A_1031, %dma_start3A_1032] : memref<2x80x128xi32, #tpu.memory_space<vmem>> -> memref<1x80x128xi32, #tpu.memory_space<vmem>>
      %dma_start3A_1034 = tpu.memref_squeeze %dma_start3A_1033 : memref<1x80x128xi32, #tpu.memory_space<vmem>> -> memref<80x128xi32, #tpu.memory_space<vmem>>
      %dma_start3A_1035 = tpu.memref_slice %arg9[%mul3A_1025] : memref<10000xi32, #tpu.memory_space<vmem>> -> memref<80xi32, #tpu.memory_space<vmem>>
      %dma_start3A_1036 = arith.constant 0 : i32
      %dma_start3A_1037 = arith.constant 0 : i32
      %dma_start3A_1038 = tpu.memref_slice %arg2[%dma_start3A_1036, %dma_start3A_1037] : memref<10000x128xi32, #tpu.memory_space<hbm>> -> memref<10000x128xi32, #tpu.memory_space<hbm>>
      %dma_start3A_1039 = tpu.memref_slice %arg16[%dma_start3A_1029, %dma_start3A_1030] : memref<2x2x!tpu.dma_semaphore, #tpu.memory_space<semaphore_mem>> -> memref<1x1x!tpu.dma_semaphore, #tpu.memory_space<semaphore_mem>>
      %dma_start3A_1040 = tpu.memref_squeeze %dma_start3A_1039 : memref<1x1x!tpu.dma_semaphore, #tpu.memory_space<semaphore_mem>> -> memref<!tpu.dma_semaphore, #tpu.memory_space<semaphore_mem>>
      tpu.enqueue_indirect_dma source(%dma_start3A_1038 : memref<10000x128xi32, #tpu.memory_space<hbm>>) target(%dma_start3A_1034 : memref<80x128xi32, #tpu.memory_space<vmem>>) offsets(%dma_start3A_1035 : memref<80xi32, #tpu.memory_space<vmem>>) semaphore(%dma_start3A_1040 : memref<!tpu.dma_semaphore, #tpu.memory_space<semaphore_mem>>)
      %dma_start3A_1041 = arith.constant 0 : i32
      %dma_start3A_1042 = arith.constant 0 : i32
      %dma_start3A_1043 = arith.constant 1 : i32
      %dma_start3A_1044 = arith.constant 0 : i32
      %dma_start3A_1045 = arith.constant 0 : i32
      %dma_start3A_1046 = tpu.memref_slice %arg12[%dma_start3A_1041, %dma_start3A_1044, %dma_start3A_1045] : memref<2x80x128xi32, #tpu.memory_space<vmem>> -> memref<1x80x128xi32, #tpu.memory_space<vmem>>
      %dma_start3A_1047 = tpu.memref_squeeze %dma_start3A_1046 : memref<1x80x128xi32, #tpu.memory_space<vmem>> -> memref<80x128xi32, #tpu.memory_space<vmem>>
      %dma_start3A_1048 = tpu.memref_slice %arg10[%mul3A_1027] : memref<10000xi32, #tpu.memory_space<vmem>> -> memref<80xi32, #tpu.memory_space<vmem>>
      %dma_start3A_1049 = arith.constant 0 : i32
      %dma_start3A_1050 = arith.constant 0 : i32
      %dma_start3A_1051 = tpu.memref_slice %arg3[%dma_start3A_1049, %dma_start3A_1050] : memref<10000x128xi32, #tpu.memory_space<hbm>> -> memref<10000x128xi32, #tpu.memory_space<hbm>>
      %dma_start3A_1052 = tpu.memref_slice %arg16[%dma_start3A_1042, %dma_start3A_1043] : memref<2x2x!tpu.dma_semaphore, #tpu.memory_space<semaphore_mem>> -> memref<1x1x!tpu.dma_semaphore, #tpu.memory_space<semaphore_mem>>
      %dma_start3A_1053 = tpu.memref_squeeze %dma_start3A_1052 : memref<1x1x!tpu.dma_semaphore, #tpu.memory_space<semaphore_mem>> -> memref<!tpu.dma_semaphore, #tpu.memory_space<semaphore_mem>>
      tpu.enqueue_indirect_dma source(%dma_start3A_1051 : memref<10000x128xi32, #tpu.memory_space<hbm>>) target(%dma_start3A_1047 : memref<80x128xi32, #tpu.memory_space<vmem>>) offsets(%dma_start3A_1048 : memref<80xi32, #tpu.memory_space<vmem>>) semaphore(%dma_start3A_1053 : memref<!tpu.dma_semaphore, #tpu.memory_space<semaphore_mem>>)
      %gt3A_1054 = arith.constant 0 : i32
      %gt3A_1055 = arith.cmpi sgt, %scan3A_540, %gt3A_1054 : i32
      %convert_element_type3A_1056 = arith.extui %gt3A_1055 : i1 to i32
      %cond3A_1057 = arith.constant 0 : i32
      %cond3A_1058 = arith.cmpi ne, %convert_element_type3A_1056, %cond3A_1057 : i32
      scf.if %cond3A_1058 {
        %sub3A = arith.constant 2 : i32
        %sub3A_1438 = arith.subi %add3A_991, %sub3A : i32
        %mul3A_1439 = arith.constant 125 : i32
        %mul3A_1440 = arith.muli %add3A, %mul3A_1439 : i32
        %add3A_1441 = arith.addi %mul3A_1440, %sub3A_1438 : i32
        %dma_wait3A_1442 = arith.constant 1 : i32
        %dma_wait3A_1443 = arith.constant 1 : i32
        %dma_wait3A_1444 = arith.constant 0 : i32
        %dma_wait3A_1445 = arith.constant 0 : i32
        %dma_wait3A_1446 = tpu.memref_slice %arg13[%dma_wait3A_1442, %dma_wait3A_1444, %dma_wait3A_1445] : memref<2x8x80xf32, #tpu.memory_space<vmem>> -> memref<1x8x80xf32, #tpu.memory_space<vmem>>
        %dma_wait3A_1447 = tpu.memref_squeeze %dma_wait3A_1446 : memref<1x8x80xf32, #tpu.memory_space<vmem>> -> memref<8x80xf32, #tpu.memory_space<vmem>>
        %dma_wait3A_1448 = arith.constant 0 : i32
        %dma_wait3A_1449 = arith.constant 0 : i32
        %dma_wait3A_1450 = tpu.memref_slice %arg8[%add3A_1441, %dma_wait3A_1448, %dma_wait3A_1449] : memref<4000x8x80xf32, #tpu.memory_space<hbm>> -> memref<1x8x80xf32, #tpu.memory_space<hbm>>
        %dma_wait3A_1451 = tpu.memref_squeeze %dma_wait3A_1450 : memref<1x8x80xf32, #tpu.memory_space<hbm>> -> memref<8x80xf32, #tpu.memory_space<hbm>>
        %dma_wait3A_1452 = tpu.memref_slice %arg17[%dma_wait3A_1443] : memref<2x!tpu.dma_semaphore, #tpu.memory_space<semaphore_mem>> -> memref<1x!tpu.dma_semaphore, #tpu.memory_space<semaphore_mem>>
        %dma_wait3A_1453 = tpu.memref_squeeze %dma_wait3A_1452 : memref<1x!tpu.dma_semaphore, #tpu.memory_space<semaphore_mem>> -> memref<!tpu.dma_semaphore, #tpu.memory_space<semaphore_mem>>
        %dma_wait3A_1454 = arith.constant 0 : i32
        %dma_wait3A_1455 = arith.constant 0 : i32
        %dma_wait3A_1456 = tpu.memref_slice %arg8[%add3A_1441, %dma_wait3A_1454, %dma_wait3A_1455] : memref<4000x8x80xf32, #tpu.memory_space<hbm>> -> memref<1x8x80xf32, #tpu.memory_space<hbm>>
        %dma_wait3A_1457 = tpu.memref_squeeze %dma_wait3A_1456 : memref<1x8x80xf32, #tpu.memory_space<hbm>> -> memref<8x80xf32, #tpu.memory_space<hbm>>
        %dma_wait3A_1458 = arith.constant 0 : i32
        %dma_wait3A_1459 = arith.constant 0 : i32
        %dma_wait3A_1460 = tpu.memref_slice %arg13[%dma_wait3A_1442, %dma_wait3A_1458, %dma_wait3A_1459] : memref<2x8x80xf32, #tpu.memory_space<vmem>> -> memref<1x8x80xf32, #tpu.memory_space<vmem>>
        %dma_wait3A_1461 = tpu.memref_squeeze %dma_wait3A_1460 : memref<1x8x80xf32, #tpu.memory_space<vmem>> -> memref<8x80xf32, #tpu.memory_space<vmem>>
        tpu.wait_dma2 semaphore(%dma_wait3A_1453 : memref<!tpu.dma_semaphore, #tpu.memory_space<semaphore_mem>>) src(%dma_wait3A_1461 : memref<8x80xf32, #tpu.memory_space<vmem>>) dst(%dma_wait3A_1457 : memref<8x80xf32, #tpu.memory_space<hbm>>)
      } else {
      }
      %broadcast_in_dim3A_1059 = arith.constant 0.000000e+00 : f32
      %broadcast_in_dim3A_1060 = vector.broadcast %broadcast_in_dim3A_1059 : f32 to vector<16xf32>
      %parallel_loop3A_1061 = arith.constant 0 : i32
      %parallel_loop3A_1062 = arith.constant 64 : i32
      %parallel_loop3A_1063 = arith.constant 1 : i32
      %parallel_loop3A_1064:15 = scf.for %parallel_loop3A_1438 = %parallel_loop3A_1061 to %parallel_loop3A_1062 step %parallel_loop3A_1063 iter_args(%parallel_loop3A_1439 = %broadcast_in_dim3A_1060, %parallel_loop3A_1440 = %broadcast_in_dim3A_1060, %parallel_loop3A_1441 = %broadcast_in_dim3A_1060, %parallel_loop3A_1442 = %broadcast_in_dim3A_1060, %parallel_loop3A_1443 = %broadcast_in_dim3A_1060, %parallel_loop3A_1444 = %broadcast_in_dim3A_1060, %parallel_loop3A_1445 = %broadcast_in_dim3A_1060, %parallel_loop3A_1446 = %broadcast_in_dim3A_1060, %parallel_loop3A_1447 = %broadcast_in_dim3A_1060, %parallel_loop3A_1448 = %broadcast_in_dim3A_1060, %parallel_loop3A_1449 = %broadcast_in_dim3A_1060, %parallel_loop3A_1450 = %broadcast_in_dim3A_1060, %parallel_loop3A_1451 = %broadcast_in_dim3A_1060, %parallel_loop3A_1452 = %broadcast_in_dim3A_1060, %parallel_loop3A_1453 = %broadcast_in_dim3A_1060) -> (vector<16xf32>, vector<16xf32>, vector<16xf32>, vector<16xf32>, vector<16xf32>, vector<16xf32>, vector<16xf32>, vector<16xf32>, vector<16xf32>, vector<16xf32>, vector<16xf32>, vector<16xf32>, vector<16xf32>, vector<16xf32>, vector<16xf32>)  : i32 {
        %parallel_loop3A_1454 = vector.broadcast %parallel_loop3A_1438 : i32 to vector<16xi32>
        %parallel_loop3A_1455 = arith.addi %iota3A, %parallel_loop3A_1454 : vector<16xi32>
        %parallel_loop3A_1456 = arith.constant 63 : i32
        %parallel_loop3A_1457 = vector.broadcast %parallel_loop3A_1456 : i32 to vector<16xi32>
        %parallel_loop3A_1458 = arith.andi %parallel_loop3A_1455, %parallel_loop3A_1457 : vector<16xi32>
        %parallel_loop3A_1459 = arith.constant 128 : i32
        %parallel_loop3A_1460 = arith.muli %parallel_loop3A_1438, %parallel_loop3A_1459 : i32
        %parallel_loop3A_1461 = arith.constant 0 : i32
        %parallel_loop3A_1462 = arith.addi %parallel_loop3A_1460, %parallel_loop3A_1461 : i32
        %parallel_loop3A_1463 = arith.index_cast %parallel_loop3A_1462 : i32 to index
        %parallel_loop3A_1464 = tpu.vector_load %arg14[%parallel_loop3A_1463] {strides = array<i32>} : memref<8192xf32, #tpu.memory_space<vmem>>, vector<16xf32>,
        %parallel_loop3A_1465 = arith.constant 128 : i32
        %parallel_loop3A_1466 = arith.muli %parallel_loop3A_1438, %parallel_loop3A_1465 : i32
        %parallel_loop3A_1467 = arith.constant 16 : i32
        %parallel_loop3A_1468 = arith.addi %parallel_loop3A_1466, %parallel_loop3A_1467 : i32
        %parallel_loop3A_1469 = arith.index_cast %parallel_loop3A_1468 : i32 to index
        %parallel_loop3A_1470 = tpu.vector_load %arg14[%parallel_loop3A_1469] {strides = array<i32>} : memref<8192xf32, #tpu.memory_space<vmem>>, vector<16xf32>,
        %parallel_loop3A_1471 = arith.constant 128 : i32
        %parallel_loop3A_1472 = arith.muli %parallel_loop3A_1438, %parallel_loop3A_1471 : i32
        %parallel_loop3A_1473 = arith.constant 32 : i32
        %parallel_loop3A_1474 = arith.addi %parallel_loop3A_1472, %parallel_loop3A_1473 : i32
        %parallel_loop3A_1475 = arith.index_cast %parallel_loop3A_1474 : i32 to index
        %parallel_loop3A_1476 = tpu.vector_load %arg14[%parallel_loop3A_1475] {strides = array<i32>} : memref<8192xf32, #tpu.memory_space<vmem>>, vector<16xf32>,
        %parallel_loop3A_1477 = arith.constant 128 : i32
        %parallel_loop3A_1478 = arith.muli %parallel_loop3A_1438, %parallel_loop3A_1477 : i32
        %parallel_loop3A_1479 = arith.constant 64 : i32
        %parallel_loop3A_1480 = arith.addi %parallel_loop3A_1478, %parallel_loop3A_1479 : i32
        %parallel_loop3A_1481 = arith.constant 0 : i32
        %parallel_loop3A_1482 = arith.addi %parallel_loop3A_1480, %parallel_loop3A_1481 : i32
        %parallel_loop3A_1483 = arith.index_cast %parallel_loop3A_1482 : i32 to index
        %parallel_loop3A_1484 = tpu.vector_load %arg14[%parallel_loop3A_1483] {strides = array<i32>} : memref<8192xf32, #tpu.memory_space<vmem>>, vector<16xf32>,
        %parallel_loop3A_1485 = arith.constant 128 : i32
        %parallel_loop3A_1486 = arith.muli %parallel_loop3A_1438, %parallel_loop3A_1485 : i32
        %parallel_loop3A_1487 = arith.constant 64 : i32
        %parallel_loop3A_1488 = arith.addi %parallel_loop3A_1486, %parallel_loop3A_1487 : i32
        %parallel_loop3A_1489 = arith.constant 16 : i32
        %parallel_loop3A_1490 = arith.addi %parallel_loop3A_1488, %parallel_loop3A_1489 : i32
        %parallel_loop3A_1491 = arith.index_cast %parallel_loop3A_1490 : i32 to index
        %parallel_loop3A_1492 = tpu.vector_load %arg14[%parallel_loop3A_1491] {strides = array<i32>} : memref<8192xf32, #tpu.memory_space<vmem>>, vector<16xf32>,
        %parallel_loop3A_1493 = arith.constant 128 : i32
        %parallel_loop3A_1494 = arith.muli %parallel_loop3A_1438, %parallel_loop3A_1493 : i32
        %parallel_loop3A_1495 = arith.constant 64 : i32
        %parallel_loop3A_1496 = arith.addi %parallel_loop3A_1494, %parallel_loop3A_1495 : i32
        %parallel_loop3A_1497 = arith.constant 32 : i32
        %parallel_loop3A_1498 = arith.addi %parallel_loop3A_1496, %parallel_loop3A_1497 : i32
        %parallel_loop3A_1499 = arith.index_cast %parallel_loop3A_1498 : i32 to index
        %parallel_loop3A_1500 = tpu.vector_load %arg14[%parallel_loop3A_1499] {strides = array<i32>} : memref<8192xf32, #tpu.memory_space<vmem>>, vector<16xf32>,
        %parallel_loop3A_1501 = arith.constant 0 : i32
        %parallel_loop3A_1502 = vector.broadcast %parallel_loop3A_1501 : i32 to vector<16xi32>
        %parallel_loop3A_1503 = arith.addi %iota3A, %parallel_loop3A_1502 : vector<16xi32>
        %parallel_loop3A_1504 = arith.constant 1 : i32
        %parallel_loop3A_1505 = arith.constant 0 : i32
        %parallel_loop3A_1506 = arith.constant 0 : i32
        %parallel_loop3A_1507 = tpu.memref_slice %arg11[%parallel_loop3A_1504, %parallel_loop3A_1505, %parallel_loop3A_1506] : memref<2x80x128xi32, #tpu.memory_space<vmem>> -> memref<1x80x128xi32, #tpu.memory_space<vmem>>
        %parallel_loop3A_1508 = tpu.memref_squeeze %parallel_loop3A_1507 : memref<1x80x128xi32, #tpu.memory_space<vmem>> -> memref<80x128xi32, #tpu.memory_space<vmem>>
        %parallel_loop3A_1509 = tpu.vector_load_idx %parallel_loop3A_1508[%parallel_loop3A_1503, %parallel_loop3A_1458] : memref<80x128xi32, #tpu.memory_space<vmem>>[vector<16xi32>, vector<16xi32>], vector<16xi32>,
        %parallel_loop3A_1510 = arith.constant 1 : i32
        %parallel_loop3A_1511 = arith.constant 0 : i32
        %parallel_loop3A_1512 = arith.constant 0 : i32
        %parallel_loop3A_1513 = tpu.memref_slice %arg12[%parallel_loop3A_1510, %parallel_loop3A_1511, %parallel_loop3A_1512] : memref<2x80x128xi32, #tpu.memory_space<vmem>> -> memref<1x80x128xi32, #tpu.memory_space<vmem>>
        %parallel_loop3A_1514 = tpu.memref_squeeze %parallel_loop3A_1513 : memref<1x80x128xi32, #tpu.memory_space<vmem>> -> memref<80x128xi32, #tpu.memory_space<vmem>>
        %parallel_loop3A_1515 = tpu.vector_load_idx %parallel_loop3A_1514[%parallel_loop3A_1503, %parallel_loop3A_1458] : memref<80x128xi32, #tpu.memory_space<vmem>>[vector<16xi32>, vector<16xi32>], vector<16xi32>,
        %parallel_loop3A_1516 = vector.bitcast %parallel_loop3A_1509 : vector<16xi32> to vector<32xbf16>
        %parallel_loop3A_1517 = vector.bitcast %parallel_loop3A_1515 : vector<16xi32> to vector<32xbf16>
        %parallel_loop3A_1518 = arith.mulf %parallel_loop3A_1516, %parallel_loop3A_1517 : vector<32xbf16>
        %parallel_loop3A_1519 = tpu.unpack_subelements %parallel_loop3A_1518, 0 {pack_format = #tpu.pack_format<interleaved>} : vector<32xbf16> -> vector<16xf32>
        %parallel_loop3A_1520 = tpu.unpack_subelements %parallel_loop3A_1518, 1 {pack_format = #tpu.pack_format<interleaved>} : vector<32xbf16> -> vector<16xf32>
        %parallel_loop3A_1521 = arith.mulf %parallel_loop3A_1519, %parallel_loop3A_1464 : vector<16xf32>
        %parallel_loop3A_1522 = arith.addf %parallel_loop3A_1439, %parallel_loop3A_1521 : vector<16xf32>
        %parallel_loop3A_1523 = arith.mulf %parallel_loop3A_1520, %parallel_loop3A_1484 : vector<16xf32>
        %parallel_loop3A_1524 = arith.addf %parallel_loop3A_1522, %parallel_loop3A_1523 : vector<16xf32>
        %parallel_loop3A_1525 = arith.mulf %parallel_loop3A_1519, %parallel_loop3A_1470 : vector<16xf32>
        %parallel_loop3A_1526 = arith.addf %parallel_loop3A_1440, %parallel_loop3A_1525 : vector<16xf32>
        %parallel_loop3A_1527 = arith.mulf %parallel_loop3A_1520, %parallel_loop3A_1492 : vector<16xf32>
        %parallel_loop3A_1528 = arith.addf %parallel_loop3A_1526, %parallel_loop3A_1527 : vector<16xf32>
        %parallel_loop3A_1529 = arith.mulf %parallel_loop3A_1519, %parallel_loop3A_1476 : vector<16xf32>
        %parallel_loop3A_1530 = arith.addf %parallel_loop3A_1441, %parallel_loop3A_1529 : vector<16xf32>
        %parallel_loop3A_1531 = arith.mulf %parallel_loop3A_1520, %parallel_loop3A_1500 : vector<16xf32>
        %parallel_loop3A_1532 = arith.addf %parallel_loop3A_1530, %parallel_loop3A_1531 : vector<16xf32>
        %parallel_loop3A_1533 = arith.constant 16 : i32
        %parallel_loop3A_1534 = vector.broadcast %parallel_loop3A_1533 : i32 to vector<16xi32>
        %parallel_loop3A_1535 = arith.addi %iota3A, %parallel_loop3A_1534 : vector<16xi32>
        %parallel_loop3A_1536 = arith.constant 1 : i32
        %parallel_loop3A_1537 = arith.constant 0 : i32
        %parallel_loop3A_1538 = arith.constant 0 : i32
        %parallel_loop3A_1539 = tpu.memref_slice %arg11[%parallel_loop3A_1536, %parallel_loop3A_1537, %parallel_loop3A_1538] : memref<2x80x128xi32, #tpu.memory_space<vmem>> -> memref<1x80x128xi32, #tpu.memory_space<vmem>>
        %parallel_loop3A_1540 = tpu.memref_squeeze %parallel_loop3A_1539 : memref<1x80x128xi32, #tpu.memory_space<vmem>> -> memref<80x128xi32, #tpu.memory_space<vmem>>
        %parallel_loop3A_1541 = tpu.vector_load_idx %parallel_loop3A_1540[%parallel_loop3A_1535, %parallel_loop3A_1458] : memref<80x128xi32, #tpu.memory_space<vmem>>[vector<16xi32>, vector<16xi32>], vector<16xi32>,
        %parallel_loop3A_1542 = arith.constant 1 : i32
        %parallel_loop3A_1543 = arith.constant 0 : i32
        %parallel_loop3A_1544 = arith.constant 0 : i32
        %parallel_loop3A_1545 = tpu.memref_slice %arg12[%parallel_loop3A_1542, %parallel_loop3A_1543, %parallel_loop3A_1544] : memref<2x80x128xi32, #tpu.memory_space<vmem>> -> memref<1x80x128xi32, #tpu.memory_space<vmem>>
        %parallel_loop3A_1546 = tpu.memref_squeeze %parallel_loop3A_1545 : memref<1x80x128xi32, #tpu.memory_space<vmem>> -> memref<80x128xi32, #tpu.memory_space<vmem>>
        %parallel_loop3A_1547 = tpu.vector_load_idx %parallel_loop3A_1546[%parallel_loop3A_1535, %parallel_loop3A_1458] : memref<80x128xi32, #tpu.memory_space<vmem>>[vector<16xi32>, vector<16xi32>], vector<16xi32>,
        %parallel_loop3A_1548 = vector.bitcast %parallel_loop3A_1541 : vector<16xi32> to vector<32xbf16>
        %parallel_loop3A_1549 = vector.bitcast %parallel_loop3A_1547 : vector<16xi32> to vector<32xbf16>
        %parallel_loop3A_1550 = arith.mulf %parallel_loop3A_1548, %parallel_loop3A_1549 : vector<32xbf16>
        %parallel_loop3A_1551 = tpu.unpack_subelements %parallel_loop3A_1550, 0 {pack_format = #tpu.pack_format<interleaved>} : vector<32xbf16> -> vector<16xf32>
        %parallel_loop3A_1552 = tpu.unpack_subelements %parallel_loop3A_1550, 1 {pack_format = #tpu.pack_format<interleaved>} : vector<32xbf16> -> vector<16xf32>
        %parallel_loop3A_1553 = arith.mulf %parallel_loop3A_1551, %parallel_loop3A_1464 : vector<16xf32>
        %parallel_loop3A_1554 = arith.addf %parallel_loop3A_1442, %parallel_loop3A_1553 : vector<16xf32>
        %parallel_loop3A_1555 = arith.mulf %parallel_loop3A_1552, %parallel_loop3A_1484 : vector<16xf32>
        %parallel_loop3A_1556 = arith.addf %parallel_loop3A_1554, %parallel_loop3A_1555 : vector<16xf32>
        %parallel_loop3A_1557 = arith.mulf %parallel_loop3A_1551, %parallel_loop3A_1470 : vector<16xf32>
        %parallel_loop3A_1558 = arith.addf %parallel_loop3A_1443, %parallel_loop3A_1557 : vector<16xf32>
        %parallel_loop3A_1559 = arith.mulf %parallel_loop3A_1552, %parallel_loop3A_1492 : vector<16xf32>
        %parallel_loop3A_1560 = arith.addf %parallel_loop3A_1558, %parallel_loop3A_1559 : vector<16xf32>
        %parallel_loop3A_1561 = arith.mulf %parallel_loop3A_1551, %parallel_loop3A_1476 : vector<16xf32>
        %parallel_loop3A_1562 = arith.addf %parallel_loop3A_1444, %parallel_loop3A_1561 : vector<16xf32>
        %parallel_loop3A_1563 = arith.mulf %parallel_loop3A_1552, %parallel_loop3A_1500 : vector<16xf32>
        %parallel_loop3A_1564 = arith.addf %parallel_loop3A_1562, %parallel_loop3A_1563 : vector<16xf32>
        %parallel_loop3A_1565 = arith.constant 32 : i32
        %parallel_loop3A_1566 = vector.broadcast %parallel_loop3A_1565 : i32 to vector<16xi32>
        %parallel_loop3A_1567 = arith.addi %iota3A, %parallel_loop3A_1566 : vector<16xi32>
        %parallel_loop3A_1568 = arith.constant 1 : i32
        %parallel_loop3A_1569 = arith.constant 0 : i32
        %parallel_loop3A_1570 = arith.constant 0 : i32
        %parallel_loop3A_1571 = tpu.memref_slice %arg11[%parallel_loop3A_1568, %parallel_loop3A_1569, %parallel_loop3A_1570] : memref<2x80x128xi32, #tpu.memory_space<vmem>> -> memref<1x80x128xi32, #tpu.memory_space<vmem>>
        %parallel_loop3A_1572 = tpu.memref_squeeze %parallel_loop3A_1571 : memref<1x80x128xi32, #tpu.memory_space<vmem>> -> memref<80x128xi32, #tpu.memory_space<vmem>>
        %parallel_loop3A_1573 = tpu.vector_load_idx %parallel_loop3A_1572[%parallel_loop3A_1567, %parallel_loop3A_1458] : memref<80x128xi32, #tpu.memory_space<vmem>>[vector<16xi32>, vector<16xi32>], vector<16xi32>,
        %parallel_loop3A_1574 = arith.constant 1 : i32
        %parallel_loop3A_1575 = arith.constant 0 : i32
        %parallel_loop3A_1576 = arith.constant 0 : i32
        %parallel_loop3A_1577 = tpu.memref_slice %arg12[%parallel_loop3A_1574, %parallel_loop3A_1575, %parallel_loop3A_1576] : memref<2x80x128xi32, #tpu.memory_space<vmem>> -> memref<1x80x128xi32, #tpu.memory_space<vmem>>
        %parallel_loop3A_1578 = tpu.memref_squeeze %parallel_loop3A_1577 : memref<1x80x128xi32, #tpu.memory_space<vmem>> -> memref<80x128xi32, #tpu.memory_space<vmem>>
        %parallel_loop3A_1579 = tpu.vector_load_idx %parallel_loop3A_1578[%parallel_loop3A_1567, %parallel_loop3A_1458] : memref<80x128xi32, #tpu.memory_space<vmem>>[vector<16xi32>, vector<16xi32>], vector<16xi32>,
        %parallel_loop3A_1580 = vector.bitcast %parallel_loop3A_1573 : vector<16xi32> to vector<32xbf16>
        %parallel_loop3A_1581 = vector.bitcast %parallel_loop3A_1579 : vector<16xi32> to vector<32xbf16>
        %parallel_loop3A_1582 = arith.mulf %parallel_loop3A_1580, %parallel_loop3A_1581 : vector<32xbf16>
        %parallel_loop3A_1583 = tpu.unpack_subelements %parallel_loop3A_1582, 0 {pack_format = #tpu.pack_format<interleaved>} : vector<32xbf16> -> vector<16xf32>
        %parallel_loop3A_1584 = tpu.unpack_subelements %parallel_loop3A_1582, 1 {pack_format = #tpu.pack_format<interleaved>} : vector<32xbf16> -> vector<16xf32>
        %parallel_loop3A_1585 = arith.mulf %parallel_loop3A_1583, %parallel_loop3A_1464 : vector<16xf32>
        %parallel_loop3A_1586 = arith.addf %parallel_loop3A_1445, %parallel_loop3A_1585 : vector<16xf32>
        %parallel_loop3A_1587 = arith.mulf %parallel_loop3A_1584, %parallel_loop3A_1484 : vector<16xf32>
        %parallel_loop3A_1588 = arith.addf %parallel_loop3A_1586, %parallel_loop3A_1587 : vector<16xf32>
        %parallel_loop3A_1589 = arith.mulf %parallel_loop3A_1583, %parallel_loop3A_1470 : vector<16xf32>
        %parallel_loop3A_1590 = arith.addf %parallel_loop3A_1446, %parallel_loop3A_1589 : vector<16xf32>
        %parallel_loop3A_1591 = arith.mulf %parallel_loop3A_1584, %parallel_loop3A_1492 : vector<16xf32>
        %parallel_loop3A_1592 = arith.addf %parallel_loop3A_1590, %parallel_loop3A_1591 : vector<16xf32>
        %parallel_loop3A_1593 = arith.mulf %parallel_loop3A_1583, %parallel_loop3A_1476 : vector<16xf32>
        %parallel_loop3A_1594 = arith.addf %parallel_loop3A_1447, %parallel_loop3A_1593 : vector<16xf32>
        %parallel_loop3A_1595 = arith.mulf %parallel_loop3A_1584, %parallel_loop3A_1500 : vector<16xf32>
        %parallel_loop3A_1596 = arith.addf %parallel_loop3A_1594, %parallel_loop3A_1595 : vector<16xf32>
        %parallel_loop3A_1597 = arith.constant 48 : i32
        %parallel_loop3A_1598 = vector.broadcast %parallel_loop3A_1597 : i32 to vector<16xi32>
        %parallel_loop3A_1599 = arith.addi %iota3A, %parallel_loop3A_1598 : vector<16xi32>
        %parallel_loop3A_1600 = arith.constant 1 : i32
        %parallel_loop3A_1601 = arith.constant 0 : i32
        %parallel_loop3A_1602 = arith.constant 0 : i32
        %parallel_loop3A_1603 = tpu.memref_slice %arg11[%parallel_loop3A_1600, %parallel_loop3A_1601, %parallel_loop3A_1602] : memref<2x80x128xi32, #tpu.memory_space<vmem>> -> memref<1x80x128xi32, #tpu.memory_space<vmem>>
        %parallel_loop3A_1604 = tpu.memref_squeeze %parallel_loop3A_1603 : memref<1x80x128xi32, #tpu.memory_space<vmem>> -> memref<80x128xi32, #tpu.memory_space<vmem>>
        %parallel_loop3A_1605 = tpu.vector_load_idx %parallel_loop3A_1604[%parallel_loop3A_1599, %parallel_loop3A_1458] : memref<80x128xi32, #tpu.memory_space<vmem>>[vector<16xi32>, vector<16xi32>], vector<16xi32>,
        %parallel_loop3A_1606 = arith.constant 1 : i32
        %parallel_loop3A_1607 = arith.constant 0 : i32
        %parallel_loop3A_1608 = arith.constant 0 : i32
        %parallel_loop3A_1609 = tpu.memref_slice %arg12[%parallel_loop3A_1606, %parallel_loop3A_1607, %parallel_loop3A_1608] : memref<2x80x128xi32, #tpu.memory_space<vmem>> -> memref<1x80x128xi32, #tpu.memory_space<vmem>>
        %parallel_loop3A_1610 = tpu.memref_squeeze %parallel_loop3A_1609 : memref<1x80x128xi32, #tpu.memory_space<vmem>> -> memref<80x128xi32, #tpu.memory_space<vmem>>
        %parallel_loop3A_1611 = tpu.vector_load_idx %parallel_loop3A_1610[%parallel_loop3A_1599, %parallel_loop3A_1458] : memref<80x128xi32, #tpu.memory_space<vmem>>[vector<16xi32>, vector<16xi32>], vector<16xi32>,
        %parallel_loop3A_1612 = vector.bitcast %parallel_loop3A_1605 : vector<16xi32> to vector<32xbf16>
        %parallel_loop3A_1613 = vector.bitcast %parallel_loop3A_1611 : vector<16xi32> to vector<32xbf16>
        %parallel_loop3A_1614 = arith.mulf %parallel_loop3A_1612, %parallel_loop3A_1613 : vector<32xbf16>
        %parallel_loop3A_1615 = tpu.unpack_subelements %parallel_loop3A_1614, 0 {pack_format = #tpu.pack_format<interleaved>} : vector<32xbf16> -> vector<16xf32>
        %parallel_loop3A_1616 = tpu.unpack_subelements %parallel_loop3A_1614, 1 {pack_format = #tpu.pack_format<interleaved>} : vector<32xbf16> -> vector<16xf32>
        %parallel_loop3A_1617 = arith.mulf %parallel_loop3A_1615, %parallel_loop3A_1464 : vector<16xf32>
        %parallel_loop3A_1618 = arith.addf %parallel_loop3A_1448, %parallel_loop3A_1617 : vector<16xf32>
        %parallel_loop3A_1619 = arith.mulf %parallel_loop3A_1616, %parallel_loop3A_1484 : vector<16xf32>
        %parallel_loop3A_1620 = arith.addf %parallel_loop3A_1618, %parallel_loop3A_1619 : vector<16xf32>
        %parallel_loop3A_1621 = arith.mulf %parallel_loop3A_1615, %parallel_loop3A_1470 : vector<16xf32>
        %parallel_loop3A_1622 = arith.addf %parallel_loop3A_1449, %parallel_loop3A_1621 : vector<16xf32>
        %parallel_loop3A_1623 = arith.mulf %parallel_loop3A_1616, %parallel_loop3A_1492 : vector<16xf32>
        %parallel_loop3A_1624 = arith.addf %parallel_loop3A_1622, %parallel_loop3A_1623 : vector<16xf32>
        %parallel_loop3A_1625 = arith.mulf %parallel_loop3A_1615, %parallel_loop3A_1476 : vector<16xf32>
        %parallel_loop3A_1626 = arith.addf %parallel_loop3A_1450, %parallel_loop3A_1625 : vector<16xf32>
        %parallel_loop3A_1627 = arith.mulf %parallel_loop3A_1616, %parallel_loop3A_1500 : vector<16xf32>
        %parallel_loop3A_1628 = arith.addf %parallel_loop3A_1626, %parallel_loop3A_1627 : vector<16xf32>
        %parallel_loop3A_1629 = arith.constant 64 : i32
        %parallel_loop3A_1630 = vector.broadcast %parallel_loop3A_1629 : i32 to vector<16xi32>
        %parallel_loop3A_1631 = arith.addi %iota3A, %parallel_loop3A_1630 : vector<16xi32>
        %parallel_loop3A_1632 = arith.constant 1 : i32
        %parallel_loop3A_1633 = arith.constant 0 : i32
        %parallel_loop3A_1634 = arith.constant 0 : i32
        %parallel_loop3A_1635 = tpu.memref_slice %arg11[%parallel_loop3A_1632, %parallel_loop3A_1633, %parallel_loop3A_1634] : memref<2x80x128xi32, #tpu.memory_space<vmem>> -> memref<1x80x128xi32, #tpu.memory_space<vmem>>
        %parallel_loop3A_1636 = tpu.memref_squeeze %parallel_loop3A_1635 : memref<1x80x128xi32, #tpu.memory_space<vmem>> -> memref<80x128xi32, #tpu.memory_space<vmem>>
        %parallel_loop3A_1637 = tpu.vector_load_idx %parallel_loop3A_1636[%parallel_loop3A_1631, %parallel_loop3A_1458] : memref<80x128xi32, #tpu.memory_space<vmem>>[vector<16xi32>, vector<16xi32>], vector<16xi32>,
        %parallel_loop3A_1638 = arith.constant 1 : i32
        %parallel_loop3A_1639 = arith.constant 0 : i32
        %parallel_loop3A_1640 = arith.constant 0 : i32
        %parallel_loop3A_1641 = tpu.memref_slice %arg12[%parallel_loop3A_1638, %parallel_loop3A_1639, %parallel_loop3A_1640] : memref<2x80x128xi32, #tpu.memory_space<vmem>> -> memref<1x80x128xi32, #tpu.memory_space<vmem>>
        %parallel_loop3A_1642 = tpu.memref_squeeze %parallel_loop3A_1641 : memref<1x80x128xi32, #tpu.memory_space<vmem>> -> memref<80x128xi32, #tpu.memory_space<vmem>>
        %parallel_loop3A_1643 = tpu.vector_load_idx %parallel_loop3A_1642[%parallel_loop3A_1631, %parallel_loop3A_1458] : memref<80x128xi32, #tpu.memory_space<vmem>>[vector<16xi32>, vector<16xi32>], vector<16xi32>,
        %parallel_loop3A_1644 = vector.bitcast %parallel_loop3A_1637 : vector<16xi32> to vector<32xbf16>
        %parallel_loop3A_1645 = vector.bitcast %parallel_loop3A_1643 : vector<16xi32> to vector<32xbf16>
        %parallel_loop3A_1646 = arith.mulf %parallel_loop3A_1644, %parallel_loop3A_1645 : vector<32xbf16>
        %parallel_loop3A_1647 = tpu.unpack_subelements %parallel_loop3A_1646, 0 {pack_format = #tpu.pack_format<interleaved>} : vector<32xbf16> -> vector<16xf32>
        %parallel_loop3A_1648 = tpu.unpack_subelements %parallel_loop3A_1646, 1 {pack_format = #tpu.pack_format<interleaved>} : vector<32xbf16> -> vector<16xf32>
        %parallel_loop3A_1649 = arith.mulf %parallel_loop3A_1647, %parallel_loop3A_1464 : vector<16xf32>
        %parallel_loop3A_1650 = arith.addf %parallel_loop3A_1451, %parallel_loop3A_1649 : vector<16xf32>
        %parallel_loop3A_1651 = arith.mulf %parallel_loop3A_1648, %parallel_loop3A_1484 : vector<16xf32>
        %parallel_loop3A_1652 = arith.addf %parallel_loop3A_1650, %parallel_loop3A_1651 : vector<16xf32>
        %parallel_loop3A_1653 = arith.mulf %parallel_loop3A_1647, %parallel_loop3A_1470 : vector<16xf32>
        %parallel_loop3A_1654 = arith.addf %parallel_loop3A_1452, %parallel_loop3A_1653 : vector<16xf32>
        %parallel_loop3A_1655 = arith.mulf %parallel_loop3A_1648, %parallel_loop3A_1492 : vector<16xf32>
        %parallel_loop3A_1656 = arith.addf %parallel_loop3A_1654, %parallel_loop3A_1655 : vector<16xf32>
        %parallel_loop3A_1657 = arith.mulf %parallel_loop3A_1647, %parallel_loop3A_1476 : vector<16xf32>
        %parallel_loop3A_1658 = arith.addf %parallel_loop3A_1453, %parallel_loop3A_1657 : vector<16xf32>
        %parallel_loop3A_1659 = arith.mulf %parallel_loop3A_1648, %parallel_loop3A_1500 : vector<16xf32>
        %parallel_loop3A_1660 = arith.addf %parallel_loop3A_1658, %parallel_loop3A_1659 : vector<16xf32>
        scf.yield %parallel_loop3A_1524, %parallel_loop3A_1528, %parallel_loop3A_1532, %parallel_loop3A_1556, %parallel_loop3A_1560, %parallel_loop3A_1564, %parallel_loop3A_1588, %parallel_loop3A_1592, %parallel_loop3A_1596, %parallel_loop3A_1620, %parallel_loop3A_1624, %parallel_loop3A_1628, %parallel_loop3A_1652, %parallel_loop3A_1656, %parallel_loop3A_1660 : vector<16xf32>, vector<16xf32>, vector<16xf32>, vector<16xf32>, vector<16xf32>, vector<16xf32>, vector<16xf32>, vector<16xf32>, vector<16xf32>, vector<16xf32>, vector<16xf32>, vector<16xf32>, vector<16xf32>, vector<16xf32>, vector<16xf32>
      } {sc.loop_unroll_factor = 2 : i64, sc.parallel_access}
      %mul3A_1065 = arith.mulf %parallel_loop3A_1064#0, %get3A_3 : vector<16xf32>
      %mul3A_1066 = arith.mulf %parallel_loop3A_1064#1, %get3A_13 : vector<16xf32>
      %add3A_1067 = arith.addf %mul3A_1065, %mul3A_1066 : vector<16xf32>
      %mul3A_1068 = arith.mulf %parallel_loop3A_1064#2, %get3A_23 : vector<16xf32>
      %add3A_1069 = arith.addf %add3A_1067, %mul3A_1068 : vector<16xf32>
      %swap3A_1070 = arith.constant 1 : i32
      %swap3A_1071 = arith.constant 0 : i32
      %swap3A_1072 = arith.constant 0 : i32
      %swap3A_1073 = arith.constant 0 : i32
      %swap3A_1074 = tpu.memref_slice %arg13[%swap3A_1070, %swap3A_1072, %swap3A_1073] : memref<2x8x80xf32, #tpu.memory_space<vmem>> -> memref<1x8x80xf32, #tpu.memory_space<vmem>>
      %swap3A_1075 = tpu.memref_squeeze %swap3A_1074 : memref<1x8x80xf32, #tpu.memory_space<vmem>> -> memref<8x80xf32, #tpu.memory_space<vmem>>
      %swap3A_1076 = arith.index_cast %swap3A_1071 : i32 to index
      %swap3A_1077 = arith.constant 0 : index
      %swap3A_1078 = tpu.vector_load %swap3A_1075[%swap3A_1076, %swap3A_1077] {strides = array<i32>} : memref<8x80xf32, #tpu.memory_space<vmem>>, vector<16xf32>,
      tpu.vector_store %swap3A_1075[%swap3A_1076, %swap3A_1077], %add3A_1069 {strides = array<i32>} : memref<8x80xf32, #tpu.memory_space<vmem>>, vector<16xf32>,
      %mul3A_1079 = arith.mulf %parallel_loop3A_1064#0, %get3A_5 : vector<16xf32>
      %mul3A_1080 = arith.mulf %parallel_loop3A_1064#1, %get3A_15 : vector<16xf32>
      %add3A_1081 = arith.addf %mul3A_1079, %mul3A_1080 : vector<16xf32>
      %mul3A_1082 = arith.mulf %parallel_loop3A_1064#2, %get3A_25 : vector<16xf32>
      %add3A_1083 = arith.addf %add3A_1081, %mul3A_1082 : vector<16xf32>
      %swap3A_1084 = arith.constant 1 : i32
      %swap3A_1085 = arith.constant 1 : i32
      %swap3A_1086 = arith.constant 0 : i32
      %swap3A_1087 = arith.constant 0 : i32
      %swap3A_1088 = tpu.memref_slice %arg13[%swap3A_1084, %swap3A_1086, %swap3A_1087] : memref<2x8x80xf32, #tpu.memory_space<vmem>> -> memref<1x8x80xf32, #tpu.memory_space<vmem>>
      %swap3A_1089 = tpu.memref_squeeze %swap3A_1088 : memref<1x8x80xf32, #tpu.memory_space<vmem>> -> memref<8x80xf32, #tpu.memory_space<vmem>>
      %swap3A_1090 = arith.index_cast %swap3A_1085 : i32 to index
      %swap3A_1091 = arith.constant 0 : index
      %swap3A_1092 = tpu.vector_load %swap3A_1089[%swap3A_1090, %swap3A_1091] {strides = array<i32>} : memref<8x80xf32, #tpu.memory_space<vmem>>, vector<16xf32>,
      tpu.vector_store %swap3A_1089[%swap3A_1090, %swap3A_1091], %add3A_1083 {strides = array<i32>} : memref<8x80xf32, #tpu.memory_space<vmem>>, vector<16xf32>,
      %mul3A_1093 = arith.mulf %parallel_loop3A_1064#0, %get3A_7 : vector<16xf32>
      %mul3A_1094 = arith.mulf %parallel_loop3A_1064#1, %get3A_17 : vector<16xf32>
      %add3A_1095 = arith.addf %mul3A_1093, %mul3A_1094 : vector<16xf32>
      %mul3A_1096 = arith.mulf %parallel_loop3A_1064#2, %get3A_27 : vector<16xf32>
      %add3A_1097 = arith.addf %add3A_1095, %mul3A_1096 : vector<16xf32>
      %swap3A_1098 = arith.constant 1 : i32
      %swap3A_1099 = arith.constant 2 : i32
      %swap3A_1100 = arith.constant 0 : i32
      %swap3A_1101 = arith.constant 0 : i32
      %swap3A_1102 = tpu.memref_slice %arg13[%swap3A_1098, %swap3A_1100, %swap3A_1101] : memref<2x8x80xf32, #tpu.memory_space<vmem>> -> memref<1x8x80xf32, #tpu.memory_space<vmem>>
      %swap3A_1103 = tpu.memref_squeeze %swap3A_1102 : memref<1x8x80xf32, #tpu.memory_space<vmem>> -> memref<8x80xf32, #tpu.memory_space<vmem>>
      %swap3A_1104 = arith.index_cast %swap3A_1099 : i32 to index
      %swap3A_1105 = arith.constant 0 : index
      %swap3A_1106 = tpu.vector_load %swap3A_1103[%swap3A_1104, %swap3A_1105] {strides = array<i32>} : memref<8x80xf32, #tpu.memory_space<vmem>>, vector<16xf32>,
      tpu.vector_store %swap3A_1103[%swap3A_1104, %swap3A_1105], %add3A_1097 {strides = array<i32>} : memref<8x80xf32, #tpu.memory_space<vmem>>, vector<16xf32>,
      %mul3A_1107 = arith.mulf %parallel_loop3A_1064#0, %get3A_9 : vector<16xf32>
      %mul3A_1108 = arith.mulf %parallel_loop3A_1064#1, %get3A_19 : vector<16xf32>
      %add3A_1109 = arith.addf %mul3A_1107, %mul3A_1108 : vector<16xf32>
      %mul3A_1110 = arith.mulf %parallel_loop3A_1064#2, %get3A_29 : vector<16xf32>
      %add3A_1111 = arith.addf %add3A_1109, %mul3A_1110 : vector<16xf32>
      %swap3A_1112 = arith.constant 1 : i32
      %swap3A_1113 = arith.constant 3 : i32
      %swap3A_1114 = arith.constant 0 : i32
      %swap3A_1115 = arith.constant 0 : i32
      %swap3A_1116 = tpu.memref_slice %arg13[%swap3A_1112, %swap3A_1114, %swap3A_1115] : memref<2x8x80xf32, #tpu.memory_space<vmem>> -> memref<1x8x80xf32, #tpu.memory_space<vmem>>
      %swap3A_1117 = tpu.memref_squeeze %swap3A_1116 : memref<1x8x80xf32, #tpu.memory_space<vmem>> -> memref<8x80xf32, #tpu.memory_space<vmem>>
      %swap3A_1118 = arith.index_cast %swap3A_1113 : i32 to index
      %swap3A_1119 = arith.constant 0 : index
      %swap3A_1120 = tpu.vector_load %swap3A_1117[%swap3A_1118, %swap3A_1119] {strides = array<i32>} : memref<8x80xf32, #tpu.memory_space<vmem>>, vector<16xf32>,
      tpu.vector_store %swap3A_1117[%swap3A_1118, %swap3A_1119], %add3A_1111 {strides = array<i32>} : memref<8x80xf32, #tpu.memory_space<vmem>>, vector<16xf32>,
      %mul3A_1121 = arith.mulf %parallel_loop3A_1064#0, %get3A_11 : vector<16xf32>
      %mul3A_1122 = arith.mulf %parallel_loop3A_1064#1, %get3A_21 : vector<16xf32>
      %add3A_1123 = arith.addf %mul3A_1121, %mul3A_1122 : vector<16xf32>
      %mul3A_1124 = arith.mulf %parallel_loop3A_1064#2, %get3A_31 : vector<16xf32>
      %add3A_1125 = arith.addf %add3A_1123, %mul3A_1124 : vector<16xf32>
      %swap3A_1126 = arith.constant 1 : i32
      %swap3A_1127 = arith.constant 4 : i32
      %swap3A_1128 = arith.constant 0 : i32
      %swap3A_1129 = arith.constant 0 : i32
      %swap3A_1130 = tpu.memref_slice %arg13[%swap3A_1126, %swap3A_1128, %swap3A_1129] : memref<2x8x80xf32, #tpu.memory_space<vmem>> -> memref<1x8x80xf32, #tpu.memory_space<vmem>>
      %swap3A_1131 = tpu.memref_squeeze %swap3A_1130 : memref<1x8x80xf32, #tpu.memory_space<vmem>> -> memref<8x80xf32, #tpu.memory_space<vmem>>
      %swap3A_1132 = arith.index_cast %swap3A_1127 : i32 to index
      %swap3A_1133 = arith.constant 0 : index
      %swap3A_1134 = tpu.vector_load %swap3A_1131[%swap3A_1132, %swap3A_1133] {strides = array<i32>} : memref<8x80xf32, #tpu.memory_space<vmem>>, vector<16xf32>,
      tpu.vector_store %swap3A_1131[%swap3A_1132, %swap3A_1133], %add3A_1125 {strides = array<i32>} : memref<8x80xf32, #tpu.memory_space<vmem>>, vector<16xf32>,
      %mul3A_1135 = arith.mulf %parallel_loop3A_1064#3, %get3A_3 : vector<16xf32>
      %mul3A_1136 = arith.mulf %parallel_loop3A_1064#4, %get3A_13 : vector<16xf32>
      %add3A_1137 = arith.addf %mul3A_1135, %mul3A_1136 : vector<16xf32>
      %mul3A_1138 = arith.mulf %parallel_loop3A_1064#5, %get3A_23 : vector<16xf32>
      %add3A_1139 = arith.addf %add3A_1137, %mul3A_1138 : vector<16xf32>
      %swap3A_1140 = arith.constant 1 : i32
      %swap3A_1141 = arith.constant 0 : i32
      %swap3A_1142 = arith.constant 0 : i32
      %swap3A_1143 = arith.constant 0 : i32
      %swap3A_1144 = tpu.memref_slice %arg13[%swap3A_1140, %swap3A_1142, %swap3A_1143] : memref<2x8x80xf32, #tpu.memory_space<vmem>> -> memref<1x8x80xf32, #tpu.memory_space<vmem>>
      %swap3A_1145 = tpu.memref_squeeze %swap3A_1144 : memref<1x8x80xf32, #tpu.memory_space<vmem>> -> memref<8x80xf32, #tpu.memory_space<vmem>>
      %swap3A_1146 = arith.index_cast %swap3A_1141 : i32 to index
      %swap3A_1147 = arith.constant 16 : index
      %swap3A_1148 = tpu.vector_load %swap3A_1145[%swap3A_1146, %swap3A_1147] {strides = array<i32>} : memref<8x80xf32, #tpu.memory_space<vmem>>, vector<16xf32>,
      tpu.vector_store %swap3A_1145[%swap3A_1146, %swap3A_1147], %add3A_1139 {strides = array<i32>} : memref<8x80xf32, #tpu.memory_space<vmem>>, vector<16xf32>,
      %mul3A_1149 = arith.mulf %parallel_loop3A_1064#3, %get3A_5 : vector<16xf32>
      %mul3A_1150 = arith.mulf %parallel_loop3A_1064#4, %get3A_15 : vector<16xf32>
      %add3A_1151 = arith.addf %mul3A_1149, %mul3A_1150 : vector<16xf32>
      %mul3A_1152 = arith.mulf %parallel_loop3A_1064#5, %get3A_25 : vector<16xf32>
      %add3A_1153 = arith.addf %add3A_1151, %mul3A_1152 : vector<16xf32>
      %swap3A_1154 = arith.constant 1 : i32
      %swap3A_1155 = arith.constant 1 : i32
      %swap3A_1156 = arith.constant 0 : i32
      %swap3A_1157 = arith.constant 0 : i32
      %swap3A_1158 = tpu.memref_slice %arg13[%swap3A_1154, %swap3A_1156, %swap3A_1157] : memref<2x8x80xf32, #tpu.memory_space<vmem>> -> memref<1x8x80xf32, #tpu.memory_space<vmem>>
      %swap3A_1159 = tpu.memref_squeeze %swap3A_1158 : memref<1x8x80xf32, #tpu.memory_space<vmem>> -> memref<8x80xf32, #tpu.memory_space<vmem>>
      %swap3A_1160 = arith.index_cast %swap3A_1155 : i32 to index
      %swap3A_1161 = arith.constant 16 : index
      %swap3A_1162 = tpu.vector_load %swap3A_1159[%swap3A_1160, %swap3A_1161] {strides = array<i32>} : memref<8x80xf32, #tpu.memory_space<vmem>>, vector<16xf32>,
      tpu.vector_store %swap3A_1159[%swap3A_1160, %swap3A_1161], %add3A_1153 {strides = array<i32>} : memref<8x80xf32, #tpu.memory_space<vmem>>, vector<16xf32>,
      %mul3A_1163 = arith.mulf %parallel_loop3A_1064#3, %get3A_7 : vector<16xf32>
      %mul3A_1164 = arith.mulf %parallel_loop3A_1064#4, %get3A_17 : vector<16xf32>
      %add3A_1165 = arith.addf %mul3A_1163, %mul3A_1164 : vector<16xf32>
      %mul3A_1166 = arith.mulf %parallel_loop3A_1064#5, %get3A_27 : vector<16xf32>
      %add3A_1167 = arith.addf %add3A_1165, %mul3A_1166 : vector<16xf32>
      %swap3A_1168 = arith.constant 1 : i32
      %swap3A_1169 = arith.constant 2 : i32
      %swap3A_1170 = arith.constant 0 : i32
      %swap3A_1171 = arith.constant 0 : i32
      %swap3A_1172 = tpu.memref_slice %arg13[%swap3A_1168, %swap3A_1170, %swap3A_1171] : memref<2x8x80xf32, #tpu.memory_space<vmem>> -> memref<1x8x80xf32, #tpu.memory_space<vmem>>
      %swap3A_1173 = tpu.memref_squeeze %swap3A_1172 : memref<1x8x80xf32, #tpu.memory_space<vmem>> -> memref<8x80xf32, #tpu.memory_space<vmem>>
      %swap3A_1174 = arith.index_cast %swap3A_1169 : i32 to index
      %swap3A_1175 = arith.constant 16 : index
      %swap3A_1176 = tpu.vector_load %swap3A_1173[%swap3A_1174, %swap3A_1175] {strides = array<i32>} : memref<8x80xf32, #tpu.memory_space<vmem>>, vector<16xf32>,
      tpu.vector_store %swap3A_1173[%swap3A_1174, %swap3A_1175], %add3A_1167 {strides = array<i32>} : memref<8x80xf32, #tpu.memory_space<vmem>>, vector<16xf32>,
      %mul3A_1177 = arith.mulf %parallel_loop3A_1064#3, %get3A_9 : vector<16xf32>
      %mul3A_1178 = arith.mulf %parallel_loop3A_1064#4, %get3A_19 : vector<16xf32>
      %add3A_1179 = arith.addf %mul3A_1177, %mul3A_1178 : vector<16xf32>
      %mul3A_1180 = arith.mulf %parallel_loop3A_1064#5, %get3A_29 : vector<16xf32>
      %add3A_1181 = arith.addf %add3A_1179, %mul3A_1180 : vector<16xf32>
      %swap3A_1182 = arith.constant 1 : i32
      %swap3A_1183 = arith.constant 3 : i32
      %swap3A_1184 = arith.constant 0 : i32
      %swap3A_1185 = arith.constant 0 : i32
      %swap3A_1186 = tpu.memref_slice %arg13[%swap3A_1182, %swap3A_1184, %swap3A_1185] : memref<2x8x80xf32, #tpu.memory_space<vmem>> -> memref<1x8x80xf32, #tpu.memory_space<vmem>>
      %swap3A_1187 = tpu.memref_squeeze %swap3A_1186 : memref<1x8x80xf32, #tpu.memory_space<vmem>> -> memref<8x80xf32, #tpu.memory_space<vmem>>
      %swap3A_1188 = arith.index_cast %swap3A_1183 : i32 to index
      %swap3A_1189 = arith.constant 16 : index
      %swap3A_1190 = tpu.vector_load %swap3A_1187[%swap3A_1188, %swap3A_1189] {strides = array<i32>} : memref<8x80xf32, #tpu.memory_space<vmem>>, vector<16xf32>,
      tpu.vector_store %swap3A_1187[%swap3A_1188, %swap3A_1189], %add3A_1181 {strides = array<i32>} : memref<8x80xf32, #tpu.memory_space<vmem>>, vector<16xf32>,
      %mul3A_1191 = arith.mulf %parallel_loop3A_1064#3, %get3A_11 : vector<16xf32>
      %mul3A_1192 = arith.mulf %parallel_loop3A_1064#4, %get3A_21 : vector<16xf32>
      %add3A_1193 = arith.addf %mul3A_1191, %mul3A_1192 : vector<16xf32>
      %mul3A_1194 = arith.mulf %parallel_loop3A_1064#5, %get3A_31 : vector<16xf32>
      %add3A_1195 = arith.addf %add3A_1193, %mul3A_1194 : vector<16xf32>
      %swap3A_1196 = arith.constant 1 : i32
      %swap3A_1197 = arith.constant 4 : i32
      %swap3A_1198 = arith.constant 0 : i32
      %swap3A_1199 = arith.constant 0 : i32
      %swap3A_1200 = tpu.memref_slice %arg13[%swap3A_1196, %swap3A_1198, %swap3A_1199] : memref<2x8x80xf32, #tpu.memory_space<vmem>> -> memref<1x8x80xf32, #tpu.memory_space<vmem>>
      %swap3A_1201 = tpu.memref_squeeze %swap3A_1200 : memref<1x8x80xf32, #tpu.memory_space<vmem>> -> memref<8x80xf32, #tpu.memory_space<vmem>>
      %swap3A_1202 = arith.index_cast %swap3A_1197 : i32 to index
      %swap3A_1203 = arith.constant 16 : index
      %swap3A_1204 = tpu.vector_load %swap3A_1201[%swap3A_1202, %swap3A_1203] {strides = array<i32>} : memref<8x80xf32, #tpu.memory_space<vmem>>, vector<16xf32>,
      tpu.vector_store %swap3A_1201[%swap3A_1202, %swap3A_1203], %add3A_1195 {strides = array<i32>} : memref<8x80xf32, #tpu.memory_space<vmem>>, vector<16xf32>,
      %mul3A_1205 = arith.mulf %parallel_loop3A_1064#6, %get3A_3 : vector<16xf32>
      %mul3A_1206 = arith.mulf %parallel_loop3A_1064#7, %get3A_13 : vector<16xf32>
      %add3A_1207 = arith.addf %mul3A_1205, %mul3A_1206 : vector<16xf32>
      %mul3A_1208 = arith.mulf %parallel_loop3A_1064#8, %get3A_23 : vector<16xf32>
      %add3A_1209 = arith.addf %add3A_1207, %mul3A_1208 : vector<16xf32>
      %swap3A_1210 = arith.constant 1 : i32
      %swap3A_1211 = arith.constant 0 : i32
      %swap3A_1212 = arith.constant 0 : i32
      %swap3A_1213 = arith.constant 0 : i32
      %swap3A_1214 = tpu.memref_slice %arg13[%swap3A_1210, %swap3A_1212, %swap3A_1213] : memref<2x8x80xf32, #tpu.memory_space<vmem>> -> memref<1x8x80xf32, #tpu.memory_space<vmem>>
      %swap3A_1215 = tpu.memref_squeeze %swap3A_1214 : memref<1x8x80xf32, #tpu.memory_space<vmem>> -> memref<8x80xf32, #tpu.memory_space<vmem>>
      %swap3A_1216 = arith.index_cast %swap3A_1211 : i32 to index
      %swap3A_1217 = arith.constant 32 : index
      %swap3A_1218 = tpu.vector_load %swap3A_1215[%swap3A_1216, %swap3A_1217] {strides = array<i32>} : memref<8x80xf32, #tpu.memory_space<vmem>>, vector<16xf32>,
      tpu.vector_store %swap3A_1215[%swap3A_1216, %swap3A_1217], %add3A_1209 {strides = array<i32>} : memref<8x80xf32, #tpu.memory_space<vmem>>, vector<16xf32>,
      %mul3A_1219 = arith.mulf %parallel_loop3A_1064#6, %get3A_5 : vector<16xf32>
      %mul3A_1220 = arith.mulf %parallel_loop3A_1064#7, %get3A_15 : vector<16xf32>
      %add3A_1221 = arith.addf %mul3A_1219, %mul3A_1220 : vector<16xf32>
      %mul3A_1222 = arith.mulf %parallel_loop3A_1064#8, %get3A_25 : vector<16xf32>
      %add3A_1223 = arith.addf %add3A_1221, %mul3A_1222 : vector<16xf32>
      %swap3A_1224 = arith.constant 1 : i32
      %swap3A_1225 = arith.constant 1 : i32
      %swap3A_1226 = arith.constant 0 : i32
      %swap3A_1227 = arith.constant 0 : i32
      %swap3A_1228 = tpu.memref_slice %arg13[%swap3A_1224, %swap3A_1226, %swap3A_1227] : memref<2x8x80xf32, #tpu.memory_space<vmem>> -> memref<1x8x80xf32, #tpu.memory_space<vmem>>
      %swap3A_1229 = tpu.memref_squeeze %swap3A_1228 : memref<1x8x80xf32, #tpu.memory_space<vmem>> -> memref<8x80xf32, #tpu.memory_space<vmem>>
      %swap3A_1230 = arith.index_cast %swap3A_1225 : i32 to index
      %swap3A_1231 = arith.constant 32 : index
      %swap3A_1232 = tpu.vector_load %swap3A_1229[%swap3A_1230, %swap3A_1231] {strides = array<i32>} : memref<8x80xf32, #tpu.memory_space<vmem>>, vector<16xf32>,
      tpu.vector_store %swap3A_1229[%swap3A_1230, %swap3A_1231], %add3A_1223 {strides = array<i32>} : memref<8x80xf32, #tpu.memory_space<vmem>>, vector<16xf32>,
      %mul3A_1233 = arith.mulf %parallel_loop3A_1064#6, %get3A_7 : vector<16xf32>
      %mul3A_1234 = arith.mulf %parallel_loop3A_1064#7, %get3A_17 : vector<16xf32>
      %add3A_1235 = arith.addf %mul3A_1233, %mul3A_1234 : vector<16xf32>
      %mul3A_1236 = arith.mulf %parallel_loop3A_1064#8, %get3A_27 : vector<16xf32>
      %add3A_1237 = arith.addf %add3A_1235, %mul3A_1236 : vector<16xf32>
      %swap3A_1238 = arith.constant 1 : i32
      %swap3A_1239 = arith.constant 2 : i32
      %swap3A_1240 = arith.constant 0 : i32
      %swap3A_1241 = arith.constant 0 : i32
      %swap3A_1242 = tpu.memref_slice %arg13[%swap3A_1238, %swap3A_1240, %swap3A_1241] : memref<2x8x80xf32, #tpu.memory_space<vmem>> -> memref<1x8x80xf32, #tpu.memory_space<vmem>>
      %swap3A_1243 = tpu.memref_squeeze %swap3A_1242 : memref<1x8x80xf32, #tpu.memory_space<vmem>> -> memref<8x80xf32, #tpu.memory_space<vmem>>
      %swap3A_1244 = arith.index_cast %swap3A_1239 : i32 to index
      %swap3A_1245 = arith.constant 32 : index
      %swap3A_1246 = tpu.vector_load %swap3A_1243[%swap3A_1244, %swap3A_1245] {strides = array<i32>} : memref<8x80xf32, #tpu.memory_space<vmem>>, vector<16xf32>,
      tpu.vector_store %swap3A_1243[%swap3A_1244, %swap3A_1245], %add3A_1237 {strides = array<i32>} : memref<8x80xf32, #tpu.memory_space<vmem>>, vector<16xf32>,
      %mul3A_1247 = arith.mulf %parallel_loop3A_1064#6, %get3A_9 : vector<16xf32>
      %mul3A_1248 = arith.mulf %parallel_loop3A_1064#7, %get3A_19 : vector<16xf32>
      %add3A_1249 = arith.addf %mul3A_1247, %mul3A_1248 : vector<16xf32>
      %mul3A_1250 = arith.mulf %parallel_loop3A_1064#8, %get3A_29 : vector<16xf32>
      %add3A_1251 = arith.addf %add3A_1249, %mul3A_1250 : vector<16xf32>
      %swap3A_1252 = arith.constant 1 : i32
      %swap3A_1253 = arith.constant 3 : i32
      %swap3A_1254 = arith.constant 0 : i32
      %swap3A_1255 = arith.constant 0 : i32
      %swap3A_1256 = tpu.memref_slice %arg13[%swap3A_1252, %swap3A_1254, %swap3A_1255] : memref<2x8x80xf32, #tpu.memory_space<vmem>> -> memref<1x8x80xf32, #tpu.memory_space<vmem>>
      %swap3A_1257 = tpu.memref_squeeze %swap3A_1256 : memref<1x8x80xf32, #tpu.memory_space<vmem>> -> memref<8x80xf32, #tpu.memory_space<vmem>>
      %swap3A_1258 = arith.index_cast %swap3A_1253 : i32 to index
      %swap3A_1259 = arith.constant 32 : index
      %swap3A_1260 = tpu.vector_load %swap3A_1257[%swap3A_1258, %swap3A_1259] {strides = array<i32>} : memref<8x80xf32, #tpu.memory_space<vmem>>, vector<16xf32>,
      tpu.vector_store %swap3A_1257[%swap3A_1258, %swap3A_1259], %add3A_1251 {strides = array<i32>} : memref<8x80xf32, #tpu.memory_space<vmem>>, vector<16xf32>,
      %mul3A_1261 = arith.mulf %parallel_loop3A_1064#6, %get3A_11 : vector<16xf32>
      %mul3A_1262 = arith.mulf %parallel_loop3A_1064#7, %get3A_21 : vector<16xf32>
      %add3A_1263 = arith.addf %mul3A_1261, %mul3A_1262 : vector<16xf32>
      %mul3A_1264 = arith.mulf %parallel_loop3A_1064#8, %get3A_31 : vector<16xf32>
      %add3A_1265 = arith.addf %add3A_1263, %mul3A_1264 : vector<16xf32>
      %swap3A_1266 = arith.constant 1 : i32
      %swap3A_1267 = arith.constant 4 : i32
      %swap3A_1268 = arith.constant 0 : i32
      %swap3A_1269 = arith.constant 0 : i32
      %swap3A_1270 = tpu.memref_slice %arg13[%swap3A_1266, %swap3A_1268, %swap3A_1269] : memref<2x8x80xf32, #tpu.memory_space<vmem>> -> memref<1x8x80xf32, #tpu.memory_space<vmem>>
      %swap3A_1271 = tpu.memref_squeeze %swap3A_1270 : memref<1x8x80xf32, #tpu.memory_space<vmem>> -> memref<8x80xf32, #tpu.memory_space<vmem>>
      %swap3A_1272 = arith.index_cast %swap3A_1267 : i32 to index
      %swap3A_1273 = arith.constant 32 : index
      %swap3A_1274 = tpu.vector_load %swap3A_1271[%swap3A_1272, %swap3A_1273] {strides = array<i32>} : memref<8x80xf32, #tpu.memory_space<vmem>>, vector<16xf32>,
      tpu.vector_store %swap3A_1271[%swap3A_1272, %swap3A_1273], %add3A_1265 {strides = array<i32>} : memref<8x80xf32, #tpu.memory_space<vmem>>, vector<16xf32>,
      %mul3A_1275 = arith.mulf %parallel_loop3A_1064#9, %get3A_3 : vector<16xf32>
      %mul3A_1276 = arith.mulf %parallel_loop3A_1064#10, %get3A_13 : vector<16xf32>
      %add3A_1277 = arith.addf %mul3A_1275, %mul3A_1276 : vector<16xf32>
      %mul3A_1278 = arith.mulf %parallel_loop3A_1064#11, %get3A_23 : vector<16xf32>
      %add3A_1279 = arith.addf %add3A_1277, %mul3A_1278 : vector<16xf32>
      %swap3A_1280 = arith.constant 1 : i32
      %swap3A_1281 = arith.constant 0 : i32
      %swap3A_1282 = arith.constant 0 : i32
      %swap3A_1283 = arith.constant 0 : i32
      %swap3A_1284 = tpu.memref_slice %arg13[%swap3A_1280, %swap3A_1282, %swap3A_1283] : memref<2x8x80xf32, #tpu.memory_space<vmem>> -> memref<1x8x80xf32, #tpu.memory_space<vmem>>
      %swap3A_1285 = tpu.memref_squeeze %swap3A_1284 : memref<1x8x80xf32, #tpu.memory_space<vmem>> -> memref<8x80xf32, #tpu.memory_space<vmem>>
      %swap3A_1286 = arith.index_cast %swap3A_1281 : i32 to index
      %swap3A_1287 = arith.constant 48 : index
      %swap3A_1288 = tpu.vector_load %swap3A_1285[%swap3A_1286, %swap3A_1287] {strides = array<i32>} : memref<8x80xf32, #tpu.memory_space<vmem>>, vector<16xf32>,
      tpu.vector_store %swap3A_1285[%swap3A_1286, %swap3A_1287], %add3A_1279 {strides = array<i32>} : memref<8x80xf32, #tpu.memory_space<vmem>>, vector<16xf32>,
      %mul3A_1289 = arith.mulf %parallel_loop3A_1064#9, %get3A_5 : vector<16xf32>
      %mul3A_1290 = arith.mulf %parallel_loop3A_1064#10, %get3A_15 : vector<16xf32>
      %add3A_1291 = arith.addf %mul3A_1289, %mul3A_1290 : vector<16xf32>
      %mul3A_1292 = arith.mulf %parallel_loop3A_1064#11, %get3A_25 : vector<16xf32>
      %add3A_1293 = arith.addf %add3A_1291, %mul3A_1292 : vector<16xf32>
      %swap3A_1294 = arith.constant 1 : i32
      %swap3A_1295 = arith.constant 1 : i32
      %swap3A_1296 = arith.constant 0 : i32
      %swap3A_1297 = arith.constant 0 : i32
      %swap3A_1298 = tpu.memref_slice %arg13[%swap3A_1294, %swap3A_1296, %swap3A_1297] : memref<2x8x80xf32, #tpu.memory_space<vmem>> -> memref<1x8x80xf32, #tpu.memory_space<vmem>>
      %swap3A_1299 = tpu.memref_squeeze %swap3A_1298 : memref<1x8x80xf32, #tpu.memory_space<vmem>> -> memref<8x80xf32, #tpu.memory_space<vmem>>
      %swap3A_1300 = arith.index_cast %swap3A_1295 : i32 to index
      %swap3A_1301 = arith.constant 48 : index
      %swap3A_1302 = tpu.vector_load %swap3A_1299[%swap3A_1300, %swap3A_1301] {strides = array<i32>} : memref<8x80xf32, #tpu.memory_space<vmem>>, vector<16xf32>,
      tpu.vector_store %swap3A_1299[%swap3A_1300, %swap3A_1301], %add3A_1293 {strides = array<i32>} : memref<8x80xf32, #tpu.memory_space<vmem>>, vector<16xf32>,
      %mul3A_1303 = arith.mulf %parallel_loop3A_1064#9, %get3A_7 : vector<16xf32>
      %mul3A_1304 = arith.mulf %parallel_loop3A_1064#10, %get3A_17 : vector<16xf32>
      %add3A_1305 = arith.addf %mul3A_1303, %mul3A_1304 : vector<16xf32>
      %mul3A_1306 = arith.mulf %parallel_loop3A_1064#11, %get3A_27 : vector<16xf32>
      %add3A_1307 = arith.addf %add3A_1305, %mul3A_1306 : vector<16xf32>
      %swap3A_1308 = arith.constant 1 : i32
      %swap3A_1309 = arith.constant 2 : i32
      %swap3A_1310 = arith.constant 0 : i32
      %swap3A_1311 = arith.constant 0 : i32
      %swap3A_1312 = tpu.memref_slice %arg13[%swap3A_1308, %swap3A_1310, %swap3A_1311] : memref<2x8x80xf32, #tpu.memory_space<vmem>> -> memref<1x8x80xf32, #tpu.memory_space<vmem>>
      %swap3A_1313 = tpu.memref_squeeze %swap3A_1312 : memref<1x8x80xf32, #tpu.memory_space<vmem>> -> memref<8x80xf32, #tpu.memory_space<vmem>>
      %swap3A_1314 = arith.index_cast %swap3A_1309 : i32 to index
      %swap3A_1315 = arith.constant 48 : index
      %swap3A_1316 = tpu.vector_load %swap3A_1313[%swap3A_1314, %swap3A_1315] {strides = array<i32>} : memref<8x80xf32, #tpu.memory_space<vmem>>, vector<16xf32>,
      tpu.vector_store %swap3A_1313[%swap3A_1314, %swap3A_1315], %add3A_1307 {strides = array<i32>} : memref<8x80xf32, #tpu.memory_space<vmem>>, vector<16xf32>,
      %mul3A_1317 = arith.mulf %parallel_loop3A_1064#9, %get3A_9 : vector<16xf32>
      %mul3A_1318 = arith.mulf %parallel_loop3A_1064#10, %get3A_19 : vector<16xf32>
      %add3A_1319 = arith.addf %mul3A_1317, %mul3A_1318 : vector<16xf32>
      %mul3A_1320 = arith.mulf %parallel_loop3A_1064#11, %get3A_29 : vector<16xf32>
      %add3A_1321 = arith.addf %add3A_1319, %mul3A_1320 : vector<16xf32>
      %swap3A_1322 = arith.constant 1 : i32
      %swap3A_1323 = arith.constant 3 : i32
      %swap3A_1324 = arith.constant 0 : i32
      %swap3A_1325 = arith.constant 0 : i32
      %swap3A_1326 = tpu.memref_slice %arg13[%swap3A_1322, %swap3A_1324, %swap3A_1325] : memref<2x8x80xf32, #tpu.memory_space<vmem>> -> memref<1x8x80xf32, #tpu.memory_space<vmem>>
      %swap3A_1327 = tpu.memref_squeeze %swap3A_1326 : memref<1x8x80xf32, #tpu.memory_space<vmem>> -> memref<8x80xf32, #tpu.memory_space<vmem>>
      %swap3A_1328 = arith.index_cast %swap3A_1323 : i32 to index
      %swap3A_1329 = arith.constant 48 : index
      %swap3A_1330 = tpu.vector_load %swap3A_1327[%swap3A_1328, %swap3A_1329] {strides = array<i32>} : memref<8x80xf32, #tpu.memory_space<vmem>>, vector<16xf32>,
      tpu.vector_store %swap3A_1327[%swap3A_1328, %swap3A_1329], %add3A_1321 {strides = array<i32>} : memref<8x80xf32, #tpu.memory_space<vmem>>, vector<16xf32>,
      %mul3A_1331 = arith.mulf %parallel_loop3A_1064#9, %get3A_11 : vector<16xf32>
      %mul3A_1332 = arith.mulf %parallel_loop3A_1064#10, %get3A_21 : vector<16xf32>
      %add3A_1333 = arith.addf %mul3A_1331, %mul3A_1332 : vector<16xf32>
      %mul3A_1334 = arith.mulf %parallel_loop3A_1064#11, %get3A_31 : vector<16xf32>
      %add3A_1335 = arith.addf %add3A_1333, %mul3A_1334 : vector<16xf32>
      %swap3A_1336 = arith.constant 1 : i32
      %swap3A_1337 = arith.constant 4 : i32
      %swap3A_1338 = arith.constant 0 : i32
      %swap3A_1339 = arith.constant 0 : i32
      %swap3A_1340 = tpu.memref_slice %arg13[%swap3A_1336, %swap3A_1338, %swap3A_1339] : memref<2x8x80xf32, #tpu.memory_space<vmem>> -> memref<1x8x80xf32, #tpu.memory_space<vmem>>
      %swap3A_1341 = tpu.memref_squeeze %swap3A_1340 : memref<1x8x80xf32, #tpu.memory_space<vmem>> -> memref<8x80xf32, #tpu.memory_space<vmem>>
      %swap3A_1342 = arith.index_cast %swap3A_1337 : i32 to index
      %swap3A_1343 = arith.constant 48 : index
      %swap3A_1344 = tpu.vector_load %swap3A_1341[%swap3A_1342, %swap3A_1343] {strides = array<i32>} : memref<8x80xf32, #tpu.memory_space<vmem>>, vector<16xf32>,
      tpu.vector_store %swap3A_1341[%swap3A_1342, %swap3A_1343], %add3A_1335 {strides = array<i32>} : memref<8x80xf32, #tpu.memory_space<vmem>>, vector<16xf32>,
      %mul3A_1345 = arith.mulf %parallel_loop3A_1064#12, %get3A_3 : vector<16xf32>
      %mul3A_1346 = arith.mulf %parallel_loop3A_1064#13, %get3A_13 : vector<16xf32>
      %add3A_1347 = arith.addf %mul3A_1345, %mul3A_1346 : vector<16xf32>
      %mul3A_1348 = arith.mulf %parallel_loop3A_1064#14, %get3A_23 : vector<16xf32>
      %add3A_1349 = arith.addf %add3A_1347, %mul3A_1348 : vector<16xf32>
      %swap3A_1350 = arith.constant 1 : i32
      %swap3A_1351 = arith.constant 0 : i32
      %swap3A_1352 = arith.constant 0 : i32
      %swap3A_1353 = arith.constant 0 : i32
      %swap3A_1354 = tpu.memref_slice %arg13[%swap3A_1350, %swap3A_1352, %swap3A_1353] : memref<2x8x80xf32, #tpu.memory_space<vmem>> -> memref<1x8x80xf32, #tpu.memory_space<vmem>>
      %swap3A_1355 = tpu.memref_squeeze %swap3A_1354 : memref<1x8x80xf32, #tpu.memory_space<vmem>> -> memref<8x80xf32, #tpu.memory_space<vmem>>
      %swap3A_1356 = arith.index_cast %swap3A_1351 : i32 to index
      %swap3A_1357 = arith.constant 64 : index
      %swap3A_1358 = tpu.vector_load %swap3A_1355[%swap3A_1356, %swap3A_1357] {strides = array<i32>} : memref<8x80xf32, #tpu.memory_space<vmem>>, vector<16xf32>,
      tpu.vector_store %swap3A_1355[%swap3A_1356, %swap3A_1357], %add3A_1349 {strides = array<i32>} : memref<8x80xf32, #tpu.memory_space<vmem>>, vector<16xf32>,
      %mul3A_1359 = arith.mulf %parallel_loop3A_1064#12, %get3A_5 : vector<16xf32>
      %mul3A_1360 = arith.mulf %parallel_loop3A_1064#13, %get3A_15 : vector<16xf32>
      %add3A_1361 = arith.addf %mul3A_1359, %mul3A_1360 : vector<16xf32>
      %mul3A_1362 = arith.mulf %parallel_loop3A_1064#14, %get3A_25 : vector<16xf32>
      %add3A_1363 = arith.addf %add3A_1361, %mul3A_1362 : vector<16xf32>
      %swap3A_1364 = arith.constant 1 : i32
      %swap3A_1365 = arith.constant 1 : i32
      %swap3A_1366 = arith.constant 0 : i32
      %swap3A_1367 = arith.constant 0 : i32
      %swap3A_1368 = tpu.memref_slice %arg13[%swap3A_1364, %swap3A_1366, %swap3A_1367] : memref<2x8x80xf32, #tpu.memory_space<vmem>> -> memref<1x8x80xf32, #tpu.memory_space<vmem>>
      %swap3A_1369 = tpu.memref_squeeze %swap3A_1368 : memref<1x8x80xf32, #tpu.memory_space<vmem>> -> memref<8x80xf32, #tpu.memory_space<vmem>>
      %swap3A_1370 = arith.index_cast %swap3A_1365 : i32 to index
      %swap3A_1371 = arith.constant 64 : index
      %swap3A_1372 = tpu.vector_load %swap3A_1369[%swap3A_1370, %swap3A_1371] {strides = array<i32>} : memref<8x80xf32, #tpu.memory_space<vmem>>, vector<16xf32>,
      tpu.vector_store %swap3A_1369[%swap3A_1370, %swap3A_1371], %add3A_1363 {strides = array<i32>} : memref<8x80xf32, #tpu.memory_space<vmem>>, vector<16xf32>,
      %mul3A_1373 = arith.mulf %parallel_loop3A_1064#12, %get3A_7 : vector<16xf32>
      %mul3A_1374 = arith.mulf %parallel_loop3A_1064#13, %get3A_17 : vector<16xf32>
      %add3A_1375 = arith.addf %mul3A_1373, %mul3A_1374 : vector<16xf32>
      %mul3A_1376 = arith.mulf %parallel_loop3A_1064#14, %get3A_27 : vector<16xf32>
      %add3A_1377 = arith.addf %add3A_1375, %mul3A_1376 : vector<16xf32>
      %swap3A_1378 = arith.constant 1 : i32
      %swap3A_1379 = arith.constant 2 : i32
      %swap3A_1380 = arith.constant 0 : i32
      %swap3A_1381 = arith.constant 0 : i32
      %swap3A_1382 = tpu.memref_slice %arg13[%swap3A_1378, %swap3A_1380, %swap3A_1381] : memref<2x8x80xf32, #tpu.memory_space<vmem>> -> memref<1x8x80xf32, #tpu.memory_space<vmem>>
      %swap3A_1383 = tpu.memref_squeeze %swap3A_1382 : memref<1x8x80xf32, #tpu.memory_space<vmem>> -> memref<8x80xf32, #tpu.memory_space<vmem>>
      %swap3A_1384 = arith.index_cast %swap3A_1379 : i32 to index
      %swap3A_1385 = arith.constant 64 : index
      %swap3A_1386 = tpu.vector_load %swap3A_1383[%swap3A_1384, %swap3A_1385] {strides = array<i32>} : memref<8x80xf32, #tpu.memory_space<vmem>>, vector<16xf32>,
      tpu.vector_store %swap3A_1383[%swap3A_1384, %swap3A_1385], %add3A_1377 {strides = array<i32>} : memref<8x80xf32, #tpu.memory_space<vmem>>, vector<16xf32>,
      %mul3A_1387 = arith.mulf %parallel_loop3A_1064#12, %get3A_9 : vector<16xf32>
      %mul3A_1388 = arith.mulf %parallel_loop3A_1064#13, %get3A_19 : vector<16xf32>
      %add3A_1389 = arith.addf %mul3A_1387, %mul3A_1388 : vector<16xf32>
      %mul3A_1390 = arith.mulf %parallel_loop3A_1064#14, %get3A_29 : vector<16xf32>
      %add3A_1391 = arith.addf %add3A_1389, %mul3A_1390 : vector<16xf32>
      %swap3A_1392 = arith.constant 1 : i32
      %swap3A_1393 = arith.constant 3 : i32
      %swap3A_1394 = arith.constant 0 : i32
      %swap3A_1395 = arith.constant 0 : i32
      %swap3A_1396 = tpu.memref_slice %arg13[%swap3A_1392, %swap3A_1394, %swap3A_1395] : memref<2x8x80xf32, #tpu.memory_space<vmem>> -> memref<1x8x80xf32, #tpu.memory_space<vmem>>
      %swap3A_1397 = tpu.memref_squeeze %swap3A_1396 : memref<1x8x80xf32, #tpu.memory_space<vmem>> -> memref<8x80xf32, #tpu.memory_space<vmem>>
      %swap3A_1398 = arith.index_cast %swap3A_1393 : i32 to index
      %swap3A_1399 = arith.constant 64 : index
      %swap3A_1400 = tpu.vector_load %swap3A_1397[%swap3A_1398, %swap3A_1399] {strides = array<i32>} : memref<8x80xf32, #tpu.memory_space<vmem>>, vector<16xf32>,
      tpu.vector_store %swap3A_1397[%swap3A_1398, %swap3A_1399], %add3A_1391 {strides = array<i32>} : memref<8x80xf32, #tpu.memory_space<vmem>>, vector<16xf32>,
      %mul3A_1401 = arith.mulf %parallel_loop3A_1064#12, %get3A_11 : vector<16xf32>
      %mul3A_1402 = arith.mulf %parallel_loop3A_1064#13, %get3A_21 : vector<16xf32>
      %add3A_1403 = arith.addf %mul3A_1401, %mul3A_1402 : vector<16xf32>
      %mul3A_1404 = arith.mulf %parallel_loop3A_1064#14, %get3A_31 : vector<16xf32>
      %add3A_1405 = arith.addf %add3A_1403, %mul3A_1404 : vector<16xf32>
      %swap3A_1406 = arith.constant 1 : i32
      %swap3A_1407 = arith.constant 4 : i32
      %swap3A_1408 = arith.constant 0 : i32
      %swap3A_1409 = arith.constant 0 : i32
      %swap3A_1410 = tpu.memref_slice %arg13[%swap3A_1406, %swap3A_1408, %swap3A_1409] : memref<2x8x80xf32, #tpu.memory_space<vmem>> -> memref<1x8x80xf32, #tpu.memory_space<vmem>>
      %swap3A_1411 = tpu.memref_squeeze %swap3A_1410 : memref<1x8x80xf32, #tpu.memory_space<vmem>> -> memref<8x80xf32, #tpu.memory_space<vmem>>
      %swap3A_1412 = arith.index_cast %swap3A_1407 : i32 to index
      %swap3A_1413 = arith.constant 64 : index
      %swap3A_1414 = tpu.vector_load %swap3A_1411[%swap3A_1412, %swap3A_1413] {strides = array<i32>} : memref<8x80xf32, #tpu.memory_space<vmem>>, vector<16xf32>,
      tpu.vector_store %swap3A_1411[%swap3A_1412, %swap3A_1413], %add3A_1405 {strides = array<i32>} : memref<8x80xf32, #tpu.memory_space<vmem>>, vector<16xf32>,
      %mul3A_1415 = arith.constant 125 : i32
      %mul3A_1416 = arith.muli %add3A, %mul3A_1415 : i32
      %add3A_1417 = arith.addi %mul3A_1416, %add3A_991 : i32
      %dma_start3A_1418 = arith.constant 1 : i32
      %dma_start3A_1419 = arith.constant 1 : i32
      %dma_start3A_1420 = arith.constant 0 : i32
      %dma_start3A_1421 = arith.constant 0 : i32
      %dma_start3A_1422 = tpu.memref_slice %arg13[%dma_start3A_1418, %dma_start3A_1420, %dma_start3A_1421] : memref<2x8x80xf32, #tpu.memory_space<vmem>> -> memref<1x8x80xf32, #tpu.memory_space<vmem>>
      %dma_start3A_1423 = tpu.memref_squeeze %dma_start3A_1422 : memref<1x8x80xf32, #tpu.memory_space<vmem>> -> memref<8x80xf32, #tpu.memory_space<vmem>>
      %dma_start3A_1424 = arith.constant 0 : i32
      %dma_start3A_1425 = arith.constant 0 : i32
      %dma_start3A_1426 = tpu.memref_slice %arg8[%add3A_1417, %dma_start3A_1424, %dma_start3A_1425] : memref<4000x8x80xf32, #tpu.memory_space<hbm>> -> memref<1x8x80xf32, #tpu.memory_space<hbm>>
      %dma_start3A_1427 = tpu.memref_squeeze %dma_start3A_1426 : memref<1x8x80xf32, #tpu.memory_space<hbm>> -> memref<8x80xf32, #tpu.memory_space<hbm>>
      %dma_start3A_1428 = tpu.memref_slice %arg17[%dma_start3A_1419] : memref<2x!tpu.dma_semaphore, #tpu.memory_space<semaphore_mem>> -> memref<1x!tpu.dma_semaphore, #tpu.memory_space<semaphore_mem>>
      %dma_start3A_1429 = tpu.memref_squeeze %dma_start3A_1428 : memref<1x!tpu.dma_semaphore, #tpu.memory_space<semaphore_mem>> -> memref<!tpu.dma_semaphore, #tpu.memory_space<semaphore_mem>>
      %dma_start3A_1430 = arith.constant 0 : i32
      %dma_start3A_1431 = arith.constant 0 : i32
      %dma_start3A_1432 = tpu.memref_slice %arg8[%add3A_1417, %dma_start3A_1430, %dma_start3A_1431] : memref<4000x8x80xf32, #tpu.memory_space<hbm>> -> memref<1x8x80xf32, #tpu.memory_space<hbm>>
      %dma_start3A_1433 = tpu.memref_squeeze %dma_start3A_1432 : memref<1x8x80xf32, #tpu.memory_space<hbm>> -> memref<8x80xf32, #tpu.memory_space<hbm>>
      %dma_start3A_1434 = arith.constant 0 : i32
      %dma_start3A_1435 = arith.constant 0 : i32
      %dma_start3A_1436 = tpu.memref_slice %arg13[%dma_start3A_1418, %dma_start3A_1434, %dma_start3A_1435] : memref<2x8x80xf32, #tpu.memory_space<vmem>> -> memref<1x8x80xf32, #tpu.memory_space<vmem>>
      %dma_start3A_1437 = tpu.memref_squeeze %dma_start3A_1436 : memref<1x8x80xf32, #tpu.memory_space<vmem>> -> memref<8x80xf32, #tpu.memory_space<vmem>>
      tpu.enqueue_dma source(%dma_start3A_1437 : memref<8x80xf32, #tpu.memory_space<vmem>>) target(%dma_start3A_1433 : memref<8x80xf32, #tpu.memory_space<hbm>>) target_semaphore(%dma_start3A_1429 : memref<!tpu.dma_semaphore, #tpu.memory_space<semaphore_mem>>)
    }
    %scan3A_63 = arith.constant 62 : i32
    %dma_wait3A = arith.constant 0 : i32
    %dma_wait3A_64 = arith.constant 0 : i32
    %dma_wait3A_65 = arith.constant 0 : i32
    %dma_wait3A_66 = arith.constant 0 : i32
    %dma_wait3A_67 = arith.constant 0 : i32
    %dma_wait3A_68 = tpu.memref_slice %arg11[%dma_wait3A, %dma_wait3A_66, %dma_wait3A_67] : memref<2x80x128xi32, #tpu.memory_space<vmem>> -> memref<1x80x128xi32, #tpu.memory_space<vmem>>
    %dma_wait3A_69 = tpu.memref_squeeze %dma_wait3A_68 : memref<1x80x128xi32, #tpu.memory_space<vmem>> -> memref<80x128xi32, #tpu.memory_space<vmem>>
    %dma_wait3A_70 = arith.constant 9920 : i32
    %dma_wait3A_71 = tpu.memref_slice %arg9[%dma_wait3A_70] : memref<10000xi32, #tpu.memory_space<vmem>> -> memref<80xi32, #tpu.memory_space<vmem>>
    %dma_wait3A_72 = arith.constant 0 : i32
    %dma_wait3A_73 = arith.constant 0 : i32
    %dma_wait3A_74 = tpu.memref_slice %arg2[%dma_wait3A_72, %dma_wait3A_73] : memref<10000x128xi32, #tpu.memory_space<hbm>> -> memref<10000x128xi32, #tpu.memory_space<hbm>>
    %dma_wait3A_75 = tpu.memref_slice %arg16[%dma_wait3A_64, %dma_wait3A_65] : memref<2x2x!tpu.dma_semaphore, #tpu.memory_space<semaphore_mem>> -> memref<1x1x!tpu.dma_semaphore, #tpu.memory_space<semaphore_mem>>
    %dma_wait3A_76 = tpu.memref_squeeze %dma_wait3A_75 : memref<1x1x!tpu.dma_semaphore, #tpu.memory_space<semaphore_mem>> -> memref<!tpu.dma_semaphore, #tpu.memory_space<semaphore_mem>>
    tpu.wait_indirect_dma semaphore(%dma_wait3A_76 : memref<!tpu.dma_semaphore, #tpu.memory_space<semaphore_mem>>) src(%dma_wait3A_74 : memref<10000x128xi32, #tpu.memory_space<hbm>>) dst(%dma_wait3A_69 : memref<80x128xi32, #tpu.memory_space<vmem>>)
    %dma_wait3A_77 = arith.constant 0 : i32
    %dma_wait3A_78 = arith.constant 0 : i32
    %dma_wait3A_79 = arith.constant 1 : i32
    %dma_wait3A_80 = arith.constant 0 : i32
    %dma_wait3A_81 = arith.constant 0 : i32
    %dma_wait3A_82 = tpu.memref_slice %arg12[%dma_wait3A_77, %dma_wait3A_80, %dma_wait3A_81] : memref<2x80x128xi32, #tpu.memory_space<vmem>> -> memref<1x80x128xi32, #tpu.memory_space<vmem>>
    %dma_wait3A_83 = tpu.memref_squeeze %dma_wait3A_82 : memref<1x80x128xi32, #tpu.memory_space<vmem>> -> memref<80x128xi32, #tpu.memory_space<vmem>>
    %dma_wait3A_84 = arith.constant 9920 : i32
    %dma_wait3A_85 = tpu.memref_slice %arg10[%dma_wait3A_84] : memref<10000xi32, #tpu.memory_space<vmem>> -> memref<80xi32, #tpu.memory_space<vmem>>
    %dma_wait3A_86 = arith.constant 0 : i32
    %dma_wait3A_87 = arith.constant 0 : i32
    %dma_wait3A_88 = tpu.memref_slice %arg3[%dma_wait3A_86, %dma_wait3A_87] : memref<10000x128xi32, #tpu.memory_space<hbm>> -> memref<10000x128xi32, #tpu.memory_space<hbm>>
    %dma_wait3A_89 = tpu.memref_slice %arg16[%dma_wait3A_78, %dma_wait3A_79] : memref<2x2x!tpu.dma_semaphore, #tpu.memory_space<semaphore_mem>> -> memref<1x1x!tpu.dma_semaphore, #tpu.memory_space<semaphore_mem>>
    %dma_wait3A_90 = tpu.memref_squeeze %dma_wait3A_89 : memref<1x1x!tpu.dma_semaphore, #tpu.memory_space<semaphore_mem>> -> memref<!tpu.dma_semaphore, #tpu.memory_space<semaphore_mem>>
    tpu.wait_indirect_dma semaphore(%dma_wait3A_90 : memref<!tpu.dma_semaphore, #tpu.memory_space<semaphore_mem>>) src(%dma_wait3A_88 : memref<10000x128xi32, #tpu.memory_space<hbm>>) dst(%dma_wait3A_83 : memref<80x128xi32, #tpu.memory_space<vmem>>)
    %mul3A_91 = arith.constant 125 : i32
    %mul3A_92 = arith.muli %add3A, %mul3A_91 : i32
    %add3A_93 = arith.constant 122 : i32
    %add3A_94 = arith.addi %mul3A_92, %add3A_93 : i32
    %dma_wait3A_95 = arith.constant 0 : i32
    %dma_wait3A_96 = arith.constant 0 : i32
    %dma_wait3A_97 = arith.constant 0 : i32
    %dma_wait3A_98 = arith.constant 0 : i32
    %dma_wait3A_99 = tpu.memref_slice %arg13[%dma_wait3A_95, %dma_wait3A_97, %dma_wait3A_98] : memref<2x8x80xf32, #tpu.memory_space<vmem>> -> memref<1x8x80xf32, #tpu.memory_space<vmem>>
    %dma_wait3A_100 = tpu.memref_squeeze %dma_wait3A_99 : memref<1x8x80xf32, #tpu.memory_space<vmem>> -> memref<8x80xf32, #tpu.memory_space<vmem>>
    %dma_wait3A_101 = arith.constant 0 : i32
    %dma_wait3A_102 = arith.constant 0 : i32
    %dma_wait3A_103 = tpu.memref_slice %arg8[%add3A_94, %dma_wait3A_101, %dma_wait3A_102] : memref<4000x8x80xf32, #tpu.memory_space<hbm>> -> memref<1x8x80xf32, #tpu.memory_space<hbm>>
    %dma_wait3A_104 = tpu.memref_squeeze %dma_wait3A_103 : memref<1x8x80xf32, #tpu.memory_space<hbm>> -> memref<8x80xf32, #tpu.memory_space<hbm>>
    %dma_wait3A_105 = tpu.memref_slice %arg17[%dma_wait3A_96] : memref<2x!tpu.dma_semaphore, #tpu.memory_space<semaphore_mem>> -> memref<1x!tpu.dma_semaphore, #tpu.memory_space<semaphore_mem>>
    %dma_wait3A_106 = tpu.memref_squeeze %dma_wait3A_105 : memref<1x!tpu.dma_semaphore, #tpu.memory_space<semaphore_mem>> -> memref<!tpu.dma_semaphore, #tpu.memory_space<semaphore_mem>>
    %dma_wait3A_107 = arith.constant 0 : i32
    %dma_wait3A_108 = arith.constant 0 : i32
    %dma_wait3A_109 = tpu.memref_slice %arg8[%add3A_94, %dma_wait3A_107, %dma_wait3A_108] : memref<4000x8x80xf32, #tpu.memory_space<hbm>> -> memref<1x8x80xf32, #tpu.memory_space<hbm>>
    %dma_wait3A_110 = tpu.memref_squeeze %dma_wait3A_109 : memref<1x8x80xf32, #tpu.memory_space<hbm>> -> memref<8x80xf32, #tpu.memory_space<hbm>>
    %dma_wait3A_111 = arith.constant 0 : i32
    %dma_wait3A_112 = arith.constant 0 : i32
    %dma_wait3A_113 = tpu.memref_slice %arg13[%dma_wait3A_95, %dma_wait3A_111, %dma_wait3A_112] : memref<2x8x80xf32, #tpu.memory_space<vmem>> -> memref<1x8x80xf32, #tpu.memory_space<vmem>>
    %dma_wait3A_114 = tpu.memref_squeeze %dma_wait3A_113 : memref<1x8x80xf32, #tpu.memory_space<vmem>> -> memref<8x80xf32, #tpu.memory_space<vmem>>
    tpu.wait_dma2 semaphore(%dma_wait3A_106 : memref<!tpu.dma_semaphore, #tpu.memory_space<semaphore_mem>>) src(%dma_wait3A_114 : memref<8x80xf32, #tpu.memory_space<vmem>>) dst(%dma_wait3A_110 : memref<8x80xf32, #tpu.memory_space<hbm>>)
    %broadcast_in_dim3A = arith.constant 0.000000e+00 : f32
    %broadcast_in_dim3A_115 = vector.broadcast %broadcast_in_dim3A : f32 to vector<16xf32>
    %parallel_loop3A = arith.constant 0 : i32
    %parallel_loop3A_116 = arith.constant 64 : i32
    %parallel_loop3A_117 = arith.constant 1 : i32
    %parallel_loop3A_118:15 = scf.for %parallel_loop3A_540 = %parallel_loop3A to %parallel_loop3A_116 step %parallel_loop3A_117 iter_args(%parallel_loop3A_541 = %broadcast_in_dim3A_115, %parallel_loop3A_542 = %broadcast_in_dim3A_115, %parallel_loop3A_543 = %broadcast_in_dim3A_115, %parallel_loop3A_544 = %broadcast_in_dim3A_115, %parallel_loop3A_545 = %broadcast_in_dim3A_115, %parallel_loop3A_546 = %broadcast_in_dim3A_115, %parallel_loop3A_547 = %broadcast_in_dim3A_115, %parallel_loop3A_548 = %broadcast_in_dim3A_115, %parallel_loop3A_549 = %broadcast_in_dim3A_115, %parallel_loop3A_550 = %broadcast_in_dim3A_115, %parallel_loop3A_551 = %broadcast_in_dim3A_115, %parallel_loop3A_552 = %broadcast_in_dim3A_115, %parallel_loop3A_553 = %broadcast_in_dim3A_115, %parallel_loop3A_554 = %broadcast_in_dim3A_115, %parallel_loop3A_555 = %broadcast_in_dim3A_115) -> (vector<16xf32>, vector<16xf32>, vector<16xf32>, vector<16xf32>, vector<16xf32>, vector<16xf32>, vector<16xf32>, vector<16xf32>, vector<16xf32>, vector<16xf32>, vector<16xf32>, vector<16xf32>, vector<16xf32>, vector<16xf32>, vector<16xf32>)  : i32 {
      %parallel_loop3A_556 = vector.broadcast %parallel_loop3A_540 : i32 to vector<16xi32>
      %parallel_loop3A_557 = arith.addi %iota3A, %parallel_loop3A_556 : vector<16xi32>
      %parallel_loop3A_558 = arith.constant 63 : i32
      %parallel_loop3A_559 = vector.broadcast %parallel_loop3A_558 : i32 to vector<16xi32>
      %parallel_loop3A_560 = arith.andi %parallel_loop3A_557, %parallel_loop3A_559 : vector<16xi32>
      %parallel_loop3A_561 = arith.constant 128 : i32
      %parallel_loop3A_562 = arith.muli %parallel_loop3A_540, %parallel_loop3A_561 : i32
      %parallel_loop3A_563 = arith.constant 0 : i32
      %parallel_loop3A_564 = arith.addi %parallel_loop3A_562, %parallel_loop3A_563 : i32
      %parallel_loop3A_565 = arith.index_cast %parallel_loop3A_564 : i32 to index
      %parallel_loop3A_566 = tpu.vector_load %arg14[%parallel_loop3A_565] {strides = array<i32>} : memref<8192xf32, #tpu.memory_space<vmem>>, vector<16xf32>,
      %parallel_loop3A_567 = arith.constant 128 : i32
      %parallel_loop3A_568 = arith.muli %parallel_loop3A_540, %parallel_loop3A_567 : i32
      %parallel_loop3A_569 = arith.constant 16 : i32
      %parallel_loop3A_570 = arith.addi %parallel_loop3A_568, %parallel_loop3A_569 : i32
      %parallel_loop3A_571 = arith.index_cast %parallel_loop3A_570 : i32 to index
      %parallel_loop3A_572 = tpu.vector_load %arg14[%parallel_loop3A_571] {strides = array<i32>} : memref<8192xf32, #tpu.memory_space<vmem>>, vector<16xf32>,
      %parallel_loop3A_573 = arith.constant 128 : i32
      %parallel_loop3A_574 = arith.muli %parallel_loop3A_540, %parallel_loop3A_573 : i32
      %parallel_loop3A_575 = arith.constant 32 : i32
      %parallel_loop3A_576 = arith.addi %parallel_loop3A_574, %parallel_loop3A_575 : i32
      %parallel_loop3A_577 = arith.index_cast %parallel_loop3A_576 : i32 to index
      %parallel_loop3A_578 = tpu.vector_load %arg14[%parallel_loop3A_577] {strides = array<i32>} : memref<8192xf32, #tpu.memory_space<vmem>>, vector<16xf32>,
      %parallel_loop3A_579 = arith.constant 128 : i32
      %parallel_loop3A_580 = arith.muli %parallel_loop3A_540, %parallel_loop3A_579 : i32
      %parallel_loop3A_581 = arith.constant 64 : i32
      %parallel_loop3A_582 = arith.addi %parallel_loop3A_580, %parallel_loop3A_581 : i32
      %parallel_loop3A_583 = arith.constant 0 : i32
      %parallel_loop3A_584 = arith.addi %parallel_loop3A_582, %parallel_loop3A_583 : i32
      %parallel_loop3A_585 = arith.index_cast %parallel_loop3A_584 : i32 to index
      %parallel_loop3A_586 = tpu.vector_load %arg14[%parallel_loop3A_585] {strides = array<i32>} : memref<8192xf32, #tpu.memory_space<vmem>>, vector<16xf32>,
      %parallel_loop3A_587 = arith.constant 128 : i32
      %parallel_loop3A_588 = arith.muli %parallel_loop3A_540, %parallel_loop3A_587 : i32
      %parallel_loop3A_589 = arith.constant 64 : i32
      %parallel_loop3A_590 = arith.addi %parallel_loop3A_588, %parallel_loop3A_589 : i32
      %parallel_loop3A_591 = arith.constant 16 : i32
      %parallel_loop3A_592 = arith.addi %parallel_loop3A_590, %parallel_loop3A_591 : i32
      %parallel_loop3A_593 = arith.index_cast %parallel_loop3A_592 : i32 to index
      %parallel_loop3A_594 = tpu.vector_load %arg14[%parallel_loop3A_593] {strides = array<i32>} : memref<8192xf32, #tpu.memory_space<vmem>>, vector<16xf32>,
      %parallel_loop3A_595 = arith.constant 128 : i32
      %parallel_loop3A_596 = arith.muli %parallel_loop3A_540, %parallel_loop3A_595 : i32
      %parallel_loop3A_597 = arith.constant 64 : i32
      %parallel_loop3A_598 = arith.addi %parallel_loop3A_596, %parallel_loop3A_597 : i32
      %parallel_loop3A_599 = arith.constant 32 : i32
      %parallel_loop3A_600 = arith.addi %parallel_loop3A_598, %parallel_loop3A_599 : i32
      %parallel_loop3A_601 = arith.index_cast %parallel_loop3A_600 : i32 to index
      %parallel_loop3A_602 = tpu.vector_load %arg14[%parallel_loop3A_601] {strides = array<i32>} : memref<8192xf32, #tpu.memory_space<vmem>>, vector<16xf32>,
      %parallel_loop3A_603 = arith.constant 0 : i32
      %parallel_loop3A_604 = vector.broadcast %parallel_loop3A_603 : i32 to vector<16xi32>
      %parallel_loop3A_605 = arith.addi %iota3A, %parallel_loop3A_604 : vector<16xi32>
      %parallel_loop3A_606 = arith.constant 0 : i32
      %parallel_loop3A_607 = arith.constant 0 : i32
      %parallel_loop3A_608 = arith.constant 0 : i32
      %parallel_loop3A_609 = tpu.memref_slice %arg11[%parallel_loop3A_606, %parallel_loop3A_607, %parallel_loop3A_608] : memref<2x80x128xi32, #tpu.memory_space<vmem>> -> memref<1x80x128xi32, #tpu.memory_space<vmem>>
      %parallel_loop3A_610 = tpu.memref_squeeze %parallel_loop3A_609 : memref<1x80x128xi32, #tpu.memory_space<vmem>> -> memref<80x128xi32, #tpu.memory_space<vmem>>
      %parallel_loop3A_611 = tpu.vector_load_idx %parallel_loop3A_610[%parallel_loop3A_605, %parallel_loop3A_560] : memref<80x128xi32, #tpu.memory_space<vmem>>[vector<16xi32>, vector<16xi32>], vector<16xi32>,
      %parallel_loop3A_612 = arith.constant 0 : i32
      %parallel_loop3A_613 = arith.constant 0 : i32
      %parallel_loop3A_614 = arith.constant 0 : i32
      %parallel_loop3A_615 = tpu.memref_slice %arg12[%parallel_loop3A_612, %parallel_loop3A_613, %parallel_loop3A_614] : memref<2x80x128xi32, #tpu.memory_space<vmem>> -> memref<1x80x128xi32, #tpu.memory_space<vmem>>
      %parallel_loop3A_616 = tpu.memref_squeeze %parallel_loop3A_615 : memref<1x80x128xi32, #tpu.memory_space<vmem>> -> memref<80x128xi32, #tpu.memory_space<vmem>>
      %parallel_loop3A_617 = tpu.vector_load_idx %parallel_loop3A_616[%parallel_loop3A_605, %parallel_loop3A_560] : memref<80x128xi32, #tpu.memory_space<vmem>>[vector<16xi32>, vector<16xi32>], vector<16xi32>,
      %parallel_loop3A_618 = vector.bitcast %parallel_loop3A_611 : vector<16xi32> to vector<32xbf16>
      %parallel_loop3A_619 = vector.bitcast %parallel_loop3A_617 : vector<16xi32> to vector<32xbf16>
      %parallel_loop3A_620 = arith.mulf %parallel_loop3A_618, %parallel_loop3A_619 : vector<32xbf16>
      %parallel_loop3A_621 = tpu.unpack_subelements %parallel_loop3A_620, 0 {pack_format = #tpu.pack_format<interleaved>} : vector<32xbf16> -> vector<16xf32>
      %parallel_loop3A_622 = tpu.unpack_subelements %parallel_loop3A_620, 1 {pack_format = #tpu.pack_format<interleaved>} : vector<32xbf16> -> vector<16xf32>
      %parallel_loop3A_623 = arith.mulf %parallel_loop3A_621, %parallel_loop3A_566 : vector<16xf32>
      %parallel_loop3A_624 = arith.addf %parallel_loop3A_541, %parallel_loop3A_623 : vector<16xf32>
      %parallel_loop3A_625 = arith.mulf %parallel_loop3A_622, %parallel_loop3A_586 : vector<16xf32>
      %parallel_loop3A_626 = arith.addf %parallel_loop3A_624, %parallel_loop3A_625 : vector<16xf32>
      %parallel_loop3A_627 = arith.mulf %parallel_loop3A_621, %parallel_loop3A_572 : vector<16xf32>
      %parallel_loop3A_628 = arith.addf %parallel_loop3A_542, %parallel_loop3A_627 : vector<16xf32>
      %parallel_loop3A_629 = arith.mulf %parallel_loop3A_622, %parallel_loop3A_594 : vector<16xf32>
      %parallel_loop3A_630 = arith.addf %parallel_loop3A_628, %parallel_loop3A_629 : vector<16xf32>
      %parallel_loop3A_631 = arith.mulf %parallel_loop3A_621, %parallel_loop3A_578 : vector<16xf32>
      %parallel_loop3A_632 = arith.addf %parallel_loop3A_543, %parallel_loop3A_631 : vector<16xf32>
      %parallel_loop3A_633 = arith.mulf %parallel_loop3A_622, %parallel_loop3A_602 : vector<16xf32>
      %parallel_loop3A_634 = arith.addf %parallel_loop3A_632, %parallel_loop3A_633 : vector<16xf32>
      %parallel_loop3A_635 = arith.constant 16 : i32
      %parallel_loop3A_636 = vector.broadcast %parallel_loop3A_635 : i32 to vector<16xi32>
      %parallel_loop3A_637 = arith.addi %iota3A, %parallel_loop3A_636 : vector<16xi32>
      %parallel_loop3A_638 = arith.constant 0 : i32
      %parallel_loop3A_639 = arith.constant 0 : i32
      %parallel_loop3A_640 = arith.constant 0 : i32
      %parallel_loop3A_641 = tpu.memref_slice %arg11[%parallel_loop3A_638, %parallel_loop3A_639, %parallel_loop3A_640] : memref<2x80x128xi32, #tpu.memory_space<vmem>> -> memref<1x80x128xi32, #tpu.memory_space<vmem>>
      %parallel_loop3A_642 = tpu.memref_squeeze %parallel_loop3A_641 : memref<1x80x128xi32, #tpu.memory_space<vmem>> -> memref<80x128xi32, #tpu.memory_space<vmem>>
      %parallel_loop3A_643 = tpu.vector_load_idx %parallel_loop3A_642[%parallel_loop3A_637, %parallel_loop3A_560] : memref<80x128xi32, #tpu.memory_space<vmem>>[vector<16xi32>, vector<16xi32>], vector<16xi32>,
      %parallel_loop3A_644 = arith.constant 0 : i32
      %parallel_loop3A_645 = arith.constant 0 : i32
      %parallel_loop3A_646 = arith.constant 0 : i32
      %parallel_loop3A_647 = tpu.memref_slice %arg12[%parallel_loop3A_644, %parallel_loop3A_645, %parallel_loop3A_646] : memref<2x80x128xi32, #tpu.memory_space<vmem>> -> memref<1x80x128xi32, #tpu.memory_space<vmem>>
      %parallel_loop3A_648 = tpu.memref_squeeze %parallel_loop3A_647 : memref<1x80x128xi32, #tpu.memory_space<vmem>> -> memref<80x128xi32, #tpu.memory_space<vmem>>
      %parallel_loop3A_649 = tpu.vector_load_idx %parallel_loop3A_648[%parallel_loop3A_637, %parallel_loop3A_560] : memref<80x128xi32, #tpu.memory_space<vmem>>[vector<16xi32>, vector<16xi32>], vector<16xi32>,
      %parallel_loop3A_650 = vector.bitcast %parallel_loop3A_643 : vector<16xi32> to vector<32xbf16>
      %parallel_loop3A_651 = vector.bitcast %parallel_loop3A_649 : vector<16xi32> to vector<32xbf16>
      %parallel_loop3A_652 = arith.mulf %parallel_loop3A_650, %parallel_loop3A_651 : vector<32xbf16>
      %parallel_loop3A_653 = tpu.unpack_subelements %parallel_loop3A_652, 0 {pack_format = #tpu.pack_format<interleaved>} : vector<32xbf16> -> vector<16xf32>
      %parallel_loop3A_654 = tpu.unpack_subelements %parallel_loop3A_652, 1 {pack_format = #tpu.pack_format<interleaved>} : vector<32xbf16> -> vector<16xf32>
      %parallel_loop3A_655 = arith.mulf %parallel_loop3A_653, %parallel_loop3A_566 : vector<16xf32>
      %parallel_loop3A_656 = arith.addf %parallel_loop3A_544, %parallel_loop3A_655 : vector<16xf32>
      %parallel_loop3A_657 = arith.mulf %parallel_loop3A_654, %parallel_loop3A_586 : vector<16xf32>
      %parallel_loop3A_658 = arith.addf %parallel_loop3A_656, %parallel_loop3A_657 : vector<16xf32>
      %parallel_loop3A_659 = arith.mulf %parallel_loop3A_653, %parallel_loop3A_572 : vector<16xf32>
      %parallel_loop3A_660 = arith.addf %parallel_loop3A_545, %parallel_loop3A_659 : vector<16xf32>
      %parallel_loop3A_661 = arith.mulf %parallel_loop3A_654, %parallel_loop3A_594 : vector<16xf32>
      %parallel_loop3A_662 = arith.addf %parallel_loop3A_660, %parallel_loop3A_661 : vector<16xf32>
      %parallel_loop3A_663 = arith.mulf %parallel_loop3A_653, %parallel_loop3A_578 : vector<16xf32>
      %parallel_loop3A_664 = arith.addf %parallel_loop3A_546, %parallel_loop3A_663 : vector<16xf32>
      %parallel_loop3A_665 = arith.mulf %parallel_loop3A_654, %parallel_loop3A_602 : vector<16xf32>
      %parallel_loop3A_666 = arith.addf %parallel_loop3A_664, %parallel_loop3A_665 : vector<16xf32>
      %parallel_loop3A_667 = arith.constant 32 : i32
      %parallel_loop3A_668 = vector.broadcast %parallel_loop3A_667 : i32 to vector<16xi32>
      %parallel_loop3A_669 = arith.addi %iota3A, %parallel_loop3A_668 : vector<16xi32>
      %parallel_loop3A_670 = arith.constant 0 : i32
      %parallel_loop3A_671 = arith.constant 0 : i32
      %parallel_loop3A_672 = arith.constant 0 : i32
      %parallel_loop3A_673 = tpu.memref_slice %arg11[%parallel_loop3A_670, %parallel_loop3A_671, %parallel_loop3A_672] : memref<2x80x128xi32, #tpu.memory_space<vmem>> -> memref<1x80x128xi32, #tpu.memory_space<vmem>>
      %parallel_loop3A_674 = tpu.memref_squeeze %parallel_loop3A_673 : memref<1x80x128xi32, #tpu.memory_space<vmem>> -> memref<80x128xi32, #tpu.memory_space<vmem>>
      %parallel_loop3A_675 = tpu.vector_load_idx %parallel_loop3A_674[%parallel_loop3A_669, %parallel_loop3A_560] : memref<80x128xi32, #tpu.memory_space<vmem>>[vector<16xi32>, vector<16xi32>], vector<16xi32>,
      %parallel_loop3A_676 = arith.constant 0 : i32
      %parallel_loop3A_677 = arith.constant 0 : i32
      %parallel_loop3A_678 = arith.constant 0 : i32
      %parallel_loop3A_679 = tpu.memref_slice %arg12[%parallel_loop3A_676, %parallel_loop3A_677, %parallel_loop3A_678] : memref<2x80x128xi32, #tpu.memory_space<vmem>> -> memref<1x80x128xi32, #tpu.memory_space<vmem>>
      %parallel_loop3A_680 = tpu.memref_squeeze %parallel_loop3A_679 : memref<1x80x128xi32, #tpu.memory_space<vmem>> -> memref<80x128xi32, #tpu.memory_space<vmem>>
      %parallel_loop3A_681 = tpu.vector_load_idx %parallel_loop3A_680[%parallel_loop3A_669, %parallel_loop3A_560] : memref<80x128xi32, #tpu.memory_space<vmem>>[vector<16xi32>, vector<16xi32>], vector<16xi32>,
      %parallel_loop3A_682 = vector.bitcast %parallel_loop3A_675 : vector<16xi32> to vector<32xbf16>
      %parallel_loop3A_683 = vector.bitcast %parallel_loop3A_681 : vector<16xi32> to vector<32xbf16>
      %parallel_loop3A_684 = arith.mulf %parallel_loop3A_682, %parallel_loop3A_683 : vector<32xbf16>
      %parallel_loop3A_685 = tpu.unpack_subelements %parallel_loop3A_684, 0 {pack_format = #tpu.pack_format<interleaved>} : vector<32xbf16> -> vector<16xf32>
      %parallel_loop3A_686 = tpu.unpack_subelements %parallel_loop3A_684, 1 {pack_format = #tpu.pack_format<interleaved>} : vector<32xbf16> -> vector<16xf32>
      %parallel_loop3A_687 = arith.mulf %parallel_loop3A_685, %parallel_loop3A_566 : vector<16xf32>
      %parallel_loop3A_688 = arith.addf %parallel_loop3A_547, %parallel_loop3A_687 : vector<16xf32>
      %parallel_loop3A_689 = arith.mulf %parallel_loop3A_686, %parallel_loop3A_586 : vector<16xf32>
      %parallel_loop3A_690 = arith.addf %parallel_loop3A_688, %parallel_loop3A_689 : vector<16xf32>
      %parallel_loop3A_691 = arith.mulf %parallel_loop3A_685, %parallel_loop3A_572 : vector<16xf32>
      %parallel_loop3A_692 = arith.addf %parallel_loop3A_548, %parallel_loop3A_691 : vector<16xf32>
      %parallel_loop3A_693 = arith.mulf %parallel_loop3A_686, %parallel_loop3A_594 : vector<16xf32>
      %parallel_loop3A_694 = arith.addf %parallel_loop3A_692, %parallel_loop3A_693 : vector<16xf32>
      %parallel_loop3A_695 = arith.mulf %parallel_loop3A_685, %parallel_loop3A_578 : vector<16xf32>
      %parallel_loop3A_696 = arith.addf %parallel_loop3A_549, %parallel_loop3A_695 : vector<16xf32>
      %parallel_loop3A_697 = arith.mulf %parallel_loop3A_686, %parallel_loop3A_602 : vector<16xf32>
      %parallel_loop3A_698 = arith.addf %parallel_loop3A_696, %parallel_loop3A_697 : vector<16xf32>
      %parallel_loop3A_699 = arith.constant 48 : i32
      %parallel_loop3A_700 = vector.broadcast %parallel_loop3A_699 : i32 to vector<16xi32>
      %parallel_loop3A_701 = arith.addi %iota3A, %parallel_loop3A_700 : vector<16xi32>
      %parallel_loop3A_702 = arith.constant 0 : i32
      %parallel_loop3A_703 = arith.constant 0 : i32
      %parallel_loop3A_704 = arith.constant 0 : i32
      %parallel_loop3A_705 = tpu.memref_slice %arg11[%parallel_loop3A_702, %parallel_loop3A_703, %parallel_loop3A_704] : memref<2x80x128xi32, #tpu.memory_space<vmem>> -> memref<1x80x128xi32, #tpu.memory_space<vmem>>
      %parallel_loop3A_706 = tpu.memref_squeeze %parallel_loop3A_705 : memref<1x80x128xi32, #tpu.memory_space<vmem>> -> memref<80x128xi32, #tpu.memory_space<vmem>>
      %parallel_loop3A_707 = tpu.vector_load_idx %parallel_loop3A_706[%parallel_loop3A_701, %parallel_loop3A_560] : memref<80x128xi32, #tpu.memory_space<vmem>>[vector<16xi32>, vector<16xi32>], vector<16xi32>,
      %parallel_loop3A_708 = arith.constant 0 : i32
      %parallel_loop3A_709 = arith.constant 0 : i32
      %parallel_loop3A_710 = arith.constant 0 : i32
      %parallel_loop3A_711 = tpu.memref_slice %arg12[%parallel_loop3A_708, %parallel_loop3A_709, %parallel_loop3A_710] : memref<2x80x128xi32, #tpu.memory_space<vmem>> -> memref<1x80x128xi32, #tpu.memory_space<vmem>>
      %parallel_loop3A_712 = tpu.memref_squeeze %parallel_loop3A_711 : memref<1x80x128xi32, #tpu.memory_space<vmem>> -> memref<80x128xi32, #tpu.memory_space<vmem>>
      %parallel_loop3A_713 = tpu.vector_load_idx %parallel_loop3A_712[%parallel_loop3A_701, %parallel_loop3A_560] : memref<80x128xi32, #tpu.memory_space<vmem>>[vector<16xi32>, vector<16xi32>], vector<16xi32>,
      %parallel_loop3A_714 = vector.bitcast %parallel_loop3A_707 : vector<16xi32> to vector<32xbf16>
      %parallel_loop3A_715 = vector.bitcast %parallel_loop3A_713 : vector<16xi32> to vector<32xbf16>
      %parallel_loop3A_716 = arith.mulf %parallel_loop3A_714, %parallel_loop3A_715 : vector<32xbf16>
      %parallel_loop3A_717 = tpu.unpack_subelements %parallel_loop3A_716, 0 {pack_format = #tpu.pack_format<interleaved>} : vector<32xbf16> -> vector<16xf32>
      %parallel_loop3A_718 = tpu.unpack_subelements %parallel_loop3A_716, 1 {pack_format = #tpu.pack_format<interleaved>} : vector<32xbf16> -> vector<16xf32>
      %parallel_loop3A_719 = arith.mulf %parallel_loop3A_717, %parallel_loop3A_566 : vector<16xf32>
      %parallel_loop3A_720 = arith.addf %parallel_loop3A_550, %parallel_loop3A_719 : vector<16xf32>
      %parallel_loop3A_721 = arith.mulf %parallel_loop3A_718, %parallel_loop3A_586 : vector<16xf32>
      %parallel_loop3A_722 = arith.addf %parallel_loop3A_720, %parallel_loop3A_721 : vector<16xf32>
      %parallel_loop3A_723 = arith.mulf %parallel_loop3A_717, %parallel_loop3A_572 : vector<16xf32>
      %parallel_loop3A_724 = arith.addf %parallel_loop3A_551, %parallel_loop3A_723 : vector<16xf32>
      %parallel_loop3A_725 = arith.mulf %parallel_loop3A_718, %parallel_loop3A_594 : vector<16xf32>
      %parallel_loop3A_726 = arith.addf %parallel_loop3A_724, %parallel_loop3A_725 : vector<16xf32>
      %parallel_loop3A_727 = arith.mulf %parallel_loop3A_717, %parallel_loop3A_578 : vector<16xf32>
      %parallel_loop3A_728 = arith.addf %parallel_loop3A_552, %parallel_loop3A_727 : vector<16xf32>
      %parallel_loop3A_729 = arith.mulf %parallel_loop3A_718, %parallel_loop3A_602 : vector<16xf32>
      %parallel_loop3A_730 = arith.addf %parallel_loop3A_728, %parallel_loop3A_729 : vector<16xf32>
      %parallel_loop3A_731 = arith.constant 64 : i32
      %parallel_loop3A_732 = vector.broadcast %parallel_loop3A_731 : i32 to vector<16xi32>
      %parallel_loop3A_733 = arith.addi %iota3A, %parallel_loop3A_732 : vector<16xi32>
      %parallel_loop3A_734 = arith.constant 0 : i32
      %parallel_loop3A_735 = arith.constant 0 : i32
      %parallel_loop3A_736 = arith.constant 0 : i32
      %parallel_loop3A_737 = tpu.memref_slice %arg11[%parallel_loop3A_734, %parallel_loop3A_735, %parallel_loop3A_736] : memref<2x80x128xi32, #tpu.memory_space<vmem>> -> memref<1x80x128xi32, #tpu.memory_space<vmem>>
      %parallel_loop3A_738 = tpu.memref_squeeze %parallel_loop3A_737 : memref<1x80x128xi32, #tpu.memory_space<vmem>> -> memref<80x128xi32, #tpu.memory_space<vmem>>
      %parallel_loop3A_739 = tpu.vector_load_idx %parallel_loop3A_738[%parallel_loop3A_733, %parallel_loop3A_560] : memref<80x128xi32, #tpu.memory_space<vmem>>[vector<16xi32>, vector<16xi32>], vector<16xi32>,
      %parallel_loop3A_740 = arith.constant 0 : i32
      %parallel_loop3A_741 = arith.constant 0 : i32
      %parallel_loop3A_742 = arith.constant 0 : i32
      %parallel_loop3A_743 = tpu.memref_slice %arg12[%parallel_loop3A_740, %parallel_loop3A_741, %parallel_loop3A_742] : memref<2x80x128xi32, #tpu.memory_space<vmem>> -> memref<1x80x128xi32, #tpu.memory_space<vmem>>
      %parallel_loop3A_744 = tpu.memref_squeeze %parallel_loop3A_743 : memref<1x80x128xi32, #tpu.memory_space<vmem>> -> memref<80x128xi32, #tpu.memory_space<vmem>>
      %parallel_loop3A_745 = tpu.vector_load_idx %parallel_loop3A_744[%parallel_loop3A_733, %parallel_loop3A_560] : memref<80x128xi32, #tpu.memory_space<vmem>>[vector<16xi32>, vector<16xi32>], vector<16xi32>,
      %parallel_loop3A_746 = vector.bitcast %parallel_loop3A_739 : vector<16xi32> to vector<32xbf16>
      %parallel_loop3A_747 = vector.bitcast %parallel_loop3A_745 : vector<16xi32> to vector<32xbf16>
      %parallel_loop3A_748 = arith.mulf %parallel_loop3A_746, %parallel_loop3A_747 : vector<32xbf16>
      %parallel_loop3A_749 = tpu.unpack_subelements %parallel_loop3A_748, 0 {pack_format = #tpu.pack_format<interleaved>} : vector<32xbf16> -> vector<16xf32>
      %parallel_loop3A_750 = tpu.unpack_subelements %parallel_loop3A_748, 1 {pack_format = #tpu.pack_format<interleaved>} : vector<32xbf16> -> vector<16xf32>
      %parallel_loop3A_751 = arith.mulf %parallel_loop3A_749, %parallel_loop3A_566 : vector<16xf32>
      %parallel_loop3A_752 = arith.addf %parallel_loop3A_553, %parallel_loop3A_751 : vector<16xf32>
      %parallel_loop3A_753 = arith.mulf %parallel_loop3A_750, %parallel_loop3A_586 : vector<16xf32>
      %parallel_loop3A_754 = arith.addf %parallel_loop3A_752, %parallel_loop3A_753 : vector<16xf32>
      %parallel_loop3A_755 = arith.mulf %parallel_loop3A_749, %parallel_loop3A_572 : vector<16xf32>
      %parallel_loop3A_756 = arith.addf %parallel_loop3A_554, %parallel_loop3A_755 : vector<16xf32>
      %parallel_loop3A_757 = arith.mulf %parallel_loop3A_750, %parallel_loop3A_594 : vector<16xf32>
      %parallel_loop3A_758 = arith.addf %parallel_loop3A_756, %parallel_loop3A_757 : vector<16xf32>
      %parallel_loop3A_759 = arith.mulf %parallel_loop3A_749, %parallel_loop3A_578 : vector<16xf32>
      %parallel_loop3A_760 = arith.addf %parallel_loop3A_555, %parallel_loop3A_759 : vector<16xf32>
      %parallel_loop3A_761 = arith.mulf %parallel_loop3A_750, %parallel_loop3A_602 : vector<16xf32>
      %parallel_loop3A_762 = arith.addf %parallel_loop3A_760, %parallel_loop3A_761 : vector<16xf32>
      scf.yield %parallel_loop3A_626, %parallel_loop3A_630, %parallel_loop3A_634, %parallel_loop3A_658, %parallel_loop3A_662, %parallel_loop3A_666, %parallel_loop3A_690, %parallel_loop3A_694, %parallel_loop3A_698, %parallel_loop3A_722, %parallel_loop3A_726, %parallel_loop3A_730, %parallel_loop3A_754, %parallel_loop3A_758, %parallel_loop3A_762 : vector<16xf32>, vector<16xf32>, vector<16xf32>, vector<16xf32>, vector<16xf32>, vector<16xf32>, vector<16xf32>, vector<16xf32>, vector<16xf32>, vector<16xf32>, vector<16xf32>, vector<16xf32>, vector<16xf32>, vector<16xf32>, vector<16xf32>
    } {sc.loop_unroll_factor = 2 : i64, sc.parallel_access}
    %mul3A_119 = arith.mulf %parallel_loop3A_118#0, %get3A_3 : vector<16xf32>
    %mul3A_120 = arith.mulf %parallel_loop3A_118#1, %get3A_13 : vector<16xf32>
    %add3A_121 = arith.addf %mul3A_119, %mul3A_120 : vector<16xf32>
    %mul3A_122 = arith.mulf %parallel_loop3A_118#2, %get3A_23 : vector<16xf32>
    %add3A_123 = arith.addf %add3A_121, %mul3A_122 : vector<16xf32>
    %swap3A = arith.constant 0 : i32
    %swap3A_124 = arith.constant 0 : i32
    %swap3A_125 = arith.constant 0 : i32
    %swap3A_126 = arith.constant 0 : i32
    %swap3A_127 = tpu.memref_slice %arg13[%swap3A, %swap3A_125, %swap3A_126] : memref<2x8x80xf32, #tpu.memory_space<vmem>> -> memref<1x8x80xf32, #tpu.memory_space<vmem>>
    %swap3A_128 = tpu.memref_squeeze %swap3A_127 : memref<1x8x80xf32, #tpu.memory_space<vmem>> -> memref<8x80xf32, #tpu.memory_space<vmem>>
    %swap3A_129 = arith.index_cast %swap3A_124 : i32 to index
    %swap3A_130 = arith.constant 0 : index
    %swap3A_131 = tpu.vector_load %swap3A_128[%swap3A_129, %swap3A_130] {strides = array<i32>} : memref<8x80xf32, #tpu.memory_space<vmem>>, vector<16xf32>,
    tpu.vector_store %swap3A_128[%swap3A_129, %swap3A_130], %add3A_123 {strides = array<i32>} : memref<8x80xf32, #tpu.memory_space<vmem>>, vector<16xf32>,
    %mul3A_132 = arith.mulf %parallel_loop3A_118#0, %get3A_5 : vector<16xf32>
    %mul3A_133 = arith.mulf %parallel_loop3A_118#1, %get3A_15 : vector<16xf32>
    %add3A_134 = arith.addf %mul3A_132, %mul3A_133 : vector<16xf32>
    %mul3A_135 = arith.mulf %parallel_loop3A_118#2, %get3A_25 : vector<16xf32>
    %add3A_136 = arith.addf %add3A_134, %mul3A_135 : vector<16xf32>
    %swap3A_137 = arith.constant 0 : i32
    %swap3A_138 = arith.constant 1 : i32
    %swap3A_139 = arith.constant 0 : i32
    %swap3A_140 = arith.constant 0 : i32
    %swap3A_141 = tpu.memref_slice %arg13[%swap3A_137, %swap3A_139, %swap3A_140] : memref<2x8x80xf32, #tpu.memory_space<vmem>> -> memref<1x8x80xf32, #tpu.memory_space<vmem>>
    %swap3A_142 = tpu.memref_squeeze %swap3A_141 : memref<1x8x80xf32, #tpu.memory_space<vmem>> -> memref<8x80xf32, #tpu.memory_space<vmem>>
    %swap3A_143 = arith.index_cast %swap3A_138 : i32 to index
    %swap3A_144 = arith.constant 0 : index
    %swap3A_145 = tpu.vector_load %swap3A_142[%swap3A_143, %swap3A_144] {strides = array<i32>} : memref<8x80xf32, #tpu.memory_space<vmem>>, vector<16xf32>,
    tpu.vector_store %swap3A_142[%swap3A_143, %swap3A_144], %add3A_136 {strides = array<i32>} : memref<8x80xf32, #tpu.memory_space<vmem>>, vector<16xf32>,
    %mul3A_146 = arith.mulf %parallel_loop3A_118#0, %get3A_7 : vector<16xf32>
    %mul3A_147 = arith.mulf %parallel_loop3A_118#1, %get3A_17 : vector<16xf32>
    %add3A_148 = arith.addf %mul3A_146, %mul3A_147 : vector<16xf32>
    %mul3A_149 = arith.mulf %parallel_loop3A_118#2, %get3A_27 : vector<16xf32>
    %add3A_150 = arith.addf %add3A_148, %mul3A_149 : vector<16xf32>
    %swap3A_151 = arith.constant 0 : i32
    %swap3A_152 = arith.constant 2 : i32
    %swap3A_153 = arith.constant 0 : i32
    %swap3A_154 = arith.constant 0 : i32
    %swap3A_155 = tpu.memref_slice %arg13[%swap3A_151, %swap3A_153, %swap3A_154] : memref<2x8x80xf32, #tpu.memory_space<vmem>> -> memref<1x8x80xf32, #tpu.memory_space<vmem>>
    %swap3A_156 = tpu.memref_squeeze %swap3A_155 : memref<1x8x80xf32, #tpu.memory_space<vmem>> -> memref<8x80xf32, #tpu.memory_space<vmem>>
    %swap3A_157 = arith.index_cast %swap3A_152 : i32 to index
    %swap3A_158 = arith.constant 0 : index
    %swap3A_159 = tpu.vector_load %swap3A_156[%swap3A_157, %swap3A_158] {strides = array<i32>} : memref<8x80xf32, #tpu.memory_space<vmem>>, vector<16xf32>,
    tpu.vector_store %swap3A_156[%swap3A_157, %swap3A_158], %add3A_150 {strides = array<i32>} : memref<8x80xf32, #tpu.memory_space<vmem>>, vector<16xf32>,
    %mul3A_160 = arith.mulf %parallel_loop3A_118#0, %get3A_9 : vector<16xf32>
    %mul3A_161 = arith.mulf %parallel_loop3A_118#1, %get3A_19 : vector<16xf32>
    %add3A_162 = arith.addf %mul3A_160, %mul3A_161 : vector<16xf32>
    %mul3A_163 = arith.mulf %parallel_loop3A_118#2, %get3A_29 : vector<16xf32>
    %add3A_164 = arith.addf %add3A_162, %mul3A_163 : vector<16xf32>
    %swap3A_165 = arith.constant 0 : i32
    %swap3A_166 = arith.constant 3 : i32
    %swap3A_167 = arith.constant 0 : i32
    %swap3A_168 = arith.constant 0 : i32
    %swap3A_169 = tpu.memref_slice %arg13[%swap3A_165, %swap3A_167, %swap3A_168] : memref<2x8x80xf32, #tpu.memory_space<vmem>> -> memref<1x8x80xf32, #tpu.memory_space<vmem>>
    %swap3A_170 = tpu.memref_squeeze %swap3A_169 : memref<1x8x80xf32, #tpu.memory_space<vmem>> -> memref<8x80xf32, #tpu.memory_space<vmem>>
    %swap3A_171 = arith.index_cast %swap3A_166 : i32 to index
    %swap3A_172 = arith.constant 0 : index
    %swap3A_173 = tpu.vector_load %swap3A_170[%swap3A_171, %swap3A_172] {strides = array<i32>} : memref<8x80xf32, #tpu.memory_space<vmem>>, vector<16xf32>,
    tpu.vector_store %swap3A_170[%swap3A_171, %swap3A_172], %add3A_164 {strides = array<i32>} : memref<8x80xf32, #tpu.memory_space<vmem>>, vector<16xf32>,
    %mul3A_174 = arith.mulf %parallel_loop3A_118#0, %get3A_11 : vector<16xf32>
    %mul3A_175 = arith.mulf %parallel_loop3A_118#1, %get3A_21 : vector<16xf32>
    %add3A_176 = arith.addf %mul3A_174, %mul3A_175 : vector<16xf32>
    %mul3A_177 = arith.mulf %parallel_loop3A_118#2, %get3A_31 : vector<16xf32>
    %add3A_178 = arith.addf %add3A_176, %mul3A_177 : vector<16xf32>
    %swap3A_179 = arith.constant 0 : i32
    %swap3A_180 = arith.constant 4 : i32
    %swap3A_181 = arith.constant 0 : i32
    %swap3A_182 = arith.constant 0 : i32
    %swap3A_183 = tpu.memref_slice %arg13[%swap3A_179, %swap3A_181, %swap3A_182] : memref<2x8x80xf32, #tpu.memory_space<vmem>> -> memref<1x8x80xf32, #tpu.memory_space<vmem>>
    %swap3A_184 = tpu.memref_squeeze %swap3A_183 : memref<1x8x80xf32, #tpu.memory_space<vmem>> -> memref<8x80xf32, #tpu.memory_space<vmem>>
    %swap3A_185 = arith.index_cast %swap3A_180 : i32 to index
    %swap3A_186 = arith.constant 0 : index
    %swap3A_187 = tpu.vector_load %swap3A_184[%swap3A_185, %swap3A_186] {strides = array<i32>} : memref<8x80xf32, #tpu.memory_space<vmem>>, vector<16xf32>,
    tpu.vector_store %swap3A_184[%swap3A_185, %swap3A_186], %add3A_178 {strides = array<i32>} : memref<8x80xf32, #tpu.memory_space<vmem>>, vector<16xf32>,
    %mul3A_188 = arith.mulf %parallel_loop3A_118#3, %get3A_3 : vector<16xf32>
    %mul3A_189 = arith.mulf %parallel_loop3A_118#4, %get3A_13 : vector<16xf32>
    %add3A_190 = arith.addf %mul3A_188, %mul3A_189 : vector<16xf32>
    %mul3A_191 = arith.mulf %parallel_loop3A_118#5, %get3A_23 : vector<16xf32>
    %add3A_192 = arith.addf %add3A_190, %mul3A_191 : vector<16xf32>
    %swap3A_193 = arith.constant 0 : i32
    %swap3A_194 = arith.constant 0 : i32
    %swap3A_195 = arith.constant 0 : i32
    %swap3A_196 = arith.constant 0 : i32
    %swap3A_197 = tpu.memref_slice %arg13[%swap3A_193, %swap3A_195, %swap3A_196] : memref<2x8x80xf32, #tpu.memory_space<vmem>> -> memref<1x8x80xf32, #tpu.memory_space<vmem>>
    %swap3A_198 = tpu.memref_squeeze %swap3A_197 : memref<1x8x80xf32, #tpu.memory_space<vmem>> -> memref<8x80xf32, #tpu.memory_space<vmem>>
    %swap3A_199 = arith.index_cast %swap3A_194 : i32 to index
    %swap3A_200 = arith.constant 16 : index
    %swap3A_201 = tpu.vector_load %swap3A_198[%swap3A_199, %swap3A_200] {strides = array<i32>} : memref<8x80xf32, #tpu.memory_space<vmem>>, vector<16xf32>,
    tpu.vector_store %swap3A_198[%swap3A_199, %swap3A_200], %add3A_192 {strides = array<i32>} : memref<8x80xf32, #tpu.memory_space<vmem>>, vector<16xf32>,
    %mul3A_202 = arith.mulf %parallel_loop3A_118#3, %get3A_5 : vector<16xf32>
    %mul3A_203 = arith.mulf %parallel_loop3A_118#4, %get3A_15 : vector<16xf32>
    %add3A_204 = arith.addf %mul3A_202, %mul3A_203 : vector<16xf32>
    %mul3A_205 = arith.mulf %parallel_loop3A_118#5, %get3A_25 : vector<16xf32>
    %add3A_206 = arith.addf %add3A_204, %mul3A_205 : vector<16xf32>
    %swap3A_207 = arith.constant 0 : i32
    %swap3A_208 = arith.constant 1 : i32
    %swap3A_209 = arith.constant 0 : i32
    %swap3A_210 = arith.constant 0 : i32
    %swap3A_211 = tpu.memref_slice %arg13[%swap3A_207, %swap3A_209, %swap3A_210] : memref<2x8x80xf32, #tpu.memory_space<vmem>> -> memref<1x8x80xf32, #tpu.memory_space<vmem>>
    %swap3A_212 = tpu.memref_squeeze %swap3A_211 : memref<1x8x80xf32, #tpu.memory_space<vmem>> -> memref<8x80xf32, #tpu.memory_space<vmem>>
    %swap3A_213 = arith.index_cast %swap3A_208 : i32 to index
    %swap3A_214 = arith.constant 16 : index
    %swap3A_215 = tpu.vector_load %swap3A_212[%swap3A_213, %swap3A_214] {strides = array<i32>} : memref<8x80xf32, #tpu.memory_space<vmem>>, vector<16xf32>,
    tpu.vector_store %swap3A_212[%swap3A_213, %swap3A_214], %add3A_206 {strides = array<i32>} : memref<8x80xf32, #tpu.memory_space<vmem>>, vector<16xf32>,
    %mul3A_216 = arith.mulf %parallel_loop3A_118#3, %get3A_7 : vector<16xf32>
    %mul3A_217 = arith.mulf %parallel_loop3A_118#4, %get3A_17 : vector<16xf32>
    %add3A_218 = arith.addf %mul3A_216, %mul3A_217 : vector<16xf32>
    %mul3A_219 = arith.mulf %parallel_loop3A_118#5, %get3A_27 : vector<16xf32>
    %add3A_220 = arith.addf %add3A_218, %mul3A_219 : vector<16xf32>
    %swap3A_221 = arith.constant 0 : i32
    %swap3A_222 = arith.constant 2 : i32
    %swap3A_223 = arith.constant 0 : i32
    %swap3A_224 = arith.constant 0 : i32
    %swap3A_225 = tpu.memref_slice %arg13[%swap3A_221, %swap3A_223, %swap3A_224] : memref<2x8x80xf32, #tpu.memory_space<vmem>> -> memref<1x8x80xf32, #tpu.memory_space<vmem>>
    %swap3A_226 = tpu.memref_squeeze %swap3A_225 : memref<1x8x80xf32, #tpu.memory_space<vmem>> -> memref<8x80xf32, #tpu.memory_space<vmem>>
    %swap3A_227 = arith.index_cast %swap3A_222 : i32 to index
    %swap3A_228 = arith.constant 16 : index
    %swap3A_229 = tpu.vector_load %swap3A_226[%swap3A_227, %swap3A_228] {strides = array<i32>} : memref<8x80xf32, #tpu.memory_space<vmem>>, vector<16xf32>,
    tpu.vector_store %swap3A_226[%swap3A_227, %swap3A_228], %add3A_220 {strides = array<i32>} : memref<8x80xf32, #tpu.memory_space<vmem>>, vector<16xf32>,
    %mul3A_230 = arith.mulf %parallel_loop3A_118#3, %get3A_9 : vector<16xf32>
    %mul3A_231 = arith.mulf %parallel_loop3A_118#4, %get3A_19 : vector<16xf32>
    %add3A_232 = arith.addf %mul3A_230, %mul3A_231 : vector<16xf32>
    %mul3A_233 = arith.mulf %parallel_loop3A_118#5, %get3A_29 : vector<16xf32>
    %add3A_234 = arith.addf %add3A_232, %mul3A_233 : vector<16xf32>
    %swap3A_235 = arith.constant 0 : i32
    %swap3A_236 = arith.constant 3 : i32
    %swap3A_237 = arith.constant 0 : i32
    %swap3A_238 = arith.constant 0 : i32
    %swap3A_239 = tpu.memref_slice %arg13[%swap3A_235, %swap3A_237, %swap3A_238] : memref<2x8x80xf32, #tpu.memory_space<vmem>> -> memref<1x8x80xf32, #tpu.memory_space<vmem>>
    %swap3A_240 = tpu.memref_squeeze %swap3A_239 : memref<1x8x80xf32, #tpu.memory_space<vmem>> -> memref<8x80xf32, #tpu.memory_space<vmem>>
    %swap3A_241 = arith.index_cast %swap3A_236 : i32 to index
    %swap3A_242 = arith.constant 16 : index
    %swap3A_243 = tpu.vector_load %swap3A_240[%swap3A_241, %swap3A_242] {strides = array<i32>} : memref<8x80xf32, #tpu.memory_space<vmem>>, vector<16xf32>,
    tpu.vector_store %swap3A_240[%swap3A_241, %swap3A_242], %add3A_234 {strides = array<i32>} : memref<8x80xf32, #tpu.memory_space<vmem>>, vector<16xf32>,
    %mul3A_244 = arith.mulf %parallel_loop3A_118#3, %get3A_11 : vector<16xf32>
    %mul3A_245 = arith.mulf %parallel_loop3A_118#4, %get3A_21 : vector<16xf32>
    %add3A_246 = arith.addf %mul3A_244, %mul3A_245 : vector<16xf32>
    %mul3A_247 = arith.mulf %parallel_loop3A_118#5, %get3A_31 : vector<16xf32>
    %add3A_248 = arith.addf %add3A_246, %mul3A_247 : vector<16xf32>
    %swap3A_249 = arith.constant 0 : i32
    %swap3A_250 = arith.constant 4 : i32
    %swap3A_251 = arith.constant 0 : i32
    %swap3A_252 = arith.constant 0 : i32
    %swap3A_253 = tpu.memref_slice %arg13[%swap3A_249, %swap3A_251, %swap3A_252] : memref<2x8x80xf32, #tpu.memory_space<vmem>> -> memref<1x8x80xf32, #tpu.memory_space<vmem>>
    %swap3A_254 = tpu.memref_squeeze %swap3A_253 : memref<1x8x80xf32, #tpu.memory_space<vmem>> -> memref<8x80xf32, #tpu.memory_space<vmem>>
    %swap3A_255 = arith.index_cast %swap3A_250 : i32 to index
    %swap3A_256 = arith.constant 16 : index
    %swap3A_257 = tpu.vector_load %swap3A_254[%swap3A_255, %swap3A_256] {strides = array<i32>} : memref<8x80xf32, #tpu.memory_space<vmem>>, vector<16xf32>,
    tpu.vector_store %swap3A_254[%swap3A_255, %swap3A_256], %add3A_248 {strides = array<i32>} : memref<8x80xf32, #tpu.memory_space<vmem>>, vector<16xf32>,
    %mul3A_258 = arith.mulf %parallel_loop3A_118#6, %get3A_3 : vector<16xf32>
    %mul3A_259 = arith.mulf %parallel_loop3A_118#7, %get3A_13 : vector<16xf32>
    %add3A_260 = arith.addf %mul3A_258, %mul3A_259 : vector<16xf32>
    %mul3A_261 = arith.mulf %parallel_loop3A_118#8, %get3A_23 : vector<16xf32>
    %add3A_262 = arith.addf %add3A_260, %mul3A_261 : vector<16xf32>
    %swap3A_263 = arith.constant 0 : i32
    %swap3A_264 = arith.constant 0 : i32
    %swap3A_265 = arith.constant 0 : i32
    %swap3A_266 = arith.constant 0 : i32
    %swap3A_267 = tpu.memref_slice %arg13[%swap3A_263, %swap3A_265, %swap3A_266] : memref<2x8x80xf32, #tpu.memory_space<vmem>> -> memref<1x8x80xf32, #tpu.memory_space<vmem>>
    %swap3A_268 = tpu.memref_squeeze %swap3A_267 : memref<1x8x80xf32, #tpu.memory_space<vmem>> -> memref<8x80xf32, #tpu.memory_space<vmem>>
    %swap3A_269 = arith.index_cast %swap3A_264 : i32 to index
    %swap3A_270 = arith.constant 32 : index
    %swap3A_271 = tpu.vector_load %swap3A_268[%swap3A_269, %swap3A_270] {strides = array<i32>} : memref<8x80xf32, #tpu.memory_space<vmem>>, vector<16xf32>,
    tpu.vector_store %swap3A_268[%swap3A_269, %swap3A_270], %add3A_262 {strides = array<i32>} : memref<8x80xf32, #tpu.memory_space<vmem>>, vector<16xf32>,
    %mul3A_272 = arith.mulf %parallel_loop3A_118#6, %get3A_5 : vector<16xf32>
    %mul3A_273 = arith.mulf %parallel_loop3A_118#7, %get3A_15 : vector<16xf32>
    %add3A_274 = arith.addf %mul3A_272, %mul3A_273 : vector<16xf32>
    %mul3A_275 = arith.mulf %parallel_loop3A_118#8, %get3A_25 : vector<16xf32>
    %add3A_276 = arith.addf %add3A_274, %mul3A_275 : vector<16xf32>
    %swap3A_277 = arith.constant 0 : i32
    %swap3A_278 = arith.constant 1 : i32
    %swap3A_279 = arith.constant 0 : i32
    %swap3A_280 = arith.constant 0 : i32
    %swap3A_281 = tpu.memref_slice %arg13[%swap3A_277, %swap3A_279, %swap3A_280] : memref<2x8x80xf32, #tpu.memory_space<vmem>> -> memref<1x8x80xf32, #tpu.memory_space<vmem>>
    %swap3A_282 = tpu.memref_squeeze %swap3A_281 : memref<1x8x80xf32, #tpu.memory_space<vmem>> -> memref<8x80xf32, #tpu.memory_space<vmem>>
    %swap3A_283 = arith.index_cast %swap3A_278 : i32 to index
    %swap3A_284 = arith.constant 32 : index
    %swap3A_285 = tpu.vector_load %swap3A_282[%swap3A_283, %swap3A_284] {strides = array<i32>} : memref<8x80xf32, #tpu.memory_space<vmem>>, vector<16xf32>,
    tpu.vector_store %swap3A_282[%swap3A_283, %swap3A_284], %add3A_276 {strides = array<i32>} : memref<8x80xf32, #tpu.memory_space<vmem>>, vector<16xf32>,
    %mul3A_286 = arith.mulf %parallel_loop3A_118#6, %get3A_7 : vector<16xf32>
    %mul3A_287 = arith.mulf %parallel_loop3A_118#7, %get3A_17 : vector<16xf32>
    %add3A_288 = arith.addf %mul3A_286, %mul3A_287 : vector<16xf32>
    %mul3A_289 = arith.mulf %parallel_loop3A_118#8, %get3A_27 : vector<16xf32>
    %add3A_290 = arith.addf %add3A_288, %mul3A_289 : vector<16xf32>
    %swap3A_291 = arith.constant 0 : i32
    %swap3A_292 = arith.constant 2 : i32
    %swap3A_293 = arith.constant 0 : i32
    %swap3A_294 = arith.constant 0 : i32
    %swap3A_295 = tpu.memref_slice %arg13[%swap3A_291, %swap3A_293, %swap3A_294] : memref<2x8x80xf32, #tpu.memory_space<vmem>> -> memref<1x8x80xf32, #tpu.memory_space<vmem>>
    %swap3A_296 = tpu.memref_squeeze %swap3A_295 : memref<1x8x80xf32, #tpu.memory_space<vmem>> -> memref<8x80xf32, #tpu.memory_space<vmem>>
    %swap3A_297 = arith.index_cast %swap3A_292 : i32 to index
    %swap3A_298 = arith.constant 32 : index
    %swap3A_299 = tpu.vector_load %swap3A_296[%swap3A_297, %swap3A_298] {strides = array<i32>} : memref<8x80xf32, #tpu.memory_space<vmem>>, vector<16xf32>,
    tpu.vector_store %swap3A_296[%swap3A_297, %swap3A_298], %add3A_290 {strides = array<i32>} : memref<8x80xf32, #tpu.memory_space<vmem>>, vector<16xf32>,
    %mul3A_300 = arith.mulf %parallel_loop3A_118#6, %get3A_9 : vector<16xf32>
    %mul3A_301 = arith.mulf %parallel_loop3A_118#7, %get3A_19 : vector<16xf32>
    %add3A_302 = arith.addf %mul3A_300, %mul3A_301 : vector<16xf32>
    %mul3A_303 = arith.mulf %parallel_loop3A_118#8, %get3A_29 : vector<16xf32>
    %add3A_304 = arith.addf %add3A_302, %mul3A_303 : vector<16xf32>
    %swap3A_305 = arith.constant 0 : i32
    %swap3A_306 = arith.constant 3 : i32
    %swap3A_307 = arith.constant 0 : i32
    %swap3A_308 = arith.constant 0 : i32
    %swap3A_309 = tpu.memref_slice %arg13[%swap3A_305, %swap3A_307, %swap3A_308] : memref<2x8x80xf32, #tpu.memory_space<vmem>> -> memref<1x8x80xf32, #tpu.memory_space<vmem>>
    %swap3A_310 = tpu.memref_squeeze %swap3A_309 : memref<1x8x80xf32, #tpu.memory_space<vmem>> -> memref<8x80xf32, #tpu.memory_space<vmem>>
    %swap3A_311 = arith.index_cast %swap3A_306 : i32 to index
    %swap3A_312 = arith.constant 32 : index
    %swap3A_313 = tpu.vector_load %swap3A_310[%swap3A_311, %swap3A_312] {strides = array<i32>} : memref<8x80xf32, #tpu.memory_space<vmem>>, vector<16xf32>,
    tpu.vector_store %swap3A_310[%swap3A_311, %swap3A_312], %add3A_304 {strides = array<i32>} : memref<8x80xf32, #tpu.memory_space<vmem>>, vector<16xf32>,
    %mul3A_314 = arith.mulf %parallel_loop3A_118#6, %get3A_11 : vector<16xf32>
    %mul3A_315 = arith.mulf %parallel_loop3A_118#7, %get3A_21 : vector<16xf32>
    %add3A_316 = arith.addf %mul3A_314, %mul3A_315 : vector<16xf32>
    %mul3A_317 = arith.mulf %parallel_loop3A_118#8, %get3A_31 : vector<16xf32>
    %add3A_318 = arith.addf %add3A_316, %mul3A_317 : vector<16xf32>
    %swap3A_319 = arith.constant 0 : i32
    %swap3A_320 = arith.constant 4 : i32
    %swap3A_321 = arith.constant 0 : i32
    %swap3A_322 = arith.constant 0 : i32
    %swap3A_323 = tpu.memref_slice %arg13[%swap3A_319, %swap3A_321, %swap3A_322] : memref<2x8x80xf32, #tpu.memory_space<vmem>> -> memref<1x8x80xf32, #tpu.memory_space<vmem>>
    %swap3A_324 = tpu.memref_squeeze %swap3A_323 : memref<1x8x80xf32, #tpu.memory_space<vmem>> -> memref<8x80xf32, #tpu.memory_space<vmem>>
    %swap3A_325 = arith.index_cast %swap3A_320 : i32 to index
    %swap3A_326 = arith.constant 32 : index
    %swap3A_327 = tpu.vector_load %swap3A_324[%swap3A_325, %swap3A_326] {strides = array<i32>} : memref<8x80xf32, #tpu.memory_space<vmem>>, vector<16xf32>,
    tpu.vector_store %swap3A_324[%swap3A_325, %swap3A_326], %add3A_318 {strides = array<i32>} : memref<8x80xf32, #tpu.memory_space<vmem>>, vector<16xf32>,
    %mul3A_328 = arith.mulf %parallel_loop3A_118#9, %get3A_3 : vector<16xf32>
    %mul3A_329 = arith.mulf %parallel_loop3A_118#10, %get3A_13 : vector<16xf32>
    %add3A_330 = arith.addf %mul3A_328, %mul3A_329 : vector<16xf32>
    %mul3A_331 = arith.mulf %parallel_loop3A_118#11, %get3A_23 : vector<16xf32>
    %add3A_332 = arith.addf %add3A_330, %mul3A_331 : vector<16xf32>
    %swap3A_333 = arith.constant 0 : i32
    %swap3A_334 = arith.constant 0 : i32
    %swap3A_335 = arith.constant 0 : i32
    %swap3A_336 = arith.constant 0 : i32
    %swap3A_337 = tpu.memref_slice %arg13[%swap3A_333, %swap3A_335, %swap3A_336] : memref<2x8x80xf32, #tpu.memory_space<vmem>> -> memref<1x8x80xf32, #tpu.memory_space<vmem>>
    %swap3A_338 = tpu.memref_squeeze %swap3A_337 : memref<1x8x80xf32, #tpu.memory_space<vmem>> -> memref<8x80xf32, #tpu.memory_space<vmem>>
    %swap3A_339 = arith.index_cast %swap3A_334 : i32 to index
    %swap3A_340 = arith.constant 48 : index
    %swap3A_341 = tpu.vector_load %swap3A_338[%swap3A_339, %swap3A_340] {strides = array<i32>} : memref<8x80xf32, #tpu.memory_space<vmem>>, vector<16xf32>,
    tpu.vector_store %swap3A_338[%swap3A_339, %swap3A_340], %add3A_332 {strides = array<i32>} : memref<8x80xf32, #tpu.memory_space<vmem>>, vector<16xf32>,
    %mul3A_342 = arith.mulf %parallel_loop3A_118#9, %get3A_5 : vector<16xf32>
    %mul3A_343 = arith.mulf %parallel_loop3A_118#10, %get3A_15 : vector<16xf32>
    %add3A_344 = arith.addf %mul3A_342, %mul3A_343 : vector<16xf32>
    %mul3A_345 = arith.mulf %parallel_loop3A_118#11, %get3A_25 : vector<16xf32>
    %add3A_346 = arith.addf %add3A_344, %mul3A_345 : vector<16xf32>
    %swap3A_347 = arith.constant 0 : i32
    %swap3A_348 = arith.constant 1 : i32
    %swap3A_349 = arith.constant 0 : i32
    %swap3A_350 = arith.constant 0 : i32
    %swap3A_351 = tpu.memref_slice %arg13[%swap3A_347, %swap3A_349, %swap3A_350] : memref<2x8x80xf32, #tpu.memory_space<vmem>> -> memref<1x8x80xf32, #tpu.memory_space<vmem>>
    %swap3A_352 = tpu.memref_squeeze %swap3A_351 : memref<1x8x80xf32, #tpu.memory_space<vmem>> -> memref<8x80xf32, #tpu.memory_space<vmem>>
    %swap3A_353 = arith.index_cast %swap3A_348 : i32 to index
    %swap3A_354 = arith.constant 48 : index
    %swap3A_355 = tpu.vector_load %swap3A_352[%swap3A_353, %swap3A_354] {strides = array<i32>} : memref<8x80xf32, #tpu.memory_space<vmem>>, vector<16xf32>,
    tpu.vector_store %swap3A_352[%swap3A_353, %swap3A_354], %add3A_346 {strides = array<i32>} : memref<8x80xf32, #tpu.memory_space<vmem>>, vector<16xf32>,
    %mul3A_356 = arith.mulf %parallel_loop3A_118#9, %get3A_7 : vector<16xf32>
    %mul3A_357 = arith.mulf %parallel_loop3A_118#10, %get3A_17 : vector<16xf32>
    %add3A_358 = arith.addf %mul3A_356, %mul3A_357 : vector<16xf32>
    %mul3A_359 = arith.mulf %parallel_loop3A_118#11, %get3A_27 : vector<16xf32>
    %add3A_360 = arith.addf %add3A_358, %mul3A_359 : vector<16xf32>
    %swap3A_361 = arith.constant 0 : i32
    %swap3A_362 = arith.constant 2 : i32
    %swap3A_363 = arith.constant 0 : i32
    %swap3A_364 = arith.constant 0 : i32
    %swap3A_365 = tpu.memref_slice %arg13[%swap3A_361, %swap3A_363, %swap3A_364] : memref<2x8x80xf32, #tpu.memory_space<vmem>> -> memref<1x8x80xf32, #tpu.memory_space<vmem>>
    %swap3A_366 = tpu.memref_squeeze %swap3A_365 : memref<1x8x80xf32, #tpu.memory_space<vmem>> -> memref<8x80xf32, #tpu.memory_space<vmem>>
    %swap3A_367 = arith.index_cast %swap3A_362 : i32 to index
    %swap3A_368 = arith.constant 48 : index
    %swap3A_369 = tpu.vector_load %swap3A_366[%swap3A_367, %swap3A_368] {strides = array<i32>} : memref<8x80xf32, #tpu.memory_space<vmem>>, vector<16xf32>,
    tpu.vector_store %swap3A_366[%swap3A_367, %swap3A_368], %add3A_360 {strides = array<i32>} : memref<8x80xf32, #tpu.memory_space<vmem>>, vector<16xf32>,
    %mul3A_370 = arith.mulf %parallel_loop3A_118#9, %get3A_9 : vector<16xf32>
    %mul3A_371 = arith.mulf %parallel_loop3A_118#10, %get3A_19 : vector<16xf32>
    %add3A_372 = arith.addf %mul3A_370, %mul3A_371 : vector<16xf32>
    %mul3A_373 = arith.mulf %parallel_loop3A_118#11, %get3A_29 : vector<16xf32>
    %add3A_374 = arith.addf %add3A_372, %mul3A_373 : vector<16xf32>
    %swap3A_375 = arith.constant 0 : i32
    %swap3A_376 = arith.constant 3 : i32
    %swap3A_377 = arith.constant 0 : i32
    %swap3A_378 = arith.constant 0 : i32
    %swap3A_379 = tpu.memref_slice %arg13[%swap3A_375, %swap3A_377, %swap3A_378] : memref<2x8x80xf32, #tpu.memory_space<vmem>> -> memref<1x8x80xf32, #tpu.memory_space<vmem>>
    %swap3A_380 = tpu.memref_squeeze %swap3A_379 : memref<1x8x80xf32, #tpu.memory_space<vmem>> -> memref<8x80xf32, #tpu.memory_space<vmem>>
    %swap3A_381 = arith.index_cast %swap3A_376 : i32 to index
    %swap3A_382 = arith.constant 48 : index
    %swap3A_383 = tpu.vector_load %swap3A_380[%swap3A_381, %swap3A_382] {strides = array<i32>} : memref<8x80xf32, #tpu.memory_space<vmem>>, vector<16xf32>,
    tpu.vector_store %swap3A_380[%swap3A_381, %swap3A_382], %add3A_374 {strides = array<i32>} : memref<8x80xf32, #tpu.memory_space<vmem>>, vector<16xf32>,
    %mul3A_384 = arith.mulf %parallel_loop3A_118#9, %get3A_11 : vector<16xf32>
    %mul3A_385 = arith.mulf %parallel_loop3A_118#10, %get3A_21 : vector<16xf32>
    %add3A_386 = arith.addf %mul3A_384, %mul3A_385 : vector<16xf32>
    %mul3A_387 = arith.mulf %parallel_loop3A_118#11, %get3A_31 : vector<16xf32>
    %add3A_388 = arith.addf %add3A_386, %mul3A_387 : vector<16xf32>
    %swap3A_389 = arith.constant 0 : i32
    %swap3A_390 = arith.constant 4 : i32
    %swap3A_391 = arith.constant 0 : i32
    %swap3A_392 = arith.constant 0 : i32
    %swap3A_393 = tpu.memref_slice %arg13[%swap3A_389, %swap3A_391, %swap3A_392] : memref<2x8x80xf32, #tpu.memory_space<vmem>> -> memref<1x8x80xf32, #tpu.memory_space<vmem>>
    %swap3A_394 = tpu.memref_squeeze %swap3A_393 : memref<1x8x80xf32, #tpu.memory_space<vmem>> -> memref<8x80xf32, #tpu.memory_space<vmem>>
    %swap3A_395 = arith.index_cast %swap3A_390 : i32 to index
    %swap3A_396 = arith.constant 48 : index
    %swap3A_397 = tpu.vector_load %swap3A_394[%swap3A_395, %swap3A_396] {strides = array<i32>} : memref<8x80xf32, #tpu.memory_space<vmem>>, vector<16xf32>,
    tpu.vector_store %swap3A_394[%swap3A_395, %swap3A_396], %add3A_388 {strides = array<i32>} : memref<8x80xf32, #tpu.memory_space<vmem>>, vector<16xf32>,
    %mul3A_398 = arith.mulf %parallel_loop3A_118#12, %get3A_3 : vector<16xf32>
    %mul3A_399 = arith.mulf %parallel_loop3A_118#13, %get3A_13 : vector<16xf32>
    %add3A_400 = arith.addf %mul3A_398, %mul3A_399 : vector<16xf32>
    %mul3A_401 = arith.mulf %parallel_loop3A_118#14, %get3A_23 : vector<16xf32>
    %add3A_402 = arith.addf %add3A_400, %mul3A_401 : vector<16xf32>
    %swap3A_403 = arith.constant 0 : i32
    %swap3A_404 = arith.constant 0 : i32
    %swap3A_405 = arith.constant 0 : i32
    %swap3A_406 = arith.constant 0 : i32
    %swap3A_407 = tpu.memref_slice %arg13[%swap3A_403, %swap3A_405, %swap3A_406] : memref<2x8x80xf32, #tpu.memory_space<vmem>> -> memref<1x8x80xf32, #tpu.memory_space<vmem>>
    %swap3A_408 = tpu.memref_squeeze %swap3A_407 : memref<1x8x80xf32, #tpu.memory_space<vmem>> -> memref<8x80xf32, #tpu.memory_space<vmem>>
    %swap3A_409 = arith.index_cast %swap3A_404 : i32 to index
    %swap3A_410 = arith.constant 64 : index
    %swap3A_411 = tpu.vector_load %swap3A_408[%swap3A_409, %swap3A_410] {strides = array<i32>} : memref<8x80xf32, #tpu.memory_space<vmem>>, vector<16xf32>,
    tpu.vector_store %swap3A_408[%swap3A_409, %swap3A_410], %add3A_402 {strides = array<i32>} : memref<8x80xf32, #tpu.memory_space<vmem>>, vector<16xf32>,
    %mul3A_412 = arith.mulf %parallel_loop3A_118#12, %get3A_5 : vector<16xf32>
    %mul3A_413 = arith.mulf %parallel_loop3A_118#13, %get3A_15 : vector<16xf32>
    %add3A_414 = arith.addf %mul3A_412, %mul3A_413 : vector<16xf32>
    %mul3A_415 = arith.mulf %parallel_loop3A_118#14, %get3A_25 : vector<16xf32>
    %add3A_416 = arith.addf %add3A_414, %mul3A_415 : vector<16xf32>
    %swap3A_417 = arith.constant 0 : i32
    %swap3A_418 = arith.constant 1 : i32
    %swap3A_419 = arith.constant 0 : i32
    %swap3A_420 = arith.constant 0 : i32
    %swap3A_421 = tpu.memref_slice %arg13[%swap3A_417, %swap3A_419, %swap3A_420] : memref<2x8x80xf32, #tpu.memory_space<vmem>> -> memref<1x8x80xf32, #tpu.memory_space<vmem>>
    %swap3A_422 = tpu.memref_squeeze %swap3A_421 : memref<1x8x80xf32, #tpu.memory_space<vmem>> -> memref<8x80xf32, #tpu.memory_space<vmem>>
    %swap3A_423 = arith.index_cast %swap3A_418 : i32 to index
    %swap3A_424 = arith.constant 64 : index
    %swap3A_425 = tpu.vector_load %swap3A_422[%swap3A_423, %swap3A_424] {strides = array<i32>} : memref<8x80xf32, #tpu.memory_space<vmem>>, vector<16xf32>,
    tpu.vector_store %swap3A_422[%swap3A_423, %swap3A_424], %add3A_416 {strides = array<i32>} : memref<8x80xf32, #tpu.memory_space<vmem>>, vector<16xf32>,
    %mul3A_426 = arith.mulf %parallel_loop3A_118#12, %get3A_7 : vector<16xf32>
    %mul3A_427 = arith.mulf %parallel_loop3A_118#13, %get3A_17 : vector<16xf32>
    %add3A_428 = arith.addf %mul3A_426, %mul3A_427 : vector<16xf32>
    %mul3A_429 = arith.mulf %parallel_loop3A_118#14, %get3A_27 : vector<16xf32>
    %add3A_430 = arith.addf %add3A_428, %mul3A_429 : vector<16xf32>
    %swap3A_431 = arith.constant 0 : i32
    %swap3A_432 = arith.constant 2 : i32
    %swap3A_433 = arith.constant 0 : i32
    %swap3A_434 = arith.constant 0 : i32
    %swap3A_435 = tpu.memref_slice %arg13[%swap3A_431, %swap3A_433, %swap3A_434] : memref<2x8x80xf32, #tpu.memory_space<vmem>> -> memref<1x8x80xf32, #tpu.memory_space<vmem>>
    %swap3A_436 = tpu.memref_squeeze %swap3A_435 : memref<1x8x80xf32, #tpu.memory_space<vmem>> -> memref<8x80xf32, #tpu.memory_space<vmem>>
    %swap3A_437 = arith.index_cast %swap3A_432 : i32 to index
    %swap3A_438 = arith.constant 64 : index
    %swap3A_439 = tpu.vector_load %swap3A_436[%swap3A_437, %swap3A_438] {strides = array<i32>} : memref<8x80xf32, #tpu.memory_space<vmem>>, vector<16xf32>,
    tpu.vector_store %swap3A_436[%swap3A_437, %swap3A_438], %add3A_430 {strides = array<i32>} : memref<8x80xf32, #tpu.memory_space<vmem>>, vector<16xf32>,
    %mul3A_440 = arith.mulf %parallel_loop3A_118#12, %get3A_9 : vector<16xf32>
    %mul3A_441 = arith.mulf %parallel_loop3A_118#13, %get3A_19 : vector<16xf32>
    %add3A_442 = arith.addf %mul3A_440, %mul3A_441 : vector<16xf32>
    %mul3A_443 = arith.mulf %parallel_loop3A_118#14, %get3A_29 : vector<16xf32>
    %add3A_444 = arith.addf %add3A_442, %mul3A_443 : vector<16xf32>
    %swap3A_445 = arith.constant 0 : i32
    %swap3A_446 = arith.constant 3 : i32
    %swap3A_447 = arith.constant 0 : i32
    %swap3A_448 = arith.constant 0 : i32
    %swap3A_449 = tpu.memref_slice %arg13[%swap3A_445, %swap3A_447, %swap3A_448] : memref<2x8x80xf32, #tpu.memory_space<vmem>> -> memref<1x8x80xf32, #tpu.memory_space<vmem>>
    %swap3A_450 = tpu.memref_squeeze %swap3A_449 : memref<1x8x80xf32, #tpu.memory_space<vmem>> -> memref<8x80xf32, #tpu.memory_space<vmem>>
    %swap3A_451 = arith.index_cast %swap3A_446 : i32 to index
    %swap3A_452 = arith.constant 64 : index
    %swap3A_453 = tpu.vector_load %swap3A_450[%swap3A_451, %swap3A_452] {strides = array<i32>} : memref<8x80xf32, #tpu.memory_space<vmem>>, vector<16xf32>,
    tpu.vector_store %swap3A_450[%swap3A_451, %swap3A_452], %add3A_444 {strides = array<i32>} : memref<8x80xf32, #tpu.memory_space<vmem>>, vector<16xf32>,
    %mul3A_454 = arith.mulf %parallel_loop3A_118#12, %get3A_11 : vector<16xf32>
    %mul3A_455 = arith.mulf %parallel_loop3A_118#13, %get3A_21 : vector<16xf32>
    %add3A_456 = arith.addf %mul3A_454, %mul3A_455 : vector<16xf32>
    %mul3A_457 = arith.mulf %parallel_loop3A_118#14, %get3A_31 : vector<16xf32>
    %add3A_458 = arith.addf %add3A_456, %mul3A_457 : vector<16xf32>
    %swap3A_459 = arith.constant 0 : i32
    %swap3A_460 = arith.constant 4 : i32
    %swap3A_461 = arith.constant 0 : i32
    %swap3A_462 = arith.constant 0 : i32
    %swap3A_463 = tpu.memref_slice %arg13[%swap3A_459, %swap3A_461, %swap3A_462] : memref<2x8x80xf32, #tpu.memory_space<vmem>> -> memref<1x8x80xf32, #tpu.memory_space<vmem>>
    %swap3A_464 = tpu.memref_squeeze %swap3A_463 : memref<1x8x80xf32, #tpu.memory_space<vmem>> -> memref<8x80xf32, #tpu.memory_space<vmem>>
    %swap3A_465 = arith.index_cast %swap3A_460 : i32 to index
    %swap3A_466 = arith.constant 64 : index
    %swap3A_467 = tpu.vector_load %swap3A_464[%swap3A_465, %swap3A_466] {strides = array<i32>} : memref<8x80xf32, #tpu.memory_space<vmem>>, vector<16xf32>,
    tpu.vector_store %swap3A_464[%swap3A_465, %swap3A_466], %add3A_458 {strides = array<i32>} : memref<8x80xf32, #tpu.memory_space<vmem>>, vector<16xf32>,
    %mul3A_468 = arith.constant 125 : i32
    %mul3A_469 = arith.muli %add3A, %mul3A_468 : i32
    %add3A_470 = arith.constant 124 : i32
    %add3A_471 = arith.addi %mul3A_469, %add3A_470 : i32
    %dma_start3A_472 = arith.constant 0 : i32
    %dma_start3A_473 = arith.constant 0 : i32
    %dma_start3A_474 = arith.constant 0 : i32
    %dma_start3A_475 = arith.constant 0 : i32
    %dma_start3A_476 = tpu.memref_slice %arg13[%dma_start3A_472, %dma_start3A_474, %dma_start3A_475] : memref<2x8x80xf32, #tpu.memory_space<vmem>> -> memref<1x8x80xf32, #tpu.memory_space<vmem>>
    %dma_start3A_477 = tpu.memref_squeeze %dma_start3A_476 : memref<1x8x80xf32, #tpu.memory_space<vmem>> -> memref<8x80xf32, #tpu.memory_space<vmem>>
    %dma_start3A_478 = arith.constant 0 : i32
    %dma_start3A_479 = arith.constant 0 : i32
    %dma_start3A_480 = tpu.memref_slice %arg8[%add3A_471, %dma_start3A_478, %dma_start3A_479] : memref<4000x8x80xf32, #tpu.memory_space<hbm>> -> memref<1x8x80xf32, #tpu.memory_space<hbm>>
    %dma_start3A_481 = tpu.memref_squeeze %dma_start3A_480 : memref<1x8x80xf32, #tpu.memory_space<hbm>> -> memref<8x80xf32, #tpu.memory_space<hbm>>
    %dma_start3A_482 = tpu.memref_slice %arg17[%dma_start3A_473] : memref<2x!tpu.dma_semaphore, #tpu.memory_space<semaphore_mem>> -> memref<1x!tpu.dma_semaphore, #tpu.memory_space<semaphore_mem>>
    %dma_start3A_483 = tpu.memref_squeeze %dma_start3A_482 : memref<1x!tpu.dma_semaphore, #tpu.memory_space<semaphore_mem>> -> memref<!tpu.dma_semaphore, #tpu.memory_space<semaphore_mem>>
    %dma_start3A_484 = arith.constant 0 : i32
    %dma_start3A_485 = arith.constant 0 : i32
    %dma_start3A_486 = tpu.memref_slice %arg8[%add3A_471, %dma_start3A_484, %dma_start3A_485] : memref<4000x8x80xf32, #tpu.memory_space<hbm>> -> memref<1x8x80xf32, #tpu.memory_space<hbm>>
    %dma_start3A_487 = tpu.memref_squeeze %dma_start3A_486 : memref<1x8x80xf32, #tpu.memory_space<hbm>> -> memref<8x80xf32, #tpu.memory_space<hbm>>
    %dma_start3A_488 = arith.constant 0 : i32
    %dma_start3A_489 = arith.constant 0 : i32
    %dma_start3A_490 = tpu.memref_slice %arg13[%dma_start3A_472, %dma_start3A_488, %dma_start3A_489] : memref<2x8x80xf32, #tpu.memory_space<vmem>> -> memref<1x8x80xf32, #tpu.memory_space<vmem>>
    %dma_start3A_491 = tpu.memref_squeeze %dma_start3A_490 : memref<1x8x80xf32, #tpu.memory_space<vmem>> -> memref<8x80xf32, #tpu.memory_space<vmem>>
    tpu.enqueue_dma source(%dma_start3A_491 : memref<8x80xf32, #tpu.memory_space<vmem>>) target(%dma_start3A_487 : memref<8x80xf32, #tpu.memory_space<hbm>>) target_semaphore(%dma_start3A_483 : memref<!tpu.dma_semaphore, #tpu.memory_space<semaphore_mem>>)
    %mul3A_492 = arith.constant 125 : i32
    %mul3A_493 = arith.muli %add3A, %mul3A_492 : i32
    %add3A_494 = arith.constant 123 : i32
    %add3A_495 = arith.addi %mul3A_493, %add3A_494 : i32
    %dma_wait3A_496 = arith.constant 1 : i32
    %dma_wait3A_497 = arith.constant 1 : i32
    %dma_wait3A_498 = arith.constant 0 : i32
    %dma_wait3A_499 = arith.constant 0 : i32
    %dma_wait3A_500 = tpu.memref_slice %arg13[%dma_wait3A_496, %dma_wait3A_498, %dma_wait3A_499] : memref<2x8x80xf32, #tpu.memory_space<vmem>> -> memref<1x8x80xf32, #tpu.memory_space<vmem>>
    %dma_wait3A_501 = tpu.memref_squeeze %dma_wait3A_500 : memref<1x8x80xf32, #tpu.memory_space<vmem>> -> memref<8x80xf32, #tpu.memory_space<vmem>>
    %dma_wait3A_502 = arith.constant 0 : i32
    %dma_wait3A_503 = arith.constant 0 : i32
    %dma_wait3A_504 = tpu.memref_slice %arg8[%add3A_495, %dma_wait3A_502, %dma_wait3A_503] : memref<4000x8x80xf32, #tpu.memory_space<hbm>> -> memref<1x8x80xf32, #tpu.memory_space<hbm>>
    %dma_wait3A_505 = tpu.memref_squeeze %dma_wait3A_504 : memref<1x8x80xf32, #tpu.memory_space<hbm>> -> memref<8x80xf32, #tpu.memory_space<hbm>>
    %dma_wait3A_506 = tpu.memref_slice %arg17[%dma_wait3A_497] : memref<2x!tpu.dma_semaphore, #tpu.memory_space<semaphore_mem>> -> memref<1x!tpu.dma_semaphore, #tpu.memory_space<semaphore_mem>>
    %dma_wait3A_507 = tpu.memref_squeeze %dma_wait3A_506 : memref<1x!tpu.dma_semaphore, #tpu.memory_space<semaphore_mem>> -> memref<!tpu.dma_semaphore, #tpu.memory_space<semaphore_mem>>
    %dma_wait3A_508 = arith.constant 0 : i32
    %dma_wait3A_509 = arith.constant 0 : i32
    %dma_wait3A_510 = tpu.memref_slice %arg8[%add3A_495, %dma_wait3A_508, %dma_wait3A_509] : memref<4000x8x80xf32, #tpu.memory_space<hbm>> -> memref<1x8x80xf32, #tpu.memory_space<hbm>>
    %dma_wait3A_511 = tpu.memref_squeeze %dma_wait3A_510 : memref<1x8x80xf32, #tpu.memory_space<hbm>> -> memref<8x80xf32, #tpu.memory_space<hbm>>
    %dma_wait3A_512 = arith.constant 0 : i32
    %dma_wait3A_513 = arith.constant 0 : i32
    %dma_wait3A_514 = tpu.memref_slice %arg13[%dma_wait3A_496, %dma_wait3A_512, %dma_wait3A_513] : memref<2x8x80xf32, #tpu.memory_space<vmem>> -> memref<1x8x80xf32, #tpu.memory_space<vmem>>
    %dma_wait3A_515 = tpu.memref_squeeze %dma_wait3A_514 : memref<1x8x80xf32, #tpu.memory_space<vmem>> -> memref<8x80xf32, #tpu.memory_space<vmem>>
    tpu.wait_dma2 semaphore(%dma_wait3A_507 : memref<!tpu.dma_semaphore, #tpu.memory_space<semaphore_mem>>) src(%dma_wait3A_515 : memref<8x80xf32, #tpu.memory_space<vmem>>) dst(%dma_wait3A_511 : memref<8x80xf32, #tpu.memory_space<hbm>>)
    %mul3A_516 = arith.constant 125 : i32
    %mul3A_517 = arith.muli %add3A, %mul3A_516 : i32
    %add3A_518 = arith.constant 124 : i32
    %add3A_519 = arith.addi %mul3A_517, %add3A_518 : i32
    %dma_wait3A_520 = arith.constant 0 : i32
    %dma_wait3A_521 = arith.constant 0 : i32
    %dma_wait3A_522 = arith.constant 0 : i32
    %dma_wait3A_523 = arith.constant 0 : i32
    %dma_wait3A_524 = tpu.memref_slice %arg13[%dma_wait3A_520, %dma_wait3A_522, %dma_wait3A_523] : memref<2x8x80xf32, #tpu.memory_space<vmem>> -> memref<1x8x80xf32, #tpu.memory_space<vmem>>
    %dma_wait3A_525 = tpu.memref_squeeze %dma_wait3A_524 : memref<1x8x80xf32, #tpu.memory_space<vmem>> -> memref<8x80xf32, #tpu.memory_space<vmem>>
    %dma_wait3A_526 = arith.constant 0 : i32
    %dma_wait3A_527 = arith.constant 0 : i32
    %dma_wait3A_528 = tpu.memref_slice %arg8[%add3A_519, %dma_wait3A_526, %dma_wait3A_527] : memref<4000x8x80xf32, #tpu.memory_space<hbm>> -> memref<1x8x80xf32, #tpu.memory_space<hbm>>
    %dma_wait3A_529 = tpu.memref_squeeze %dma_wait3A_528 : memref<1x8x80xf32, #tpu.memory_space<hbm>> -> memref<8x80xf32, #tpu.memory_space<hbm>>
    %dma_wait3A_530 = tpu.memref_slice %arg17[%dma_wait3A_521] : memref<2x!tpu.dma_semaphore, #tpu.memory_space<semaphore_mem>> -> memref<1x!tpu.dma_semaphore, #tpu.memory_space<semaphore_mem>>
    %dma_wait3A_531 = tpu.memref_squeeze %dma_wait3A_530 : memref<1x!tpu.dma_semaphore, #tpu.memory_space<semaphore_mem>> -> memref<!tpu.dma_semaphore, #tpu.memory_space<semaphore_mem>>
    %dma_wait3A_532 = arith.constant 0 : i32
    %dma_wait3A_533 = arith.constant 0 : i32
    %dma_wait3A_534 = tpu.memref_slice %arg8[%add3A_519, %dma_wait3A_532, %dma_wait3A_533] : memref<4000x8x80xf32, #tpu.memory_space<hbm>> -> memref<1x8x80xf32, #tpu.memory_space<hbm>>
    %dma_wait3A_535 = tpu.memref_squeeze %dma_wait3A_534 : memref<1x8x80xf32, #tpu.memory_space<hbm>> -> memref<8x80xf32, #tpu.memory_space<hbm>>
    %dma_wait3A_536 = arith.constant 0 : i32
    %dma_wait3A_537 = arith.constant 0 : i32
    %dma_wait3A_538 = tpu.memref_slice %arg13[%dma_wait3A_520, %dma_wait3A_536, %dma_wait3A_537] : memref<2x8x80xf32, #tpu.memory_space<vmem>> -> memref<1x8x80xf32, #tpu.memory_space<vmem>>
    %dma_wait3A_539 = tpu.memref_squeeze %dma_wait3A_538 : memref<1x8x80xf32, #tpu.memory_space<vmem>> -> memref<8x80xf32, #tpu.memory_space<vmem>>
    tpu.wait_dma2 semaphore(%dma_wait3A_531 : memref<!tpu.dma_semaphore, #tpu.memory_space<semaphore_mem>>) src(%dma_wait3A_539 : memref<8x80xf32, #tpu.memory_space<vmem>>) dst(%dma_wait3A_535 : memref<8x80xf32, #tpu.memory_space<hbm>>)
    return
  }
}

</mosaic_0001>

<sc_bundles>
// kernel: kernel.3.cloned.1.call-start
scs
__scs_entry_jumppad:
0x0: {  	(pc) =	sbr.rel $0x88, $3  }
0x1: {  	(tag) =	ssettag $0x0;
	lr =	simm.s32 $0x1  }
0x2: {  	[smem:$0x3F9B] =	sst lr;
	_ =	strace $0xD0000000  }
0x3: {  	_ = 	snop  }
0x4: {  	_ = 	snop  }
0x5: {  	_ = 	snop  }
0x6: {  	_ = 	snop  }
0x7: {  	_ = 	snop  }
__scs_overlays_trampoline_lowered:
0x8: {  	[smem:$0x3FAA] =	sst s0  }
0x9: {  	[smem:$0x3FAB] =	sst s1  }
0xa: {  	[smem:$0x3FAC] =	sst s2  }
0xb: {  	[smem:$0x3FAD] =	sst s3  }
0xc: {  	[smem:$0x3FAE] =	sst s4  }
0xd: {  	[smem:$0x3FAF] =	sst s5  }
0xe: {  	[smem:$0x3FB0] =	sst s6  }
0xf: {  	[smem:$0x3FB1] =	sst s7  }
0x10: {  	[smem:$0x3FB2] =	sst s8  }
0x11: {  	[smem:$0x3FB3] =	sst s9;
	s0 =	simm.s32 @!p0 $0x0  }
0x12: {  	s1 =	sld [smem:$0x3F99];
	s0 =	simm.s32 @p0 $0x1  }
0x13: {  	[smem:$0x3FB4] =	sst s0;
	s0 =	simm.s32 @!p1 $0x0  }
0x14: {  	s2 =	sld [smem:$0x3F98];
	s0 =	simm.s32 @p1 $0x1  }
0x15: {  	[smem:$0x3FB5] =	sst s0;
	s0 =	simm.s32 @!p2 $0x0  }
0x16: {  	s3 =	sld [smem:$0x3FDB];
	s0 =	simm.s32 @p2 $0x1  }
0x17: {  	s4 =	simm.s32 $0x1BF5;
	[smem:$0x3FB7] =	sst s0  }
0x18: {  	s0 =	sld [smem:$0x3F9A];
	_ =	swait.ge [sflag:s4], $0x0  }
0x19: {  	s7 =	sld [smem:$0x3F9B]  }
0x1a: {  	s8 =	sadd.s32 $0xFFFFE003, lr  }
0x1b: {  	s9 =	sadd.s32 $0xFFFFFEF7, lr;
	s5 =	simm.s32 $0xFFFFFFFF;
	p2 =	slt.u32 s8, $0xFFFFF086  }
0x1c: {  	p1 =	slt.u32 s9, $0xF7A;
	s5 =	simm.s32 @!p2 $0x0  }
0x1d: {  	s5 =	simm.s32 @p1 $0x1;
	p0 =	seq.s32 s7, s2  }
0x1e: {  	s7 =	smul.u32 @!p0 $0xF7A, s2;
	p2 =	seq.s32 @!p0 s5, $0x0  }
0x1f: {  	s9 =	smul.u32 $0xF7A, s1;
	s8 =	simm.s32 @!p0 $0x1BF5;
	p2 =	por !p2, p0  }
0x20: {  	[sflag:s8] =	ssyncset.s32 @!p0 $0xFFFFF086;
	s6 =	sadd.s32 @!p0 s3, s7;
	s7 =	simm.s32 @!p0 $0x108  }
0x21: {  	s3 =	sadd.s32 s3, s9;
	s6 =	sadd.s32 @!p0 $0x88, s6;
	s7 =	simm.s32 @p2 $0x1082  }
0x22: {  	[simem:s7], [sflag:s8] =	dma.local @!p0 [hbm:s6], $0xF7A  }
0x23: {  	s9 =	sor.u32 $0xD0000000, s2;
	s6 =	simm.s32 $0x108;
	_ =	swait.ge @!p0 [sflag:s8], $0x0  }
0x24: {  	s3 =	sadd.s32 $0x88, s3;
	s6 =	simm.s32 @!p1 $0x1082;
	[sflag:s4] =	ssyncset.s32 $0xFFFFF086  }
0x25: {  	[simem:s6], [sflag:s4] =	dma.local [hbm:s3], $0xF7A  }
0x26: {  	[smem:$0x3F9B] =	sst s1;
	(tag) =	ssettag s2;
	_ =	strace s9  }
0x27: {  	s1 =	sld [smem:$0x3FAB]  }
0x28: {  	s2 =	sld [smem:$0x3FAC]  }
0x29: {  	s4 =	sld [smem:$0x3FAE]  }
0x2a: {  	p0 =	seq.s32 s5, $0x0;
	s5 =	sld [smem:$0x3FAF]  }
0x2b: {  	s6 =	sld [smem:$0x3FB0]  }
0x2c: {  	s7 =	sld [smem:$0x3FB1]  }
0x2d: {  	s3 =	simm.s32 $0x108;
	s8 =	sld [smem:$0x3FB2]  }
0x2e: {  	s3 =	simm.s32 @!p0 $0x1082;
	s9 =	sld [smem:$0x3FB3]  }
0x2f: {  	lr =	sadd.s32 s0, s3;
	s0 =	sld [smem:$0x3FAA]  }
0x30: {  	s3 =	sld [smem:$0x3FAD]  }
0x31: {  	[smem:$0x3FB6] =	sst s10  }
0x32: {  	s10 =	sld [smem:$0x3FB4];
	_ =	sdelay $0x3  }
0x33: {  	p0 =	seq.s32 s10, $0x1;
	s10 =	sld [smem:$0x3FB6];
	_ =	sdelay $0x3  }
0x34: {  	[smem:$0x3FB6] =	sst s10  }
0x35: {  	s10 =	sld [smem:$0x3FB5];
	_ =	sdelay $0x3  }
0x36: {  	p1 =	seq.s32 s10, $0x1;
	s10 =	sld [smem:$0x3FB6];
	_ =	sdelay $0x3  }
0x37: {  	[smem:$0x3FB6] =	sst s10  }
0x38: {  	s10 =	sld [smem:$0x3FB7]  }
0x39: {  	_ = 	snop;
	(pc) =	sbr.ind lr, $3  }
0x3a: {  	_ = 	snop  }
0x3b: {  	_ = 	snop  }
0x3c: {  	p2 =	seq.s32 s10, $0x1;
	s10 =	sld [smem:$0x3FB6]  }
0x3d: {  	_ =	shalt  }
0x3e: {  	_ =	shalt  }
0x3f: {  	_ =	shalt  }
0x40: {  	_ =	shalt  }
0x41: {  	_ =	shalt  }
0x42: {  	_ =	shalt  }
0x43: {  	_ =	shalt  }
0x44: {  	_ =	shalt  }
0x45: {  	_ =	shalt  }
0x46: {  	_ =	shalt  }
0x47: {  	_ =	shalt  }
0x48: {  	_ =	shalt  }
0x49: {  	_ =	shalt  }
0x4a: {  	_ =	shalt  }
0x4b: {  	_ =	shalt  }
0x4c: {  	_ =	shalt  }
0x4d: {  	_ =	shalt  }
0x4e: {  	_ =	shalt  }
0x4f: {  	_ =	shalt  }
0x50: {  	_ =	shalt  }
0x51: {  	_ =	shalt  }
0x52: {  	_ =	shalt  }
0x53: {  	_ =	shalt  }
0x54: {  	_ =	shalt  }
0x55: {  	_ =	shalt  }
0x56: {  	_ =	shalt  }
0x57: {  	_ =	shalt  }
0x58: {  	_ =	shalt  }
0x59: {  	_ =	shalt  }
0x5a: {  	_ =	shalt  }
0x5b: {  	_ =	shalt  }
0x5c: {  	_ =	shalt  }
0x5d: {  	_ =	shalt  }
0x5e: {  	_ =	shalt  }
0x5f: {  	_ =	shalt  }
0x60: {  	_ =	shalt  }
0x61: {  	_ =	shalt  }
0x62: {  	_ =	shalt  }
0x63: {  	_ =	shalt  }
0x64: {  	_ =	shalt  }
0x65: {  	_ =	shalt  }
0x66: {  	_ =	shalt  }
0x67: {  	_ =	shalt  }
0x68: {  	_ =	shalt  }
0x69: {  	_ =	shalt  }
0x6a: {  	_ =	shalt  }
0x6b: {  	_ =	shalt  }
0x6c: {  	_ =	shalt  }
0x6d: {  	_ =	shalt  }
0x6e: {  	_ =	shalt  }
0x6f: {  	_ =	shalt  }
0x70: {  	_ =	shalt  }
0x71: {  	_ =	shalt  }
0x72: {  	_ =	shalt  }
0x73: {  	_ =	shalt  }
0x74: {  	_ =	shalt  }
0x75: {  	_ =	shalt  }
0x76: {  	_ =	shalt  }
0x77: {  	_ =	shalt  }
0x78: {  	_ =	shalt  }
0x79: {  	_ =	shalt  }
0x7a: {  	_ =	shalt  }
0x7b: {  	_ =	shalt  }
0x7c: {  	_ =	shalt  }
0x7d: {  	_ =	shalt  }
0x7e: {  	_ =	shalt  }
0x7f: {  	_ =	shalt  }
0x80: {  	_ =	shalt  }
0x81: {  	_ =	shalt  }
0x82: {  	_ =	shalt  }
0x83: {  	_ =	shalt  }
0x84: {  	_ =	shalt  }
0x85: {  	_ =	shalt  }
0x86: {  	_ =	shalt  }
0x87: {  	_ =	shalt  }
.Lfunc_end0:
.L_simem_size_0:
called_computation_lowered:
.L_overlay_start_0:
0x88: {  	s2 =	sld [smem:$0x3FD9]  }
0x89: {  	s3 =	sld [smem:$0x3FFE];
	_ =	sdelay $0x1  }
0x8a: {  	s1 =	srdreg.scid  }
0x8b: {  	s0 =	sand.u32 $0x1, s1  }
0x8c: {  	s17 =	sshll.u32 s0, $0xA;
	s2 =	sadd.s32 s3, s2  }
0x8d: {  	s2 =	sadd.s32 s2, s17  }
0x8e: {  	[smem:$0x3FC2] =	sst s2  }
0x8f: {  	_ = 	snop  }
0x90: {  	s2 =	sld [smem:$0x3FC7]  }
0x91: {  	s18 =	sld [smem:$0x3FC6]  }
0x92: {  	s4 =	sld [smem:$0x3FD0];
	(tm) =	ssettm $0x1  }
0x93: {  	s5 =	sld [smem:$0x3FFB];
	_ =	sdelay $0x3  }
0x94: {  	_ =	strace s5  }
0x95: {  	s5 =	sld [smem:$0x3FFC];
	_ =	sdelay $0x3  }
0x96: {  	_ =	strace s5  }
0x97: {  	s5 =	sld [smem:$0x3FFD];
	_ =	sdelay $0x3  }
0x98: {  	_ =	strace s5  }
0x99: {  	_ =	strace $0x8FFFFFFF  }
0x9a: {  	s19 =	sld [smem:$0x3FDB];
	_ =	sdelay $0x1  }
0x9b: {  	s6 =	simm.s32 $_scs_section_size  }
0x9c: {  	s7 =	simm.s32 $_size__tile_overlayer_lowered;
	s8 =	simm.s32 $_tile_overlayer_lowered  }
0x9d: {  	s22 =	simm.s32 $0x1BFF;
	s21 =	sshll.u32 s8, $0x1;
	s5 =	sadd.s32 s6, s19  }
0x9e: {  	s9 =	simm.s32 $0x0;
	s20 =	sshll.u32 s7, $0x1;
	s7 =	sadd.s32 s21, s5  }
0x9f: {  	[timem:s9], [sflag:s22] =	dma.local [hbm:s7], s20  }
0xa0: {  	_ =	swait.ge [sflag:s22], s20  }
0xa1: {  	s6 =	ssub.s32 $0x0, s20;
	[sflag:s22] =	ssyncset.done $0x0  }
0xa2: {  	[sflag:s22] =	ssyncadd.s32 s6;
	_ =	sdelay $0x1  }
0xa3: {  	s23 =	simm.s32 $0x1B8B  }
0xa4: {  	_ =	swait.ge [sflag:s23], $0x1  }
0xa5: {  	[sflag:s23] =	ssyncset.done $0x0  }
0xa6: {  	s25 =	simm.s32 $0x1B8E;
	s24 =	sld [smem:$0x3FFE];
	[sflag:s23] =	ssyncadd.s32 $0xFFFFFFFF  }
0xa7: {  	s26 =	simm.s32 $execute0_lowered;
	[smem:$0x3FD2] =	sst s25  }
0xa8: {  	s7 =	sshll.u32 s26, $0x1;
	_ =	strace $0x80000046;
	[dreg:$0x1] =	wrdreg $0xFFFFFFFF  }
0xa9: {  	s28 =	simm.s32 $_size_execute0_lowered;
	s5 =	sadd.s32 s5, s7;
	[dreg:$0x0] =	wrdreg $0x0  }
0xaa: {  	s7 =	sshll.u32 s28, $0x1;
	[dreg:$0x2] =	wrdreg s5  }
0xab: {  	[dreg:$0x3] =	wrdreg s7  }
0xac: {  	[dreg:$0x4] =	wrdreg $0xC0  }
0xad: {  	_ =	task [dreg:s9], $0x5FFFF  }
0xae: {  	[dreg:$0x1] =	wrdreg $0xFFFFFFFF  }
0xaf: {  	[dreg:$0x0] =	wrdreg $0x60  }
0xb0: {  	[dreg:$0x2] =	wrdreg s4  }
0xb1: {  	[dreg:$0x3] =	wrdreg s24  }
0xb2: {  	[dreg:$0x4] =	wrdreg s2  }
0xb3: {  	[dreg:$0x5] =	wrdreg s18  }
0xb4: {  	[dreg:$0x6] =	wrdreg $0x9  }
0xb5: {  	_ =	task.clear_ibuf [dreg:s9], $0x7FFFF;
	_ =	strace $0x90000046  }
0xb6: {  	s29 =	simm.s32 $0x9;
	_ =	strace $0x80000048  }
0xb7: {  	_ =	swait.ge [sflag:s29], $0x1  }
0xb8: {  	[sflag:s29] =	ssyncadd.s32 $0xFFFFFFFF  }
0xb9: {  	_ =	strace $0x90000048  }
0xba: {  	_ =	sfence  }
0xbb: {  	s30 =	sld [smem:$0x0];
	_ =	sdelay $0x2  }
0xbc: {  	s31 =	sshll.u32 s1, $0xD;
	s1 =	sshrl.u32 s1, $0x2  }
0xbd: {  	s3 =	sand.u32 $0x4000, s31;
	s1 =	sadd.s32 s1, s30  }
0xbe: {  	s0 =	sor.u32 s3, s0;
	s1 =	sshll.u32 s1, $0x11  }
0xbf: {  	s0 =	sor.u32 s1, s0  }
0xc0: {  	s0 =	sadd.s32 $0x8F2B, s0  }
0xc1: {  	[sflag:s0] =	ssyncadd.remote.s32 $0x1  }
0xc2: {  	_ =	sfence.sel $0xFFFF  }
0xc3: {  	[dreg:$0x0] =	wrdreg $0xFFFFFFFF;
	(pc) =	sbr.abs _section_cstart, $3  }
0xc4: {  	[dreg:$0x1] =	wrdreg $0xFFFFFFFF  }
0xc5: {  	_ =	task.clear_ibuf [dreg:s9], $0x2FFFF;
	_ =	strace $0x9FFFFFFF  }
0xc6: {  	(tm) =	ssettm $0x7FFFFFFF  }
0xc7: {  	_ =	shalt  }
tec
execute0_lowered:
.L_overlay_start_1:
0x0: {  	(tag) =	ssettag $0x1  }
0x1: {  	s1 =	rddreg [dreg:$0x0]  }
0x2: {  	s0 =	rddreg [dreg:$0x1]  }
0x3: {  	s2 =	rddreg [dreg:$0x2]  }
0x4: {  	s5 =	rddreg [dreg:$0x3];
	s3 =	simm.s32 $0x0;
	s4 =	srdreg.scid  }
0x5: {  	s7 =	stileid.u32;
	s14 =	simm.s32 $0x7;
	s17 =	simm.s32 $0x50  }
0x6: {  	s18 =	simm.s32 $0x4F00;
	s19 =	simm.s32 $0x9F00;
	s20 =	simm.s32 $0x1  }
0x7: {  	s21 =	simm.s32 $0x2;
	s28 =	simm.s32 $0xF300;
	s29 =	simm.s32 $0x5  }
0x8: {  	s30 =	simm.s32 $0x6;
	s31 =	simm.s32 $0x0;
	[smem:$0x7FF] =	sst s3  }
0x9: {  	s6 =	sand.u32 $0x1, s4;
	s7 =	sshll.u32 s7, $0x1;
	s4 =	sadd.s32 $0xA00, s0  }
0xa: {  	v7 =	vlaneseq.u32;
	s22 =	sadd.s32 $0x600, s0;
	s23 =	sadd.s32 $0x400, s0;
	_ =	strace $0x80000047  }
0xb: {  	v16 =	vmul.u32 $0x80, v7;
	s10 =	sor.u32 s6, s7;
	[dreg:$0x5] =	wrdreg s22;
	s8 =	ssub.s32 $0x2, s6  }
0xc: {  	[dreg:$0x6] =	wrdreg s23;
	s7 =	sadd.s32 $0x27C00, s0;
	s9 =	smul.u32 $0x1F400, s10  }
0xd: {  	s22 =	simm.s32 $0x7700;
	s11 =	sshrl.u32 s8, $0x1;
	s12 =	smul.u32 $0x4E2, s10;
	v17 =	vor.u32 $0x800, v16;
	[tilespmem:$0x1FFB0] =	vst v16  }
0xe: {  	s23 =	simm.s32 $0xC700;
	s10 =	smul.u32 $0x7D, s10;
	v19 =	vor.u32 $0x2000, v16;
	s24 =	ssub.s32 s8, s11;
	[tilespmem:$0x1FFC0] =	vst v17  }
0xf: {  	v20 =	vor.u32 $0x1800, v16;
	[tilespmem:$0x1FFD0] =	vst v19;
	s25 =	sshrl.u32 s9, $0x3;
	s8 =	sadd.s32 s2, s12;
	s9 =	sadd.s32 s5, s12  }
0x10: {  	v24 =	vor.u32 $0x1000, v16;
	[tilespmem:$0x1FFE0] =	vst v20;
	s12 =	smax.u32 s24, $0x1;
	s24 =	simm.s32 $0xEF00;
	s26 =	sadd.s32 s7, s25  }
0x11: {  	[tilespmem:$0x1FFF0] =	vst v24;
	s25 =	simm.s32 $0x3;
	s11 =	sadd.s32 $0x3E00, s26;
	s26 =	simm.s32 $0x4  }
.LBB2_1:
0x12: {  	s0 =	rddreg [dreg:$0x5];
	s2 =	simm.s32 $0xF700  }
0x13: {  	[tilespmem:s2], [sflag:$0x7] =	stream.linear.gather [hbm4b:s0+s3], $0x2000, $0x38;
	[tilespmem:$0x11900] =	vst v63  }
0x14: {  	_ =	swait.ge [sflag:s14], $0x2000  }
0x15: {  	[sflag:s14] =	ssyncset.done $0x0  }
0x16: {  	s15 =	simm.s32 $0x11700;
	s13 =	rddreg [dreg:$0x6];
	[sflag:s14] =	ssyncadd.s32 $0xFFFFE000  }
0x17: {  	[tilespmem:s15], [sflag:$0x7] =	stream.linear.gather [hbm4b:s13+s3], $0x200, $0x38;
	[tilespmem:$0x11900] =	vst v63  }
0x18: {  	_ =	swait.ge [sflag:s14], $0x200  }
0x19: {  	[sflag:s14] =	ssyncset.done $0x0  }
0x1a: {  	[sflag:s14] =	ssyncadd.s32 $0xFFFFFE00  }
0x1b: {  	[tilespmem:s3], [sflag:$0x7] =	stream.linear.gather [hbm4b:s8+s3], $0x2710, $0x38;
	[tilespmem:$0x11900] =	vst v63  }
0x1c: {  	_ =	swait.ge [sflag:s14], $0x2710  }
0x1d: {  	[sflag:s14] =	ssyncset.done $0x0  }
0x1e: {  	s16 =	simm.s32 $0x2780;
	[sflag:s14] =	ssyncadd.s32 $0xFFFFD8F0  }
0x1f: {  	[tilespmem:s16], [sflag:$0x7] =	stream.linear.gather [hbm4b:s9+s3], $0x2710, $0x38;
	[tilespmem:$0x11900] =	vst v63  }
0x20: {  	_ =	swait.ge [sflag:s14], $0x2710  }
0x21: {  	[sflag:s14] =	ssyncset.done $0x0  }
0x22: {  	[sflag:s14] =	ssyncadd.s32 $0xFFFFD8F0  }
0x23: {  	v0 =	vld [tilespmem:$0x11700]  }
0x24: {  	v50 =	vld [tilespmem:$0x11710]  }
0x25: {  	v51 =	vld [tilespmem:$0x11720]  }
0x26: {  	v52 =	vld [tilespmem:$0x11730]  }
0x27: {  	v53 =	vld [tilespmem:$0x11740]  }
0x28: {  	v54 =	vld [tilespmem:$0x11780]  }
0x29: {  	v55 =	vld [tilespmem:$0x11790]  }
0x2a: {  	v56 =	vld [tilespmem:$0x117A0]  }
0x2b: {  	v57 =	vld [tilespmem:$0x117B0]  }
0x2c: {  	v58 =	vld [tilespmem:$0x117C0]  }
0x2d: {  	v59 =	vld [tilespmem:$0x11800]  }
0x2e: {  	v60 =	vld [tilespmem:$0x11810]  }
0x2f: {  	v61 =	vld [tilespmem:$0x11820]  }
0x30: {  	v62 =	vld [tilespmem:$0x11830]  }
0x31: {  	v63 =	vld [tilespmem:$0x11840];
	[tilespmem:s18], [sflag:$0x1] =	stream.indirect.gather [hbm4b:s1+s17], $0x80, s3, s17, $0xb8  }
0x32: {  	_ = 	snop  }
0x33: {  	[tilespmem:s19], [sflag:$0x2] =	stream.indirect.gather [hbm4b:s4+s17], $0x80, s16, s17, $0xb8;
	[tilespmem:$0x11900] =	vst v63  }
0x34: {  	[tilespmem:$0x1FEC0] =	vst v0  }
0x35: {  	[tilespmem:$0x1FED0] =	vst v50  }
0x36: {  	[tilespmem:$0x1FEE0] =	vst v51  }
0x37: {  	[tilespmem:$0x1FEF0] =	vst v52  }
0x38: {  	[tilespmem:$0x1FF00] =	vst v53  }
0x39: {  	[tilespmem:$0x1FF10] =	vst v54  }
0x3a: {  	[tilespmem:$0x1FF20] =	vst v55  }
0x3b: {  	[tilespmem:$0x1FF30] =	vst v56  }
0x3c: {  	[tilespmem:$0x1FF40] =	vst v57  }
0x3d: {  	[tilespmem:$0x1FF50] =	vst v58  }
0x3e: {  	[tilespmem:$0x1FF60] =	vst v59  }
0x3f: {  	[tilespmem:$0x1FF70] =	vst v60  }
0x40: {  	[tilespmem:$0x1FF80] =	vst v61  }
0x41: {  	[tilespmem:$0x1FF90] =	vst v62  }
0x42: {  	s0 =	simm.s32 $0x0;
	[tilespmem:$0x1FFA0] =	vst v63  }
.LBB2_2:
0x43: {  	_ =	swait.ge [sflag:s20], $0x2800  }
0x44: {  	[sflag:s20] =	ssyncset.done $0x0  }
0x45: {  	[sflag:s20] =	ssyncadd.s32 $0xFFFFD800  }
0x46: {  	s2 =	sshllo.u32 s0, $0x1;
	_ =	swait.ge [sflag:s21], $0x2800  }
0x47: {  	s5 =	smul.u32 $0x50, s2;
	[sflag:s21] =	ssyncset.done $0x0  }
0x48: {  	[sflag:s21] =	ssyncadd.s32 $0xFFFFD800  }
0x49: {  	[tilespmem:s22], [sflag:$0x3] =	stream.indirect.gather [hbm4b:s1+s17], $0x80, s5, s17, $0xb8;
	[tilespmem:$0x11900] =	vst v63  }
0x4a: {  	p0 =	seq.s32 s0, $0x0;
	s5 =	sadd.s32 $0x2780, s5  }
0x4b: {  	[tilespmem:s23], [sflag:$0x4] =	stream.indirect.gather [hbm4b:s4+s17], $0x80, s5, s17, $0xb8;
	[tilespmem:$0x11900] =	vst v63  }
0x4c: {  	s5 =	simm.s32 @!p0 $0x5  }
0x4d: {  	_ =	swait.ge @!p0 [sflag:s5], $0x400  }
0x4e: {  	[sflag:s5] =	ssyncset.done @!p0 $0x0  }
0x4f: {  	s15 =	simm.s32 $0xF780;
	s13 =	simm.s32 $0x1;
	[sflag:s5] =	ssyncadd.s32 @!p0 $0xFFFFFC00  }
0x50: {  	v6 =	vadd.s32 s13, v7;
	v23 =	vld [tilespmem:s15+$0xFFFFFFD0]  }
0x51: {  	v6 =	vand.u32 $0x3F, v6;
	v29 =	vld [tilespmem:s15+$0x50]  }
0x52: {  	v7 =	vor.u32 v17, v6;
	v27 =	vld [tilespmem:s15+$0x20]  }
0x53: {  	v8 =	vor.u32 v19, v6;
	v32 =	vld [tilespmem:s15+$0x0]  }
0x54: {  	v10 =	vor.u32 v16, v6;
	v33 =	vld [tilespmem:s15+$0x10]  }
0x55: {  	v22 =	vld [tilespmem:s15+$0x60]  }
0x56: {  	v21 =	vld [tilespmem:s15+$0x40]  }
0x57: {  	v9 =	vor.u32 v20, v6;
	v11 =	vld.idx.msk [tilespmem:v7+s18+$0x0], $0xffff  }
0x58: {  	v6 =	vor.u32 v24, v6;
	v12 =	vld.idx.msk [tilespmem:v8+s18+$0x0], $0xffff  }
0x59: {  	s16 =	simm.s32 $0x0;
	v0 =	vlaneseq.u32;
	v15 =	vld.idx.msk [tilespmem:v10+s19+$0x0], $0xffff  }
0x5a: {  	v13 =	vadd.s32 s16, v0;
	v10 =	vld.idx.msk [tilespmem:v10+s18+$0x0], $0xffff  }
0x5b: {  	v13 =	vand.u32 $0x3F, v13;
	v7 =	vld.idx.msk [tilespmem:v7+s19+$0x0], $0xffff  }
0x5c: {  	v16 =	vor.u32 v16, v13;
	v14 =	vld.idx.msk [tilespmem:v9+s19+$0x0], $0xffff  }
0x5d: {  	v17 =	vor.u32 v17, v13;
	v18 =	vld.idx.msk [tilespmem:v6+s19+$0x0], $0xffff  }
0x5e: {  	v19 =	vor.u32 v19, v13;
	v9 =	vld.idx.msk [tilespmem:v9+s18+$0x0], $0xffff  }
0x5f: {  	v6 =	vld.idx.msk [tilespmem:v6+s18+$0x0], $0xffff;
	v10 =	vmul.bf16 v15, v10  }
0x60: {  	v8 =	vld.idx.msk [tilespmem:v8+s19+$0x0], $0xffff  }
0x61: {  	v42 =	vimm.f32 $0.0e+00;
	v55 =	vimm.f32 $0.0e+00;
	v35 =	vld.idx.msk [tilespmem:v16+s18+$0x0], $0xffff;
	v28 =	vunpack.i.u.bf16.f32 v10  }
0x62: {  	v49 =	vimm.f32 $0.0e+00;
	v20 =	vor.u32 v20, v13;
	v15 =	vld.idx.msk [tilespmem:v17+s19+$0x0], $0xffff;
	v61 =	vmul.f32 v28, v21  }
0x63: {  	v7 =	vmul.bf16 v7, v11;
	v11 =	vld.idx.msk [tilespmem:v19+s19+$0x0], $0xffff;
	v10 =	vunpack.i.l.bf16.f32 v10;
	v62 =	vmul.f32 v28, v22  }
0x64: {  	v53 =	vimm.f32 $0.0e+00;
	v58 =	vmul.bf16 v14, v9;
	v14 =	vld.idx.msk [tilespmem:v19+s18+$0x0], $0xffff;
	v63 =	vmul.f32 v10, v33;
	[tilespmem:$0x1FE90] =	vst v61  }
0x65: {  	v57 =	vimm.f32 $0.0e+00;
	v41 =	vimm.f32 $0.0e+00;
	v51 =	vimm.f32 $0.0e+00;
	[tilespmem:$0x1FEA0] =	vst v62  }
0x66: {  	v44 =	vimm.f32 $0.0e+00;
	v45 =	vimm.f32 $0.0e+00;
	v46 =	vimm.f32 $0.0e+00;
	v17 =	vld.idx.msk [tilespmem:v17+s18+$0x0], $0xffff;
	[tilespmem:$0x1FEB0] =	vst v63  }
0x67: {  	v38 =	vimm.f32 $0.0e+00;
	v8 =	vmul.bf16 v8, v12;
	v60 =	vunpack.i.l.bf16.f32 v7;
	v36 =	vld.idx.msk [tilespmem:v20+s19+$0x0], $0xffff  }
0x68: {  	v56 =	vor.u32 v24, v13;
	v12 =	vmul.bf16 v18, v6;
	v9 =	vmul.f32 v60, v32;
	v34 =	vld [tilespmem:s15+$0xFFFFFF90]  }
0x69: {  	v37 =	vunpack.i.u.bf16.f32 v7;
	v31 =	vmul.f32 v10, v32;
	v28 =	vmul.f32 v28, v29;
	v13 =	vld.idx.msk [tilespmem:v16+s19+$0x0], $0xffff  }
0x6a: {  	v7 =	vunpack.i.l.bf16.f32 v12;
	v30 =	vmul.f32 v10, v27;
	v59 =	vmul.f32 v37, v29;
	v40 =	vld [tilespmem:s15+$0xFFFFFF80]  }
0x6b: {  	v43 =	vunpack.i.u.bf16.f32 v8;
	v54 =	vmul.f32 v7, v27;
	v16 =	vmul.bf16 v11, v14;
	v6 =	vld.idx.msk [tilespmem:v20+s18+$0x0], $0xffff  }
0x6c: {  	v47 =	vmul.f32 v7, v33;
	v61 =	vunpack.i.l.bf16.f32 v8;
	v62 =	vimm.f32 $0.0e+00  }
0x6d: {  	v63 =	vmul.f32 v37, v21;
	v11 =	vmul.f32 v43, v21;
	v8 =	vunpack.i.l.bf16.f32 v16  }
0x6e: {  	v48 =	vld [tilespmem:s15+$0xFFFFFFC0];
	v16 =	vunpack.i.u.bf16.f32 v16;
	v17 =	vmul.bf16 v15, v17;
	v15 =	vmul.f32 v8, v34  }
0x6f: {  	v39 =	vld [tilespmem:s15+$0xFFFFFFE0];
	v50 =	vmul.bf16 v13, v35;
	v18 =	vmul.f32 v8, v40;
	v35 =	vimm.f32 $0.0e+00  }
0x70: {  	v52 =	vld [tilespmem:s15+$0xFFFFFFA0];
	v14 =	vunpack.i.u.bf16.f32 v17;
	v19 =	vunpack.i.l.bf16.f32 v17;
	v17 =	vmul.bf16 v36, v6  }
0x71: {  	s13 =	sshll.u32 s0, $0x1;
	s16 =	simm.s32 $0x2;
	v6 =	vld.idx.msk [tilespmem:v56+s18+$0x0], $0xffff;
	v36 =	vimm.f32 $0.0e+00;
	v10 =	vmul.f32 v14, v23;
	v15 =	vadd.f32 v15, v42  }
.LBB2_3:
0x72: {  	v1 =	vmul.f32 v61, v33;
	v13 =	vmul.f32 v19, v40  }
0x73: {  	v0 =	vunpack.i.u.bf16.f32 v58;
	v3 =	vmul.f32 v7, v32;
	v7 =	vmul.f32 v19, v34  }
0x74: {  	v12 =	vunpack.i.u.bf16.f32 v12;
	v26 =	vmul.f32 v60, v27;
	v2 =	vunpack.i.l.bf16.f32 v17  }
0x75: {  	v24 =	vmul.f32 v0, v29;
	v18 =	vadd.f32 v18, v49;
	v49 =	vmul.f32 v61, v32  }
0x76: {  	v42 =	vadd.f32 v13, v42;
	v13 =	vmul.f32 v12, v29;
	v25 =	vmul.f32 v2, v40  }
0x77: {  	v55 =	vadd.f32 v7, v55;
	v7 =	vmul.f32 v43, v29;
	v29 =	vmul.f32 v2, v34  }
0x78: {  	v58 =	vunpack.i.l.bf16.f32 v58;
	v20 =	vmul.f32 v16, v48;
	v4 =	vmul.f32 v16, v39  }
0x79: {  	v56 =	vld.idx.msk [tilespmem:v56+s19+$0x0], $0xffff;
	v17 =	vunpack.i.u.bf16.f32 v17;
	v5 =	vmul.f32 v14, v48;
	v19 =	vmul.f32 v19, v52  }
0x7a: {  	v2 =	vmul.f32 v2, v52;
	v16 =	vmul.f32 v16, v23;
	v10 =	vadd.f32 v55, v10  }
0x7b: {  	v14 =	vmul.f32 v14, v39;
	v25 =	vadd.f32 v25, v45;
	v5 =	vadd.f32 v42, v5  }
0x7c: {  	v8 =	vmul.f32 v8, v52;
	v18 =	vadd.f32 v18, v20;
	v20 =	vadd.f32 v29, v53  }
0x7d: {  	v2 =	vadd.f32 v2, v62;
	v29 =	vmul.f32 v60, v33;
	v19 =	vadd.f32 v19, v57  }
0x7e: {  	v6 =	vmul.bf16 v56, v6;
	v8 =	vadd.f32 v8, v41;
	v5 =	vadd.f32 v9, v5  }
0x7f: {  	v9 =	vmul.f32 v58, v32;
	v18 =	vadd.f32 v49, v18;
	v10 =	vadd.f32 v29, v10  }
0x80: {  	v4 =	vadd.f32 v8, v4;
	v42 =	vadd.f32 v5, v63;
	v5 =	vmul.f32 v17, v48  }
0x81: {  	v63 =	vmul.f32 v17, v39;
	v49 =	vadd.f32 v18, v11;
	v11 =	vadd.f32 v19, v14  }
0x82: {  	v14 =	vadd.f32 v15, v16;
	v15 =	vmul.f32 v58, v33;
	v16 =	vmul.f32 v17, v23  }
0x83: {  	v17 =	vmul.f32 v61, v27;
	v18 =	vunpack.i.l.bf16.f32 v6;
	v55 =	vadd.f32 v10, v59  }
0x84: {  	v56 =	vld [tilespmem:$0x1FFC0];
	v6 =	vunpack.i.u.bf16.f32 v6;
	v8 =	vmul.f32 v18, v40;
	v16 =	vadd.f32 v20, v16  }
0x85: {  	v60 =	vld [tilespmem:$0x1FFE0];
	v1 =	vadd.f32 v1, v14;
	v14 =	vmul.f32 v18, v52;
	v18 =	vmul.f32 v18, v34  }
0x86: {  	s5 =	smov.u32 s16;
	v19 =	vmul.f32 v58, v27;
	v58 =	vld [tilespmem:$0x1FFD0];
	v4 =	vadd.f32 v17, v4;
	v10 =	vadd.f32 v15, v16  }
0x87: {  	s15 =	sadd.s32 $0x100, s15;
	s6 =	sadd.s32 $0x1, s5;
	v62 =	vld [tilespmem:$0x1FFF0];
	v16 =	vmul.f32 v43, v22;
	v17 =	vadd.f32 v18, v44;
	v44 =	vlaneseq.u32  }
0x88: {  	v29 =	vld [tilespmem:s15+$0x50];
	v8 =	vadd.f32 v8, v46;
	v14 =	vadd.f32 v14, v51;
	v20 =	vadd.s32 s6, v44  }
0x89: {  	v32 =	vld [tilespmem:s15+$0x0];
	v18 =	vmul.f32 v6, v39;
	v41 =	vadd.f32 v4, v16;
	v4 =	vand.u32 $0x3F, v20  }
0x8a: {  	v27 =	vld [tilespmem:s15+$0x20];
	v15 =	vmul.f32 v6, v23;
	v6 =	vmul.f32 v6, v48;
	v16 =	vor.u32 v56, v4  }
0x8b: {  	v11 =	vadd.f32 v26, v11;
	v51 =	vld [tilespmem:$0x1FFB0];
	v14 =	vadd.f32 v14, v18;
	v18 =	vor.u32 v58, v4  }
0x8c: {  	v2 =	vadd.f32 v2, v63;
	v26 =	vld [tilespmem:s15+$0x40];
	v6 =	vadd.f32 v8, v6  }
0x8d: {  	v5 =	vadd.f32 v25, v5;
	v53 =	vadd.f32 v10, v24;
	v10 =	vld [tilespmem:s15+$0xFFFFFFD0];
	v24 =	vor.u32 v60, v4  }
0x8e: {  	v2 =	vadd.f32 v19, v2;
	v8 =	vmul.f32 v0, v22;
	v3 =	vadd.f32 v3, v6;
	v6 =	vld [tilespmem:s15+$0x60]  }
0x8f: {  	v15 =	vadd.f32 v17, v15;
	v17 =	vmul.f32 v12, v22;
	v22 =	vmul.f32 v37, v22;
	v19 =	vld.idx.msk [tilespmem:v16+s18+$0x0], $0xffff  }
0x90: {  	v61 =	vunpack.i.l.bf16.f32 v50;
	v25 =	vunpack.i.u.bf16.f32 v50;
	v20 =	vor.u32 v51, v4;
	v43 =	vld.idx.msk [tilespmem:v18+s18+$0x0], $0xffff  }
0x91: {  	v63 =	vmul.f32 v25, v48;
	v5 =	vadd.f32 v9, v5;
	v57 =	vadd.f32 v11, v22;
	v11 =	vld.idx.msk [tilespmem:v16+s19+$0x0], $0xffff  }
0x92: {  	v0 =	vmul.f32 v0, v21;
	v15 =	vadd.f32 v47, v15;
	v4 =	vor.u32 v62, v4;
	v47 =	vld.idx.msk [tilespmem:v24+s19+$0x0], $0xffff  }
0x93: {  	v1 =	vadd.f32 v1, v7;
	v9 =	vadd.s32 s5, v44;
	v12 =	vmul.f32 v12, v21;
	v21 =	vmovc v26;
	v24 =	vld.idx.msk [tilespmem:v24+s18+$0x0], $0xffff  }
0x94: {  	v14 =	vadd.f32 v54, v14;
	v45 =	vadd.f32 v5, v0;
	v16 =	vmul.f32 v61, v40;
	v54 =	vld.idx.msk [tilespmem:v18+s19+$0x0], $0xffff  }
0x95: {  	v44 =	vadd.f32 v15, v13;
	v40 =	vmul.f32 v61, v52;
	v22 =	vmovc v6;
	v6 =	vand.u32 $0x3F, v9;
	v9 =	vld.idx.msk [tilespmem:v20+s19+$0x0], $0xffff  }
0x96: {  	v13 =	vadd.f32 v16, v38;
	v0 =	vor.u32 v51, v6;
	v5 =	vor.u32 v56, v6;
	v15 =	vld.idx.msk [tilespmem:v20+s18+$0x0], $0xffff  }
0x97: {  	v16 =	vmul.f32 v25, v23;
	v56 =	vor.u32 v62, v6;
	v20 =	vor.u32 v60, v6;
	v26 =	vld.idx.msk [tilespmem:v4+s19+$0x0], $0xffff  }
0x98: {  	v33 =	vld [tilespmem:s15+$0x10];
	v6 =	vor.u32 v58, v6;
	v23 =	vmovc v10;
	v7 =	vadd.f32 v40, v35;
	v10 =	vmul.f32 v25, v39  }
0x99: {  	v4 =	vld.idx.msk [tilespmem:v4+s18+$0x0], $0xffff  }
0x9a: {  	v13 =	vadd.f32 v13, v63;
	v7 =	vadd.f32 v7, v10;
	v10 =	vld [tilespmem:$0x1FE90]  }
0x9b: {  	v51 =	vadd.f32 v14, v17;
	v17 =	vld.idx.msk [tilespmem:v0+s18+$0x0], $0xffff  }
0x9c: {  	v46 =	vadd.f32 v3, v12;
	v3 =	vmul.bf16 v11, v19;
	v11 =	vadd.f32 v31, v13;
	v13 =	vld.idx.msk [tilespmem:v5+s19+$0x0], $0xffff  }
0x9d: {  	v12 =	vld.idx.msk [tilespmem:v6+s19+$0x0], $0xffff  }
0x9e: {  	v38 =	vmul.f32 v61, v34;
	v25 =	vld.idx.msk [tilespmem:v20+s19+$0x0], $0xffff  }
0x9f: {  	v14 =	vld.idx.msk [tilespmem:v6+s18+$0x0], $0xffff  }
0xa0: {  	v62 =	vadd.f32 v2, v8;
	v8 =	vadd.f32 v38, v36;
	v5 =	vld.idx.msk [tilespmem:v5+s18+$0x0], $0xffff  }
0xa1: {  	v58 =	vmul.bf16 v47, v24;
	v9 =	vmul.bf16 v9, v15;
	v0 =	vld.idx.msk [tilespmem:v0+s19+$0x0], $0xffff  }
0xa2: {  	v2 =	vmul.bf16 v54, v43;
	v8 =	vadd.f32 v8, v16;
	v15 =	vld [tilespmem:$0x1FEA0];
	v37 =	vunpack.i.u.bf16.f32 v3  }
0xa3: {  	v20 =	vld.idx.msk [tilespmem:v20+s18+$0x0], $0xffff;
	v63 =	vmul.f32 v37, v21;
	v38 =	vadd.f32 v11, v10;
	v10 =	vunpack.i.u.bf16.f32 v9  }
0xa4: {  	v59 =	vmul.f32 v37, v29;
	v11 =	vunpack.i.l.bf16.f32 v9;
	v9 =	vld [tilespmem:$0x1FEB0];
	v6 =	vmul.f32 v10, v21  }
0xa5: {  	v7 =	vadd.f32 v30, v7;
	v31 =	vmul.f32 v11, v32;
	v30 =	vmul.f32 v11, v27  }
0xa6: {  	v60 =	vunpack.i.l.bf16.f32 v3;
	[tilespmem:$0x1FE90] =	vst v6;
	v6 =	vmul.f32 v10, v22;
	v47 =	vmul.bf16 v12, v14  }
0xa7: {  	v34 =	vld [tilespmem:s15+$0xFFFFFF90];
	v61 =	vunpack.i.l.bf16.f32 v2;
	v12 =	vmul.bf16 v26, v4;
	v3 =	vmul.bf16 v13, v5  }
0xa8: {  	v35 =	vadd.f32 v7, v15;
	v50 =	vmul.bf16 v0, v17;
	v17 =	vmul.bf16 v25, v20  }
0xa9: {  	p1 =	slt.u32 s16, $0x3E;
	v40 =	vld [tilespmem:s15+$0xFFFFFF80];
	v8 =	vadd.f32 v9, v8;
	v9 =	vmul.f32 v11, v33;
	v7 =	vunpack.i.l.bf16.f32 v12  }
.Ltmp0:
0xaa: {  	v14 =	vunpack.i.u.bf16.f32 v3;
	v16 =	vunpack.i.u.bf16.f32 v47;
	v54 =	vmul.f32 v7, v27;
	(pc) =	sbr.rel @p1 .LBB2_3-.Ltmp0, $4  }
0xab: {  	v48 =	vld [tilespmem:s15+$0xFFFFFFC0];
	v43 =	vmovc v6;
	[tilespmem:$0x1FEB0] =	vst v9;
	v9 =	vmul.f32 v60, v32;
	v36 =	vadd.f32 v8, v28;
	v8 =	vunpack.i.l.bf16.f32 v47  }
0xac: {  	v52 =	vld [tilespmem:s15+$0xFFFFFFA0];
	[tilespmem:$0x1FEA0] =	vst v43;
	v43 =	vunpack.i.u.bf16.f32 v2;
	v28 =	vmul.f32 v10, v29;
	v4 =	vmul.f32 v8, v34  }
0xad: {  	v39 =	vld [tilespmem:s15+$0xFFFFFFE0];
	v19 =	vunpack.i.l.bf16.f32 v3;
	v11 =	vmul.f32 v43, v21;
	v10 =	vmul.f32 v14, v23  }
0xae: {  	s16 =	sadd.s32 $0x2, s16;
	v6 =	vld.idx.msk [tilespmem:v56+s18+$0x0], $0xffff;
	v47 =	vmul.f32 v7, v33;
	v18 =	vmul.f32 v8, v40;
	v15 =	vadd.f32 v4, v1  }
0xaf: {  	v0 =	vmul.f32 v19, v40;
	v1 =	vmul.f32 v19, v34;
	v5 =	vunpack.i.l.bf16.f32 v17  }
0xb0: {  	v17 =	vunpack.i.u.bf16.f32 v17;
	v24 =	vunpack.i.l.bf16.f32 v58;
	v26 =	vmul.f32 v61, v27  }
0xb1: {  	v2 =	vmul.f32 v14, v48;
	v3 =	vmul.f32 v16, v48;
	v4 =	vadd.f32 v18, v49  }
0xb2: {  	v18 =	vmul.f32 v61, v33;
	v25 =	vmul.f32 v24, v33;
	v0 =	vadd.f32 v0, v42  }
0xb3: {  	v1 =	vadd.f32 v1, v55;
	v55 =	vmul.f32 v5, v34;
	v13 =	vmul.f32 v5, v52  }
0xb4: {  	v20 =	vld.idx.msk [tilespmem:v56+s19+$0x0], $0xffff;
	v5 =	vmul.f32 v5, v40;
	v8 =	vmul.f32 v8, v52;
	v3 =	vadd.f32 v4, v3  }
0xb5: {  	v4 =	vmul.f32 v61, v32;
	v14 =	vmul.f32 v14, v39;
	v0 =	vadd.f32 v0, v2  }
0xb6: {  	v2 =	vadd.f32 v55, v53;
	v13 =	vadd.f32 v13, v62;
	v62 =	vmul.f32 v16, v39  }
0xb7: {  	v16 =	vmul.f32 v16, v23;
	v1 =	vadd.f32 v1, v10;
	v8 =	vadd.f32 v8, v41  }
0xb8: {  	v10 =	vmul.f32 v17, v48;
	v5 =	vadd.f32 v5, v45;
	v3 =	vadd.f32 v4, v3  }
0xb9: {  	v4 =	vunpack.i.u.bf16.f32 v58;
	v6 =	vmul.bf16 v20, v6;
	v20 =	vmul.f32 v17, v39  }
0xba: {  	v17 =	vmul.f32 v17, v23;
	v0 =	vadd.f32 v9, v0;
	v9 =	vmul.f32 v19, v52  }
0xbb: {  	v19 =	vmul.f32 v7, v32;
	v5 =	vadd.f32 v5, v10;
	v42 =	vadd.f32 v3, v11  }
0xbc: {  	v10 =	vunpack.i.u.bf16.f32 v50;
	v2 =	vadd.f32 v2, v17;
	v9 =	vadd.f32 v9, v57  }
0xbd: {  	v41 =	vunpack.i.l.bf16.f32 v6;
	v7 =	vadd.f32 v0, v63;
	v0 =	vadd.f32 v8, v62  }
0xbe: {  	v8 =	vmul.f32 v41, v40;
	v17 =	vmul.f32 v41, v34;
	v2 =	vadd.f32 v25, v2  }
0xbf: {  	v9 =	vadd.f32 v9, v14;
	v14 =	vadd.f32 v15, v16;
	v16 =	vmul.f32 v60, v33  }
0xc0: {  	v11 =	vmul.f32 v4, v29;
	v0 =	vadd.f32 v26, v0;
	v17 =	vadd.f32 v17, v44  }
0xc1: {  	v15 =	vmul.f32 v60, v27;
	v45 =	vadd.f32 v8, v46;
	v1 =	vadd.f32 v16, v1  }
0xc2: {  	v14 =	vadd.f32 v18, v14;
	v16 =	vmul.f32 v41, v52;
	v18 =	vunpack.i.u.bf16.f32 v6  }
0xc3: {  	v6 =	vadd.f32 v2, v11;
	v9 =	vadd.f32 v15, v9;
	v8 =	vmul.f32 v18, v48  }
0xc4: {  	v26 =	vmul.f32 v18, v39;
	v11 =	vmul.f32 v18, v23;
	v16 =	vadd.f32 v16, v51  }
0xc5: {  	v2 =	vadd.f32 v45, v8;
	v8 =	vadd.f32 v13, v20;
	v13 =	vunpack.i.l.bf16.f32 v50  }
0xc6: {  	v49 =	vadd.f32 v16, v26;
	v16 =	vmul.f32 v24, v27;
	v15 =	vmul.f32 v13, v40  }
0xc7: {  	v11 =	vadd.f32 v17, v11;
	v17 =	vmul.f32 v13, v34;
	v13 =	vmul.f32 v13, v52  }
0xc8: {  	v18 =	vmul.f32 v10, v23;
	v8 =	vadd.f32 v16, v8  }
0xc9: {  	v56 =	vld [tilespmem:$0x1FF30];
	v16 =	vmul.f32 v10, v48;
	v13 =	vadd.f32 v13, v35;
	v10 =	vmul.f32 v10, v39  }
0xca: {  	v53 =	vld [tilespmem:$0x1FF60]  }
0xcb: {  	v25 =	vmul.f32 v43, v22;
	v10 =	vadd.f32 v13, v10;
	v13 =	vld [tilespmem:$0x1FEB0]  }
0xcc: {  	v12 =	vunpack.i.u.bf16.f32 v12;
	v55 =	vld [tilespmem:$0x1FF20];
	v15 =	vadd.f32 v15, v38;
	v17 =	vadd.f32 v17, v36  }
0xcd: {  	v63 =	vmul.f32 v12, v29;
	v57 =	vld [tilespmem:$0x1FF70];
	v46 =	vadd.f32 v0, v25  }
0xce: {  	v51 =	vld [tilespmem:$0x1FEC0];
	v15 =	vadd.f32 v15, v16;
	v16 =	vadd.f32 v17, v18;
	v17 =	vmul.f32 v24, v32  }
0xcf: {  	v1 =	vadd.f32 v1, v59;
	v52 =	vld [tilespmem:$0x1FF10];
	v11 =	vadd.f32 v47, v11;
	v18 =	vmul.f32 v4, v22  }
0xd0: {  	v4 =	vmul.f32 v4, v21;
	v5 =	vadd.f32 v17, v5;
	v13 =	vadd.f32 v13, v16;
	v16 =	vld [tilespmem:$0x1FE90]  }
0xd1: {  	v59 =	vmul.f32 v6, v55;
	v27 =	vld [tilespmem:$0x1FF40];
	v2 =	vadd.f32 v19, v2;
	v0 =	vadd.f32 v54, v49  }
0xd2: {  	v20 =	vmul.f32 v1, v55;
	v3 =	vadd.f32 v11, v63;
	v4 =	vadd.f32 v5, v4;
	v5 =	vld [tilespmem:$0x1FEA0]  }
0xd3: {  	v25 =	vld [tilespmem:$0x1FF90];
	v19 =	vmul.f32 v37, v22;
	v15 =	vadd.f32 v31, v15;
	v13 =	vadd.f32 v13, v28  }
0xd4: {  	v26 =	vld [tilespmem:$0x1FF50];
	v23 =	vmul.f32 v3, v56;
	v10 =	vadd.f32 v30, v10;
	v17 =	vmul.f32 v43, v29  }
0xd5: {  	v54 =	vld [tilespmem:$0x1FED0];
	v58 =	vmul.f32 v4, v51;
	v11 =	vmul.f32 v13, v52;
	v15 =	vadd.f32 v15, v16  }
0xd6: {  	v9 =	vadd.f32 v9, v19;
	v30 =	vld [tilespmem:$0x1FEE0];
	v16 =	vmul.f32 v12, v22;
	v12 =	vmul.f32 v12, v21  }
0xd7: {  	v24 =	vld [tilespmem:$0x1FFA0];
	v5 =	vadd.f32 v10, v5;
	v19 =	vmul.f32 v13, v27;
	v10 =	vmul.f32 v15, v51  }
0xd8: {  	v28 =	vld [tilespmem:$0x1FF80];
	v21 =	vmul.f32 v9, v25;
	v2 =	vadd.f32 v2, v12;
	v0 =	vadd.f32 v0, v16  }
0xd9: {  	v31 =	vld [tilespmem:$0x1FEF0];
	v12 =	vadd.f32 v8, v18;
	v10 =	vadd.f32 v11, v10;
	v11 =	vmul.f32 v5, v53  }
0xda: {  	v29 =	vld [tilespmem:$0x1FF00];
	v8 =	vadd.f32 v14, v17;
	v14 =	vmul.f32 v15, v54;
	v16 =	vmul.f32 v13, v55  }
0xdb: {  	v17 =	vmul.f32 v13, v56;
	v10 =	vadd.f32 v11, v10;
	v11 =	vmul.f32 v15, v30  }
0xdc: {  	v22 =	vmul.f32 v3, v55;
	v14 =	vadd.f32 v16, v14;
	v16 =	vmul.f32 v5, v57  }
0xdd: {  	v18 =	vmul.f32 v5, v28;
	v13 =	vmul.f32 v13, v26;
	v11 =	vadd.f32 v17, v11  }
0xde: {  	v14 =	vadd.f32 v16, v14;
	v16 =	vmul.f32 v5, v25;
	v17 =	vmul.f32 v15, v31  }
0xdf: {  	v5 =	vmul.f32 v5, v24;
	v15 =	vmul.f32 v15, v29;
	v11 =	vadd.f32 v18, v11  }
0xe0: {  	v17 =	vadd.f32 v19, v17;
	v18 =	vmul.f32 v7, v51;
	v19 =	vmul.f32 v1, v52  }
0xe1: {  	[tilespmem:$0xEF80] =	vst v14;
	v14 =	vmul.f32 v3, v27;
	v13 =	vadd.f32 v13, v15;
	v15 =	vmul.f32 v7, v54  }
0xe2: {  	v16 =	vadd.f32 v16, v17;
	v17 =	vadd.f32 v19, v18;
	v18 =	vmul.f32 v9, v53  }
0xe3: {  	v5 =	vadd.f32 v5, v13;
	v13 =	vadd.f32 v20, v15;
	v15 =	vmul.f32 v9, v57  }
0xe4: {  	v19 =	vmul.f32 v1, v56;
	v20 =	vmul.f32 v1, v27  }
0xe5: {  	v1 =	vmul.f32 v1, v26;
	v17 =	vadd.f32 v18, v17;
	v18 =	vmul.f32 v7, v30  }
0xe6: {  	v13 =	vadd.f32 v15, v13;
	v15 =	vmul.f32 v7, v31;
	v7 =	vmul.f32 v7, v29;
	[tilespmem:$0xF080] =	vst v16  }
0xe7: {  	[tilespmem:$0xF100] =	vst v5;
	v5 =	vmul.f32 v6, v52;
	v16 =	vmul.f32 v4, v54;
	v18 =	vadd.f32 v19, v18  }
0xe8: {  	v19 =	vmul.f32 v9, v28;
	v15 =	vadd.f32 v20, v15;
	v9 =	vmul.f32 v9, v24  }
0xe9: {  	v20 =	vmul.f32 v3, v52;
	v1 =	vadd.f32 v1, v7;
	v7 =	vmul.f32 v2, v54  }
0xea: {  	v3 =	vmul.f32 v3, v26;
	[tilespmem:$0xEF90] =	vst v13;
	v13 =	vmul.f32 v12, v57  }
0xeb: {  	[tilespmem:$0xEF10] =	vst v17;
	v17 =	vmul.f32 v6, v56;
	v18 =	vadd.f32 v19, v18;
	v19 =	vmul.f32 v2, v51  }
0xec: {  	v1 =	vadd.f32 v9, v1;
	v7 =	vadd.f32 v22, v7;
	v9 =	vmul.f32 v0, v57  }
0xed: {  	v15 =	vadd.f32 v21, v15;
	v21 =	vmul.f32 v0, v53;
	v19 =	vadd.f32 v20, v19  }
0xee: {  	v20 =	vmul.f32 v2, v30;
	v7 =	vadd.f32 v9, v7;
	v9 =	vmul.f32 v2, v31  }
0xef: {  	v2 =	vmul.f32 v2, v29;
	[tilespmem:$0xF090] =	vst v15;
	v15 =	vmul.f32 v4, v31  }
0xf0: {  	[tilespmem:$0xEF00] =	vst v10;
	v10 =	vadd.f32 v21, v19;
	v19 =	vadd.f32 v23, v20;
	v20 =	vmul.f32 v0, v28  }
0xf1: {  	v9 =	vadd.f32 v14, v9;
	v14 =	vmul.f32 v0, v25;
	v0 =	vmul.f32 v0, v24  }
0xf2: {  	v2 =	vadd.f32 v3, v2;
	v3 =	vadd.f32 v5, v58;
	v5 =	vmul.f32 v4, v30  }
0xf3: {  	[tilespmem:$0xF000] =	vst v11;
	v4 =	vmul.f32 v4, v29;
	v11 =	vadd.f32 v20, v19;
	v9 =	vadd.f32 v14, v9  }
0xf4: {  	[tilespmem:$0xF010] =	vst v18;
	v0 =	vadd.f32 v0, v2;
	v2 =	vadd.f32 v59, v16;
	v16 =	vmul.f32 v6, v27  }
0xf5: {  	[tilespmem:$0xF110] =	vst v1;
	v14 =	vmul.f32 v12, v53;
	v61 =	vadd.f32 v17, v5;
	v5 =	vmul.f32 v12, v28  }
0xf6: {  	[tilespmem:$0xEF20] =	vst v10;
	v2 =	vadd.f32 v13, v2;
	v10 =	vadd.f32 v16, v15;
	v13 =	vmul.f32 v12, v25  }
0xf7: {  	[tilespmem:$0xEFA0] =	vst v7;
	v60 =	vadd.f32 v14, v3;
	v3 =	vadd.f32 v5, v61;
	v5 =	vmul.f32 v6, v26  }
0xf8: {  	v7 =	vmul.f32 v42, v51;
	[tilespmem:$0xF020] =	vst v11;
	v6 =	vadd.f32 v13, v10;
	v10 =	vmul.f32 v8, v52  }
0xf9: {  	v32 =	vmul.f32 v8, v56;
	[tilespmem:$0xF0A0] =	vst v9;
	v4 =	vadd.f32 v5, v4;
	v5 =	vmul.f32 v12, v24  }
0xfa: {  	v9 =	vmul.f32 v46, v53;
	[tilespmem:$0xF120] =	vst v0;
	v62 =	vadd.f32 v10, v7;
	v7 =	vmul.f32 v42, v54  }
0xfb: {  	[tilespmem:$0xEF30] =	vst v60;
	v10 =	vmul.f32 v8, v55;
	v63 =	vadd.f32 v5, v4;
	v4 =	vmul.f32 v46, v57  }
0xfc: {  	v5 =	vmul.f32 v42, v30;
	[tilespmem:$0xF0B0] =	vst v6;
	v6 =	vmul.f32 v8, v26;
	v0 =	vadd.f32 v9, v62  }
0xfd: {  	[tilespmem:$0xEFB0] =	vst v2;
	v34 =	vadd.f32 v10, v7;
	v7 =	vmul.f32 v42, v31;
	v10 =	vmul.f32 v8, v27  }
0xfe: {  	[tilespmem:$0xF030] =	vst v3;
	v9 =	vmul.f32 v46, v28;
	v2 =	vadd.f32 v32, v5;
	v5 =	vmul.f32 v42, v29  }
0xff: {  	[tilespmem:$0xF130] =	vst v63;
	v35 =	vadd.f32 v4, v34;
	v36 =	vadd.f32 v10, v7;
	v4 =	vmul.f32 v46, v25  }
0x100: {  	[tilespmem:$0xEF40] =	vst v0;
	v37 =	vadd.f32 v9, v2;
	v38 =	vadd.f32 v6, v5;
	v5 =	vmul.f32 v46, v24  }
0x101: {  	[tilespmem:$0xEFC0] =	vst v35;
	v39 =	vadd.f32 v4, v36  }
0x102: {  	s5 =	sadd.s32 s10, s13;
	[tilespmem:$0xF040] =	vst v37;
	v40 =	vadd.f32 v5, v38  }
0x103: {  	s5 =	sshll.u32 s5, $0x7;
	[tilespmem:$0xF0C0] =	vst v39  }
0x104: {  	s5 =	sadd.s32 s7, s5;
	[tilespmem:$0xF140] =	vst v40  }
0x105: {  	[hbm4b:s5+s3] =	stream.linear.scatter [tilespmem:s24], [sflag:$0x5], $0x400, $0x38;
	[tilespmem:$0x11900] =	vst v63  }
0x106: {  	_ =	swait.ge [sflag:s25], $0x2800  }
0x107: {  	[sflag:s25] =	ssyncset.done $0x0  }
0x108: {  	[sflag:s25] =	ssyncadd.s32 $0xFFFFD800  }
0x109: {  	s13 =	smul.u32 $0xA0, s0;
	_ =	swait.ge [sflag:s26], $0x2800  }
0x10a: {  	[sflag:s26] =	ssyncset.done $0x0  }
0x10b: {  	s6 =	sadd.s32 $0xA0, s13;
	[sflag:s26] =	ssyncadd.s32 $0xFFFFD800  }
0x10c: {  	[tilespmem:s18], [sflag:$0x1] =	stream.indirect.gather [hbm4b:s1+s17], $0x80, s6, s17, $0xb8;
	[tilespmem:$0x11900] =	vst v63  }
0x10d: {  	s5 =	sadd.s32 $0x2820, s13  }
0x10e: {  	[tilespmem:s19], [sflag:$0x2] =	stream.indirect.gather [hbm4b:s4+s17], $0x80, s5, s17, $0xb8;
	[tilespmem:$0x11900] =	vst v63  }
0x10f: {  	s5 =	simm.s32 @!p0 $0x6  }
0x110: {  	_ =	swait.ge @!p0 [sflag:s5], $0x400  }
0x111: {  	v11 =	vld [tilespmem:$0x1FFC0]  }
0x112: {  	v13 =	vld [tilespmem:$0x1FFD0]  }
0x113: {  	v14 =	vld [tilespmem:$0x1FFE0]  }
0x114: {  	[sflag:s5] =	ssyncset.done @!p0 $0x0;
	v10 =	vld [tilespmem:$0x1FFB0]  }
0x115: {  	s15 =	simm.s32 $0x1;
	v7 =	vlaneseq.u32;
	s13 =	simm.s32 $0xF780;
	v16 =	vld [tilespmem:$0x1FFF0];
	[sflag:s5] =	ssyncadd.s32 @!p0 $0xFFFFFC00  }
0x116: {  	v41 =	vadd.s32 s15, v7;
	v23 =	vld [tilespmem:s13+$0xFFFFFFD0]  }
0x117: {  	v0 =	vand.u32 $0x3F, v41;
	v29 =	vld [tilespmem:s13+$0x50]  }
0x118: {  	v26 =	vld [tilespmem:s13+$0x20];
	v42 =	vor.u32 v11, v0  }
0x119: {  	v32 =	vld [tilespmem:s13+$0x0];
	v43 =	vor.u32 v13, v0  }
0x11a: {  	v34 =	vld [tilespmem:s13+$0x10];
	v4 =	vor.u32 v10, v0  }
0x11b: {  	v22 =	vld [tilespmem:s13+$0x60]  }
0x11c: {  	v21 =	vld [tilespmem:s13+$0x40]  }
0x11d: {  	v44 =	vor.u32 v14, v0;
	v5 =	vld.idx.msk [tilespmem:v42+s22+$0x0], $0xffff  }
0x11e: {  	v6 =	vld.idx.msk [tilespmem:v43+s22+$0x0], $0xffff  }
0x11f: {  	s16 =	simm.s32 $0x0;
	v0 =	vor.u32 v16, v0;
	v9 =	vld.idx.msk [tilespmem:v4+s23+$0x0], $0xffff  }
0x120: {  	v7 =	vadd.s32 s16, v7;
	v4 =	vld.idx.msk [tilespmem:v4+s22+$0x0], $0xffff  }
0x121: {  	v7 =	vand.u32 $0x3F, v7;
	v1 =	vld.idx.msk [tilespmem:v42+s23+$0x0], $0xffff  }
0x122: {  	v10 =	vor.u32 v10, v7;
	v8 =	vld.idx.msk [tilespmem:v44+s23+$0x0], $0xffff  }
0x123: {  	v13 =	vor.u32 v13, v7;
	v3 =	vld.idx.msk [tilespmem:v44+s22+$0x0], $0xffff  }
0x124: {  	v11 =	vor.u32 v11, v7;
	v12 =	vld.idx.msk [tilespmem:v0+s23+$0x0], $0xffff  }
0x125: {  	v0 =	vld.idx.msk [tilespmem:v0+s22+$0x0], $0xffff;
	v4 =	vmul.bf16 v9, v4  }
0x126: {  	v2 =	vld.idx.msk [tilespmem:v43+s23+$0x0], $0xffff  }
0x127: {  	v48 =	vimm.f32 $0.0e+00;
	v14 =	vor.u32 v14, v7;
	v17 =	vld.idx.msk [tilespmem:v10+s22+$0x0], $0xffff;
	v15 =	vunpack.i.u.bf16.f32 v4  }
0x128: {  	v53 =	vimm.f32 $0.0e+00;
	v45 =	vld.idx.msk [tilespmem:v13+s22+$0x0], $0xffff;
	v57 =	vmul.bf16 v8, v3;
	v8 =	vmul.f32 v15, v21  }
0x129: {  	v52 =	vimm.f32 $0.0e+00;
	v54 =	vimm.f32 $0.0e+00;
	v63 =	vimm.f32 $0.0e+00;
	v9 =	vld.idx.msk [tilespmem:v11+s23+$0x0], $0xffff  }
0x12a: {  	v41 =	vimm.f32 $0.0e+00;
	v37 =	vimm.f32 $0.0e+00;
	v1 =	vmul.bf16 v1, v5;
	v5 =	vld.idx.msk [tilespmem:v13+s23+$0x0], $0xffff;
	[tilespmem:$0x1FE80] =	vst v8  }
0x12b: {  	v36 =	vimm.f32 $0.0e+00;
	v35 =	vimm.f32 $0.0e+00;
	v59 =	vor.u32 v16, v7;
	v11 =	vld.idx.msk [tilespmem:v11+s22+$0x0], $0xffff  }
0x12c: {  	v43 =	vimm.f32 $0.0e+00;
	v44 =	vimm.f32 $0.0e+00;
	v2 =	vmul.bf16 v2, v6;
	v18 =	vld.idx.msk [tilespmem:v14+s23+$0x0], $0xffff  }
0x12d: {  	v62 =	vmul.bf16 v12, v0;
	v4 =	vunpack.i.l.bf16.f32 v4;
	v24 =	vmul.f32 v15, v22;
	v33 =	vld [tilespmem:s13+$0xFFFFFF90]  }
0x12e: {  	v38 =	vunpack.i.u.bf16.f32 v1;
	v25 =	vmul.f32 v4, v34;
	v31 =	vmul.f32 v4, v32;
	v46 =	vld.idx.msk [tilespmem:v10+s23+$0x0], $0xffff  }
0x12f: {  	v56 =	vunpack.i.l.bf16.f32 v1;
	v6 =	vmul.f32 v38, v21;
	v28 =	vmul.f32 v15, v29;
	v40 =	vld [tilespmem:s13+$0xFFFFFF80]  }
0x130: {  	v42 =	vunpack.i.u.bf16.f32 v2;
	v30 =	vmul.f32 v4, v26;
	v60 =	vmul.f32 v38, v29;
	v47 =	vld.idx.msk [tilespmem:v14+s22+$0x0], $0xffff  }
0x131: {  	v7 =	vunpack.i.l.bf16.f32 v62;
	v13 =	vmul.f32 v42, v21;
	v3 =	vmul.bf16 v5, v45  }
0x132: {  	v61 =	vunpack.i.l.bf16.f32 v2;
	v55 =	vmul.f32 v7, v26;
	v49 =	vmul.f32 v7, v34  }
0x133: {  	v8 =	vmul.f32 v56, v32;
	v10 =	vunpack.i.l.bf16.f32 v3;
	v58 =	vmul.bf16 v9, v11  }
0x134: {  	v45 =	vimm.f32 $0.0e+00;
	v39 =	vld [tilespmem:s13+$0xFFFFFFE0];
	v4 =	vmul.f32 v10, v33;
	v50 =	vmul.bf16 v46, v17  }
0x135: {  	v51 =	vld [tilespmem:s13+$0xFFFFFFA0];
	v15 =	vunpack.i.u.bf16.f32 v3;
	v19 =	vmul.f32 v10, v40;
	v18 =	vmul.bf16 v18, v47  }
0x136: {  	v9 =	vld.idx.msk [tilespmem:v59+s22+$0x0], $0xffff;
	v47 =	vimm.f32 $0.0e+00;
	v16 =	vunpack.i.u.bf16.f32 v58;
	v17 =	vadd.f32 v4, v41  }
0x137: {  	s15 =	simm.s32 $0x2;
	v46 =	vld [tilespmem:s13+$0xFFFFFFC0];
	v20 =	vunpack.i.l.bf16.f32 v58;
	v58 =	vimm.f32 $0.0e+00;
	v14 =	vmul.f32 v16, v23  }
.LBB2_5:
0x138: {  	v2 =	vmul.f32 v61, v34  }
0x139: {  	v3 =	vmul.f32 v20, v40;
	v5 =	vmul.f32 v7, v32  }
0x13a: {  	v7 =	vmul.f32 v20, v33;
	v11 =	vunpack.i.u.bf16.f32 v62;
	v27 =	vmul.f32 v56, v26  }
0x13b: {  	v1 =	vunpack.i.u.bf16.f32 v57;
	v4 =	vunpack.i.l.bf16.f32 v18;
	v12 =	vmul.f32 v11, v29  }
0x13c: {  	[tilespmem:$0x1FE70] =	vst v28;
	v19 =	vadd.f32 v19, v47;
	v47 =	vmul.f32 v61, v32;
	v62 =	vmul.f32 v1, v29  }
0x13d: {  	v28 =	vmovc v25;
	v54 =	vadd.f32 v7, v54;
	v25 =	vmul.f32 v4, v40;
	v7 =	vmul.f32 v42, v29  }
0x13e: {  	v59 =	vld.idx.msk [tilespmem:v59+s23+$0x0], $0xffff;
	v29 =	vmul.f32 v4, v33;
	v0 =	vmul.f32 v15, v46  }
0x13f: {  	[tilespmem:$0x1FE60] =	vst v24;
	v3 =	vadd.f32 v3, v41;
	v24 =	vmul.f32 v15, v39;
	v41 =	vmul.f32 v16, v46  }
0x140: {  	v57 =	vunpack.i.l.bf16.f32 v57;
	v20 =	vmul.f32 v20, v51;
	v4 =	vmul.f32 v4, v51  }
0x141: {  	v18 =	vunpack.i.u.bf16.f32 v18;
	v15 =	vmul.f32 v15, v23;
	v16 =	vmul.f32 v16, v39  }
0x142: {  	v10 =	vmul.f32 v10, v51;
	v14 =	vadd.f32 v54, v14;
	v25 =	vadd.f32 v25, v44  }
0x143: {  	v9 =	vmul.bf16 v59, v9;
	v3 =	vadd.f32 v3, v41;
	v0 =	vadd.f32 v19, v0  }
0x144: {  	v19 =	vadd.f32 v29, v52;
	v4 =	vadd.f32 v4, v63;
	v29 =	vmul.f32 v56, v34  }
0x145: {  	v20 =	vadd.f32 v20, v58;
	v63 =	vmul.f32 v18, v46;
	v10 =	vadd.f32 v10, v43  }
0x146: {  	v3 =	vadd.f32 v8, v3;
	v8 =	vmul.f32 v57, v32;
	v0 =	vadd.f32 v47, v0  }
0x147: {  	v58 =	vadd.f32 v20, v16;
	v16 =	vmul.f32 v18, v23;
	v14 =	vadd.f32 v29, v14  }
0x148: {  	v10 =	vadd.f32 v10, v24;
	v20 =	vmul.f32 v57, v26;
	v41 =	vadd.f32 v3, v6  }
0x149: {  	v6 =	vmul.f32 v18, v39;
	v47 =	vadd.f32 v0, v13;
	v13 =	vadd.f32 v17, v15  }
0x14a: {  	v15 =	vmul.f32 v57, v34;
	v17 =	vmul.f32 v61, v26;
	v18 =	vunpack.i.l.bf16.f32 v9  }
0x14b: {  	v16 =	vadd.f32 v19, v16;
	v54 =	vadd.f32 v14, v60;
	v9 =	vunpack.i.u.bf16.f32 v9  }
0x14c: {  	v0 =	vadd.f32 v27, v58;
	v3 =	vadd.f32 v25, v63;
	v25 =	vunpack.i.u.bf16.f32 v50  }
0x14d: {  	s13 =	sadd.s32 $0x100, s13;
	v56 =	vld [tilespmem:$0x1FFD0];
	v60 =	vunpack.i.l.bf16.f32 v50;
	v19 =	vmul.f32 v18, v40;
	v2 =	vadd.f32 v2, v13  }
0x14e: {  	v29 =	vld [tilespmem:s13+$0x50];
	v13 =	vmul.f32 v18, v51;
	v18 =	vmul.f32 v18, v33;
	v14 =	vadd.f32 v15, v16  }
0x14f: {  	v32 =	vld [tilespmem:s13+$0x0];
	v10 =	vadd.f32 v17, v10;
	v15 =	vmul.f32 v9, v23;
	v4 =	vadd.f32 v4, v6  }
0x150: {  	s5 =	smov.u32 s15;
	v26 =	vld [tilespmem:s13+$0x20];
	v16 =	vmul.f32 v42, v22;
	v3 =	vadd.f32 v8, v3;
	v19 =	vadd.f32 v19, v48  }
0x151: {  	s6 =	sadd.s32 $0x1, s5;
	v48 =	vld [tilespmem:$0x1FFB0];
	v13 =	vadd.f32 v13, v53;
	v17 =	vadd.f32 v18, v45;
	v45 =	vlaneseq.u32  }
0x152: {  	v34 =	vld [tilespmem:s13+$0x10];
	v18 =	vmul.f32 v9, v39;
	v9 =	vmul.f32 v9, v46;
	v24 =	vadd.s32 s6, v45  }
0x153: {  	v27 =	vld [tilespmem:s13+$0x40];
	v43 =	vadd.f32 v10, v16;
	v8 =	vadd.s32 s5, v45;
	v10 =	vand.u32 $0x3F, v24  }
0x154: {  	v61 =	vld [tilespmem:$0x1FFF0];
	v13 =	vadd.f32 v13, v18;
	v9 =	vadd.f32 v19, v9;
	v18 =	vmul.f32 v1, v22  }
0x155: {  	v53 =	vld [tilespmem:$0x1FFC0];
	v1 =	vmul.f32 v1, v21;
	v15 =	vadd.f32 v17, v15;
	v19 =	vor.u32 v56, v10  }
0x156: {  	v6 =	vadd.f32 v55, v13;
	v13 =	vor.u32 v48, v10;
	v5 =	vadd.f32 v5, v9;
	v9 =	vld [tilespmem:s13+$0x60]  }
0x157: {  	v50 =	vld [tilespmem:$0x1FE70];
	v17 =	vmul.f32 v11, v22;
	v22 =	vmul.f32 v38, v22;
	v8 =	vand.u32 $0x3F, v8  }
0x158: {  	v52 =	vadd.f32 v14, v62;
	v14 =	vld [tilespmem:s13+$0xFFFFFFD0];
	v44 =	vadd.f32 v3, v1;
	v1 =	vor.u32 v48, v8  }
0x159: {  	v55 =	vld [tilespmem:$0x1FFE0]  }
0x15a: {  	v16 =	vor.u32 v53, v10;
	v42 =	vld.idx.msk [tilespmem:v19+s22+$0x0], $0xffff  }
0x15b: {  	v11 =	vmul.f32 v11, v21;
	v58 =	vadd.f32 v0, v22;
	v22 =	vmov v9;
	v9 =	vld.idx.msk [tilespmem:v13+s23+$0x0], $0xffff  }
0x15c: {  	v3 =	vor.u32 v53, v8;
	v13 =	vld.idx.msk [tilespmem:v13+s22+$0x0], $0xffff  }
0x15d: {  	v48 =	vadd.f32 v5, v11;
	v11 =	vld.idx.msk [tilespmem:v1+s22+$0x0], $0xffff  }
0x15e: {  	v24 =	vor.u32 v55, v10;
	v1 =	vld.idx.msk [tilespmem:v1+s23+$0x0], $0xffff  }
0x15f: {  	v4 =	vadd.f32 v20, v4;
	v15 =	vadd.f32 v49, v15;
	v10 =	vor.u32 v61, v10;
	v20 =	vld.idx.msk [tilespmem:v16+s22+$0x0], $0xffff  }
0x160: {  	v62 =	vmul.f32 v25, v46;
	v46 =	vmul.f32 v60, v33;
	v63 =	vld.idx.msk [tilespmem:v16+s23+$0x0], $0xffff  }
0x161: {  	v45 =	vadd.f32 v15, v12;
	v15 =	vmul.f32 v25, v23;
	v23 =	vmov v14;
	v14 =	vld.idx.msk [tilespmem:v3+s23+$0x0], $0xffff  }
0x162: {  	v53 =	vadd.f32 v6, v17;
	v6 =	vadd.f32 v46, v36;
	v3 =	vld.idx.msk [tilespmem:v3+s22+$0x0], $0xffff  }
0x163: {  	v2 =	vadd.f32 v2, v7;
	v21 =	vmov v27;
	v16 =	vmul.f32 v60, v40;
	v49 =	vld.idx.msk [tilespmem:v24+s23+$0x0], $0xffff  }
0x164: {  	v59 =	vor.u32 v61, v8;
	v6 =	vadd.f32 v6, v15;
	v40 =	vmul.f32 v60, v51;
	v27 =	vld.idx.msk [tilespmem:v10+s23+$0x0], $0xffff  }
0x165: {  	v12 =	vadd.f32 v16, v37;
	v16 =	vor.u32 v55, v8;
	v8 =	vor.u32 v56, v8;
	v24 =	vld.idx.msk [tilespmem:v24+s22+$0x0], $0xffff  }
0x166: {  	v6 =	vadd.f32 v28, v6;
	v7 =	vadd.f32 v40, v35;
	v5 =	vld.idx.msk [tilespmem:v10+s22+$0x0], $0xffff;
	v10 =	vmul.f32 v25, v39  }
0x167: {  	v9 =	vmul.bf16 v9, v13;
	v0 =	vmul.bf16 v63, v20;
	v63 =	vadd.f32 v4, v18;
	v4 =	vld.idx.msk [tilespmem:v19+s23+$0x0], $0xffff  }
0x168: {  	v36 =	vadd.f32 v6, v50;
	v12 =	vadd.f32 v12, v62;
	v18 =	vld [tilespmem:$0x1FE60]  }
0x169: {  	v50 =	vmul.bf16 v1, v11;
	v7 =	vadd.f32 v7, v10;
	v10 =	vld [tilespmem:$0x1FE80];
	v15 =	vunpack.i.l.bf16.f32 v9  }
0x16a: {  	v3 =	vmul.bf16 v14, v3;
	v13 =	vld.idx.msk [tilespmem:v8+s23+$0x0], $0xffff;
	v25 =	vmul.f32 v15, v34;
	v38 =	vunpack.i.u.bf16.f32 v0  }
0x16b: {  	v12 =	vadd.f32 v31, v12;
	v17 =	vld.idx.msk [tilespmem:v8+s22+$0x0], $0xffff;
	v31 =	vmul.f32 v15, v32;
	v6 =	vmul.f32 v38, v21  }
0x16c: {  	v7 =	vadd.f32 v30, v7;
	v30 =	vmul.f32 v15, v26;
	v60 =	vmul.f32 v38, v29  }
0x16d: {  	v33 =	vld [tilespmem:s13+$0xFFFFFF90];
	v56 =	vunpack.i.l.bf16.f32 v0;
	v57 =	vmul.bf16 v49, v24;
	v62 =	vmul.bf16 v27, v5  }
0x16e: {  	v40 =	vld [tilespmem:s13+$0xFFFFFF80];
	v4 =	vmul.bf16 v4, v42;
	v37 =	vadd.f32 v12, v10;
	v10 =	vunpack.i.u.bf16.f32 v9  }
0x16f: {  	v35 =	vadd.f32 v7, v18;
	v18 =	vld.idx.msk [tilespmem:v16+s22+$0x0], $0xffff;
	v7 =	vunpack.i.l.bf16.f32 v62;
	v8 =	vmul.f32 v10, v21  }
0x170: {  	p0 =	slt.u32 s15, $0x3E;
	v12 =	vld.idx.msk [tilespmem:v16+s23+$0x0], $0xffff;
	v16 =	vunpack.i.u.bf16.f32 v3;
	v9 =	vmul.f32 v10, v22;
	v51 =	vmul.bf16 v13, v17  }
.Ltmp1:
0x171: {  	v42 =	vunpack.i.u.bf16.f32 v4;
	v28 =	vmul.f32 v10, v29;
	v55 =	vmul.f32 v7, v26;
	(pc) =	sbr.rel @p0 .LBB2_5-.Ltmp1, $4  }
0x172: {  	v46 =	vld [tilespmem:s13+$0xFFFFFFC0];
	v14 =	vmul.f32 v16, v23;
	v49 =	vmul.f32 v7, v34;
	v10 =	vunpack.i.l.bf16.f32 v51  }
0x173: {  	v39 =	vld [tilespmem:s13+$0xFFFFFFE0];
	v61 =	vunpack.i.l.bf16.f32 v4;
	v13 =	vmul.f32 v42, v21;
	v4 =	vmul.f32 v10, v33  }
0x174: {  	v20 =	vunpack.i.l.bf16.f32 v3;
	[tilespmem:$0x1FE80] =	vst v8;
	v8 =	vmul.f32 v56, v32;
	v24 =	vmovc v9;
	v9 =	vld.idx.msk [tilespmem:v59+s22+$0x0], $0xffff;
	v15 =	vunpack.i.u.bf16.f32 v51  }
0x175: {  	s15 =	sadd.s32 $0x2, s15;
	v51 =	vld [tilespmem:s13+$0xFFFFFFA0];
	v19 =	vmul.f32 v10, v40;
	v18 =	vmul.bf16 v12, v18;
	v17 =	vadd.f32 v4, v2  }
0x176: {  	v0 =	vmul.f32 v20, v40;
	v1 =	vmul.f32 v20, v33  }
0x177: {  	v12 =	vmul.f32 v15, v23;
	v7 =	vmul.f32 v7, v32  }
0x178: {  	v2 =	vmul.f32 v16, v46;
	v3 =	vmul.f32 v15, v46;
	v4 =	vadd.f32 v19, v47  }
0x179: {  	v5 =	vunpack.i.l.bf16.f32 v18;
	v47 =	vmul.f32 v61, v26;
	v0 =	vadd.f32 v0, v41  }
0x17a: {  	v1 =	vadd.f32 v1, v54;
	v54 =	vmul.f32 v5, v33;
	v16 =	vmul.f32 v16, v39  }
0x17b: {  	v3 =	vadd.f32 v4, v3;
	v4 =	vmul.f32 v61, v32;
	v0 =	vadd.f32 v0, v2  }
0x17c: {  	v11 =	vmul.f32 v5, v51;
	v2 =	vadd.f32 v54, v52;
	v1 =	vadd.f32 v1, v14  }
0x17d: {  	v10 =	vmul.f32 v10, v51;
	v54 =	vunpack.i.u.bf16.f32 v57;
	v5 =	vmul.f32 v5, v40  }
0x17e: {  	v3 =	vadd.f32 v4, v3;
	v4 =	vld.idx.msk [tilespmem:v59+s23+$0x0], $0xffff;
	v59 =	vmul.f32 v61, v34;
	v14 =	vmul.f32 v54, v21  }
0x17f: {  	v0 =	vadd.f32 v8, v0;
	v8 =	vmul.f32 v20, v51;
	v11 =	vadd.f32 v11, v63  }
0x180: {  	v63 =	vunpack.i.u.bf16.f32 v18;
	v10 =	vadd.f32 v10, v43;
	v5 =	vadd.f32 v5, v44  }
0x181: {  	v43 =	vmul.f32 v15, v39;
	v41 =	vadd.f32 v3, v13;
	v8 =	vadd.f32 v8, v58  }
0x182: {  	v44 =	vunpack.i.u.bf16.f32 v62;
	v6 =	vadd.f32 v0, v6;
	v58 =	vadd.f32 v17, v12  }
0x183: {  	v10 =	vadd.f32 v10, v43;
	v17 =	vmul.f32 v42, v22;
	v0 =	vadd.f32 v8, v16  }
0x184: {  	v8 =	vmul.f32 v56, v34;
	v4 =	vmul.bf16 v4, v9;
	v3 =	vadd.f32 v59, v58  }
0x185: {  	v9 =	vunpack.i.l.bf16.f32 v57;
	v10 =	vadd.f32 v47, v10;
	v16 =	vmul.f32 v54, v29  }
0x186: {  	v58 =	vmul.f32 v63, v39;
	v59 =	vmul.f32 v63, v46;
	v1 =	vadd.f32 v8, v1  }
0x187: {  	v8 =	vmul.f32 v63, v23;
	v52 =	vunpack.i.l.bf16.f32 v4;
	v4 =	vunpack.i.u.bf16.f32 v4  }
0x188: {  	v5 =	vadd.f32 v5, v59;
	v15 =	vmul.f32 v52, v51;
	v13 =	vmul.f32 v52, v40  }
0x189: {  	v63 =	vunpack.i.u.bf16.f32 v50;
	v57 =	vmul.f32 v4, v39;
	v18 =	vmul.f32 v4, v46  }
0x18a: {  	v4 =	vmul.f32 v4, v23;
	v2 =	vadd.f32 v2, v8;
	v1 =	vadd.f32 v1, v60  }
0x18b: {  	v8 =	vmul.f32 v9, v34;
	v34 =	vadd.f32 v10, v17;
	v10 =	vadd.f32 v11, v58  }
0x18c: {  	v60 =	vmul.f32 v9, v26;
	v9 =	vmul.f32 v9, v32;
	v15 =	vadd.f32 v15, v53  }
0x18d: {  	v12 =	vmul.f32 v63, v39;
	v13 =	vadd.f32 v13, v48;
	v2 =	vadd.f32 v8, v2  }
0x18e: {  	v8 =	vmul.f32 v52, v33;
	v10 =	vadd.f32 v60, v10;
	v5 =	vadd.f32 v9, v5  }
0x18f: {  	v13 =	vadd.f32 v13, v18;
	v43 =	vadd.f32 v2, v16;
	v16 =	vmul.f32 v56, v26  }
0x190: {  	v17 =	vmul.f32 v63, v23;
	v48 =	vld [tilespmem:$0x1FF10];
	v8 =	vadd.f32 v8, v45;
	v2 =	vadd.f32 v15, v57  }
0x191: {  	v52 =	vld [tilespmem:$0x1FF20];
	v15 =	vmul.f32 v38, v22;
	v5 =	vadd.f32 v5, v14;
	v0 =	vadd.f32 v16, v0  }
0x192: {  	v4 =	vadd.f32 v8, v4;
	v8 =	vunpack.i.l.bf16.f32 v50;
	v16 =	vmul.f32 v63, v46  }
0x193: {  	v32 =	vld [tilespmem:$0x1FF70];
	v7 =	vadd.f32 v7, v13;
	v61 =	vmul.f32 v8, v40;
	v33 =	vmul.f32 v8, v33  }
0x194: {  	v46 =	vmul.f32 v44, v29;
	v8 =	vmul.f32 v8, v51;
	v0 =	vadd.f32 v0, v15  }
0x195: {  	v62 =	vmul.f32 v43, v48;
	v15 =	vld [tilespmem:$0x1FE80];
	v11 =	vadd.f32 v61, v37;
	v13 =	vadd.f32 v33, v36  }
0x196: {  	v19 =	vmul.f32 v1, v52;
	v4 =	vadd.f32 v49, v4;
	v8 =	vadd.f32 v8, v35;
	v33 =	vld [tilespmem:$0x1FED0]  }
0x197: {  	v11 =	vadd.f32 v11, v16;
	v13 =	vadd.f32 v13, v17;
	v17 =	vmul.f32 v42, v29;
	v29 =	vld [tilespmem:$0x1FEE0]  }
0x198: {  	v36 =	vld [tilespmem:$0x1FEC0];
	v4 =	vadd.f32 v4, v46;
	v56 =	vmul.f32 v0, v32;
	v8 =	vadd.f32 v8, v12  }
0x199: {  	v38 =	vld [tilespmem:$0x1FF60];
	v16 =	vmul.f32 v44, v22;
	v40 =	vadd.f32 v31, v11;
	v45 =	vadd.f32 v25, v13  }
0x19a: {  	v27 =	vld [tilespmem:$0x1FF80];
	v8 =	vadd.f32 v30, v8;
	v11 =	vmul.f32 v44, v21;
	v21 =	vmul.f32 v4, v52  }
0x19b: {  	v26 =	vld [tilespmem:$0x1FF40];
	v9 =	vadd.f32 v40, v15;
	v15 =	vmul.f32 v54, v22;
	v12 =	vadd.f32 v45, v28  }
0x19c: {  	v31 =	vld [tilespmem:$0x1FF30];
	v8 =	vadd.f32 v8, v24;
	v54 =	vmul.f32 v6, v33;
	v39 =	vmul.f32 v5, v29  }
0x19d: {  	v2 =	vadd.f32 v55, v2;
	v25 =	vld [tilespmem:$0x1FF50];
	v47 =	vmul.f32 v9, v36;
	v49 =	vmul.f32 v12, v48  }
0x19e: {  	v30 =	vld [tilespmem:$0x1FEF0];
	v11 =	vadd.f32 v7, v11;
	v50 =	vmul.f32 v8, v38;
	v51 =	vmul.f32 v9, v33  }
0x19f: {  	v10 =	vadd.f32 v10, v15;
	v15 =	vmul.f32 v12, v52;
	v53 =	vmul.f32 v9, v29  }
0x1a0: {  	v7 =	vadd.f32 v3, v17;
	v17 =	vmul.f32 v8, v27;
	v18 =	vmul.f32 v12, v26  }
0x1a1: {  	v55 =	vadd.f32 v19, v54;
	v19 =	vmul.f32 v1, v26;
	v54 =	vmul.f32 v34, v32  }
0x1a2: {  	v2 =	vadd.f32 v2, v16;
	v28 =	vld [tilespmem:$0x1FF00];
	v16 =	vmul.f32 v12, v31;
	v12 =	vmul.f32 v12, v25  }
0x1a3: {  	v24 =	vld [tilespmem:$0x1FF90];
	v57 =	vmul.f32 v6, v30;
	v22 =	vmul.f32 v4, v31  }
0x1a4: {  	v60 =	vmul.f32 v11, v30;
	v40 =	vmul.f32 v5, v30  }
0x1a5: {  	v23 =	vld [tilespmem:$0x1FFA0];
	v3 =	vadd.f32 v15, v51;
	v15 =	vmul.f32 v8, v32;
	v63 =	vmul.f32 v10, v32  }
0x1a6: {  	v13 =	vadd.f32 v49, v47;
	v47 =	vmul.f32 v41, v36;
	v51 =	vmul.f32 v41, v33  }
0x1a7: {  	v14 =	vadd.f32 v16, v53;
	v16 =	vmul.f32 v9, v30;
	v9 =	vmul.f32 v9, v28  }
0x1a8: {  	v20 =	vmul.f32 v0, v24;
	v45 =	vmul.f32 v10, v24  }
0x1a9: {  	v13 =	vadd.f32 v50, v13;
	v3 =	vadd.f32 v15, v3;
	v15 =	vmul.f32 v8, v24  }
0x1aa: {  	v8 =	vmul.f32 v8, v23;
	v14 =	vadd.f32 v17, v14;
	v16 =	vadd.f32 v18, v16  }
0x1ab: {  	v17 =	vmul.f32 v6, v36;
	v18 =	vmul.f32 v1, v48;
	v9 =	vadd.f32 v12, v9  }
0x1ac: {  	v12 =	vadd.f32 v19, v57;
	v19 =	vmul.f32 v4, v48;
	v48 =	vmul.f32 v7, v48  }
0x1ad: {  	v57 =	vmul.f32 v7, v26;
	v15 =	vadd.f32 v15, v16;
	v16 =	vadd.f32 v18, v17  }
0x1ae: {  	v17 =	vmul.f32 v0, v38;
	v8 =	vadd.f32 v8, v9;
	v18 =	vmul.f32 v1, v31  }
0x1af: {  	v9 =	vadd.f32 v56, v55;
	v1 =	vmul.f32 v1, v25;
	v12 =	vadd.f32 v20, v12  }
0x1b0: {  	v20 =	vmul.f32 v2, v38;
	v16 =	vadd.f32 v17, v16;
	v17 =	vmul.f32 v6, v29  }
0x1b1: {  	v50 =	vadd.f32 v48, v47;
	v56 =	vmul.f32 v41, v30;
	v6 =	vmul.f32 v6, v28  }
0x1b2: {  	[tilespmem:$0xF500] =	vst v8;
	v8 =	vmul.f32 v5, v36;
	v17 =	vadd.f32 v18, v17;
	v18 =	vmul.f32 v0, v27  }
0x1b3: {  	[tilespmem:$0xF480] =	vst v15;
	v15 =	vmul.f32 v5, v33;
	v1 =	vadd.f32 v1, v6;
	v6 =	vmul.f32 v11, v33  }
0x1b4: {  	v0 =	vmul.f32 v0, v23;
	v17 =	vadd.f32 v18, v17;
	v18 =	vmul.f32 v11, v36  }
0x1b5: {  	[tilespmem:$0xF300] =	vst v13;
	v8 =	vadd.f32 v62, v8;
	v58 =	vadd.f32 v21, v6;
	v6 =	vmul.f32 v2, v32  }
0x1b6: {  	[tilespmem:$0xF380] =	vst v3;
	v5 =	vmul.f32 v5, v28;
	v0 =	vadd.f32 v0, v1;
	v18 =	vadd.f32 v19, v18  }
0x1b7: {  	[tilespmem:$0xF400] =	vst v14;
	v19 =	vmul.f32 v11, v29;
	v1 =	vadd.f32 v6, v58;
	v6 =	vmul.f32 v4, v26  }
0x1b8: {  	[tilespmem:$0xF390] =	vst v9;
	v11 =	vmul.f32 v11, v28;
	v4 =	vmul.f32 v4, v25;
	v59 =	vadd.f32 v20, v18  }
0x1b9: {  	[tilespmem:$0xF490] =	vst v12;
	v18 =	vadd.f32 v22, v19;
	v3 =	vadd.f32 v6, v60;
	v6 =	vmul.f32 v2, v24  }
0x1ba: {  	[tilespmem:$0xF310] =	vst v16;
	v19 =	vmul.f32 v2, v27;
	v2 =	vmul.f32 v2, v23;
	v4 =	vadd.f32 v4, v11  }
0x1bb: {  	v16 =	vmul.f32 v43, v31;
	[tilespmem:$0xF410] =	vst v17;
	v3 =	vadd.f32 v6, v3;
	v6 =	vmul.f32 v10, v38  }
0x1bc: {  	[tilespmem:$0xF510] =	vst v0;
	v61 =	vadd.f32 v19, v18;
	v2 =	vadd.f32 v2, v4;
	v4 =	vmul.f32 v43, v52  }
0x1bd: {  	[tilespmem:$0xF3A0] =	vst v1;
	v42 =	vadd.f32 v6, v8;
	v6 =	vadd.f32 v16, v39;
	v8 =	vmul.f32 v10, v27  }
0x1be: {  	v60 =	vmul.f32 v34, v24;
	[tilespmem:$0xF320] =	vst v59;
	v52 =	vmul.f32 v7, v52;
	v59 =	vadd.f32 v57, v56  }
0x1bf: {  	v4 =	vadd.f32 v4, v15;
	[tilespmem:$0xF420] =	vst v61;
	v46 =	vadd.f32 v8, v6;
	v6 =	vmul.f32 v43, v25  }
0x1c0: {  	v15 =	vmul.f32 v43, v26;
	[tilespmem:$0xF4A0] =	vst v3;
	v55 =	vadd.f32 v52, v51;
	v62 =	vadd.f32 v60, v59  }
0x1c1: {  	[tilespmem:$0xF520] =	vst v2;
	v4 =	vadd.f32 v63, v4;
	v49 =	vadd.f32 v6, v5;
	v5 =	vmul.f32 v10, v23  }
0x1c2: {  	v44 =	vadd.f32 v15, v40;
	[tilespmem:$0xF330] =	vst v42;
	v58 =	vadd.f32 v54, v55;
	v6 =	vmul.f32 v34, v38  }
0x1c3: {  	[tilespmem:$0xF3B0] =	vst v4;
	v4 =	vmul.f32 v7, v31;
	v53 =	vadd.f32 v5, v49;
	v5 =	vmul.f32 v41, v29  }
0x1c4: {  	[tilespmem:$0xF4C0] =	vst v62;
	v8 =	vadd.f32 v45, v44;
	v7 =	vmul.f32 v7, v25;
	v2 =	vadd.f32 v6, v50  }
0x1c5: {  	[tilespmem:$0xF430] =	vst v46;
	v6 =	vmul.f32 v34, v27;
	v4 =	vadd.f32 v4, v5;
	v5 =	vmul.f32 v41, v28  }
0x1c6: {  	s0 =	sadd.s32 $0x1, s0;
	[tilespmem:$0xF3C0] =	vst v58  }
0x1c7: {  	p0 =	sne.s32 s0, $0x3E;
	[tilespmem:$0xF4B0] =	vst v8;
	v61 =	vadd.f32 v6, v4;
	v4 =	vadd.f32 v7, v5;
	v5 =	vmul.f32 v34, v23  }
.Ltmp2:
0x1c8: {  	s2 =	sadd.s32 s10, s2;
	v17 =	vld [tilespmem:$0x1FFC0];
	[tilespmem:$0xF530] =	vst v53;
	(pc) =	sbr.rel @p0 .LBB2_2-.Ltmp2, $4  }
0x1c9: {  	s2 =	sshll.u32 s2, $0x7;
	v24 =	vld [tilespmem:$0x1FFF0];
	[tilespmem:$0xF340] =	vst v2;
	v63 =	vadd.f32 v5, v4  }
0x1ca: {  	s2 =	sand.u32 $0x1FFFFF80, s2;
	v20 =	vld [tilespmem:$0x1FFE0];
	[tilespmem:$0xF440] =	vst v61  }
0x1cb: {  	s2 =	sadd.s32 s7, s2;
	v19 =	vld [tilespmem:$0x1FFD0];
	[tilespmem:$0xF540] =	vst v63  }
0x1cc: {  	v16 =	vld [tilespmem:$0x1FFB0];
	v7 =	vlaneseq.u32;
	[hbm4b:s2+s3] =	stream.linear.scatter [tilespmem:s28], [sflag:$0x6], $0x400, $0x38  }
0x1cd: {  	_ =	swait.ge [sflag:s20], $0x2800  }
0x1ce: {  	[sflag:s20] =	ssyncset.done $0x0  }
0x1cf: {  	[sflag:s20] =	ssyncadd.s32 $0xFFFFD800  }
0x1d0: {  	_ =	swait.ge [sflag:s21], $0x2800  }
0x1d1: {  	[sflag:s21] =	ssyncset.done $0x0  }
0x1d2: {  	[sflag:s21] =	ssyncadd.s32 $0xFFFFD800  }
0x1d3: {  	_ =	swait.ge [sflag:s29], $0x400  }
0x1d4: {  	[sflag:s29] =	ssyncset.done $0x0  }
0x1d5: {  	s0 =	simm.s32 $0xF780;
	s2 =	simm.s32 $0x1;
	[sflag:s29] =	ssyncadd.s32 $0xFFFFFC00  }
0x1d6: {  	v0 =	vadd.s32 s2, v7;
	v23 =	vld [tilespmem:s0+$0xFFFFFFD0]  }
0x1d7: {  	v0 =	vand.u32 $0x3F, v0;
	v29 =	vld [tilespmem:s0+$0x50]  }
0x1d8: {  	v1 =	vor.u32 v17, v0;
	v26 =	vld [tilespmem:s0+$0x20]  }
0x1d9: {  	v2 =	vor.u32 v19, v0;
	v32 =	vld [tilespmem:s0+$0x0]  }
0x1da: {  	v4 =	vor.u32 v16, v0;
	v34 =	vld [tilespmem:s0+$0x10]  }
0x1db: {  	v22 =	vld [tilespmem:s0+$0x60]  }
0x1dc: {  	v21 =	vld [tilespmem:s0+$0x40]  }
0x1dd: {  	v3 =	vor.u32 v20, v0;
	v5 =	vld.idx.msk [tilespmem:v1+s18+$0x0], $0xffff  }
0x1de: {  	v6 =	vld.idx.msk [tilespmem:v2+s18+$0x0], $0xffff  }
0x1df: {  	s16 =	simm.s32 $0x0;
	v0 =	vor.u32 v24, v0;
	v9 =	vld.idx.msk [tilespmem:v4+s19+$0x0], $0xffff  }
0x1e0: {  	v7 =	vadd.s32 s16, v7;
	v4 =	vld.idx.msk [tilespmem:v4+s18+$0x0], $0xffff  }
0x1e1: {  	v7 =	vand.u32 $0x3F, v7;
	v1 =	vld.idx.msk [tilespmem:v1+s19+$0x0], $0xffff  }
0x1e2: {  	v10 =	vor.u32 v16, v7;
	v8 =	vld.idx.msk [tilespmem:v3+s19+$0x0], $0xffff  }
0x1e3: {  	v13 =	vor.u32 v19, v7;
	v3 =	vld.idx.msk [tilespmem:v3+s18+$0x0], $0xffff  }
0x1e4: {  	v11 =	vor.u32 v17, v7;
	v12 =	vld.idx.msk [tilespmem:v0+s19+$0x0], $0xffff  }
0x1e5: {  	v0 =	vld.idx.msk [tilespmem:v0+s18+$0x0], $0xffff;
	v4 =	vmul.bf16 v9, v4  }
0x1e6: {  	v2 =	vld.idx.msk [tilespmem:v2+s19+$0x0], $0xffff  }
0x1e7: {  	v41 =	vimm.f32 $0.0e+00;
	v54 =	vimm.f32 $0.0e+00;
	v17 =	vld.idx.msk [tilespmem:v10+s18+$0x0], $0xffff;
	v15 =	vunpack.i.u.bf16.f32 v4  }
0x1e8: {  	v14 =	vor.u32 v20, v7;
	v45 =	vld.idx.msk [tilespmem:v13+s18+$0x0], $0xffff;
	v57 =	vmul.bf16 v8, v3;
	v8 =	vmul.f32 v15, v21  }
0x1e9: {  	v52 =	vimm.f32 $0.0e+00;
	v63 =	vimm.f32 $0.0e+00;
	v9 =	vld.idx.msk [tilespmem:v11+s19+$0x0], $0xffff;
	v4 =	vunpack.i.l.bf16.f32 v4  }
0x1ea: {  	v43 =	vimm.f32 $0.0e+00;
	v1 =	vmul.bf16 v1, v5;
	v5 =	vld.idx.msk [tilespmem:v13+s19+$0x0], $0xffff;
	[tilespmem:$0x1FE40] =	vst v8;
	v8 =	vmul.f32 v4, v34  }
0x1eb: {  	v53 =	vimm.f32 $0.0e+00;
	v44 =	vimm.f32 $0.0e+00;
	v48 =	vimm.f32 $0.0e+00  }
0x1ec: {  	v37 =	vimm.f32 $0.0e+00;
	v36 =	vimm.f32 $0.0e+00;
	v35 =	vimm.f32 $0.0e+00;
	v11 =	vld.idx.msk [tilespmem:v11+s18+$0x0], $0xffff;
	[tilespmem:$0x1FE50] =	vst v8  }
0x1ed: {  	v59 =	vor.u32 v24, v7;
	v2 =	vmul.bf16 v2, v6;
	v62 =	vmul.bf16 v12, v0;
	v18 =	vld.idx.msk [tilespmem:v14+s19+$0x0], $0xffff  }
0x1ee: {  	v38 =	vunpack.i.u.bf16.f32 v1;
	v25 =	vmul.f32 v15, v22;
	v31 =	vmul.f32 v4, v32;
	v33 =	vld [tilespmem:s0+$0xFFFFFF90]  }
0x1ef: {  	v56 =	vunpack.i.l.bf16.f32 v1;
	v6 =	vmul.f32 v38, v21;
	v28 =	vmul.f32 v15, v29;
	v46 =	vld.idx.msk [tilespmem:v10+s19+$0x0], $0xffff  }
0x1f0: {  	v42 =	vunpack.i.u.bf16.f32 v2;
	v30 =	vmul.f32 v4, v26;
	v60 =	vmul.f32 v38, v29;
	v40 =	vld [tilespmem:s0+$0xFFFFFF80]  }
0x1f1: {  	v7 =	vunpack.i.l.bf16.f32 v62;
	v13 =	vmul.f32 v42, v21;
	v3 =	vmul.bf16 v5, v45;
	v47 =	vld.idx.msk [tilespmem:v14+s18+$0x0], $0xffff  }
0x1f2: {  	v61 =	vunpack.i.l.bf16.f32 v2;
	v55 =	vmul.f32 v7, v26;
	v49 =	vmul.f32 v7, v34  }
0x1f3: {  	v45 =	vimm.f32 $0.0e+00;
	v10 =	vunpack.i.l.bf16.f32 v3;
	v58 =	vmul.bf16 v9, v11  }
0x1f4: {  	v8 =	vmul.f32 v56, v32;
	v15 =	vunpack.i.u.bf16.f32 v3;
	v39 =	vld [tilespmem:s0+$0xFFFFFFE0];
	v4 =	vmul.f32 v10, v33  }
0x1f5: {  	v51 =	vld [tilespmem:s0+$0xFFFFFFA0];
	v16 =	vunpack.i.u.bf16.f32 v58;
	v50 =	vmul.bf16 v46, v17;
	v19 =	vmul.f32 v10, v40  }
0x1f6: {  	v9 =	vld.idx.msk [tilespmem:v59+s18+$0x0], $0xffff;
	v20 =	vunpack.i.l.bf16.f32 v58;
	v18 =	vmul.bf16 v18, v47;
	v47 =	vimm.f32 $0.0e+00  }
0x1f7: {  	s2 =	simm.s32 $0x2;
	v46 =	vld [tilespmem:s0+$0xFFFFFFC0];
	v58 =	vimm.f32 $0.0e+00;
	v14 =	vmul.f32 v16, v23;
	v17 =	vadd.f32 v4, v41  }
.LBB2_8:
0x1f8: {  	v2 =	vmul.f32 v61, v34;
	v3 =	vmul.f32 v20, v40  }
0x1f9: {  	v5 =	vmul.f32 v7, v32;
	v7 =	vmul.f32 v20, v33;
	v11 =	vunpack.i.u.bf16.f32 v62  }
0x1fa: {  	v27 =	vmul.f32 v56, v26;
	v1 =	vunpack.i.u.bf16.f32 v57;
	v4 =	vunpack.i.l.bf16.f32 v18  }
0x1fb: {  	v12 =	vmul.f32 v11, v29;
	v19 =	vadd.f32 v19, v47;
	v47 =	vmul.f32 v61, v32  }
0x1fc: {  	[tilespmem:$0x1FE30] =	vst v28;
	v28 =	vmov v25;
	v62 =	vmul.f32 v1, v29;
	v25 =	vmul.f32 v4, v40  }
0x1fd: {  	v54 =	vadd.f32 v7, v54;
	v7 =	vmul.f32 v42, v29;
	v29 =	vmul.f32 v4, v33  }
0x1fe: {  	v59 =	vld.idx.msk [tilespmem:v59+s19+$0x0], $0xffff;
	v57 =	vunpack.i.l.bf16.f32 v57;
	v0 =	vmul.f32 v15, v46;
	v24 =	vmul.f32 v15, v39  }
0x1ff: {  	v3 =	vadd.f32 v3, v41;
	v41 =	vmul.f32 v16, v46;
	v20 =	vmul.f32 v20, v51  }
0x200: {  	v18 =	vunpack.i.u.bf16.f32 v18;
	v4 =	vmul.f32 v4, v51;
	v15 =	vmul.f32 v15, v23  }
0x201: {  	v16 =	vmul.f32 v16, v39;
	v14 =	vadd.f32 v54, v14;
	v25 =	vadd.f32 v25, v44  }
0x202: {  	v10 =	vmul.f32 v10, v51;
	v3 =	vadd.f32 v3, v41;
	v0 =	vadd.f32 v19, v0  }
0x203: {  	v9 =	vmul.bf16 v59, v9;
	v19 =	vadd.f32 v29, v52;
	v4 =	vadd.f32 v4, v63  }
0x204: {  	v29 =	vmul.f32 v56, v34;
	v20 =	vadd.f32 v20, v58;
	v63 =	vmul.f32 v18, v46  }
0x205: {  	v10 =	vadd.f32 v10, v43;
	v3 =	vadd.f32 v8, v3;
	v8 =	vmul.f32 v57, v32  }
0x206: {  	v0 =	vadd.f32 v47, v0;
	v58 =	vadd.f32 v20, v16;
	v16 =	vmul.f32 v18, v23  }
0x207: {  	v14 =	vadd.f32 v29, v14;
	v10 =	vadd.f32 v10, v24;
	v20 =	vmul.f32 v57, v26  }
0x208: {  	v41 =	vadd.f32 v3, v6;
	v6 =	vmul.f32 v18, v39;
	v47 =	vadd.f32 v0, v13  }
0x209: {  	v13 =	vadd.f32 v17, v15;
	v15 =	vmul.f32 v57, v34;
	v17 =	vmul.f32 v61, v26  }
0x20a: {  	v18 =	vunpack.i.l.bf16.f32 v9;
	v16 =	vadd.f32 v19, v16;
	v54 =	vadd.f32 v14, v60  }
0x20b: {  	s0 =	sadd.s32 $0x100, s0;
	v56 =	vld [tilespmem:$0x1FFD0];
	v9 =	vunpack.i.u.bf16.f32 v9;
	v0 =	vadd.f32 v27, v58;
	v3 =	vadd.f32 v25, v63  }
0x20c: {  	v29 =	vld [tilespmem:s0+$0x50];
	v25 =	vunpack.i.u.bf16.f32 v50;
	v60 =	vunpack.i.l.bf16.f32 v50;
	v19 =	vmul.f32 v18, v40  }
0x20d: {  	v32 =	vld [tilespmem:s0+$0x0];
	v2 =	vadd.f32 v2, v13;
	v13 =	vmul.f32 v18, v51;
	v18 =	vmul.f32 v18, v33  }
0x20e: {  	v26 =	vld [tilespmem:s0+$0x20];
	v14 =	vadd.f32 v15, v16;
	v10 =	vadd.f32 v17, v10;
	v15 =	vmul.f32 v9, v23  }
0x20f: {  	s5 =	smov.u32 s2;
	v16 =	vmul.f32 v42, v22;
	v3 =	vadd.f32 v8, v3;
	v19 =	vadd.f32 v19, v48;
	v48 =	vld [tilespmem:$0x1FFC0]  }
0x210: {  	s6 =	sadd.s32 $0x1, s5;
	v34 =	vld [tilespmem:s0+$0x10];
	v13 =	vadd.f32 v13, v53;
	v17 =	vadd.f32 v18, v45;
	v45 =	vlaneseq.u32  }
0x211: {  	v27 =	vld [tilespmem:s0+$0x40];
	v18 =	vmul.f32 v9, v39;
	v9 =	vmul.f32 v9, v46;
	v24 =	vadd.s32 s6, v45  }
0x212: {  	v61 =	vld [tilespmem:$0x1FFF0];
	v43 =	vadd.f32 v10, v16;
	v8 =	vadd.s32 s5, v45;
	v10 =	vand.u32 $0x3F, v24  }
0x213: {  	v53 =	vld [tilespmem:$0x1FFB0];
	v13 =	vadd.f32 v13, v18;
	v9 =	vadd.f32 v19, v9;
	v19 =	vor.u32 v56, v10  }
0x214: {  	v50 =	vld [tilespmem:$0x1FE30];
	v18 =	vmul.f32 v1, v22;
	v1 =	vmul.f32 v1, v21;
	v16 =	vor.u32 v48, v10  }
0x215: {  	v4 =	vadd.f32 v4, v6;
	v8 =	vand.u32 $0x3F, v8;
	v6 =	vadd.f32 v55, v13;
	v55 =	vld [tilespmem:$0x1FFE0]  }
0x216: {  	v52 =	vadd.f32 v14, v62;
	v14 =	vld [tilespmem:s0+$0xFFFFFFD0];
	v44 =	vadd.f32 v3, v1;
	v3 =	vor.u32 v48, v8  }
0x217: {  	v15 =	vadd.f32 v17, v15;
	v5 =	vadd.f32 v5, v9;
	v9 =	vld [tilespmem:s0+$0x60]  }
0x218: {  	v4 =	vadd.f32 v20, v4;
	v13 =	vor.u32 v53, v10;
	v42 =	vld.idx.msk [tilespmem:v19+s18+$0x0], $0xffff  }
0x219: {  	v17 =	vmul.f32 v11, v22;
	v22 =	vmul.f32 v38, v22;
	v15 =	vadd.f32 v49, v15;
	v20 =	vld.idx.msk [tilespmem:v16+s18+$0x0], $0xffff  }
0x21a: {  	v24 =	vor.u32 v55, v10;
	v10 =	vor.u32 v61, v10;
	v63 =	vld.idx.msk [tilespmem:v16+s19+$0x0], $0xffff  }
0x21b: {  	v45 =	vadd.f32 v15, v12;
	v15 =	vmul.f32 v25, v23;
	v23 =	vmov v14;
	v14 =	vld.idx.msk [tilespmem:v3+s19+$0x0], $0xffff  }
0x21c: {  	v2 =	vadd.f32 v2, v7;
	v11 =	vmul.f32 v11, v21;
	v3 =	vld.idx.msk [tilespmem:v3+s18+$0x0], $0xffff  }
0x21d: {  	v21 =	vmovc v27;
	v58 =	vadd.f32 v0, v22;
	v16 =	vmul.f32 v60, v40;
	v22 =	vmov v9;
	v9 =	vld.idx.msk [tilespmem:v13+s19+$0x0], $0xffff  }
0x21e: {  	v59 =	vor.u32 v61, v8;
	v1 =	vor.u32 v53, v8;
	v40 =	vmul.f32 v60, v51;
	v13 =	vld.idx.msk [tilespmem:v13+s18+$0x0], $0xffff  }
0x21f: {  	v48 =	vadd.f32 v5, v11;
	v12 =	vadd.f32 v16, v37;
	v16 =	vor.u32 v55, v8;
	v27 =	vld.idx.msk [tilespmem:v10+s19+$0x0], $0xffff  }
0x220: {  	v8 =	vor.u32 v56, v8;
	v7 =	vadd.f32 v40, v35;
	v5 =	vld.idx.msk [tilespmem:v10+s18+$0x0], $0xffff;
	v10 =	vmul.f32 v25, v39  }
0x221: {  	v62 =	vmul.f32 v25, v46;
	v46 =	vmul.f32 v60, v33;
	v49 =	vld.idx.msk [tilespmem:v24+s19+$0x0], $0xffff  }
0x222: {  	v53 =	vadd.f32 v6, v17;
	v7 =	vadd.f32 v7, v10;
	v10 =	vld [tilespmem:$0x1FE40]  }
0x223: {  	v6 =	vadd.f32 v46, v36;
	v12 =	vadd.f32 v12, v62;
	v24 =	vld.idx.msk [tilespmem:v24+s18+$0x0], $0xffff  }
0x224: {  	v0 =	vmul.bf16 v63, v20;
	v63 =	vadd.f32 v4, v18;
	v4 =	vld.idx.msk [tilespmem:v19+s19+$0x0], $0xffff;
	v9 =	vmul.bf16 v9, v13  }
0x225: {  	v6 =	vadd.f32 v6, v15;
	v12 =	vadd.f32 v31, v12;
	v13 =	vld.idx.msk [tilespmem:v8+s19+$0x0], $0xffff  }
0x226: {  	v3 =	vmul.bf16 v14, v3;
	v17 =	vld.idx.msk [tilespmem:v8+s18+$0x0], $0xffff;
	v38 =	vunpack.i.u.bf16.f32 v0;
	v15 =	vunpack.i.l.bf16.f32 v9  }
0x227: {  	v33 =	vld [tilespmem:s0+$0xFFFFFF90];
	v60 =	vmul.f32 v38, v29;
	v37 =	vadd.f32 v12, v10;
	v10 =	vunpack.i.u.bf16.f32 v9  }
0x228: {  	v11 =	vld.idx.msk [tilespmem:v1+s18+$0x0], $0xffff;
	v56 =	vunpack.i.l.bf16.f32 v0;
	v31 =	vmul.f32 v15, v32;
	v8 =	vmul.f32 v10, v21  }
0x229: {  	v40 =	vld [tilespmem:s0+$0xFFFFFF80];
	v7 =	vadd.f32 v30, v7;
	v30 =	vmul.f32 v15, v26;
	v4 =	vmul.bf16 v4, v42  }
0x22a: {  	v20 =	vunpack.i.l.bf16.f32 v3;
	v57 =	vmul.bf16 v49, v24;
	v62 =	vmul.bf16 v27, v5;
	[tilespmem:$0x1FE40] =	vst v8;
	v8 =	vld [tilespmem:$0x1FE50]  }
0x22b: {  	v18 =	vld.idx.msk [tilespmem:v16+s18+$0x0], $0xffff;
	v35 =	vadd.f32 v7, v28;
	v42 =	vunpack.i.u.bf16.f32 v4;
	v51 =	vmul.bf16 v13, v17  }
0x22c: {  	v12 =	vld.idx.msk [tilespmem:v16+s19+$0x0], $0xffff;
	v61 =	vunpack.i.l.bf16.f32 v4;
	v7 =	vunpack.i.l.bf16.f32 v62;
	v9 =	vmul.f32 v10, v22  }
0x22d: {  	p0 =	slt.u32 s2, $0x3E;
	v1 =	vld.idx.msk [tilespmem:v1+s19+$0x0], $0xffff;
	v28 =	vmul.f32 v10, v29;
	v13 =	vmul.f32 v42, v21;
	v10 =	vunpack.i.l.bf16.f32 v51  }
.Ltmp3:
0x22e: {  	v16 =	vunpack.i.u.bf16.f32 v3;
	v55 =	vmul.f32 v7, v26;
	v4 =	vmul.f32 v10, v33;
	(pc) =	sbr.rel @p0 .LBB2_8-.Ltmp3, $4  }
0x22f: {  	v46 =	vld [tilespmem:s0+$0xFFFFFFC0];
	v14 =	vmul.f32 v16, v23;
	v6 =	vadd.f32 v8, v6;
	v8 =	vmul.f32 v15, v34  }
0x230: {  	v39 =	vld [tilespmem:s0+$0xFFFFFFE0];
	v49 =	vmul.f32 v7, v34;
	v25 =	vmovc v9;
	v19 =	vmul.f32 v10, v40;
	v17 =	vadd.f32 v4, v2  }
0x231: {  	v9 =	vld.idx.msk [tilespmem:v59+s18+$0x0], $0xffff;
	v18 =	vmul.bf16 v12, v18;
	v15 =	vunpack.i.u.bf16.f32 v51;
	[tilespmem:$0x1FE50] =	vst v8;
	v8 =	vmul.f32 v56, v32  }
0x232: {  	s2 =	sadd.s32 $0x2, s2;
	v51 =	vld [tilespmem:s0+$0xFFFFFFA0];
	v36 =	vadd.f32 v6, v50;
	v6 =	vmul.f32 v38, v21;
	v50 =	vmul.bf16 v1, v11  }
0x233: {  	_ = 	snop  }
0x234: {  	v0 =	vmul.f32 v20, v40  }
0x235: {  	v1 =	vmul.f32 v20, v33;
	v3 =	vadd.f32 v19, v47;
	v11 =	vmul.f32 v61, v32  }
0x236: {  	v5 =	vunpack.i.l.bf16.f32 v18;
	v7 =	vmul.f32 v7, v32;
	v2 =	vmul.f32 v16, v46  }
0x237: {  	v47 =	vld.idx.msk [tilespmem:v59+s19+$0x0], $0xffff;
	v4 =	vmul.f32 v15, v46;
	v0 =	vadd.f32 v0, v41;
	v41 =	vmul.f32 v5, v33  }
0x238: {  	v1 =	vadd.f32 v1, v54;
	v12 =	vmul.f32 v16, v39;
	v16 =	vmul.f32 v15, v23  }
0x239: {  	v54 =	vmul.f32 v56, v34;
	v3 =	vadd.f32 v3, v4;
	v0 =	vadd.f32 v0, v2  }
0x23a: {  	v4 =	vmul.f32 v5, v51;
	v2 =	vadd.f32 v41, v52;
	v52 =	vadd.f32 v17, v16  }
0x23b: {  	v1 =	vadd.f32 v1, v14;
	v5 =	vmul.f32 v5, v40;
	v17 =	vmul.f32 v42, v22  }
0x23c: {  	v3 =	vadd.f32 v11, v3;
	v9 =	vmul.bf16 v47, v9;
	v11 =	vunpack.i.u.bf16.f32 v18  }
0x23d: {  	v47 =	vmul.f32 v61, v26;
	v0 =	vadd.f32 v8, v0;
	v8 =	vmul.f32 v20, v51  }
0x23e: {  	v4 =	vadd.f32 v4, v63;
	v1 =	vadd.f32 v54, v1;
	v59 =	vmul.f32 v11, v23  }
0x23f: {  	v63 =	vmul.f32 v15, v39;
	v5 =	vadd.f32 v5, v44;
	v41 =	vadd.f32 v3, v13  }
0x240: {  	v13 =	vunpack.i.l.bf16.f32 v57;
	v57 =	vunpack.i.u.bf16.f32 v57;
	v8 =	vadd.f32 v8, v58  }
0x241: {  	v6 =	vadd.f32 v0, v6;
	v58 =	vmul.f32 v61, v34;
	v2 =	vadd.f32 v2, v59  }
0x242: {  	v1 =	vadd.f32 v1, v60;
	v16 =	vmul.f32 v57, v29;
	v59 =	vmul.f32 v11, v46  }
0x243: {  	v60 =	vmul.f32 v13, v26;
	v61 =	vunpack.i.l.bf16.f32 v50;
	v14 =	vmul.f32 v57, v21  }
0x244: {  	v44 =	vmul.f32 v61, v33;
	v3 =	vadd.f32 v58, v52;
	v52 =	vunpack.i.l.bf16.f32 v9  }
0x245: {  	v0 =	vadd.f32 v8, v12;
	v8 =	vmul.f32 v10, v51;
	v15 =	vmul.f32 v52, v51  }
0x246: {  	v9 =	vunpack.i.u.bf16.f32 v9;
	v54 =	vmul.f32 v52, v33;
	v12 =	vmul.f32 v52, v40  }
0x247: {  	v5 =	vadd.f32 v5, v59;
	v58 =	vmul.f32 v9, v39;
	v18 =	vmul.f32 v9, v46  }
0x248: {  	v8 =	vadd.f32 v8, v43;
	v43 =	vmul.f32 v13, v34;
	v15 =	vadd.f32 v15, v53  }
0x249: {  	v13 =	vmul.f32 v13, v32;
	v10 =	vadd.f32 v54, v45;
	v12 =	vadd.f32 v12, v48  }
0x24a: {  	v45 =	vunpack.i.u.bf16.f32 v62;
	v8 =	vadd.f32 v8, v63;
	v2 =	vadd.f32 v43, v2  }
0x24b: {  	v33 =	vld [tilespmem:$0x1FED0];
	v63 =	vmul.f32 v61, v40;
	v40 =	vunpack.i.u.bf16.f32 v50;
	v5 =	vadd.f32 v13, v5  }
0x24c: {  	v13 =	vmul.f32 v45, v21;
	v12 =	vadd.f32 v12, v18;
	v8 =	vadd.f32 v47, v8  }
0x24d: {  	v43 =	vadd.f32 v2, v16;
	v16 =	vmul.f32 v56, v26;
	v2 =	vadd.f32 v15, v58  }
0x24e: {  	v24 =	vld [tilespmem:$0x1FF90];
	v15 =	vmul.f32 v38, v22;
	v47 =	vmul.f32 v45, v29;
	v5 =	vadd.f32 v5, v14  }
0x24f: {  	v32 =	vld [tilespmem:$0x1FF70];
	v7 =	vadd.f32 v7, v12;
	v34 =	vadd.f32 v8, v17;
	v8 =	vmul.f32 v11, v39  }
0x250: {  	v53 =	vmul.f32 v6, v33;
	v12 =	vadd.f32 v44, v36;
	v36 =	vld [tilespmem:$0x1FEC0];
	v0 =	vadd.f32 v16, v0  }
0x251: {  	v16 =	vmul.f32 v40, v46;
	v17 =	vmul.f32 v40, v23;
	v46 =	vld [tilespmem:$0x1FE50];
	v4 =	vadd.f32 v4, v8  }
0x252: {  	v8 =	vmul.f32 v9, v23;
	v9 =	vadd.f32 v63, v37;
	v0 =	vadd.f32 v0, v15;
	v15 =	vld [tilespmem:$0x1FE40]  }
0x253: {  	v2 =	vadd.f32 v55, v2;
	v11 =	vmul.f32 v40, v39;
	v13 =	vadd.f32 v7, v13;
	v37 =	vld [tilespmem:$0x1FF10]  }
0x254: {  	v12 =	vadd.f32 v12, v17;
	v17 =	vmul.f32 v42, v29;
	v29 =	vld [tilespmem:$0x1FEE0];
	v9 =	vadd.f32 v9, v16  }
0x255: {  	v8 =	vadd.f32 v10, v8;
	v4 =	vadd.f32 v60, v4;
	v10 =	vmul.f32 v61, v51  }
0x256: {  	v16 =	vmul.f32 v45, v22;
	v55 =	vmul.f32 v0, v32;
	v9 =	vadd.f32 v31, v9  }
0x257: {  	v20 =	vmul.f32 v0, v24;
	v61 =	vmul.f32 v5, v36;
	v10 =	vadd.f32 v10, v35;
	v35 =	vld [tilespmem:$0x1FF20]  }
0x258: {  	v8 =	vadd.f32 v49, v8;
	v31 =	vld [tilespmem:$0x1FF30];
	v62 =	vmul.f32 v43, v37;
	v9 =	vadd.f32 v9, v15  }
0x259: {  	v39 =	vmul.f32 v5, v29;
	v10 =	vadd.f32 v10, v11;
	v11 =	vadd.f32 v46, v12  }
0x25a: {  	v26 =	vld [tilespmem:$0x1FF40];
	v15 =	vmul.f32 v57, v22;
	v8 =	vadd.f32 v8, v47;
	v48 =	vmul.f32 v9, v36  }
0x25b: {  	v27 =	vld [tilespmem:$0x1FF80];
	v11 =	vadd.f32 v11, v28;
	v51 =	vmul.f32 v9, v33;
	v52 =	vmul.f32 v9, v29  }
0x25c: {  	v2 =	vadd.f32 v2, v16;
	v19 =	vmul.f32 v1, v35;
	v21 =	vmul.f32 v8, v35  }
0x25d: {  	v38 =	vld [tilespmem:$0x1FF60];
	v4 =	vadd.f32 v4, v15;
	v22 =	vmul.f32 v8, v31;
	v49 =	vmul.f32 v11, v37  }
0x25e: {  	v10 =	vadd.f32 v30, v10;
	v30 =	vld [tilespmem:$0x1FEF0];
	v15 =	vmul.f32 v11, v35;
	v16 =	vmul.f32 v11, v31  }
0x25f: {  	v7 =	vadd.f32 v3, v17;
	v28 =	vld [tilespmem:$0x1FF00];
	v18 =	vmul.f32 v11, v26;
	v63 =	vmul.f32 v4, v32  }
0x260: {  	v10 =	vadd.f32 v10, v25;
	v44 =	vmul.f32 v4, v27;
	v46 =	vmul.f32 v4, v24  }
0x261: {  	v54 =	vadd.f32 v19, v53;
	v19 =	vmul.f32 v1, v26;
	v53 =	vmul.f32 v7, v35  }
0x262: {  	v25 =	vld [tilespmem:$0x1FF50];
	v50 =	vmul.f32 v10, v38;
	v3 =	vadd.f32 v15, v51;
	v15 =	vmul.f32 v10, v32  }
0x263: {  	v12 =	vadd.f32 v49, v48;
	v17 =	vmul.f32 v10, v27;
	v49 =	vmul.f32 v41, v36  }
0x264: {  	v23 =	vld [tilespmem:$0x1FFA0];
	v14 =	vadd.f32 v16, v52;
	v16 =	vmul.f32 v9, v30;
	v9 =	vmul.f32 v9, v28  }
0x265: {  	v56 =	vmul.f32 v6, v30;
	v59 =	vmul.f32 v13, v30  }
0x266: {  	v12 =	vadd.f32 v50, v12;
	v3 =	vadd.f32 v15, v3;
	v15 =	vmul.f32 v10, v24  }
0x267: {  	v14 =	vadd.f32 v17, v14;
	v50 =	vmul.f32 v7, v37;
	v11 =	vmul.f32 v11, v25  }
0x268: {  	v17 =	vmul.f32 v6, v36;
	v16 =	vadd.f32 v18, v16;
	v18 =	vmul.f32 v1, v37  }
0x269: {  	v10 =	vmul.f32 v10, v23;
	v52 =	vadd.f32 v50, v49;
	v9 =	vadd.f32 v11, v9  }
0x26a: {  	v15 =	vadd.f32 v15, v16;
	v16 =	vadd.f32 v18, v17;
	v17 =	vmul.f32 v0, v38  }
0x26b: {  	v18 =	vmul.f32 v1, v31;
	v11 =	vadd.f32 v19, v56;
	v1 =	vmul.f32 v1, v25  }
0x26c: {  	v19 =	vmul.f32 v8, v37;
	v16 =	vadd.f32 v17, v16;
	v17 =	vmul.f32 v6, v29  }
0x26d: {  	v9 =	vadd.f32 v10, v9;
	v10 =	vadd.f32 v55, v54;
	v6 =	vmul.f32 v6, v28  }
0x26e: {  	v11 =	vadd.f32 v20, v11;
	v17 =	vadd.f32 v18, v17;
	v18 =	vmul.f32 v0, v27  }
0x26f: {  	[tilespmem:$0xEF00] =	vst v12;
	v20 =	vmul.f32 v2, v38;
	v1 =	vadd.f32 v1, v6;
	v6 =	vmul.f32 v13, v33  }
0x270: {  	[tilespmem:$0xEF80] =	vst v3;
	v0 =	vmul.f32 v0, v23;
	v17 =	vadd.f32 v18, v17;
	v18 =	vmul.f32 v13, v36  }
0x271: {  	[tilespmem:$0xF100] =	vst v9;
	v9 =	vadd.f32 v62, v61;
	v57 =	vadd.f32 v21, v6;
	v6 =	vmul.f32 v2, v32  }
0x272: {  	[tilespmem:$0xF080] =	vst v15;
	v15 =	vmul.f32 v5, v33;
	v0 =	vadd.f32 v0, v1;
	v18 =	vadd.f32 v19, v18  }
0x273: {  	[tilespmem:$0xF000] =	vst v14;
	v19 =	vmul.f32 v13, v29;
	v1 =	vadd.f32 v6, v57;
	v6 =	vmul.f32 v8, v26  }
0x274: {  	[tilespmem:$0xEF10] =	vst v16;
	v13 =	vmul.f32 v13, v28;
	v8 =	vmul.f32 v8, v25;
	v58 =	vadd.f32 v20, v18  }
0x275: {  	[tilespmem:$0xEF90] =	vst v10;
	v18 =	vadd.f32 v22, v19;
	v3 =	vadd.f32 v6, v59;
	v6 =	vmul.f32 v2, v24  }
0x276: {  	[tilespmem:$0xF090] =	vst v11;
	v19 =	vmul.f32 v2, v27;
	v2 =	vmul.f32 v2, v23;
	v8 =	vadd.f32 v8, v13  }
0x277: {  	v16 =	vmul.f32 v43, v31;
	[tilespmem:$0xF010] =	vst v17;
	v3 =	vadd.f32 v6, v3;
	v6 =	vmul.f32 v4, v38  }
0x278: {  	[tilespmem:$0xF110] =	vst v0;
	v60 =	vadd.f32 v19, v18;
	v2 =	vadd.f32 v2, v8;
	v8 =	vmul.f32 v43, v35  }
0x279: {  	v40 =	vmul.f32 v5, v30;
	[tilespmem:$0xEFA0] =	vst v1;
	v42 =	vadd.f32 v6, v9;
	v6 =	vadd.f32 v16, v39  }
0x27a: {  	v5 =	vmul.f32 v5, v28;
	[tilespmem:$0xEF20] =	vst v58;
	v8 =	vadd.f32 v8, v15;
	v15 =	vmul.f32 v43, v26  }
0x27b: {  	v55 =	vmul.f32 v41, v29;
	[tilespmem:$0xF020] =	vst v60;
	v47 =	vadd.f32 v44, v6;
	v6 =	vmul.f32 v43, v25  }
0x27c: {  	v57 =	vmul.f32 v7, v26;
	[tilespmem:$0xF0A0] =	vst v3;
	v8 =	vadd.f32 v63, v8;
	v45 =	vadd.f32 v15, v40  }
0x27d: {  	v4 =	vmul.f32 v4, v23;
	[tilespmem:$0xF120] =	vst v2;
	v51 =	vadd.f32 v6, v5;
	v5 =	vmul.f32 v34, v38  }
0x27e: {  	v48 =	vadd.f32 v46, v45;
	v6 =	vmul.f32 v41, v33;
	[tilespmem:$0xEFB0] =	vst v8;
	v8 =	vmul.f32 v7, v31  }
0x27f: {  	[tilespmem:$0xEF30] =	vst v42;
	v7 =	vmul.f32 v7, v25;
	v54 =	vadd.f32 v4, v51;
	v4 =	vmul.f32 v41, v30  }
0x280: {  	[tilespmem:$0xF030] =	vst v47;
	v2 =	vadd.f32 v5, v52;
	v56 =	vadd.f32 v53, v6;
	v6 =	vmul.f32 v34, v32  }
0x281: {  	v5 =	vmul.f32 v41, v28;
	[tilespmem:$0xF0B0] =	vst v48;
	v3 =	vadd.f32 v8, v55;
	v8 =	vmul.f32 v34, v27  }
0x282: {  	[tilespmem:$0xF130] =	vst v54;
	v58 =	vadd.f32 v6, v56;
	v59 =	vadd.f32 v57, v4;
	v4 =	vmul.f32 v34, v24  }
0x283: {  	[tilespmem:$0xEF40] =	vst v2;
	v60 =	vadd.f32 v8, v3;
	v61 =	vadd.f32 v7, v5;
	v5 =	vmul.f32 v34, v23  }
0x284: {  	[tilespmem:$0xEFC0] =	vst v58;
	v62 =	vadd.f32 v4, v59  }
0x285: {  	[tilespmem:$0xF040] =	vst v60;
	v63 =	vadd.f32 v5, v61  }
0x286: {  	[tilespmem:$0xF0C0] =	vst v62  }
0x287: {  	[tilespmem:$0xF140] =	vst v63  }
0x288: {  	[hbm4b:s11+s3] =	stream.linear.scatter [tilespmem:s24], [sflag:$0x5], $0x400, $0x38;
	[tilespmem:$0x11900] =	vst v63  }
0x289: {  	_ =	swait.ge [sflag:s30], $0x400  }
0x28a: {  	[sflag:s30] =	ssyncset.done $0x0  }
0x28b: {  	s31 =	sadd.s32 $0x1, s31;
	[sflag:s30] =	ssyncadd.s32 $0xFFFFFC00  }
0x28c: {  	p0 =	sne.s32 s31, s12;
	_ =	swait.ge [sflag:s29], $0x400  }
.Ltmp4:
0x28d: {  	v16 =	vld [tilespmem:$0x1FFB0];
	(pc) =	sbr.rel @p0 .LBB2_1-.Ltmp4, $4  }
0x28e: {  	v17 =	vld [tilespmem:$0x1FFC0]  }
0x28f: {  	v24 =	vld [tilespmem:$0x1FFF0]  }
0x290: {  	[sflag:s29] =	ssyncset.done $0x0;
	v20 =	vld [tilespmem:$0x1FFE0]  }
0x291: {  	v7 =	vlaneseq.u32;
	v19 =	vld [tilespmem:$0x1FFD0];
	[sflag:s29] =	ssyncadd.s32 $0xFFFFFC00  }
0x292: {  	_ =	sfence.sel $0x180000  }
0x293: {  	[bflag:$0x0] =	sbarrier.arrive $0xFFFF  }
0x294: {  	_ =	strace $0x90000047  }
0x295: {  	s0 =	stileid.u32;
	[bflag:$0x2] =	sbarrier.arrive $0xFFFF  }
0x296: {  	p0 =	sne.s32 s0, $0x0;
	s0 =	rddreg [dreg:$0x4]  }
0x297: {  	s0 =	sadd.s32 @!p0 $0x100000, s0  }
0x298: {  	[sflag:s0] =	ssyncadd.tile.s32 @!p0 $0x1;
	_ =	shalt  }
.Lfunc_end2:
_tile_overlayer_lowered:
.L_overlay_start_2:
0x299: {  	(tag) =	ssettag $0x2  }
0x29a: {  	s0 =	rddreg [dreg:$0x0];
	s2 =	stileid.u32  }
0x29b: {  	s1 =	rddreg [dreg:$0x1];
	p0 =	sne.s32 s2, $0x0  }
0x29c: {  	s3 =	rddreg [dreg:$0x2];
	[bflag:$0x3] =	sbarrier.arrive $0xFFFF;
	s2 =	simm.s32 @!p0 $0x1C07  }
0x29d: {  	[timem:s3], [sflag:s2] =	dma.local @!p0 [hbm:s0], s1  }
0x29e: {  	s0 =	simm.s32 @!p0 $0x7  }
0x29f: {  	_ =	swait.ge @!p0 [sflag:s0], s1  }
0x2a0: {  	s1 =	ssub.s32 @!p0 $0x0, s1;
	[sflag:s0] =	ssyncset.done @!p0 $0x0  }
0x2a1: {  	[sflag:s0] =	ssyncadd.s32 @!p0 s1  }
0x2a2: {  	[bflag:$0x3] =	sbarrier.arrive $0xFFFF  }
0x2a3: {  	_ =	shalt  }

</sc_bundles>
